<compile_context>
chip_gen: v7x
topology: tpu7x:2x2x1
jax: 0.10.2.dev20260603
libtpu: 0.0.44.dev20260713+nightly
codegen_flags: <defaults>
</compile_context>

<pallas_src>
import functools

import jax
import jax.numpy as jnp
from jax import lax
from jax.experimental import pallas as pl
from jax.experimental.pallas import tpu as pltpu
from jax.experimental.pallas import tpu_sc as plsc

B, S, H, VOCAB = 64, 512, 768, 100000
PPW = 16
HS = H // 16
NB = 4
LEAD = 2
NI = B // NB
REM = B % NB


def _seg_bcast(sgf_p):
    sv = sgf_p[...].astype(jnp.float32)
    return [sv.at[jnp.full((16,), r, jnp.int32)].get(mode="promise_in_bounds")
            for r in range(PPW)]


def _add_posseg(rows_p, segb, posw, dloc):
    def hbody(h, c):
        off = pl.multiple_of(h * 16, 16)
        sl = pl.ds(off, 16)
        dh = dloc[sl]
        for r in range(PPW):
            plsc.addupdate(rows_p.at[r, sl], posw[r, sl] + segb[r] * dh)
        return c

    lax.fori_loop(0, HS, hbody, 0)


def _body(src, seg, wword, wpos, wseg, out,
          posw, dloc, wsg, idx, sgf, rows, *sems):
    gsem = sems[0:NB]
    ssem = sems[NB:2 * NB]
    isem = sems[2 * NB:3 * NB]
    info = plsc.get_sparse_core_info()
    nc = info.num_cores
    wid = lax.axis_index("s") * nc + lax.axis_index("c")
    pbase = wid * PPW
    psl = pl.ds(pbase, PPW)

    pltpu.sync_copy(wpos.at[psl], posw)
    pltpu.sync_copy(wseg, wsg)

    def prep_h(h, c):
        off = pl.multiple_of(h * 16, 16)
        sl = pl.ds(off, 16)
        s0h = wsg[0, sl]
        dloc[sl] = wsg[1, sl] - s0h
        for r in range(PPW):
            posw[r, sl] = posw[r, sl] + s0h
        return c

    lax.fori_loop(0, HS, prep_h, 0)

    def load_inputs(b, p):
        pltpu.async_copy(src.at[b, psl], idx.at[p], isem[p])
        pltpu.async_copy(seg.at[b, psl], sgf.at[p], isem[p])

    def wait_inputs(b, p):
        pltpu.make_async_copy(src.at[b, psl], idx.at[p], isem[p]).wait()
        pltpu.make_async_copy(seg.at[b, psl], sgf.at[p], isem[p]).wait()

    for t in range(NB):
        load_inputs(t, t)

    def start_gather(t, p):
        wait_inputs(t, p)
        pltpu.async_copy(wword.at[idx.at[p]], rows.at[p], gsem[p])

    def process(bq, q):
        segb = _seg_bcast(sgf.at[q])
        pltpu.make_async_copy(wword.at[idx.at[q]], rows.at[q], gsem[q]).wait()
        pl.when(bq + NB < B)(lambda: load_inputs(bq + NB, q))
        _add_posseg(rows.at[q], segb, posw, dloc)
        pltpu.async_copy(rows.at[q], out.at[bq, psl], ssem[q])

    def free_rows(p):
        pltpu.make_async_copy(rows.at[p], out.at[0, psl], ssem[p]).wait()

    def ibody(i, c):
        for p in range(NB):
            t = i * NB + p
            q = (p - LEAD) % NB

            pl.when(i >= 1)(lambda p=p: free_rows(p))
            start_gather(t, p)
            if p < LEAD:
                pl.when(i >= 1)(lambda t=t, q=q: process(t - LEAD, q))
            else:
                process(t - LEAD, q)
        return c

    lax.fori_loop(0, NI, ibody, 0)

    for p in range(REM):
        t = NI * NB + p
        free_rows(p)
        start_gather(t, p)
        process(t - LEAD, (p - LEAD) % NB)

    for k in range(LEAD):
        bq = B - LEAD + k
        process(bq, bq % NB)
    for p in range(NB):
        pltpu.make_async_copy(rows.at[p], out.at[0, psl], ssem[p]).wait()


_mesh = plsc.VectorSubcoreMesh(core_axis_name="c", subcore_axis_name="s")

_sc_call = functools.partial(
    pl.kernel,
    out_type=jax.ShapeDtypeStruct((B, S, H), jnp.float32),
    mesh=_mesh,
    scratch_types=[
        pltpu.VMEM((PPW, H), jnp.float32),
        pltpu.VMEM((H,), jnp.float32),
        pltpu.VMEM((2, H), jnp.float32),
        pltpu.VMEM((NB, PPW), jnp.int32),
        pltpu.VMEM((NB, PPW), jnp.int32),
        pltpu.VMEM((NB, PPW, H), jnp.float32),
    ] + [pltpu.SemaphoreType.DMA] * (3 * NB),
)(_body)


@jax.jit
def kernel(src, seg, W_word, W_pos, W_seg):
    return _sc_call(src, seg, W_word, W_pos, W_seg)

# --- scband reference (transcript-rebuilt; emitter-appended) ---
"""Pipeline reference for scband-bert-embedding-78434692759754 (READ-ONLY COPY).

The authoritative reference and input builder live on the scoring server;
editing this copy changes nothing except your own understanding.
"""

import jax, jax.numpy as jnp
import numpy as np

B = 64
S = 512
VOCAB = 100000
HID = 768
MAX_LEN = 512


def setup_inputs(seed: int = 0) -> dict:
    key = jax.random.key(seed)
    k1, k2, k3, k4, k5 = jax.random.split(key, 5)
    src = jax.random.randint(k1, (B, S), 0, VOCAB, dtype=jnp.int32)
    seg = jax.random.randint(k2, (B, S), 0, 2, dtype=jnp.int32)
    W_word = jax.random.normal(k3, (VOCAB, HID), dtype=jnp.float32) * 0.02
    W_pos = jax.random.normal(k4, (MAX_LEN, HID), dtype=jnp.float32) * 0.02
    W_seg = jax.random.normal(k5, (2, HID), dtype=jnp.float32) * 0.02
    return {"src": src, "seg": seg, "W_word": W_word, "W_pos": W_pos, "W_seg": W_seg}


def reference(src, seg, W_word, W_pos, W_seg):
    # word embedding lookup
    word_emb = jnp.take(W_word, src, axis=0)            # [B, S, H]
    # segment embedding (is_seg=True, seg is not None)
    seg_emb = jnp.take(W_seg, seg, axis=0)              # [B, S, H]
    emb = word_emb + seg_emb
    # absolute position embedding (pos=None path: arange over seq, broadcast over batch)
    pos_ids = jnp.arange(src.shape[1], dtype=jnp.int32)  # [S]
    pos_emb = jnp.take(W_pos, pos_ids, axis=0)[None, :, :]  # [1, S, H]
    emb = emb + pos_emb
    # dropout p=0.0 -> identity; layernorm_position='pre' -> no post layernorm
    return emb

if __name__ == "__main__":
    import jax
    _d = setup_inputs()
    print(jax.jit(kernel)(*tuple(_d.values())))

</pallas_src>

<mosaic_0001>
#map = affine_map<(d0, d1) -> (0, 0)>
#map1 = affine_map<(d0, d1) -> (0, 0, 0)>
module attributes {stable_mosaic.version = 14 : i64} {
  func.func @_body(%arg0: i32, %arg1: i32, %arg2: memref<64x512xi32, #tpu.memory_space<hbm>>, %arg3: memref<64x512xi32, #tpu.memory_space<hbm>>, %arg4: memref<100000x768xf32, #tpu.memory_space<hbm>>, %arg5: memref<512x768xf32, #tpu.memory_space<hbm>>, %arg6: memref<2x768xf32, #tpu.memory_space<hbm>>, %arg7: memref<64x512x768xf32, #tpu.memory_space<hbm>>, %arg8: memref<16x768xf32, #tpu.memory_space<vmem>>, %arg9: memref<768xf32, #tpu.memory_space<vmem>>, %arg10: memref<2x768xf32, #tpu.memory_space<vmem>>, %arg11: memref<4x16xi32, #tpu.memory_space<vmem>>, %arg12: memref<4x16xi32, #tpu.memory_space<vmem>>, %arg13: memref<4x16x768xf32, #tpu.memory_space<vmem>>, %arg14: memref<!tpu.dma_semaphore, #tpu.memory_space<semaphore_mem>>, %arg15: memref<!tpu.dma_semaphore, #tpu.memory_space<semaphore_mem>>, %arg16: memref<!tpu.dma_semaphore, #tpu.memory_space<semaphore_mem>>, %arg17: memref<!tpu.dma_semaphore, #tpu.memory_space<semaphore_mem>>, %arg18: memref<!tpu.dma_semaphore, #tpu.memory_space<semaphore_mem>>, %arg19: memref<!tpu.dma_semaphore, #tpu.memory_space<semaphore_mem>>, %arg20: memref<!tpu.dma_semaphore, #tpu.memory_space<semaphore_mem>>, %arg21: memref<!tpu.dma_semaphore, #tpu.memory_space<semaphore_mem>>, %arg22: memref<!tpu.dma_semaphore, #tpu.memory_space<semaphore_mem>>, %arg23: memref<!tpu.dma_semaphore, #tpu.memory_space<semaphore_mem>>, %arg24: memref<!tpu.dma_semaphore, #tpu.memory_space<semaphore_mem>>, %arg25: memref<!tpu.dma_semaphore, #tpu.memory_space<semaphore_mem>>) attributes {dimension_semantics = [#tpu.dimension_semantics<core_parallel>, #tpu.dimension_semantics<subcore_parallel>], iteration_bounds = array<i64: 2, 16>, scalar_prefetch = 0 : i64, scratch_operands = 18 : i64, tpu.core_type = #tpu.core_type<sc_vector_subcore>, window_params = [{transform_indices = #map}, {transform_indices = #map}, {transform_indices = #map}, {transform_indices = #map}, {transform_indices = #map}, {transform_indices = #map1}]} {
    %mul3A = arith.constant 2 : i32
    %mul3A_0 = arith.muli %arg1, %mul3A : i32
    %add3A = arith.addi %mul3A_0, %arg0 : i32
    %mul3A_1 = arith.constant 16 : i32
    %mul3A_2 = arith.muli %add3A, %mul3A_1 : i32
    "tpu.region"() ({
      %run_scoped3A = tpu.sem_alloc : memref<!tpu.dma_semaphore, #tpu.memory_space<semaphore_mem>>
      %dma_start3A_632 = arith.constant 0 : i32
      %dma_start3A_633 = tpu.memref_slice %arg5[%mul3A_2, %dma_start3A_632] : memref<512x768xf32, #tpu.memory_space<hbm>> -> memref<16x768xf32, #tpu.memory_space<hbm>>
      %dma_start3A_634 = arith.constant 0 : i32
      %dma_start3A_635 = tpu.memref_slice %arg5[%mul3A_2, %dma_start3A_634] : memref<512x768xf32, #tpu.memory_space<hbm>> -> memref<16x768xf32, #tpu.memory_space<hbm>>
      tpu.enqueue_dma source(%dma_start3A_635 : memref<16x768xf32, #tpu.memory_space<hbm>>) target(%arg8 : memref<16x768xf32, #tpu.memory_space<vmem>>) target_semaphore(%run_scoped3A : memref<!tpu.dma_semaphore, #tpu.memory_space<semaphore_mem>>)
      %dma_wait3A_636 = arith.constant 0 : i32
      %dma_wait3A_637 = tpu.memref_slice %arg5[%mul3A_2, %dma_wait3A_636] : memref<512x768xf32, #tpu.memory_space<hbm>> -> memref<16x768xf32, #tpu.memory_space<hbm>>
      %dma_wait3A_638 = arith.constant 0 : i32
      %dma_wait3A_639 = tpu.memref_slice %arg5[%mul3A_2, %dma_wait3A_638] : memref<512x768xf32, #tpu.memory_space<hbm>> -> memref<16x768xf32, #tpu.memory_space<hbm>>
      tpu.wait_dma2 semaphore(%run_scoped3A : memref<!tpu.dma_semaphore, #tpu.memory_space<semaphore_mem>>) src(%dma_wait3A_639 : memref<16x768xf32, #tpu.memory_space<hbm>>) dst(%arg8 : memref<16x768xf32, #tpu.memory_space<vmem>>)
      tpu.yield
    }) : () -> ()
    "tpu.region"() ({
      %run_scoped3A = tpu.sem_alloc : memref<!tpu.dma_semaphore, #tpu.memory_space<semaphore_mem>>
      tpu.enqueue_dma source(%arg6 : memref<2x768xf32, #tpu.memory_space<hbm>>) target(%arg10 : memref<2x768xf32, #tpu.memory_space<vmem>>) target_semaphore(%run_scoped3A : memref<!tpu.dma_semaphore, #tpu.memory_space<semaphore_mem>>)
      tpu.wait_dma2 semaphore(%run_scoped3A : memref<!tpu.dma_semaphore, #tpu.memory_space<semaphore_mem>>) src(%arg6 : memref<2x768xf32, #tpu.memory_space<hbm>>) dst(%arg10 : memref<2x768xf32, #tpu.memory_space<vmem>>)
      tpu.yield
    }) : () -> ()
    %scan3A = arith.constant 0 : i32
    %scan3A_3 = arith.constant 0 : i32
    %scan3A_4 = arith.constant 48 : i32
    %scan3A_5 = arith.addi %scan3A_3, %scan3A_4 : i32
    %scan3A_6 = arith.constant 1 : i32
    scf.for %scan3A_632 = %scan3A_3 to %scan3A_5 step %scan3A_6  : i32 {
      %mul3A_633 = arith.constant 16 : i32
      %mul3A_634 = arith.muli %scan3A_632, %mul3A_633 : i32
      %multiple_of3A = tpu.assume_multiple %mul3A_634, 16 : i32
      %get3A_635 = arith.constant 0 : i32
      %get3A_636 = arith.index_cast %get3A_635 : i32 to index
      %get3A_637 = arith.index_cast %multiple_of3A : i32 to index
      %get3A_638 = tpu.vector_load %arg10[%get3A_636, %get3A_637] {strides = array<i32>} : memref<2x768xf32, #tpu.memory_space<vmem>>, vector<1x16xf32>,
      %get3A_639 = vector.shape_cast %get3A_638 : vector<1x16xf32> to vector<16xf32>
      %get3A_640 = arith.constant 1 : i32
      %get3A_641 = arith.index_cast %get3A_640 : i32 to index
      %get3A_642 = arith.index_cast %multiple_of3A : i32 to index
      %get3A_643 = tpu.vector_load %arg10[%get3A_641, %get3A_642] {strides = array<i32>} : memref<2x768xf32, #tpu.memory_space<vmem>>, vector<1x16xf32>,
      %get3A_644 = vector.shape_cast %get3A_643 : vector<1x16xf32> to vector<16xf32>
      %sub3A = arith.subf %get3A_644, %get3A_639 : vector<16xf32>
      %swap3A = arith.index_cast %multiple_of3A : i32 to index
      %swap3A_645 = tpu.vector_load %arg9[%swap3A] {strides = array<i32>} : memref<768xf32, #tpu.memory_space<vmem>>, vector<16xf32>,
      %swap3A_646 = vector.shape_cast %swap3A_645 : vector<16xf32> to vector<16xf32>
      %swap3A_647 = vector.shape_cast %sub3A : vector<16xf32> to vector<16xf32>
      tpu.vector_store %arg9[%swap3A], %swap3A_647 {strides = array<i32>} : memref<768xf32, #tpu.memory_space<vmem>>, vector<16xf32>,
      %get3A_648 = arith.constant 0 : i32
      %get3A_649 = arith.index_cast %get3A_648 : i32 to index
      %get3A_650 = arith.index_cast %multiple_of3A : i32 to index
      %get3A_651 = tpu.vector_load %arg8[%get3A_649, %get3A_650] {strides = array<i32>} : memref<16x768xf32, #tpu.memory_space<vmem>>, vector<1x16xf32>,
      %get3A_652 = vector.shape_cast %get3A_651 : vector<1x16xf32> to vector<16xf32>
      %add3A_653 = arith.addf %get3A_652, %get3A_639 : vector<16xf32>
      %swap3A_654 = arith.constant 0 : i32
      %swap3A_655 = arith.index_cast %swap3A_654 : i32 to index
      %swap3A_656 = arith.index_cast %multiple_of3A : i32 to index
      %swap3A_657 = tpu.vector_load %arg8[%swap3A_655, %swap3A_656] {strides = array<i32>} : memref<16x768xf32, #tpu.memory_space<vmem>>, vector<1x16xf32>,
      %swap3A_658 = vector.shape_cast %swap3A_657 : vector<1x16xf32> to vector<16xf32>
      %swap3A_659 = vector.shape_cast %add3A_653 : vector<16xf32> to vector<1x16xf32>
      tpu.vector_store %arg8[%swap3A_655, %swap3A_656], %swap3A_659 {strides = array<i32>} : memref<16x768xf32, #tpu.memory_space<vmem>>, vector<1x16xf32>,
      %get3A_660 = arith.constant 1 : i32
      %get3A_661 = arith.index_cast %get3A_660 : i32 to index
      %get3A_662 = arith.index_cast %multiple_of3A : i32 to index
      %get3A_663 = tpu.vector_load %arg8[%get3A_661, %get3A_662] {strides = array<i32>} : memref<16x768xf32, #tpu.memory_space<vmem>>, vector<1x16xf32>,
      %get3A_664 = vector.shape_cast %get3A_663 : vector<1x16xf32> to vector<16xf32>
      %add3A_665 = arith.addf %get3A_664, %get3A_639 : vector<16xf32>
      %swap3A_666 = arith.constant 1 : i32
      %swap3A_667 = arith.index_cast %swap3A_666 : i32 to index
      %swap3A_668 = arith.index_cast %multiple_of3A : i32 to index
      %swap3A_669 = tpu.vector_load %arg8[%swap3A_667, %swap3A_668] {strides = array<i32>} : memref<16x768xf32, #tpu.memory_space<vmem>>, vector<1x16xf32>,
      %swap3A_670 = vector.shape_cast %swap3A_669 : vector<1x16xf32> to vector<16xf32>
      %swap3A_671 = vector.shape_cast %add3A_665 : vector<16xf32> to vector<1x16xf32>
      tpu.vector_store %arg8[%swap3A_667, %swap3A_668], %swap3A_671 {strides = array<i32>} : memref<16x768xf32, #tpu.memory_space<vmem>>, vector<1x16xf32>,
      %get3A_672 = arith.constant 2 : i32
      %get3A_673 = arith.index_cast %get3A_672 : i32 to index
      %get3A_674 = arith.index_cast %multiple_of3A : i32 to index
      %get3A_675 = tpu.vector_load %arg8[%get3A_673, %get3A_674] {strides = array<i32>} : memref<16x768xf32, #tpu.memory_space<vmem>>, vector<1x16xf32>,
      %get3A_676 = vector.shape_cast %get3A_675 : vector<1x16xf32> to vector<16xf32>
      %add3A_677 = arith.addf %get3A_676, %get3A_639 : vector<16xf32>
      %swap3A_678 = arith.constant 2 : i32
      %swap3A_679 = arith.index_cast %swap3A_678 : i32 to index
      %swap3A_680 = arith.index_cast %multiple_of3A : i32 to index
      %swap3A_681 = tpu.vector_load %arg8[%swap3A_679, %swap3A_680] {strides = array<i32>} : memref<16x768xf32, #tpu.memory_space<vmem>>, vector<1x16xf32>,
      %swap3A_682 = vector.shape_cast %swap3A_681 : vector<1x16xf32> to vector<16xf32>
      %swap3A_683 = vector.shape_cast %add3A_677 : vector<16xf32> to vector<1x16xf32>
      tpu.vector_store %arg8[%swap3A_679, %swap3A_680], %swap3A_683 {strides = array<i32>} : memref<16x768xf32, #tpu.memory_space<vmem>>, vector<1x16xf32>,
      %get3A_684 = arith.constant 3 : i32
      %get3A_685 = arith.index_cast %get3A_684 : i32 to index
      %get3A_686 = arith.index_cast %multiple_of3A : i32 to index
      %get3A_687 = tpu.vector_load %arg8[%get3A_685, %get3A_686] {strides = array<i32>} : memref<16x768xf32, #tpu.memory_space<vmem>>, vector<1x16xf32>,
      %get3A_688 = vector.shape_cast %get3A_687 : vector<1x16xf32> to vector<16xf32>
      %add3A_689 = arith.addf %get3A_688, %get3A_639 : vector<16xf32>
      %swap3A_690 = arith.constant 3 : i32
      %swap3A_691 = arith.index_cast %swap3A_690 : i32 to index
      %swap3A_692 = arith.index_cast %multiple_of3A : i32 to index
      %swap3A_693 = tpu.vector_load %arg8[%swap3A_691, %swap3A_692] {strides = array<i32>} : memref<16x768xf32, #tpu.memory_space<vmem>>, vector<1x16xf32>,
      %swap3A_694 = vector.shape_cast %swap3A_693 : vector<1x16xf32> to vector<16xf32>
      %swap3A_695 = vector.shape_cast %add3A_689 : vector<16xf32> to vector<1x16xf32>
      tpu.vector_store %arg8[%swap3A_691, %swap3A_692], %swap3A_695 {strides = array<i32>} : memref<16x768xf32, #tpu.memory_space<vmem>>, vector<1x16xf32>,
      %get3A_696 = arith.constant 4 : i32
      %get3A_697 = arith.index_cast %get3A_696 : i32 to index
      %get3A_698 = arith.index_cast %multiple_of3A : i32 to index
      %get3A_699 = tpu.vector_load %arg8[%get3A_697, %get3A_698] {strides = array<i32>} : memref<16x768xf32, #tpu.memory_space<vmem>>, vector<1x16xf32>,
      %get3A_700 = vector.shape_cast %get3A_699 : vector<1x16xf32> to vector<16xf32>
      %add3A_701 = arith.addf %get3A_700, %get3A_639 : vector<16xf32>
      %swap3A_702 = arith.constant 4 : i32
      %swap3A_703 = arith.index_cast %swap3A_702 : i32 to index
      %swap3A_704 = arith.index_cast %multiple_of3A : i32 to index
      %swap3A_705 = tpu.vector_load %arg8[%swap3A_703, %swap3A_704] {strides = array<i32>} : memref<16x768xf32, #tpu.memory_space<vmem>>, vector<1x16xf32>,
      %swap3A_706 = vector.shape_cast %swap3A_705 : vector<1x16xf32> to vector<16xf32>
      %swap3A_707 = vector.shape_cast %add3A_701 : vector<16xf32> to vector<1x16xf32>
      tpu.vector_store %arg8[%swap3A_703, %swap3A_704], %swap3A_707 {strides = array<i32>} : memref<16x768xf32, #tpu.memory_space<vmem>>, vector<1x16xf32>,
      %get3A_708 = arith.constant 5 : i32
      %get3A_709 = arith.index_cast %get3A_708 : i32 to index
      %get3A_710 = arith.index_cast %multiple_of3A : i32 to index
      %get3A_711 = tpu.vector_load %arg8[%get3A_709, %get3A_710] {strides = array<i32>} : memref<16x768xf32, #tpu.memory_space<vmem>>, vector<1x16xf32>,
      %get3A_712 = vector.shape_cast %get3A_711 : vector<1x16xf32> to vector<16xf32>
      %add3A_713 = arith.addf %get3A_712, %get3A_639 : vector<16xf32>
      %swap3A_714 = arith.constant 5 : i32
      %swap3A_715 = arith.index_cast %swap3A_714 : i32 to index
      %swap3A_716 = arith.index_cast %multiple_of3A : i32 to index
      %swap3A_717 = tpu.vector_load %arg8[%swap3A_715, %swap3A_716] {strides = array<i32>} : memref<16x768xf32, #tpu.memory_space<vmem>>, vector<1x16xf32>,
      %swap3A_718 = vector.shape_cast %swap3A_717 : vector<1x16xf32> to vector<16xf32>
      %swap3A_719 = vector.shape_cast %add3A_713 : vector<16xf32> to vector<1x16xf32>
      tpu.vector_store %arg8[%swap3A_715, %swap3A_716], %swap3A_719 {strides = array<i32>} : memref<16x768xf32, #tpu.memory_space<vmem>>, vector<1x16xf32>,
      %get3A_720 = arith.constant 6 : i32
      %get3A_721 = arith.index_cast %get3A_720 : i32 to index
      %get3A_722 = arith.index_cast %multiple_of3A : i32 to index
      %get3A_723 = tpu.vector_load %arg8[%get3A_721, %get3A_722] {strides = array<i32>} : memref<16x768xf32, #tpu.memory_space<vmem>>, vector<1x16xf32>,
      %get3A_724 = vector.shape_cast %get3A_723 : vector<1x16xf32> to vector<16xf32>
      %add3A_725 = arith.addf %get3A_724, %get3A_639 : vector<16xf32>
      %swap3A_726 = arith.constant 6 : i32
      %swap3A_727 = arith.index_cast %swap3A_726 : i32 to index
      %swap3A_728 = arith.index_cast %multiple_of3A : i32 to index
      %swap3A_729 = tpu.vector_load %arg8[%swap3A_727, %swap3A_728] {strides = array<i32>} : memref<16x768xf32, #tpu.memory_space<vmem>>, vector<1x16xf32>,
      %swap3A_730 = vector.shape_cast %swap3A_729 : vector<1x16xf32> to vector<16xf32>
      %swap3A_731 = vector.shape_cast %add3A_725 : vector<16xf32> to vector<1x16xf32>
      tpu.vector_store %arg8[%swap3A_727, %swap3A_728], %swap3A_731 {strides = array<i32>} : memref<16x768xf32, #tpu.memory_space<vmem>>, vector<1x16xf32>,
      %get3A_732 = arith.constant 7 : i32
      %get3A_733 = arith.index_cast %get3A_732 : i32 to index
      %get3A_734 = arith.index_cast %multiple_of3A : i32 to index
      %get3A_735 = tpu.vector_load %arg8[%get3A_733, %get3A_734] {strides = array<i32>} : memref<16x768xf32, #tpu.memory_space<vmem>>, vector<1x16xf32>,
      %get3A_736 = vector.shape_cast %get3A_735 : vector<1x16xf32> to vector<16xf32>
      %add3A_737 = arith.addf %get3A_736, %get3A_639 : vector<16xf32>
      %swap3A_738 = arith.constant 7 : i32
      %swap3A_739 = arith.index_cast %swap3A_738 : i32 to index
      %swap3A_740 = arith.index_cast %multiple_of3A : i32 to index
      %swap3A_741 = tpu.vector_load %arg8[%swap3A_739, %swap3A_740] {strides = array<i32>} : memref<16x768xf32, #tpu.memory_space<vmem>>, vector<1x16xf32>,
      %swap3A_742 = vector.shape_cast %swap3A_741 : vector<1x16xf32> to vector<16xf32>
      %swap3A_743 = vector.shape_cast %add3A_737 : vector<16xf32> to vector<1x16xf32>
      tpu.vector_store %arg8[%swap3A_739, %swap3A_740], %swap3A_743 {strides = array<i32>} : memref<16x768xf32, #tpu.memory_space<vmem>>, vector<1x16xf32>,
      %get3A_744 = arith.constant 8 : i32
      %get3A_745 = arith.index_cast %get3A_744 : i32 to index
      %get3A_746 = arith.index_cast %multiple_of3A : i32 to index
      %get3A_747 = tpu.vector_load %arg8[%get3A_745, %get3A_746] {strides = array<i32>} : memref<16x768xf32, #tpu.memory_space<vmem>>, vector<1x16xf32>,
      %get3A_748 = vector.shape_cast %get3A_747 : vector<1x16xf32> to vector<16xf32>
      %add3A_749 = arith.addf %get3A_748, %get3A_639 : vector<16xf32>
      %swap3A_750 = arith.constant 8 : i32
      %swap3A_751 = arith.index_cast %swap3A_750 : i32 to index
      %swap3A_752 = arith.index_cast %multiple_of3A : i32 to index
      %swap3A_753 = tpu.vector_load %arg8[%swap3A_751, %swap3A_752] {strides = array<i32>} : memref<16x768xf32, #tpu.memory_space<vmem>>, vector<1x16xf32>,
      %swap3A_754 = vector.shape_cast %swap3A_753 : vector<1x16xf32> to vector<16xf32>
      %swap3A_755 = vector.shape_cast %add3A_749 : vector<16xf32> to vector<1x16xf32>
      tpu.vector_store %arg8[%swap3A_751, %swap3A_752], %swap3A_755 {strides = array<i32>} : memref<16x768xf32, #tpu.memory_space<vmem>>, vector<1x16xf32>,
      %get3A_756 = arith.constant 9 : i32
      %get3A_757 = arith.index_cast %get3A_756 : i32 to index
      %get3A_758 = arith.index_cast %multiple_of3A : i32 to index
      %get3A_759 = tpu.vector_load %arg8[%get3A_757, %get3A_758] {strides = array<i32>} : memref<16x768xf32, #tpu.memory_space<vmem>>, vector<1x16xf32>,
      %get3A_760 = vector.shape_cast %get3A_759 : vector<1x16xf32> to vector<16xf32>
      %add3A_761 = arith.addf %get3A_760, %get3A_639 : vector<16xf32>
      %swap3A_762 = arith.constant 9 : i32
      %swap3A_763 = arith.index_cast %swap3A_762 : i32 to index
      %swap3A_764 = arith.index_cast %multiple_of3A : i32 to index
      %swap3A_765 = tpu.vector_load %arg8[%swap3A_763, %swap3A_764] {strides = array<i32>} : memref<16x768xf32, #tpu.memory_space<vmem>>, vector<1x16xf32>,
      %swap3A_766 = vector.shape_cast %swap3A_765 : vector<1x16xf32> to vector<16xf32>
      %swap3A_767 = vector.shape_cast %add3A_761 : vector<16xf32> to vector<1x16xf32>
      tpu.vector_store %arg8[%swap3A_763, %swap3A_764], %swap3A_767 {strides = array<i32>} : memref<16x768xf32, #tpu.memory_space<vmem>>, vector<1x16xf32>,
      %get3A_768 = arith.constant 10 : i32
      %get3A_769 = arith.index_cast %get3A_768 : i32 to index
      %get3A_770 = arith.index_cast %multiple_of3A : i32 to index
      %get3A_771 = tpu.vector_load %arg8[%get3A_769, %get3A_770] {strides = array<i32>} : memref<16x768xf32, #tpu.memory_space<vmem>>, vector<1x16xf32>,
      %get3A_772 = vector.shape_cast %get3A_771 : vector<1x16xf32> to vector<16xf32>
      %add3A_773 = arith.addf %get3A_772, %get3A_639 : vector<16xf32>
      %swap3A_774 = arith.constant 10 : i32
      %swap3A_775 = arith.index_cast %swap3A_774 : i32 to index
      %swap3A_776 = arith.index_cast %multiple_of3A : i32 to index
      %swap3A_777 = tpu.vector_load %arg8[%swap3A_775, %swap3A_776] {strides = array<i32>} : memref<16x768xf32, #tpu.memory_space<vmem>>, vector<1x16xf32>,
      %swap3A_778 = vector.shape_cast %swap3A_777 : vector<1x16xf32> to vector<16xf32>
      %swap3A_779 = vector.shape_cast %add3A_773 : vector<16xf32> to vector<1x16xf32>
      tpu.vector_store %arg8[%swap3A_775, %swap3A_776], %swap3A_779 {strides = array<i32>} : memref<16x768xf32, #tpu.memory_space<vmem>>, vector<1x16xf32>,
      %get3A_780 = arith.constant 11 : i32
      %get3A_781 = arith.index_cast %get3A_780 : i32 to index
      %get3A_782 = arith.index_cast %multiple_of3A : i32 to index
      %get3A_783 = tpu.vector_load %arg8[%get3A_781, %get3A_782] {strides = array<i32>} : memref<16x768xf32, #tpu.memory_space<vmem>>, vector<1x16xf32>,
      %get3A_784 = vector.shape_cast %get3A_783 : vector<1x16xf32> to vector<16xf32>
      %add3A_785 = arith.addf %get3A_784, %get3A_639 : vector<16xf32>
      %swap3A_786 = arith.constant 11 : i32
      %swap3A_787 = arith.index_cast %swap3A_786 : i32 to index
      %swap3A_788 = arith.index_cast %multiple_of3A : i32 to index
      %swap3A_789 = tpu.vector_load %arg8[%swap3A_787, %swap3A_788] {strides = array<i32>} : memref<16x768xf32, #tpu.memory_space<vmem>>, vector<1x16xf32>,
      %swap3A_790 = vector.shape_cast %swap3A_789 : vector<1x16xf32> to vector<16xf32>
      %swap3A_791 = vector.shape_cast %add3A_785 : vector<16xf32> to vector<1x16xf32>
      tpu.vector_store %arg8[%swap3A_787, %swap3A_788], %swap3A_791 {strides = array<i32>} : memref<16x768xf32, #tpu.memory_space<vmem>>, vector<1x16xf32>,
      %get3A_792 = arith.constant 12 : i32
      %get3A_793 = arith.index_cast %get3A_792 : i32 to index
      %get3A_794 = arith.index_cast %multiple_of3A : i32 to index
      %get3A_795 = tpu.vector_load %arg8[%get3A_793, %get3A_794] {strides = array<i32>} : memref<16x768xf32, #tpu.memory_space<vmem>>, vector<1x16xf32>,
      %get3A_796 = vector.shape_cast %get3A_795 : vector<1x16xf32> to vector<16xf32>
      %add3A_797 = arith.addf %get3A_796, %get3A_639 : vector<16xf32>
      %swap3A_798 = arith.constant 12 : i32
      %swap3A_799 = arith.index_cast %swap3A_798 : i32 to index
      %swap3A_800 = arith.index_cast %multiple_of3A : i32 to index
      %swap3A_801 = tpu.vector_load %arg8[%swap3A_799, %swap3A_800] {strides = array<i32>} : memref<16x768xf32, #tpu.memory_space<vmem>>, vector<1x16xf32>,
      %swap3A_802 = vector.shape_cast %swap3A_801 : vector<1x16xf32> to vector<16xf32>
      %swap3A_803 = vector.shape_cast %add3A_797 : vector<16xf32> to vector<1x16xf32>
      tpu.vector_store %arg8[%swap3A_799, %swap3A_800], %swap3A_803 {strides = array<i32>} : memref<16x768xf32, #tpu.memory_space<vmem>>, vector<1x16xf32>,
      %get3A_804 = arith.constant 13 : i32
      %get3A_805 = arith.index_cast %get3A_804 : i32 to index
      %get3A_806 = arith.index_cast %multiple_of3A : i32 to index
      %get3A_807 = tpu.vector_load %arg8[%get3A_805, %get3A_806] {strides = array<i32>} : memref<16x768xf32, #tpu.memory_space<vmem>>, vector<1x16xf32>,
      %get3A_808 = vector.shape_cast %get3A_807 : vector<1x16xf32> to vector<16xf32>
      %add3A_809 = arith.addf %get3A_808, %get3A_639 : vector<16xf32>
      %swap3A_810 = arith.constant 13 : i32
      %swap3A_811 = arith.index_cast %swap3A_810 : i32 to index
      %swap3A_812 = arith.index_cast %multiple_of3A : i32 to index
      %swap3A_813 = tpu.vector_load %arg8[%swap3A_811, %swap3A_812] {strides = array<i32>} : memref<16x768xf32, #tpu.memory_space<vmem>>, vector<1x16xf32>,
      %swap3A_814 = vector.shape_cast %swap3A_813 : vector<1x16xf32> to vector<16xf32>
      %swap3A_815 = vector.shape_cast %add3A_809 : vector<16xf32> to vector<1x16xf32>
      tpu.vector_store %arg8[%swap3A_811, %swap3A_812], %swap3A_815 {strides = array<i32>} : memref<16x768xf32, #tpu.memory_space<vmem>>, vector<1x16xf32>,
      %get3A_816 = arith.constant 14 : i32
      %get3A_817 = arith.index_cast %get3A_816 : i32 to index
      %get3A_818 = arith.index_cast %multiple_of3A : i32 to index
      %get3A_819 = tpu.vector_load %arg8[%get3A_817, %get3A_818] {strides = array<i32>} : memref<16x768xf32, #tpu.memory_space<vmem>>, vector<1x16xf32>,
      %get3A_820 = vector.shape_cast %get3A_819 : vector<1x16xf32> to vector<16xf32>
      %add3A_821 = arith.addf %get3A_820, %get3A_639 : vector<16xf32>
      %swap3A_822 = arith.constant 14 : i32
      %swap3A_823 = arith.index_cast %swap3A_822 : i32 to index
      %swap3A_824 = arith.index_cast %multiple_of3A : i32 to index
      %swap3A_825 = tpu.vector_load %arg8[%swap3A_823, %swap3A_824] {strides = array<i32>} : memref<16x768xf32, #tpu.memory_space<vmem>>, vector<1x16xf32>,
      %swap3A_826 = vector.shape_cast %swap3A_825 : vector<1x16xf32> to vector<16xf32>
      %swap3A_827 = vector.shape_cast %add3A_821 : vector<16xf32> to vector<1x16xf32>
      tpu.vector_store %arg8[%swap3A_823, %swap3A_824], %swap3A_827 {strides = array<i32>} : memref<16x768xf32, #tpu.memory_space<vmem>>, vector<1x16xf32>,
      %get3A_828 = arith.constant 15 : i32
      %get3A_829 = arith.index_cast %get3A_828 : i32 to index
      %get3A_830 = arith.index_cast %multiple_of3A : i32 to index
      %get3A_831 = tpu.vector_load %arg8[%get3A_829, %get3A_830] {strides = array<i32>} : memref<16x768xf32, #tpu.memory_space<vmem>>, vector<1x16xf32>,
      %get3A_832 = vector.shape_cast %get3A_831 : vector<1x16xf32> to vector<16xf32>
      %add3A_833 = arith.addf %get3A_832, %get3A_639 : vector<16xf32>
      %swap3A_834 = arith.constant 15 : i32
      %swap3A_835 = arith.index_cast %swap3A_834 : i32 to index
      %swap3A_836 = arith.index_cast %multiple_of3A : i32 to index
      %swap3A_837 = tpu.vector_load %arg8[%swap3A_835, %swap3A_836] {strides = array<i32>} : memref<16x768xf32, #tpu.memory_space<vmem>>, vector<1x16xf32>,
      %swap3A_838 = vector.shape_cast %swap3A_837 : vector<1x16xf32> to vector<16xf32>
      %swap3A_839 = vector.shape_cast %add3A_833 : vector<16xf32> to vector<1x16xf32>
      tpu.vector_store %arg8[%swap3A_835, %swap3A_836], %swap3A_839 {strides = array<i32>} : memref<16x768xf32, #tpu.memory_space<vmem>>, vector<1x16xf32>,
    }
    %scan3A_7 = arith.constant 48 : i32
    %dma_start3A = arith.constant 0 : i32
    %dma_start3A_8 = arith.constant 0 : i32
    %dma_start3A_9 = arith.constant 0 : i32
    %dma_start3A_10 = tpu.memref_slice %arg11[%dma_start3A_8, %dma_start3A_9] : memref<4x16xi32, #tpu.memory_space<vmem>> -> memref<1x16xi32, #tpu.memory_space<vmem>>
    %dma_start3A_11 = tpu.memref_squeeze %dma_start3A_10 : memref<1x16xi32, #tpu.memory_space<vmem>> -> memref<16xi32, #tpu.memory_space<vmem>>
    %dma_start3A_12 = tpu.memref_slice %arg2[%dma_start3A, %mul3A_2] : memref<64x512xi32, #tpu.memory_space<hbm>> -> memref<1x16xi32, #tpu.memory_space<hbm>>
    %dma_start3A_13 = tpu.memref_squeeze %dma_start3A_12 : memref<1x16xi32, #tpu.memory_space<hbm>> -> memref<16xi32, #tpu.memory_space<hbm>>
    %dma_start3A_14 = arith.constant 0 : i32
    %dma_start3A_15 = tpu.memref_slice %arg11[%dma_start3A_8, %dma_start3A_14] : memref<4x16xi32, #tpu.memory_space<vmem>> -> memref<1x16xi32, #tpu.memory_space<vmem>>
    %dma_start3A_16 = tpu.memref_squeeze %dma_start3A_15 : memref<1x16xi32, #tpu.memory_space<vmem>> -> memref<16xi32, #tpu.memory_space<vmem>>
    %dma_start3A_17 = tpu.memref_slice %arg2[%dma_start3A, %mul3A_2] : memref<64x512xi32, #tpu.memory_space<hbm>> -> memref<1x16xi32, #tpu.memory_space<hbm>>
    %dma_start3A_18 = tpu.memref_squeeze %dma_start3A_17 : memref<1x16xi32, #tpu.memory_space<hbm>> -> memref<16xi32, #tpu.memory_space<hbm>>
    tpu.enqueue_dma source(%dma_start3A_18 : memref<16xi32, #tpu.memory_space<hbm>>) target(%dma_start3A_16 : memref<16xi32, #tpu.memory_space<vmem>>) target_semaphore(%arg22 : memref<!tpu.dma_semaphore, #tpu.memory_space<semaphore_mem>>)
    %dma_start3A_19 = arith.constant 0 : i32
    %dma_start3A_20 = arith.constant 0 : i32
    %dma_start3A_21 = arith.constant 0 : i32
    %dma_start3A_22 = tpu.memref_slice %arg12[%dma_start3A_20, %dma_start3A_21] : memref<4x16xi32, #tpu.memory_space<vmem>> -> memref<1x16xi32, #tpu.memory_space<vmem>>
    %dma_start3A_23 = tpu.memref_squeeze %dma_start3A_22 : memref<1x16xi32, #tpu.memory_space<vmem>> -> memref<16xi32, #tpu.memory_space<vmem>>
    %dma_start3A_24 = tpu.memref_slice %arg3[%dma_start3A_19, %mul3A_2] : memref<64x512xi32, #tpu.memory_space<hbm>> -> memref<1x16xi32, #tpu.memory_space<hbm>>
    %dma_start3A_25 = tpu.memref_squeeze %dma_start3A_24 : memref<1x16xi32, #tpu.memory_space<hbm>> -> memref<16xi32, #tpu.memory_space<hbm>>
    %dma_start3A_26 = arith.constant 0 : i32
    %dma_start3A_27 = tpu.memref_slice %arg12[%dma_start3A_20, %dma_start3A_26] : memref<4x16xi32, #tpu.memory_space<vmem>> -> memref<1x16xi32, #tpu.memory_space<vmem>>
    %dma_start3A_28 = tpu.memref_squeeze %dma_start3A_27 : memref<1x16xi32, #tpu.memory_space<vmem>> -> memref<16xi32, #tpu.memory_space<vmem>>
    %dma_start3A_29 = tpu.memref_slice %arg3[%dma_start3A_19, %mul3A_2] : memref<64x512xi32, #tpu.memory_space<hbm>> -> memref<1x16xi32, #tpu.memory_space<hbm>>
    %dma_start3A_30 = tpu.memref_squeeze %dma_start3A_29 : memref<1x16xi32, #tpu.memory_space<hbm>> -> memref<16xi32, #tpu.memory_space<hbm>>
    tpu.enqueue_dma source(%dma_start3A_30 : memref<16xi32, #tpu.memory_space<hbm>>) target(%dma_start3A_28 : memref<16xi32, #tpu.memory_space<vmem>>) target_semaphore(%arg22 : memref<!tpu.dma_semaphore, #tpu.memory_space<semaphore_mem>>)
    %dma_start3A_31 = arith.constant 1 : i32
    %dma_start3A_32 = arith.constant 1 : i32
    %dma_start3A_33 = arith.constant 0 : i32
    %dma_start3A_34 = tpu.memref_slice %arg11[%dma_start3A_32, %dma_start3A_33] : memref<4x16xi32, #tpu.memory_space<vmem>> -> memref<1x16xi32, #tpu.memory_space<vmem>>
    %dma_start3A_35 = tpu.memref_squeeze %dma_start3A_34 : memref<1x16xi32, #tpu.memory_space<vmem>> -> memref<16xi32, #tpu.memory_space<vmem>>
    %dma_start3A_36 = tpu.memref_slice %arg2[%dma_start3A_31, %mul3A_2] : memref<64x512xi32, #tpu.memory_space<hbm>> -> memref<1x16xi32, #tpu.memory_space<hbm>>
    %dma_start3A_37 = tpu.memref_squeeze %dma_start3A_36 : memref<1x16xi32, #tpu.memory_space<hbm>> -> memref<16xi32, #tpu.memory_space<hbm>>
    %dma_start3A_38 = arith.constant 0 : i32
    %dma_start3A_39 = tpu.memref_slice %arg11[%dma_start3A_32, %dma_start3A_38] : memref<4x16xi32, #tpu.memory_space<vmem>> -> memref<1x16xi32, #tpu.memory_space<vmem>>
    %dma_start3A_40 = tpu.memref_squeeze %dma_start3A_39 : memref<1x16xi32, #tpu.memory_space<vmem>> -> memref<16xi32, #tpu.memory_space<vmem>>
    %dma_start3A_41 = tpu.memref_slice %arg2[%dma_start3A_31, %mul3A_2] : memref<64x512xi32, #tpu.memory_space<hbm>> -> memref<1x16xi32, #tpu.memory_space<hbm>>
    %dma_start3A_42 = tpu.memref_squeeze %dma_start3A_41 : memref<1x16xi32, #tpu.memory_space<hbm>> -> memref<16xi32, #tpu.memory_space<hbm>>
    tpu.enqueue_dma source(%dma_start3A_42 : memref<16xi32, #tpu.memory_space<hbm>>) target(%dma_start3A_40 : memref<16xi32, #tpu.memory_space<vmem>>) target_semaphore(%arg23 : memref<!tpu.dma_semaphore, #tpu.memory_space<semaphore_mem>>)
    %dma_start3A_43 = arith.constant 1 : i32
    %dma_start3A_44 = arith.constant 1 : i32
    %dma_start3A_45 = arith.constant 0 : i32
    %dma_start3A_46 = tpu.memref_slice %arg12[%dma_start3A_44, %dma_start3A_45] : memref<4x16xi32, #tpu.memory_space<vmem>> -> memref<1x16xi32, #tpu.memory_space<vmem>>
    %dma_start3A_47 = tpu.memref_squeeze %dma_start3A_46 : memref<1x16xi32, #tpu.memory_space<vmem>> -> memref<16xi32, #tpu.memory_space<vmem>>
    %dma_start3A_48 = tpu.memref_slice %arg3[%dma_start3A_43, %mul3A_2] : memref<64x512xi32, #tpu.memory_space<hbm>> -> memref<1x16xi32, #tpu.memory_space<hbm>>
    %dma_start3A_49 = tpu.memref_squeeze %dma_start3A_48 : memref<1x16xi32, #tpu.memory_space<hbm>> -> memref<16xi32, #tpu.memory_space<hbm>>
    %dma_start3A_50 = arith.constant 0 : i32
    %dma_start3A_51 = tpu.memref_slice %arg12[%dma_start3A_44, %dma_start3A_50] : memref<4x16xi32, #tpu.memory_space<vmem>> -> memref<1x16xi32, #tpu.memory_space<vmem>>
    %dma_start3A_52 = tpu.memref_squeeze %dma_start3A_51 : memref<1x16xi32, #tpu.memory_space<vmem>> -> memref<16xi32, #tpu.memory_space<vmem>>
    %dma_start3A_53 = tpu.memref_slice %arg3[%dma_start3A_43, %mul3A_2] : memref<64x512xi32, #tpu.memory_space<hbm>> -> memref<1x16xi32, #tpu.memory_space<hbm>>
    %dma_start3A_54 = tpu.memref_squeeze %dma_start3A_53 : memref<1x16xi32, #tpu.memory_space<hbm>> -> memref<16xi32, #tpu.memory_space<hbm>>
    tpu.enqueue_dma source(%dma_start3A_54 : memref<16xi32, #tpu.memory_space<hbm>>) target(%dma_start3A_52 : memref<16xi32, #tpu.memory_space<vmem>>) target_semaphore(%arg23 : memref<!tpu.dma_semaphore, #tpu.memory_space<semaphore_mem>>)
    %dma_start3A_55 = arith.constant 2 : i32
    %dma_start3A_56 = arith.constant 2 : i32
    %dma_start3A_57 = arith.constant 0 : i32
    %dma_start3A_58 = tpu.memref_slice %arg11[%dma_start3A_56, %dma_start3A_57] : memref<4x16xi32, #tpu.memory_space<vmem>> -> memref<1x16xi32, #tpu.memory_space<vmem>>
    %dma_start3A_59 = tpu.memref_squeeze %dma_start3A_58 : memref<1x16xi32, #tpu.memory_space<vmem>> -> memref<16xi32, #tpu.memory_space<vmem>>
    %dma_start3A_60 = tpu.memref_slice %arg2[%dma_start3A_55, %mul3A_2] : memref<64x512xi32, #tpu.memory_space<hbm>> -> memref<1x16xi32, #tpu.memory_space<hbm>>
    %dma_start3A_61 = tpu.memref_squeeze %dma_start3A_60 : memref<1x16xi32, #tpu.memory_space<hbm>> -> memref<16xi32, #tpu.memory_space<hbm>>
    %dma_start3A_62 = arith.constant 0 : i32
    %dma_start3A_63 = tpu.memref_slice %arg11[%dma_start3A_56, %dma_start3A_62] : memref<4x16xi32, #tpu.memory_space<vmem>> -> memref<1x16xi32, #tpu.memory_space<vmem>>
    %dma_start3A_64 = tpu.memref_squeeze %dma_start3A_63 : memref<1x16xi32, #tpu.memory_space<vmem>> -> memref<16xi32, #tpu.memory_space<vmem>>
    %dma_start3A_65 = tpu.memref_slice %arg2[%dma_start3A_55, %mul3A_2] : memref<64x512xi32, #tpu.memory_space<hbm>> -> memref<1x16xi32, #tpu.memory_space<hbm>>
    %dma_start3A_66 = tpu.memref_squeeze %dma_start3A_65 : memref<1x16xi32, #tpu.memory_space<hbm>> -> memref<16xi32, #tpu.memory_space<hbm>>
    tpu.enqueue_dma source(%dma_start3A_66 : memref<16xi32, #tpu.memory_space<hbm>>) target(%dma_start3A_64 : memref<16xi32, #tpu.memory_space<vmem>>) target_semaphore(%arg24 : memref<!tpu.dma_semaphore, #tpu.memory_space<semaphore_mem>>)
    %dma_start3A_67 = arith.constant 2 : i32
    %dma_start3A_68 = arith.constant 2 : i32
    %dma_start3A_69 = arith.constant 0 : i32
    %dma_start3A_70 = tpu.memref_slice %arg12[%dma_start3A_68, %dma_start3A_69] : memref<4x16xi32, #tpu.memory_space<vmem>> -> memref<1x16xi32, #tpu.memory_space<vmem>>
    %dma_start3A_71 = tpu.memref_squeeze %dma_start3A_70 : memref<1x16xi32, #tpu.memory_space<vmem>> -> memref<16xi32, #tpu.memory_space<vmem>>
    %dma_start3A_72 = tpu.memref_slice %arg3[%dma_start3A_67, %mul3A_2] : memref<64x512xi32, #tpu.memory_space<hbm>> -> memref<1x16xi32, #tpu.memory_space<hbm>>
    %dma_start3A_73 = tpu.memref_squeeze %dma_start3A_72 : memref<1x16xi32, #tpu.memory_space<hbm>> -> memref<16xi32, #tpu.memory_space<hbm>>
    %dma_start3A_74 = arith.constant 0 : i32
    %dma_start3A_75 = tpu.memref_slice %arg12[%dma_start3A_68, %dma_start3A_74] : memref<4x16xi32, #tpu.memory_space<vmem>> -> memref<1x16xi32, #tpu.memory_space<vmem>>
    %dma_start3A_76 = tpu.memref_squeeze %dma_start3A_75 : memref<1x16xi32, #tpu.memory_space<vmem>> -> memref<16xi32, #tpu.memory_space<vmem>>
    %dma_start3A_77 = tpu.memref_slice %arg3[%dma_start3A_67, %mul3A_2] : memref<64x512xi32, #tpu.memory_space<hbm>> -> memref<1x16xi32, #tpu.memory_space<hbm>>
    %dma_start3A_78 = tpu.memref_squeeze %dma_start3A_77 : memref<1x16xi32, #tpu.memory_space<hbm>> -> memref<16xi32, #tpu.memory_space<hbm>>
    tpu.enqueue_dma source(%dma_start3A_78 : memref<16xi32, #tpu.memory_space<hbm>>) target(%dma_start3A_76 : memref<16xi32, #tpu.memory_space<vmem>>) target_semaphore(%arg24 : memref<!tpu.dma_semaphore, #tpu.memory_space<semaphore_mem>>)
    %dma_start3A_79 = arith.constant 3 : i32
    %dma_start3A_80 = arith.constant 3 : i32
    %dma_start3A_81 = arith.constant 0 : i32
    %dma_start3A_82 = tpu.memref_slice %arg11[%dma_start3A_80, %dma_start3A_81] : memref<4x16xi32, #tpu.memory_space<vmem>> -> memref<1x16xi32, #tpu.memory_space<vmem>>
    %dma_start3A_83 = tpu.memref_squeeze %dma_start3A_82 : memref<1x16xi32, #tpu.memory_space<vmem>> -> memref<16xi32, #tpu.memory_space<vmem>>
    %dma_start3A_84 = tpu.memref_slice %arg2[%dma_start3A_79, %mul3A_2] : memref<64x512xi32, #tpu.memory_space<hbm>> -> memref<1x16xi32, #tpu.memory_space<hbm>>
    %dma_start3A_85 = tpu.memref_squeeze %dma_start3A_84 : memref<1x16xi32, #tpu.memory_space<hbm>> -> memref<16xi32, #tpu.memory_space<hbm>>
    %dma_start3A_86 = arith.constant 0 : i32
    %dma_start3A_87 = tpu.memref_slice %arg11[%dma_start3A_80, %dma_start3A_86] : memref<4x16xi32, #tpu.memory_space<vmem>> -> memref<1x16xi32, #tpu.memory_space<vmem>>
    %dma_start3A_88 = tpu.memref_squeeze %dma_start3A_87 : memref<1x16xi32, #tpu.memory_space<vmem>> -> memref<16xi32, #tpu.memory_space<vmem>>
    %dma_start3A_89 = tpu.memref_slice %arg2[%dma_start3A_79, %mul3A_2] : memref<64x512xi32, #tpu.memory_space<hbm>> -> memref<1x16xi32, #tpu.memory_space<hbm>>
    %dma_start3A_90 = tpu.memref_squeeze %dma_start3A_89 : memref<1x16xi32, #tpu.memory_space<hbm>> -> memref<16xi32, #tpu.memory_space<hbm>>
    tpu.enqueue_dma source(%dma_start3A_90 : memref<16xi32, #tpu.memory_space<hbm>>) target(%dma_start3A_88 : memref<16xi32, #tpu.memory_space<vmem>>) target_semaphore(%arg25 : memref<!tpu.dma_semaphore, #tpu.memory_space<semaphore_mem>>)
    %dma_start3A_91 = arith.constant 3 : i32
    %dma_start3A_92 = arith.constant 3 : i32
    %dma_start3A_93 = arith.constant 0 : i32
    %dma_start3A_94 = tpu.memref_slice %arg12[%dma_start3A_92, %dma_start3A_93] : memref<4x16xi32, #tpu.memory_space<vmem>> -> memref<1x16xi32, #tpu.memory_space<vmem>>
    %dma_start3A_95 = tpu.memref_squeeze %dma_start3A_94 : memref<1x16xi32, #tpu.memory_space<vmem>> -> memref<16xi32, #tpu.memory_space<vmem>>
    %dma_start3A_96 = tpu.memref_slice %arg3[%dma_start3A_91, %mul3A_2] : memref<64x512xi32, #tpu.memory_space<hbm>> -> memref<1x16xi32, #tpu.memory_space<hbm>>
    %dma_start3A_97 = tpu.memref_squeeze %dma_start3A_96 : memref<1x16xi32, #tpu.memory_space<hbm>> -> memref<16xi32, #tpu.memory_space<hbm>>
    %dma_start3A_98 = arith.constant 0 : i32
    %dma_start3A_99 = tpu.memref_slice %arg12[%dma_start3A_92, %dma_start3A_98] : memref<4x16xi32, #tpu.memory_space<vmem>> -> memref<1x16xi32, #tpu.memory_space<vmem>>
    %dma_start3A_100 = tpu.memref_squeeze %dma_start3A_99 : memref<1x16xi32, #tpu.memory_space<vmem>> -> memref<16xi32, #tpu.memory_space<vmem>>
    %dma_start3A_101 = tpu.memref_slice %arg3[%dma_start3A_91, %mul3A_2] : memref<64x512xi32, #tpu.memory_space<hbm>> -> memref<1x16xi32, #tpu.memory_space<hbm>>
    %dma_start3A_102 = tpu.memref_squeeze %dma_start3A_101 : memref<1x16xi32, #tpu.memory_space<hbm>> -> memref<16xi32, #tpu.memory_space<hbm>>
    tpu.enqueue_dma source(%dma_start3A_102 : memref<16xi32, #tpu.memory_space<hbm>>) target(%dma_start3A_100 : memref<16xi32, #tpu.memory_space<vmem>>) target_semaphore(%arg25 : memref<!tpu.dma_semaphore, #tpu.memory_space<semaphore_mem>>)
    %scan3A_103 = arith.constant 0 : i32
    %scan3A_104 = arith.constant 0 : i32
    %scan3A_105 = arith.constant 16 : i32
    %scan3A_106 = arith.addi %scan3A_104, %scan3A_105 : i32
    %scan3A_107 = arith.constant 1 : i32
    scf.for %scan3A_632 = %scan3A_104 to %scan3A_106 step %scan3A_107  : i32 {
      %mul3A_633 = arith.constant 4 : i32
      %mul3A_634 = arith.muli %scan3A_632, %mul3A_633 : i32
      %add3A_635 = arith.constant 0 : i32
      %add3A_636 = arith.addi %mul3A_634, %add3A_635 : i32
      %ge3A = arith.constant 1 : i32
      %ge3A_637 = arith.cmpi sge, %scan3A_632, %ge3A : i32
      %convert_element_type3A_638 = arith.extui %ge3A_637 : i1 to i32
      %cond3A = arith.constant 0 : i32
      %cond3A_639 = arith.cmpi ne, %convert_element_type3A_638, %cond3A : i32
      scf.if %cond3A_639 {
        %dma_wait3A_1294 = arith.constant 0 : i32
        %dma_wait3A_1295 = arith.constant 0 : i32
        %dma_wait3A_1296 = arith.constant 0 : i32
        %dma_wait3A_1297 = arith.constant 0 : i32
        %dma_wait3A_1298 = tpu.memref_slice %arg13[%dma_wait3A_1294, %dma_wait3A_1296, %dma_wait3A_1297] : memref<4x16x768xf32, #tpu.memory_space<vmem>> -> memref<1x16x768xf32, #tpu.memory_space<vmem>>
        %dma_wait3A_1299 = tpu.memref_squeeze %dma_wait3A_1298 : memref<1x16x768xf32, #tpu.memory_space<vmem>> -> memref<16x768xf32, #tpu.memory_space<vmem>>
        %dma_wait3A_1300 = arith.constant 0 : i32
        %dma_wait3A_1301 = tpu.memref_slice %arg7[%dma_wait3A_1295, %mul3A_2, %dma_wait3A_1300] : memref<64x512x768xf32, #tpu.memory_space<hbm>> -> memref<1x16x768xf32, #tpu.memory_space<hbm>>
        %dma_wait3A_1302 = tpu.memref_squeeze %dma_wait3A_1301 : memref<1x16x768xf32, #tpu.memory_space<hbm>> -> memref<16x768xf32, #tpu.memory_space<hbm>>
        %dma_wait3A_1303 = arith.constant 0 : i32
        %dma_wait3A_1304 = tpu.memref_slice %arg7[%dma_wait3A_1295, %mul3A_2, %dma_wait3A_1303] : memref<64x512x768xf32, #tpu.memory_space<hbm>> -> memref<1x16x768xf32, #tpu.memory_space<hbm>>
        %dma_wait3A_1305 = tpu.memref_squeeze %dma_wait3A_1304 : memref<1x16x768xf32, #tpu.memory_space<hbm>> -> memref<16x768xf32, #tpu.memory_space<hbm>>
        %dma_wait3A_1306 = arith.constant 0 : i32
        %dma_wait3A_1307 = arith.constant 0 : i32
        %dma_wait3A_1308 = tpu.memref_slice %arg13[%dma_wait3A_1294, %dma_wait3A_1306, %dma_wait3A_1307] : memref<4x16x768xf32, #tpu.memory_space<vmem>> -> memref<1x16x768xf32, #tpu.memory_space<vmem>>
        %dma_wait3A_1309 = tpu.memref_squeeze %dma_wait3A_1308 : memref<1x16x768xf32, #tpu.memory_space<vmem>> -> memref<16x768xf32, #tpu.memory_space<vmem>>
        tpu.wait_dma2 semaphore(%arg18 : memref<!tpu.dma_semaphore, #tpu.memory_space<semaphore_mem>>) src(%dma_wait3A_1309 : memref<16x768xf32, #tpu.memory_space<vmem>>) dst(%dma_wait3A_1305 : memref<16x768xf32, #tpu.memory_space<hbm>>)
      } else {
      }
      %dma_wait3A_640 = arith.constant 0 : i32
      %dma_wait3A_641 = arith.constant 0 : i32
      %dma_wait3A_642 = tpu.memref_slice %arg11[%dma_wait3A_640, %dma_wait3A_641] : memref<4x16xi32, #tpu.memory_space<vmem>> -> memref<1x16xi32, #tpu.memory_space<vmem>>
      %dma_wait3A_643 = tpu.memref_squeeze %dma_wait3A_642 : memref<1x16xi32, #tpu.memory_space<vmem>> -> memref<16xi32, #tpu.memory_space<vmem>>
      %dma_wait3A_644 = tpu.memref_slice %arg2[%add3A_636, %mul3A_2] : memref<64x512xi32, #tpu.memory_space<hbm>> -> memref<1x16xi32, #tpu.memory_space<hbm>>
      %dma_wait3A_645 = tpu.memref_squeeze %dma_wait3A_644 : memref<1x16xi32, #tpu.memory_space<hbm>> -> memref<16xi32, #tpu.memory_space<hbm>>
      %dma_wait3A_646 = arith.constant 0 : i32
      %dma_wait3A_647 = tpu.memref_slice %arg11[%dma_wait3A_640, %dma_wait3A_646] : memref<4x16xi32, #tpu.memory_space<vmem>> -> memref<1x16xi32, #tpu.memory_space<vmem>>
      %dma_wait3A_648 = tpu.memref_squeeze %dma_wait3A_647 : memref<1x16xi32, #tpu.memory_space<vmem>> -> memref<16xi32, #tpu.memory_space<vmem>>
      %dma_wait3A_649 = tpu.memref_slice %arg2[%add3A_636, %mul3A_2] : memref<64x512xi32, #tpu.memory_space<hbm>> -> memref<1x16xi32, #tpu.memory_space<hbm>>
      %dma_wait3A_650 = tpu.memref_squeeze %dma_wait3A_649 : memref<1x16xi32, #tpu.memory_space<hbm>> -> memref<16xi32, #tpu.memory_space<hbm>>
      tpu.wait_dma2 semaphore(%arg22 : memref<!tpu.dma_semaphore, #tpu.memory_space<semaphore_mem>>) src(%dma_wait3A_650 : memref<16xi32, #tpu.memory_space<hbm>>) dst(%dma_wait3A_648 : memref<16xi32, #tpu.memory_space<vmem>>)
      %dma_wait3A_651 = arith.constant 0 : i32
      %dma_wait3A_652 = arith.constant 0 : i32
      %dma_wait3A_653 = tpu.memref_slice %arg12[%dma_wait3A_651, %dma_wait3A_652] : memref<4x16xi32, #tpu.memory_space<vmem>> -> memref<1x16xi32, #tpu.memory_space<vmem>>
      %dma_wait3A_654 = tpu.memref_squeeze %dma_wait3A_653 : memref<1x16xi32, #tpu.memory_space<vmem>> -> memref<16xi32, #tpu.memory_space<vmem>>
      %dma_wait3A_655 = tpu.memref_slice %arg3[%add3A_636, %mul3A_2] : memref<64x512xi32, #tpu.memory_space<hbm>> -> memref<1x16xi32, #tpu.memory_space<hbm>>
      %dma_wait3A_656 = tpu.memref_squeeze %dma_wait3A_655 : memref<1x16xi32, #tpu.memory_space<hbm>> -> memref<16xi32, #tpu.memory_space<hbm>>
      %dma_wait3A_657 = arith.constant 0 : i32
      %dma_wait3A_658 = tpu.memref_slice %arg12[%dma_wait3A_651, %dma_wait3A_657] : memref<4x16xi32, #tpu.memory_space<vmem>> -> memref<1x16xi32, #tpu.memory_space<vmem>>
      %dma_wait3A_659 = tpu.memref_squeeze %dma_wait3A_658 : memref<1x16xi32, #tpu.memory_space<vmem>> -> memref<16xi32, #tpu.memory_space<vmem>>
      %dma_wait3A_660 = tpu.memref_slice %arg3[%add3A_636, %mul3A_2] : memref<64x512xi32, #tpu.memory_space<hbm>> -> memref<1x16xi32, #tpu.memory_space<hbm>>
      %dma_wait3A_661 = tpu.memref_squeeze %dma_wait3A_660 : memref<1x16xi32, #tpu.memory_space<hbm>> -> memref<16xi32, #tpu.memory_space<hbm>>
      tpu.wait_dma2 semaphore(%arg22 : memref<!tpu.dma_semaphore, #tpu.memory_space<semaphore_mem>>) src(%dma_wait3A_661 : memref<16xi32, #tpu.memory_space<hbm>>) dst(%dma_wait3A_659 : memref<16xi32, #tpu.memory_space<vmem>>)
      %dma_start3A_662 = arith.constant 0 : i32
      %dma_start3A_663 = arith.constant 0 : i32
      %dma_start3A_664 = arith.constant 0 : i32
      %dma_start3A_665 = arith.constant 0 : i32
      %dma_start3A_666 = tpu.memref_slice %arg13[%dma_start3A_663, %dma_start3A_664, %dma_start3A_665] : memref<4x16x768xf32, #tpu.memory_space<vmem>> -> memref<1x16x768xf32, #tpu.memory_space<vmem>>
      %dma_start3A_667 = tpu.memref_squeeze %dma_start3A_666 : memref<1x16x768xf32, #tpu.memory_space<vmem>> -> memref<16x768xf32, #tpu.memory_space<vmem>>
      %dma_start3A_668 = arith.constant 0 : i32
      %dma_start3A_669 = tpu.memref_slice %arg11[%dma_start3A_662, %dma_start3A_668] : memref<4x16xi32, #tpu.memory_space<vmem>> -> memref<1x16xi32, #tpu.memory_space<vmem>>
      %dma_start3A_670 = tpu.memref_squeeze %dma_start3A_669 : memref<1x16xi32, #tpu.memory_space<vmem>> -> memref<16xi32, #tpu.memory_space<vmem>>
      %dma_start3A_671 = arith.constant 0 : i32
      %dma_start3A_672 = arith.constant 0 : i32
      %dma_start3A_673 = tpu.memref_slice %arg4[%dma_start3A_671, %dma_start3A_672] : memref<100000x768xf32, #tpu.memory_space<hbm>> -> memref<100000x768xf32, #tpu.memory_space<hbm>>
      tpu.enqueue_indirect_dma source(%dma_start3A_673 : memref<100000x768xf32, #tpu.memory_space<hbm>>) target(%dma_start3A_667 : memref<16x768xf32, #tpu.memory_space<vmem>>) offsets(%dma_start3A_670 : memref<16xi32, #tpu.memory_space<vmem>>) semaphore(%arg14 : memref<!tpu.dma_semaphore, #tpu.memory_space<semaphore_mem>>)
      %ge3A_674 = arith.constant 1 : i32
      %ge3A_675 = arith.cmpi sge, %scan3A_632, %ge3A_674 : i32
      %convert_element_type3A_676 = arith.extui %ge3A_675 : i1 to i32
      %cond3A_677 = arith.constant 0 : i32
      %cond3A_678 = arith.cmpi ne, %convert_element_type3A_676, %cond3A_677 : i32
      scf.if %cond3A_678 {
        %sub3A_1294 = arith.constant 2 : i32
        %sub3A_1295 = arith.subi %add3A_636, %sub3A_1294 : i32
        %get3A_1296 = arith.constant 2 : i32
        %get3A_1297 = arith.index_cast %get3A_1296 : i32 to index
        %get3A_1298 = arith.constant 0 : index
        %get3A_1299 = tpu.vector_load %arg12[%get3A_1297, %get3A_1298] {strides = array<i32>} : memref<4x16xi32, #tpu.memory_space<vmem>>, vector<1x16xi32>,
        %get3A_1300 = vector.shape_cast %get3A_1299 : vector<1x16xi32> to vector<16xi32>
        %convert_element_type3A_1301 = arith.sitofp %get3A_1300 : vector<16xi32> to vector<16xf32>
        %broadcast_in_dim3A_1302 = arith.constant 0 : i32
        %broadcast_in_dim3A_1303 = vector.broadcast %broadcast_in_dim3A_1302 : i32 to vector<16xi32>
        %lt3A_1304 = arith.constant 0 : i32
        %lt3A_1305 = vector.broadcast %lt3A_1304 : i32 to vector<16xi32>
        %lt3A_1306 = arith.cmpi slt, %broadcast_in_dim3A_1303, %lt3A_1305 : vector<16xi32>
        %add3A_1307 = arith.constant 16 : i32
        %add3A_1308 = vector.broadcast %add3A_1307 : i32 to vector<16xi32>
        %add3A_1309 = arith.addi %broadcast_in_dim3A_1303, %add3A_1308 : vector<16xi32>
        %select_n3A_1310 = arith.select %lt3A_1306, %add3A_1309, %broadcast_in_dim3A_1303 : vector<16xi1>, vector<16xi32>
        %broadcast_in_dim3A_1311 = vector.shape_cast %select_n3A_1310 : vector<16xi32> to vector<16x1xi32>
        %gather3A_1312 = vector.shape_cast %broadcast_in_dim3A_1311 : vector<16x1xi32> to vector<16xi32>
        %gather3A_1313 = tpu.dynamic_gather %convert_element_type3A_1301[%gather3A_1312] in [0] : vector<16xf32>, vector<16xi32> -> vector<16xf32>
        %broadcast_in_dim3A_1314 = arith.constant 1 : i32
        %broadcast_in_dim3A_1315 = vector.broadcast %broadcast_in_dim3A_1314 : i32 to vector<16xi32>
        %lt3A_1316 = arith.constant 0 : i32
        %lt3A_1317 = vector.broadcast %lt3A_1316 : i32 to vector<16xi32>
        %lt3A_1318 = arith.cmpi slt, %broadcast_in_dim3A_1315, %lt3A_1317 : vector<16xi32>
        %add3A_1319 = arith.constant 16 : i32
        %add3A_1320 = vector.broadcast %add3A_1319 : i32 to vector<16xi32>
        %add3A_1321 = arith.addi %broadcast_in_dim3A_1315, %add3A_1320 : vector<16xi32>
        %select_n3A_1322 = arith.select %lt3A_1318, %add3A_1321, %broadcast_in_dim3A_1315 : vector<16xi1>, vector<16xi32>
        %broadcast_in_dim3A_1323 = vector.shape_cast %select_n3A_1322 : vector<16xi32> to vector<16x1xi32>
        %gather3A_1324 = vector.shape_cast %broadcast_in_dim3A_1323 : vector<16x1xi32> to vector<16xi32>
        %gather3A_1325 = tpu.dynamic_gather %convert_element_type3A_1301[%gather3A_1324] in [0] : vector<16xf32>, vector<16xi32> -> vector<16xf32>
        %broadcast_in_dim3A_1326 = arith.constant 2 : i32
        %broadcast_in_dim3A_1327 = vector.broadcast %broadcast_in_dim3A_1326 : i32 to vector<16xi32>
        %lt3A_1328 = arith.constant 0 : i32
        %lt3A_1329 = vector.broadcast %lt3A_1328 : i32 to vector<16xi32>
        %lt3A_1330 = arith.cmpi slt, %broadcast_in_dim3A_1327, %lt3A_1329 : vector<16xi32>
        %add3A_1331 = arith.constant 16 : i32
        %add3A_1332 = vector.broadcast %add3A_1331 : i32 to vector<16xi32>
        %add3A_1333 = arith.addi %broadcast_in_dim3A_1327, %add3A_1332 : vector<16xi32>
        %select_n3A_1334 = arith.select %lt3A_1330, %add3A_1333, %broadcast_in_dim3A_1327 : vector<16xi1>, vector<16xi32>
        %broadcast_in_dim3A_1335 = vector.shape_cast %select_n3A_1334 : vector<16xi32> to vector<16x1xi32>
        %gather3A_1336 = vector.shape_cast %broadcast_in_dim3A_1335 : vector<16x1xi32> to vector<16xi32>
        %gather3A_1337 = tpu.dynamic_gather %convert_element_type3A_1301[%gather3A_1336] in [0] : vector<16xf32>, vector<16xi32> -> vector<16xf32>
        %broadcast_in_dim3A_1338 = arith.constant 3 : i32
        %broadcast_in_dim3A_1339 = vector.broadcast %broadcast_in_dim3A_1338 : i32 to vector<16xi32>
        %lt3A_1340 = arith.constant 0 : i32
        %lt3A_1341 = vector.broadcast %lt3A_1340 : i32 to vector<16xi32>
        %lt3A_1342 = arith.cmpi slt, %broadcast_in_dim3A_1339, %lt3A_1341 : vector<16xi32>
        %add3A_1343 = arith.constant 16 : i32
        %add3A_1344 = vector.broadcast %add3A_1343 : i32 to vector<16xi32>
        %add3A_1345 = arith.addi %broadcast_in_dim3A_1339, %add3A_1344 : vector<16xi32>
        %select_n3A_1346 = arith.select %lt3A_1342, %add3A_1345, %broadcast_in_dim3A_1339 : vector<16xi1>, vector<16xi32>
        %broadcast_in_dim3A_1347 = vector.shape_cast %select_n3A_1346 : vector<16xi32> to vector<16x1xi32>
        %gather3A_1348 = vector.shape_cast %broadcast_in_dim3A_1347 : vector<16x1xi32> to vector<16xi32>
        %gather3A_1349 = tpu.dynamic_gather %convert_element_type3A_1301[%gather3A_1348] in [0] : vector<16xf32>, vector<16xi32> -> vector<16xf32>
        %broadcast_in_dim3A_1350 = arith.constant 4 : i32
        %broadcast_in_dim3A_1351 = vector.broadcast %broadcast_in_dim3A_1350 : i32 to vector<16xi32>
        %lt3A_1352 = arith.constant 0 : i32
        %lt3A_1353 = vector.broadcast %lt3A_1352 : i32 to vector<16xi32>
        %lt3A_1354 = arith.cmpi slt, %broadcast_in_dim3A_1351, %lt3A_1353 : vector<16xi32>
        %add3A_1355 = arith.constant 16 : i32
        %add3A_1356 = vector.broadcast %add3A_1355 : i32 to vector<16xi32>
        %add3A_1357 = arith.addi %broadcast_in_dim3A_1351, %add3A_1356 : vector<16xi32>
        %select_n3A_1358 = arith.select %lt3A_1354, %add3A_1357, %broadcast_in_dim3A_1351 : vector<16xi1>, vector<16xi32>
        %broadcast_in_dim3A_1359 = vector.shape_cast %select_n3A_1358 : vector<16xi32> to vector<16x1xi32>
        %gather3A_1360 = vector.shape_cast %broadcast_in_dim3A_1359 : vector<16x1xi32> to vector<16xi32>
        %gather3A_1361 = tpu.dynamic_gather %convert_element_type3A_1301[%gather3A_1360] in [0] : vector<16xf32>, vector<16xi32> -> vector<16xf32>
        %broadcast_in_dim3A_1362 = arith.constant 5 : i32
        %broadcast_in_dim3A_1363 = vector.broadcast %broadcast_in_dim3A_1362 : i32 to vector<16xi32>
        %lt3A_1364 = arith.constant 0 : i32
        %lt3A_1365 = vector.broadcast %lt3A_1364 : i32 to vector<16xi32>
        %lt3A_1366 = arith.cmpi slt, %broadcast_in_dim3A_1363, %lt3A_1365 : vector<16xi32>
        %add3A_1367 = arith.constant 16 : i32
        %add3A_1368 = vector.broadcast %add3A_1367 : i32 to vector<16xi32>
        %add3A_1369 = arith.addi %broadcast_in_dim3A_1363, %add3A_1368 : vector<16xi32>
        %select_n3A_1370 = arith.select %lt3A_1366, %add3A_1369, %broadcast_in_dim3A_1363 : vector<16xi1>, vector<16xi32>
        %broadcast_in_dim3A_1371 = vector.shape_cast %select_n3A_1370 : vector<16xi32> to vector<16x1xi32>
        %gather3A_1372 = vector.shape_cast %broadcast_in_dim3A_1371 : vector<16x1xi32> to vector<16xi32>
        %gather3A_1373 = tpu.dynamic_gather %convert_element_type3A_1301[%gather3A_1372] in [0] : vector<16xf32>, vector<16xi32> -> vector<16xf32>
        %broadcast_in_dim3A_1374 = arith.constant 6 : i32
        %broadcast_in_dim3A_1375 = vector.broadcast %broadcast_in_dim3A_1374 : i32 to vector<16xi32>
        %lt3A_1376 = arith.constant 0 : i32
        %lt3A_1377 = vector.broadcast %lt3A_1376 : i32 to vector<16xi32>
        %lt3A_1378 = arith.cmpi slt, %broadcast_in_dim3A_1375, %lt3A_1377 : vector<16xi32>
        %add3A_1379 = arith.constant 16 : i32
        %add3A_1380 = vector.broadcast %add3A_1379 : i32 to vector<16xi32>
        %add3A_1381 = arith.addi %broadcast_in_dim3A_1375, %add3A_1380 : vector<16xi32>
        %select_n3A_1382 = arith.select %lt3A_1378, %add3A_1381, %broadcast_in_dim3A_1375 : vector<16xi1>, vector<16xi32>
        %broadcast_in_dim3A_1383 = vector.shape_cast %select_n3A_1382 : vector<16xi32> to vector<16x1xi32>
        %gather3A_1384 = vector.shape_cast %broadcast_in_dim3A_1383 : vector<16x1xi32> to vector<16xi32>
        %gather3A_1385 = tpu.dynamic_gather %convert_element_type3A_1301[%gather3A_1384] in [0] : vector<16xf32>, vector<16xi32> -> vector<16xf32>
        %broadcast_in_dim3A_1386 = arith.constant 7 : i32
        %broadcast_in_dim3A_1387 = vector.broadcast %broadcast_in_dim3A_1386 : i32 to vector<16xi32>
        %lt3A_1388 = arith.constant 0 : i32
        %lt3A_1389 = vector.broadcast %lt3A_1388 : i32 to vector<16xi32>
        %lt3A_1390 = arith.cmpi slt, %broadcast_in_dim3A_1387, %lt3A_1389 : vector<16xi32>
        %add3A_1391 = arith.constant 16 : i32
        %add3A_1392 = vector.broadcast %add3A_1391 : i32 to vector<16xi32>
        %add3A_1393 = arith.addi %broadcast_in_dim3A_1387, %add3A_1392 : vector<16xi32>
        %select_n3A_1394 = arith.select %lt3A_1390, %add3A_1393, %broadcast_in_dim3A_1387 : vector<16xi1>, vector<16xi32>
        %broadcast_in_dim3A_1395 = vector.shape_cast %select_n3A_1394 : vector<16xi32> to vector<16x1xi32>
        %gather3A_1396 = vector.shape_cast %broadcast_in_dim3A_1395 : vector<16x1xi32> to vector<16xi32>
        %gather3A_1397 = tpu.dynamic_gather %convert_element_type3A_1301[%gather3A_1396] in [0] : vector<16xf32>, vector<16xi32> -> vector<16xf32>
        %broadcast_in_dim3A_1398 = arith.constant 8 : i32
        %broadcast_in_dim3A_1399 = vector.broadcast %broadcast_in_dim3A_1398 : i32 to vector<16xi32>
        %lt3A_1400 = arith.constant 0 : i32
        %lt3A_1401 = vector.broadcast %lt3A_1400 : i32 to vector<16xi32>
        %lt3A_1402 = arith.cmpi slt, %broadcast_in_dim3A_1399, %lt3A_1401 : vector<16xi32>
        %add3A_1403 = arith.constant 16 : i32
        %add3A_1404 = vector.broadcast %add3A_1403 : i32 to vector<16xi32>
        %add3A_1405 = arith.addi %broadcast_in_dim3A_1399, %add3A_1404 : vector<16xi32>
        %select_n3A_1406 = arith.select %lt3A_1402, %add3A_1405, %broadcast_in_dim3A_1399 : vector<16xi1>, vector<16xi32>
        %broadcast_in_dim3A_1407 = vector.shape_cast %select_n3A_1406 : vector<16xi32> to vector<16x1xi32>
        %gather3A_1408 = vector.shape_cast %broadcast_in_dim3A_1407 : vector<16x1xi32> to vector<16xi32>
        %gather3A_1409 = tpu.dynamic_gather %convert_element_type3A_1301[%gather3A_1408] in [0] : vector<16xf32>, vector<16xi32> -> vector<16xf32>
        %broadcast_in_dim3A_1410 = arith.constant 9 : i32
        %broadcast_in_dim3A_1411 = vector.broadcast %broadcast_in_dim3A_1410 : i32 to vector<16xi32>
        %lt3A_1412 = arith.constant 0 : i32
        %lt3A_1413 = vector.broadcast %lt3A_1412 : i32 to vector<16xi32>
        %lt3A_1414 = arith.cmpi slt, %broadcast_in_dim3A_1411, %lt3A_1413 : vector<16xi32>
        %add3A_1415 = arith.constant 16 : i32
        %add3A_1416 = vector.broadcast %add3A_1415 : i32 to vector<16xi32>
        %add3A_1417 = arith.addi %broadcast_in_dim3A_1411, %add3A_1416 : vector<16xi32>
        %select_n3A_1418 = arith.select %lt3A_1414, %add3A_1417, %broadcast_in_dim3A_1411 : vector<16xi1>, vector<16xi32>
        %broadcast_in_dim3A_1419 = vector.shape_cast %select_n3A_1418 : vector<16xi32> to vector<16x1xi32>
        %gather3A_1420 = vector.shape_cast %broadcast_in_dim3A_1419 : vector<16x1xi32> to vector<16xi32>
        %gather3A_1421 = tpu.dynamic_gather %convert_element_type3A_1301[%gather3A_1420] in [0] : vector<16xf32>, vector<16xi32> -> vector<16xf32>
        %broadcast_in_dim3A_1422 = arith.constant 10 : i32
        %broadcast_in_dim3A_1423 = vector.broadcast %broadcast_in_dim3A_1422 : i32 to vector<16xi32>
        %lt3A_1424 = arith.constant 0 : i32
        %lt3A_1425 = vector.broadcast %lt3A_1424 : i32 to vector<16xi32>
        %lt3A_1426 = arith.cmpi slt, %broadcast_in_dim3A_1423, %lt3A_1425 : vector<16xi32>
        %add3A_1427 = arith.constant 16 : i32
        %add3A_1428 = vector.broadcast %add3A_1427 : i32 to vector<16xi32>
        %add3A_1429 = arith.addi %broadcast_in_dim3A_1423, %add3A_1428 : vector<16xi32>
        %select_n3A_1430 = arith.select %lt3A_1426, %add3A_1429, %broadcast_in_dim3A_1423 : vector<16xi1>, vector<16xi32>
        %broadcast_in_dim3A_1431 = vector.shape_cast %select_n3A_1430 : vector<16xi32> to vector<16x1xi32>
        %gather3A_1432 = vector.shape_cast %broadcast_in_dim3A_1431 : vector<16x1xi32> to vector<16xi32>
        %gather3A_1433 = tpu.dynamic_gather %convert_element_type3A_1301[%gather3A_1432] in [0] : vector<16xf32>, vector<16xi32> -> vector<16xf32>
        %broadcast_in_dim3A_1434 = arith.constant 11 : i32
        %broadcast_in_dim3A_1435 = vector.broadcast %broadcast_in_dim3A_1434 : i32 to vector<16xi32>
        %lt3A_1436 = arith.constant 0 : i32
        %lt3A_1437 = vector.broadcast %lt3A_1436 : i32 to vector<16xi32>
        %lt3A_1438 = arith.cmpi slt, %broadcast_in_dim3A_1435, %lt3A_1437 : vector<16xi32>
        %add3A_1439 = arith.constant 16 : i32
        %add3A_1440 = vector.broadcast %add3A_1439 : i32 to vector<16xi32>
        %add3A_1441 = arith.addi %broadcast_in_dim3A_1435, %add3A_1440 : vector<16xi32>
        %select_n3A_1442 = arith.select %lt3A_1438, %add3A_1441, %broadcast_in_dim3A_1435 : vector<16xi1>, vector<16xi32>
        %broadcast_in_dim3A_1443 = vector.shape_cast %select_n3A_1442 : vector<16xi32> to vector<16x1xi32>
        %gather3A_1444 = vector.shape_cast %broadcast_in_dim3A_1443 : vector<16x1xi32> to vector<16xi32>
        %gather3A_1445 = tpu.dynamic_gather %convert_element_type3A_1301[%gather3A_1444] in [0] : vector<16xf32>, vector<16xi32> -> vector<16xf32>
        %broadcast_in_dim3A_1446 = arith.constant 12 : i32
        %broadcast_in_dim3A_1447 = vector.broadcast %broadcast_in_dim3A_1446 : i32 to vector<16xi32>
        %lt3A_1448 = arith.constant 0 : i32
        %lt3A_1449 = vector.broadcast %lt3A_1448 : i32 to vector<16xi32>
        %lt3A_1450 = arith.cmpi slt, %broadcast_in_dim3A_1447, %lt3A_1449 : vector<16xi32>
        %add3A_1451 = arith.constant 16 : i32
        %add3A_1452 = vector.broadcast %add3A_1451 : i32 to vector<16xi32>
        %add3A_1453 = arith.addi %broadcast_in_dim3A_1447, %add3A_1452 : vector<16xi32>
        %select_n3A_1454 = arith.select %lt3A_1450, %add3A_1453, %broadcast_in_dim3A_1447 : vector<16xi1>, vector<16xi32>
        %broadcast_in_dim3A_1455 = vector.shape_cast %select_n3A_1454 : vector<16xi32> to vector<16x1xi32>
        %gather3A_1456 = vector.shape_cast %broadcast_in_dim3A_1455 : vector<16x1xi32> to vector<16xi32>
        %gather3A_1457 = tpu.dynamic_gather %convert_element_type3A_1301[%gather3A_1456] in [0] : vector<16xf32>, vector<16xi32> -> vector<16xf32>
        %broadcast_in_dim3A_1458 = arith.constant 13 : i32
        %broadcast_in_dim3A_1459 = vector.broadcast %broadcast_in_dim3A_1458 : i32 to vector<16xi32>
        %lt3A_1460 = arith.constant 0 : i32
        %lt3A_1461 = vector.broadcast %lt3A_1460 : i32 to vector<16xi32>
        %lt3A_1462 = arith.cmpi slt, %broadcast_in_dim3A_1459, %lt3A_1461 : vector<16xi32>
        %add3A_1463 = arith.constant 16 : i32
        %add3A_1464 = vector.broadcast %add3A_1463 : i32 to vector<16xi32>
        %add3A_1465 = arith.addi %broadcast_in_dim3A_1459, %add3A_1464 : vector<16xi32>
        %select_n3A_1466 = arith.select %lt3A_1462, %add3A_1465, %broadcast_in_dim3A_1459 : vector<16xi1>, vector<16xi32>
        %broadcast_in_dim3A_1467 = vector.shape_cast %select_n3A_1466 : vector<16xi32> to vector<16x1xi32>
        %gather3A_1468 = vector.shape_cast %broadcast_in_dim3A_1467 : vector<16x1xi32> to vector<16xi32>
        %gather3A_1469 = tpu.dynamic_gather %convert_element_type3A_1301[%gather3A_1468] in [0] : vector<16xf32>, vector<16xi32> -> vector<16xf32>
        %broadcast_in_dim3A_1470 = arith.constant 14 : i32
        %broadcast_in_dim3A_1471 = vector.broadcast %broadcast_in_dim3A_1470 : i32 to vector<16xi32>
        %lt3A_1472 = arith.constant 0 : i32
        %lt3A_1473 = vector.broadcast %lt3A_1472 : i32 to vector<16xi32>
        %lt3A_1474 = arith.cmpi slt, %broadcast_in_dim3A_1471, %lt3A_1473 : vector<16xi32>
        %add3A_1475 = arith.constant 16 : i32
        %add3A_1476 = vector.broadcast %add3A_1475 : i32 to vector<16xi32>
        %add3A_1477 = arith.addi %broadcast_in_dim3A_1471, %add3A_1476 : vector<16xi32>
        %select_n3A_1478 = arith.select %lt3A_1474, %add3A_1477, %broadcast_in_dim3A_1471 : vector<16xi1>, vector<16xi32>
        %broadcast_in_dim3A_1479 = vector.shape_cast %select_n3A_1478 : vector<16xi32> to vector<16x1xi32>
        %gather3A_1480 = vector.shape_cast %broadcast_in_dim3A_1479 : vector<16x1xi32> to vector<16xi32>
        %gather3A_1481 = tpu.dynamic_gather %convert_element_type3A_1301[%gather3A_1480] in [0] : vector<16xf32>, vector<16xi32> -> vector<16xf32>
        %broadcast_in_dim3A_1482 = arith.constant 15 : i32
        %broadcast_in_dim3A_1483 = vector.broadcast %broadcast_in_dim3A_1482 : i32 to vector<16xi32>
        %lt3A_1484 = arith.constant 0 : i32
        %lt3A_1485 = vector.broadcast %lt3A_1484 : i32 to vector<16xi32>
        %lt3A_1486 = arith.cmpi slt, %broadcast_in_dim3A_1483, %lt3A_1485 : vector<16xi32>
        %add3A_1487 = arith.constant 16 : i32
        %add3A_1488 = vector.broadcast %add3A_1487 : i32 to vector<16xi32>
        %add3A_1489 = arith.addi %broadcast_in_dim3A_1483, %add3A_1488 : vector<16xi32>
        %select_n3A_1490 = arith.select %lt3A_1486, %add3A_1489, %broadcast_in_dim3A_1483 : vector<16xi1>, vector<16xi32>
        %broadcast_in_dim3A_1491 = vector.shape_cast %select_n3A_1490 : vector<16xi32> to vector<16x1xi32>
        %gather3A_1492 = vector.shape_cast %broadcast_in_dim3A_1491 : vector<16x1xi32> to vector<16xi32>
        %gather3A_1493 = tpu.dynamic_gather %convert_element_type3A_1301[%gather3A_1492] in [0] : vector<16xf32>, vector<16xi32> -> vector<16xf32>
        %dma_wait3A_1494 = arith.constant 2 : i32
        %dma_wait3A_1495 = arith.constant 2 : i32
        %dma_wait3A_1496 = arith.constant 0 : i32
        %dma_wait3A_1497 = arith.constant 0 : i32
        %dma_wait3A_1498 = tpu.memref_slice %arg13[%dma_wait3A_1495, %dma_wait3A_1496, %dma_wait3A_1497] : memref<4x16x768xf32, #tpu.memory_space<vmem>> -> memref<1x16x768xf32, #tpu.memory_space<vmem>>
        %dma_wait3A_1499 = tpu.memref_squeeze %dma_wait3A_1498 : memref<1x16x768xf32, #tpu.memory_space<vmem>> -> memref<16x768xf32, #tpu.memory_space<vmem>>
        %dma_wait3A_1500 = arith.constant 0 : i32
        %dma_wait3A_1501 = tpu.memref_slice %arg11[%dma_wait3A_1494, %dma_wait3A_1500] : memref<4x16xi32, #tpu.memory_space<vmem>> -> memref<1x16xi32, #tpu.memory_space<vmem>>
        %dma_wait3A_1502 = tpu.memref_squeeze %dma_wait3A_1501 : memref<1x16xi32, #tpu.memory_space<vmem>> -> memref<16xi32, #tpu.memory_space<vmem>>
        %dma_wait3A_1503 = arith.constant 0 : i32
        %dma_wait3A_1504 = arith.constant 0 : i32
        %dma_wait3A_1505 = tpu.memref_slice %arg4[%dma_wait3A_1503, %dma_wait3A_1504] : memref<100000x768xf32, #tpu.memory_space<hbm>> -> memref<100000x768xf32, #tpu.memory_space<hbm>>
        tpu.wait_indirect_dma semaphore(%arg16 : memref<!tpu.dma_semaphore, #tpu.memory_space<semaphore_mem>>) src(%dma_wait3A_1505 : memref<100000x768xf32, #tpu.memory_space<hbm>>) dst(%dma_wait3A_1499 : memref<16x768xf32, #tpu.memory_space<vmem>>)
        %add3A_1506 = arith.constant 4 : i32
        %add3A_1507 = arith.addi %sub3A_1295, %add3A_1506 : i32
        %lt3A_1508 = arith.constant 64 : i32
        %lt3A_1509 = arith.cmpi slt, %add3A_1507, %lt3A_1508 : i32
        %convert_element_type3A_1510 = arith.extui %lt3A_1509 : i1 to i32
        %cond3A_1511 = arith.constant 0 : i32
        %cond3A_1512 = arith.cmpi ne, %convert_element_type3A_1510, %cond3A_1511 : i32
        scf.if %cond3A_1512 {
          %add3A_1535 = arith.constant 4 : i32
          %add3A_1536 = arith.addi %sub3A_1295, %add3A_1535 : i32
          %dma_start3A_1537 = arith.constant 2 : i32
          %dma_start3A_1538 = arith.constant 0 : i32
          %dma_start3A_1539 = tpu.memref_slice %arg11[%dma_start3A_1537, %dma_start3A_1538] : memref<4x16xi32, #tpu.memory_space<vmem>> -> memref<1x16xi32, #tpu.memory_space<vmem>>
          %dma_start3A_1540 = tpu.memref_squeeze %dma_start3A_1539 : memref<1x16xi32, #tpu.memory_space<vmem>> -> memref<16xi32, #tpu.memory_space<vmem>>
          %dma_start3A_1541 = tpu.memref_slice %arg2[%add3A_1536, %mul3A_2] : memref<64x512xi32, #tpu.memory_space<hbm>> -> memref<1x16xi32, #tpu.memory_space<hbm>>
          %dma_start3A_1542 = tpu.memref_squeeze %dma_start3A_1541 : memref<1x16xi32, #tpu.memory_space<hbm>> -> memref<16xi32, #tpu.memory_space<hbm>>
          %dma_start3A_1543 = arith.constant 0 : i32
          %dma_start3A_1544 = tpu.memref_slice %arg11[%dma_start3A_1537, %dma_start3A_1543] : memref<4x16xi32, #tpu.memory_space<vmem>> -> memref<1x16xi32, #tpu.memory_space<vmem>>
          %dma_start3A_1545 = tpu.memref_squeeze %dma_start3A_1544 : memref<1x16xi32, #tpu.memory_space<vmem>> -> memref<16xi32, #tpu.memory_space<vmem>>
          %dma_start3A_1546 = tpu.memref_slice %arg2[%add3A_1536, %mul3A_2] : memref<64x512xi32, #tpu.memory_space<hbm>> -> memref<1x16xi32, #tpu.memory_space<hbm>>
          %dma_start3A_1547 = tpu.memref_squeeze %dma_start3A_1546 : memref<1x16xi32, #tpu.memory_space<hbm>> -> memref<16xi32, #tpu.memory_space<hbm>>
          tpu.enqueue_dma source(%dma_start3A_1547 : memref<16xi32, #tpu.memory_space<hbm>>) target(%dma_start3A_1545 : memref<16xi32, #tpu.memory_space<vmem>>) target_semaphore(%arg24 : memref<!tpu.dma_semaphore, #tpu.memory_space<semaphore_mem>>)
          %dma_start3A_1548 = arith.constant 2 : i32
          %dma_start3A_1549 = arith.constant 0 : i32
          %dma_start3A_1550 = tpu.memref_slice %arg12[%dma_start3A_1548, %dma_start3A_1549] : memref<4x16xi32, #tpu.memory_space<vmem>> -> memref<1x16xi32, #tpu.memory_space<vmem>>
          %dma_start3A_1551 = tpu.memref_squeeze %dma_start3A_1550 : memref<1x16xi32, #tpu.memory_space<vmem>> -> memref<16xi32, #tpu.memory_space<vmem>>
          %dma_start3A_1552 = tpu.memref_slice %arg3[%add3A_1536, %mul3A_2] : memref<64x512xi32, #tpu.memory_space<hbm>> -> memref<1x16xi32, #tpu.memory_space<hbm>>
          %dma_start3A_1553 = tpu.memref_squeeze %dma_start3A_1552 : memref<1x16xi32, #tpu.memory_space<hbm>> -> memref<16xi32, #tpu.memory_space<hbm>>
          %dma_start3A_1554 = arith.constant 0 : i32
          %dma_start3A_1555 = tpu.memref_slice %arg12[%dma_start3A_1548, %dma_start3A_1554] : memref<4x16xi32, #tpu.memory_space<vmem>> -> memref<1x16xi32, #tpu.memory_space<vmem>>
          %dma_start3A_1556 = tpu.memref_squeeze %dma_start3A_1555 : memref<1x16xi32, #tpu.memory_space<vmem>> -> memref<16xi32, #tpu.memory_space<vmem>>
          %dma_start3A_1557 = tpu.memref_slice %arg3[%add3A_1536, %mul3A_2] : memref<64x512xi32, #tpu.memory_space<hbm>> -> memref<1x16xi32, #tpu.memory_space<hbm>>
          %dma_start3A_1558 = tpu.memref_squeeze %dma_start3A_1557 : memref<1x16xi32, #tpu.memory_space<hbm>> -> memref<16xi32, #tpu.memory_space<hbm>>
          tpu.enqueue_dma source(%dma_start3A_1558 : memref<16xi32, #tpu.memory_space<hbm>>) target(%dma_start3A_1556 : memref<16xi32, #tpu.memory_space<vmem>>) target_semaphore(%arg24 : memref<!tpu.dma_semaphore, #tpu.memory_space<semaphore_mem>>)
        } else {
        }
        %scan3A_1513 = arith.constant 0 : i32
        %scan3A_1514 = arith.constant 2 : i32
        %scan3A_1515 = arith.constant 0 : i32
        %scan3A_1516 = arith.constant 48 : i32
        %scan3A_1517 = arith.addi %scan3A_1515, %scan3A_1516 : i32
        %scan3A_1518 = arith.constant 1 : i32
        scf.for %scan3A_1535 = %scan3A_1515 to %scan3A_1517 step %scan3A_1518  : i32 {
          %mul3A_1536 = arith.constant 16 : i32
          %mul3A_1537 = arith.muli %scan3A_1535, %mul3A_1536 : i32
          %multiple_of3A = tpu.assume_multiple %mul3A_1537, 16 : i32
          %get3A_1538 = arith.index_cast %multiple_of3A : i32 to index
          %get3A_1539 = tpu.vector_load %arg9[%get3A_1538] {strides = array<i32>} : memref<768xf32, #tpu.memory_space<vmem>>, vector<16xf32>,
          %get3A_1540 = vector.shape_cast %get3A_1539 : vector<16xf32> to vector<16xf32>
          %get3A_1541 = arith.constant 0 : i32
          %get3A_1542 = arith.index_cast %get3A_1541 : i32 to index
          %get3A_1543 = arith.index_cast %multiple_of3A : i32 to index
          %get3A_1544 = tpu.vector_load %arg8[%get3A_1542, %get3A_1543] {strides = array<i32>} : memref<16x768xf32, #tpu.memory_space<vmem>>, vector<1x16xf32>,
          %get3A_1545 = vector.shape_cast %get3A_1544 : vector<1x16xf32> to vector<16xf32>
          %mul3A_1546 = arith.mulf %gather3A_1313, %get3A_1540 : vector<16xf32>
          %add3A_1547 = arith.addf %get3A_1545, %mul3A_1546 : vector<16xf32>
          %swap3A = arith.constant 0 : i32
          %swap3A_1548 = arith.constant 0 : i32
          %swap3A_1549 = arith.constant 0 : i32
          %swap3A_1550 = tpu.memref_slice %arg13[%scan3A_1514, %swap3A_1548, %swap3A_1549] : memref<4x16x768xf32, #tpu.memory_space<vmem>> -> memref<1x16x768xf32, #tpu.memory_space<vmem>>
          %swap3A_1551 = tpu.memref_squeeze %swap3A_1550 : memref<1x16x768xf32, #tpu.memory_space<vmem>> -> memref<16x768xf32, #tpu.memory_space<vmem>>
          %swap3A_1552 = arith.index_cast %swap3A : i32 to index
          %swap3A_1553 = arith.index_cast %multiple_of3A : i32 to index
          %swap3A_1554 = tpu.vector_load %swap3A_1551[%swap3A_1552, %swap3A_1553] {strides = array<i32>} : memref<16x768xf32, #tpu.memory_space<vmem>>, vector<1x16xf32>,
          %swap3A_1555 = vector.shape_cast %swap3A_1554 : vector<1x16xf32> to vector<16xf32>
          %swap3A_1556 = vector.shape_cast %add3A_1547 : vector<16xf32> to vector<1x16xf32>
          tpu.vector_store %swap3A_1551[%swap3A_1552, %swap3A_1553], %swap3A_1556 {add = true, strides = array<i32>} : memref<16x768xf32, #tpu.memory_space<vmem>>, vector<1x16xf32>,
          %get3A_1557 = arith.constant 1 : i32
          %get3A_1558 = arith.index_cast %get3A_1557 : i32 to index
          %get3A_1559 = arith.index_cast %multiple_of3A : i32 to index
          %get3A_1560 = tpu.vector_load %arg8[%get3A_1558, %get3A_1559] {strides = array<i32>} : memref<16x768xf32, #tpu.memory_space<vmem>>, vector<1x16xf32>,
          %get3A_1561 = vector.shape_cast %get3A_1560 : vector<1x16xf32> to vector<16xf32>
          %mul3A_1562 = arith.mulf %gather3A_1325, %get3A_1540 : vector<16xf32>
          %add3A_1563 = arith.addf %get3A_1561, %mul3A_1562 : vector<16xf32>
          %swap3A_1564 = arith.constant 1 : i32
          %swap3A_1565 = arith.constant 0 : i32
          %swap3A_1566 = arith.constant 0 : i32
          %swap3A_1567 = tpu.memref_slice %arg13[%scan3A_1514, %swap3A_1565, %swap3A_1566] : memref<4x16x768xf32, #tpu.memory_space<vmem>> -> memref<1x16x768xf32, #tpu.memory_space<vmem>>
          %swap3A_1568 = tpu.memref_squeeze %swap3A_1567 : memref<1x16x768xf32, #tpu.memory_space<vmem>> -> memref<16x768xf32, #tpu.memory_space<vmem>>
          %swap3A_1569 = arith.index_cast %swap3A_1564 : i32 to index
          %swap3A_1570 = arith.index_cast %multiple_of3A : i32 to index
          %swap3A_1571 = tpu.vector_load %swap3A_1568[%swap3A_1569, %swap3A_1570] {strides = array<i32>} : memref<16x768xf32, #tpu.memory_space<vmem>>, vector<1x16xf32>,
          %swap3A_1572 = vector.shape_cast %swap3A_1571 : vector<1x16xf32> to vector<16xf32>
          %swap3A_1573 = vector.shape_cast %add3A_1563 : vector<16xf32> to vector<1x16xf32>
          tpu.vector_store %swap3A_1568[%swap3A_1569, %swap3A_1570], %swap3A_1573 {add = true, strides = array<i32>} : memref<16x768xf32, #tpu.memory_space<vmem>>, vector<1x16xf32>,
          %get3A_1574 = arith.constant 2 : i32
          %get3A_1575 = arith.index_cast %get3A_1574 : i32 to index
          %get3A_1576 = arith.index_cast %multiple_of3A : i32 to index
          %get3A_1577 = tpu.vector_load %arg8[%get3A_1575, %get3A_1576] {strides = array<i32>} : memref<16x768xf32, #tpu.memory_space<vmem>>, vector<1x16xf32>,
          %get3A_1578 = vector.shape_cast %get3A_1577 : vector<1x16xf32> to vector<16xf32>
          %mul3A_1579 = arith.mulf %gather3A_1337, %get3A_1540 : vector<16xf32>
          %add3A_1580 = arith.addf %get3A_1578, %mul3A_1579 : vector<16xf32>
          %swap3A_1581 = arith.constant 2 : i32
          %swap3A_1582 = arith.constant 0 : i32
          %swap3A_1583 = arith.constant 0 : i32
          %swap3A_1584 = tpu.memref_slice %arg13[%scan3A_1514, %swap3A_1582, %swap3A_1583] : memref<4x16x768xf32, #tpu.memory_space<vmem>> -> memref<1x16x768xf32, #tpu.memory_space<vmem>>
          %swap3A_1585 = tpu.memref_squeeze %swap3A_1584 : memref<1x16x768xf32, #tpu.memory_space<vmem>> -> memref<16x768xf32, #tpu.memory_space<vmem>>
          %swap3A_1586 = arith.index_cast %swap3A_1581 : i32 to index
          %swap3A_1587 = arith.index_cast %multiple_of3A : i32 to index
          %swap3A_1588 = tpu.vector_load %swap3A_1585[%swap3A_1586, %swap3A_1587] {strides = array<i32>} : memref<16x768xf32, #tpu.memory_space<vmem>>, vector<1x16xf32>,
          %swap3A_1589 = vector.shape_cast %swap3A_1588 : vector<1x16xf32> to vector<16xf32>
          %swap3A_1590 = vector.shape_cast %add3A_1580 : vector<16xf32> to vector<1x16xf32>
          tpu.vector_store %swap3A_1585[%swap3A_1586, %swap3A_1587], %swap3A_1590 {add = true, strides = array<i32>} : memref<16x768xf32, #tpu.memory_space<vmem>>, vector<1x16xf32>,
          %get3A_1591 = arith.constant 3 : i32
          %get3A_1592 = arith.index_cast %get3A_1591 : i32 to index
          %get3A_1593 = arith.index_cast %multiple_of3A : i32 to index
          %get3A_1594 = tpu.vector_load %arg8[%get3A_1592, %get3A_1593] {strides = array<i32>} : memref<16x768xf32, #tpu.memory_space<vmem>>, vector<1x16xf32>,
          %get3A_1595 = vector.shape_cast %get3A_1594 : vector<1x16xf32> to vector<16xf32>
          %mul3A_1596 = arith.mulf %gather3A_1349, %get3A_1540 : vector<16xf32>
          %add3A_1597 = arith.addf %get3A_1595, %mul3A_1596 : vector<16xf32>
          %swap3A_1598 = arith.constant 3 : i32
          %swap3A_1599 = arith.constant 0 : i32
          %swap3A_1600 = arith.constant 0 : i32
          %swap3A_1601 = tpu.memref_slice %arg13[%scan3A_1514, %swap3A_1599, %swap3A_1600] : memref<4x16x768xf32, #tpu.memory_space<vmem>> -> memref<1x16x768xf32, #tpu.memory_space<vmem>>
          %swap3A_1602 = tpu.memref_squeeze %swap3A_1601 : memref<1x16x768xf32, #tpu.memory_space<vmem>> -> memref<16x768xf32, #tpu.memory_space<vmem>>
          %swap3A_1603 = arith.index_cast %swap3A_1598 : i32 to index
          %swap3A_1604 = arith.index_cast %multiple_of3A : i32 to index
          %swap3A_1605 = tpu.vector_load %swap3A_1602[%swap3A_1603, %swap3A_1604] {strides = array<i32>} : memref<16x768xf32, #tpu.memory_space<vmem>>, vector<1x16xf32>,
          %swap3A_1606 = vector.shape_cast %swap3A_1605 : vector<1x16xf32> to vector<16xf32>
          %swap3A_1607 = vector.shape_cast %add3A_1597 : vector<16xf32> to vector<1x16xf32>
          tpu.vector_store %swap3A_1602[%swap3A_1603, %swap3A_1604], %swap3A_1607 {add = true, strides = array<i32>} : memref<16x768xf32, #tpu.memory_space<vmem>>, vector<1x16xf32>,
          %get3A_1608 = arith.constant 4 : i32
          %get3A_1609 = arith.index_cast %get3A_1608 : i32 to index
          %get3A_1610 = arith.index_cast %multiple_of3A : i32 to index
          %get3A_1611 = tpu.vector_load %arg8[%get3A_1609, %get3A_1610] {strides = array<i32>} : memref<16x768xf32, #tpu.memory_space<vmem>>, vector<1x16xf32>,
          %get3A_1612 = vector.shape_cast %get3A_1611 : vector<1x16xf32> to vector<16xf32>
          %mul3A_1613 = arith.mulf %gather3A_1361, %get3A_1540 : vector<16xf32>
          %add3A_1614 = arith.addf %get3A_1612, %mul3A_1613 : vector<16xf32>
          %swap3A_1615 = arith.constant 4 : i32
          %swap3A_1616 = arith.constant 0 : i32
          %swap3A_1617 = arith.constant 0 : i32
          %swap3A_1618 = tpu.memref_slice %arg13[%scan3A_1514, %swap3A_1616, %swap3A_1617] : memref<4x16x768xf32, #tpu.memory_space<vmem>> -> memref<1x16x768xf32, #tpu.memory_space<vmem>>
          %swap3A_1619 = tpu.memref_squeeze %swap3A_1618 : memref<1x16x768xf32, #tpu.memory_space<vmem>> -> memref<16x768xf32, #tpu.memory_space<vmem>>
          %swap3A_1620 = arith.index_cast %swap3A_1615 : i32 to index
          %swap3A_1621 = arith.index_cast %multiple_of3A : i32 to index
          %swap3A_1622 = tpu.vector_load %swap3A_1619[%swap3A_1620, %swap3A_1621] {strides = array<i32>} : memref<16x768xf32, #tpu.memory_space<vmem>>, vector<1x16xf32>,
          %swap3A_1623 = vector.shape_cast %swap3A_1622 : vector<1x16xf32> to vector<16xf32>
          %swap3A_1624 = vector.shape_cast %add3A_1614 : vector<16xf32> to vector<1x16xf32>
          tpu.vector_store %swap3A_1619[%swap3A_1620, %swap3A_1621], %swap3A_1624 {add = true, strides = array<i32>} : memref<16x768xf32, #tpu.memory_space<vmem>>, vector<1x16xf32>,
          %get3A_1625 = arith.constant 5 : i32
          %get3A_1626 = arith.index_cast %get3A_1625 : i32 to index
          %get3A_1627 = arith.index_cast %multiple_of3A : i32 to index
          %get3A_1628 = tpu.vector_load %arg8[%get3A_1626, %get3A_1627] {strides = array<i32>} : memref<16x768xf32, #tpu.memory_space<vmem>>, vector<1x16xf32>,
          %get3A_1629 = vector.shape_cast %get3A_1628 : vector<1x16xf32> to vector<16xf32>
          %mul3A_1630 = arith.mulf %gather3A_1373, %get3A_1540 : vector<16xf32>
          %add3A_1631 = arith.addf %get3A_1629, %mul3A_1630 : vector<16xf32>
          %swap3A_1632 = arith.constant 5 : i32
          %swap3A_1633 = arith.constant 0 : i32
          %swap3A_1634 = arith.constant 0 : i32
          %swap3A_1635 = tpu.memref_slice %arg13[%scan3A_1514, %swap3A_1633, %swap3A_1634] : memref<4x16x768xf32, #tpu.memory_space<vmem>> -> memref<1x16x768xf32, #tpu.memory_space<vmem>>
          %swap3A_1636 = tpu.memref_squeeze %swap3A_1635 : memref<1x16x768xf32, #tpu.memory_space<vmem>> -> memref<16x768xf32, #tpu.memory_space<vmem>>
          %swap3A_1637 = arith.index_cast %swap3A_1632 : i32 to index
          %swap3A_1638 = arith.index_cast %multiple_of3A : i32 to index
          %swap3A_1639 = tpu.vector_load %swap3A_1636[%swap3A_1637, %swap3A_1638] {strides = array<i32>} : memref<16x768xf32, #tpu.memory_space<vmem>>, vector<1x16xf32>,
          %swap3A_1640 = vector.shape_cast %swap3A_1639 : vector<1x16xf32> to vector<16xf32>
          %swap3A_1641 = vector.shape_cast %add3A_1631 : vector<16xf32> to vector<1x16xf32>
          tpu.vector_store %swap3A_1636[%swap3A_1637, %swap3A_1638], %swap3A_1641 {add = true, strides = array<i32>} : memref<16x768xf32, #tpu.memory_space<vmem>>, vector<1x16xf32>,
          %get3A_1642 = arith.constant 6 : i32
          %get3A_1643 = arith.index_cast %get3A_1642 : i32 to index
          %get3A_1644 = arith.index_cast %multiple_of3A : i32 to index
          %get3A_1645 = tpu.vector_load %arg8[%get3A_1643, %get3A_1644] {strides = array<i32>} : memref<16x768xf32, #tpu.memory_space<vmem>>, vector<1x16xf32>,
          %get3A_1646 = vector.shape_cast %get3A_1645 : vector<1x16xf32> to vector<16xf32>
          %mul3A_1647 = arith.mulf %gather3A_1385, %get3A_1540 : vector<16xf32>
          %add3A_1648 = arith.addf %get3A_1646, %mul3A_1647 : vector<16xf32>
          %swap3A_1649 = arith.constant 6 : i32
          %swap3A_1650 = arith.constant 0 : i32
          %swap3A_1651 = arith.constant 0 : i32
          %swap3A_1652 = tpu.memref_slice %arg13[%scan3A_1514, %swap3A_1650, %swap3A_1651] : memref<4x16x768xf32, #tpu.memory_space<vmem>> -> memref<1x16x768xf32, #tpu.memory_space<vmem>>
          %swap3A_1653 = tpu.memref_squeeze %swap3A_1652 : memref<1x16x768xf32, #tpu.memory_space<vmem>> -> memref<16x768xf32, #tpu.memory_space<vmem>>
          %swap3A_1654 = arith.index_cast %swap3A_1649 : i32 to index
          %swap3A_1655 = arith.index_cast %multiple_of3A : i32 to index
          %swap3A_1656 = tpu.vector_load %swap3A_1653[%swap3A_1654, %swap3A_1655] {strides = array<i32>} : memref<16x768xf32, #tpu.memory_space<vmem>>, vector<1x16xf32>,
          %swap3A_1657 = vector.shape_cast %swap3A_1656 : vector<1x16xf32> to vector<16xf32>
          %swap3A_1658 = vector.shape_cast %add3A_1648 : vector<16xf32> to vector<1x16xf32>
          tpu.vector_store %swap3A_1653[%swap3A_1654, %swap3A_1655], %swap3A_1658 {add = true, strides = array<i32>} : memref<16x768xf32, #tpu.memory_space<vmem>>, vector<1x16xf32>,
          %get3A_1659 = arith.constant 7 : i32
          %get3A_1660 = arith.index_cast %get3A_1659 : i32 to index
          %get3A_1661 = arith.index_cast %multiple_of3A : i32 to index
          %get3A_1662 = tpu.vector_load %arg8[%get3A_1660, %get3A_1661] {strides = array<i32>} : memref<16x768xf32, #tpu.memory_space<vmem>>, vector<1x16xf32>,
          %get3A_1663 = vector.shape_cast %get3A_1662 : vector<1x16xf32> to vector<16xf32>
          %mul3A_1664 = arith.mulf %gather3A_1397, %get3A_1540 : vector<16xf32>
          %add3A_1665 = arith.addf %get3A_1663, %mul3A_1664 : vector<16xf32>
          %swap3A_1666 = arith.constant 7 : i32
          %swap3A_1667 = arith.constant 0 : i32
          %swap3A_1668 = arith.constant 0 : i32
          %swap3A_1669 = tpu.memref_slice %arg13[%scan3A_1514, %swap3A_1667, %swap3A_1668] : memref<4x16x768xf32, #tpu.memory_space<vmem>> -> memref<1x16x768xf32, #tpu.memory_space<vmem>>
          %swap3A_1670 = tpu.memref_squeeze %swap3A_1669 : memref<1x16x768xf32, #tpu.memory_space<vmem>> -> memref<16x768xf32, #tpu.memory_space<vmem>>
          %swap3A_1671 = arith.index_cast %swap3A_1666 : i32 to index
          %swap3A_1672 = arith.index_cast %multiple_of3A : i32 to index
          %swap3A_1673 = tpu.vector_load %swap3A_1670[%swap3A_1671, %swap3A_1672] {strides = array<i32>} : memref<16x768xf32, #tpu.memory_space<vmem>>, vector<1x16xf32>,
          %swap3A_1674 = vector.shape_cast %swap3A_1673 : vector<1x16xf32> to vector<16xf32>
          %swap3A_1675 = vector.shape_cast %add3A_1665 : vector<16xf32> to vector<1x16xf32>
          tpu.vector_store %swap3A_1670[%swap3A_1671, %swap3A_1672], %swap3A_1675 {add = true, strides = array<i32>} : memref<16x768xf32, #tpu.memory_space<vmem>>, vector<1x16xf32>,
          %get3A_1676 = arith.constant 8 : i32
          %get3A_1677 = arith.index_cast %get3A_1676 : i32 to index
          %get3A_1678 = arith.index_cast %multiple_of3A : i32 to index
          %get3A_1679 = tpu.vector_load %arg8[%get3A_1677, %get3A_1678] {strides = array<i32>} : memref<16x768xf32, #tpu.memory_space<vmem>>, vector<1x16xf32>,
          %get3A_1680 = vector.shape_cast %get3A_1679 : vector<1x16xf32> to vector<16xf32>
          %mul3A_1681 = arith.mulf %gather3A_1409, %get3A_1540 : vector<16xf32>
          %add3A_1682 = arith.addf %get3A_1680, %mul3A_1681 : vector<16xf32>
          %swap3A_1683 = arith.constant 8 : i32
          %swap3A_1684 = arith.constant 0 : i32
          %swap3A_1685 = arith.constant 0 : i32
          %swap3A_1686 = tpu.memref_slice %arg13[%scan3A_1514, %swap3A_1684, %swap3A_1685] : memref<4x16x768xf32, #tpu.memory_space<vmem>> -> memref<1x16x768xf32, #tpu.memory_space<vmem>>
          %swap3A_1687 = tpu.memref_squeeze %swap3A_1686 : memref<1x16x768xf32, #tpu.memory_space<vmem>> -> memref<16x768xf32, #tpu.memory_space<vmem>>
          %swap3A_1688 = arith.index_cast %swap3A_1683 : i32 to index
          %swap3A_1689 = arith.index_cast %multiple_of3A : i32 to index
          %swap3A_1690 = tpu.vector_load %swap3A_1687[%swap3A_1688, %swap3A_1689] {strides = array<i32>} : memref<16x768xf32, #tpu.memory_space<vmem>>, vector<1x16xf32>,
          %swap3A_1691 = vector.shape_cast %swap3A_1690 : vector<1x16xf32> to vector<16xf32>
          %swap3A_1692 = vector.shape_cast %add3A_1682 : vector<16xf32> to vector<1x16xf32>
          tpu.vector_store %swap3A_1687[%swap3A_1688, %swap3A_1689], %swap3A_1692 {add = true, strides = array<i32>} : memref<16x768xf32, #tpu.memory_space<vmem>>, vector<1x16xf32>,
          %get3A_1693 = arith.constant 9 : i32
          %get3A_1694 = arith.index_cast %get3A_1693 : i32 to index
          %get3A_1695 = arith.index_cast %multiple_of3A : i32 to index
          %get3A_1696 = tpu.vector_load %arg8[%get3A_1694, %get3A_1695] {strides = array<i32>} : memref<16x768xf32, #tpu.memory_space<vmem>>, vector<1x16xf32>,
          %get3A_1697 = vector.shape_cast %get3A_1696 : vector<1x16xf32> to vector<16xf32>
          %mul3A_1698 = arith.mulf %gather3A_1421, %get3A_1540 : vector<16xf32>
          %add3A_1699 = arith.addf %get3A_1697, %mul3A_1698 : vector<16xf32>
          %swap3A_1700 = arith.constant 9 : i32
          %swap3A_1701 = arith.constant 0 : i32
          %swap3A_1702 = arith.constant 0 : i32
          %swap3A_1703 = tpu.memref_slice %arg13[%scan3A_1514, %swap3A_1701, %swap3A_1702] : memref<4x16x768xf32, #tpu.memory_space<vmem>> -> memref<1x16x768xf32, #tpu.memory_space<vmem>>
          %swap3A_1704 = tpu.memref_squeeze %swap3A_1703 : memref<1x16x768xf32, #tpu.memory_space<vmem>> -> memref<16x768xf32, #tpu.memory_space<vmem>>
          %swap3A_1705 = arith.index_cast %swap3A_1700 : i32 to index
          %swap3A_1706 = arith.index_cast %multiple_of3A : i32 to index
          %swap3A_1707 = tpu.vector_load %swap3A_1704[%swap3A_1705, %swap3A_1706] {strides = array<i32>} : memref<16x768xf32, #tpu.memory_space<vmem>>, vector<1x16xf32>,
          %swap3A_1708 = vector.shape_cast %swap3A_1707 : vector<1x16xf32> to vector<16xf32>
          %swap3A_1709 = vector.shape_cast %add3A_1699 : vector<16xf32> to vector<1x16xf32>
          tpu.vector_store %swap3A_1704[%swap3A_1705, %swap3A_1706], %swap3A_1709 {add = true, strides = array<i32>} : memref<16x768xf32, #tpu.memory_space<vmem>>, vector<1x16xf32>,
          %get3A_1710 = arith.constant 10 : i32
          %get3A_1711 = arith.index_cast %get3A_1710 : i32 to index
          %get3A_1712 = arith.index_cast %multiple_of3A : i32 to index
          %get3A_1713 = tpu.vector_load %arg8[%get3A_1711, %get3A_1712] {strides = array<i32>} : memref<16x768xf32, #tpu.memory_space<vmem>>, vector<1x16xf32>,
          %get3A_1714 = vector.shape_cast %get3A_1713 : vector<1x16xf32> to vector<16xf32>
          %mul3A_1715 = arith.mulf %gather3A_1433, %get3A_1540 : vector<16xf32>
          %add3A_1716 = arith.addf %get3A_1714, %mul3A_1715 : vector<16xf32>
          %swap3A_1717 = arith.constant 10 : i32
          %swap3A_1718 = arith.constant 0 : i32
          %swap3A_1719 = arith.constant 0 : i32
          %swap3A_1720 = tpu.memref_slice %arg13[%scan3A_1514, %swap3A_1718, %swap3A_1719] : memref<4x16x768xf32, #tpu.memory_space<vmem>> -> memref<1x16x768xf32, #tpu.memory_space<vmem>>
          %swap3A_1721 = tpu.memref_squeeze %swap3A_1720 : memref<1x16x768xf32, #tpu.memory_space<vmem>> -> memref<16x768xf32, #tpu.memory_space<vmem>>
          %swap3A_1722 = arith.index_cast %swap3A_1717 : i32 to index
          %swap3A_1723 = arith.index_cast %multiple_of3A : i32 to index
          %swap3A_1724 = tpu.vector_load %swap3A_1721[%swap3A_1722, %swap3A_1723] {strides = array<i32>} : memref<16x768xf32, #tpu.memory_space<vmem>>, vector<1x16xf32>,
          %swap3A_1725 = vector.shape_cast %swap3A_1724 : vector<1x16xf32> to vector<16xf32>
          %swap3A_1726 = vector.shape_cast %add3A_1716 : vector<16xf32> to vector<1x16xf32>
          tpu.vector_store %swap3A_1721[%swap3A_1722, %swap3A_1723], %swap3A_1726 {add = true, strides = array<i32>} : memref<16x768xf32, #tpu.memory_space<vmem>>, vector<1x16xf32>,
          %get3A_1727 = arith.constant 11 : i32
          %get3A_1728 = arith.index_cast %get3A_1727 : i32 to index
          %get3A_1729 = arith.index_cast %multiple_of3A : i32 to index
          %get3A_1730 = tpu.vector_load %arg8[%get3A_1728, %get3A_1729] {strides = array<i32>} : memref<16x768xf32, #tpu.memory_space<vmem>>, vector<1x16xf32>,
          %get3A_1731 = vector.shape_cast %get3A_1730 : vector<1x16xf32> to vector<16xf32>
          %mul3A_1732 = arith.mulf %gather3A_1445, %get3A_1540 : vector<16xf32>
          %add3A_1733 = arith.addf %get3A_1731, %mul3A_1732 : vector<16xf32>
          %swap3A_1734 = arith.constant 11 : i32
          %swap3A_1735 = arith.constant 0 : i32
          %swap3A_1736 = arith.constant 0 : i32
          %swap3A_1737 = tpu.memref_slice %arg13[%scan3A_1514, %swap3A_1735, %swap3A_1736] : memref<4x16x768xf32, #tpu.memory_space<vmem>> -> memref<1x16x768xf32, #tpu.memory_space<vmem>>
          %swap3A_1738 = tpu.memref_squeeze %swap3A_1737 : memref<1x16x768xf32, #tpu.memory_space<vmem>> -> memref<16x768xf32, #tpu.memory_space<vmem>>
          %swap3A_1739 = arith.index_cast %swap3A_1734 : i32 to index
          %swap3A_1740 = arith.index_cast %multiple_of3A : i32 to index
          %swap3A_1741 = tpu.vector_load %swap3A_1738[%swap3A_1739, %swap3A_1740] {strides = array<i32>} : memref<16x768xf32, #tpu.memory_space<vmem>>, vector<1x16xf32>,
          %swap3A_1742 = vector.shape_cast %swap3A_1741 : vector<1x16xf32> to vector<16xf32>
          %swap3A_1743 = vector.shape_cast %add3A_1733 : vector<16xf32> to vector<1x16xf32>
          tpu.vector_store %swap3A_1738[%swap3A_1739, %swap3A_1740], %swap3A_1743 {add = true, strides = array<i32>} : memref<16x768xf32, #tpu.memory_space<vmem>>, vector<1x16xf32>,
          %get3A_1744 = arith.constant 12 : i32
          %get3A_1745 = arith.index_cast %get3A_1744 : i32 to index
          %get3A_1746 = arith.index_cast %multiple_of3A : i32 to index
          %get3A_1747 = tpu.vector_load %arg8[%get3A_1745, %get3A_1746] {strides = array<i32>} : memref<16x768xf32, #tpu.memory_space<vmem>>, vector<1x16xf32>,
          %get3A_1748 = vector.shape_cast %get3A_1747 : vector<1x16xf32> to vector<16xf32>
          %mul3A_1749 = arith.mulf %gather3A_1457, %get3A_1540 : vector<16xf32>
          %add3A_1750 = arith.addf %get3A_1748, %mul3A_1749 : vector<16xf32>
          %swap3A_1751 = arith.constant 12 : i32
          %swap3A_1752 = arith.constant 0 : i32
          %swap3A_1753 = arith.constant 0 : i32
          %swap3A_1754 = tpu.memref_slice %arg13[%scan3A_1514, %swap3A_1752, %swap3A_1753] : memref<4x16x768xf32, #tpu.memory_space<vmem>> -> memref<1x16x768xf32, #tpu.memory_space<vmem>>
          %swap3A_1755 = tpu.memref_squeeze %swap3A_1754 : memref<1x16x768xf32, #tpu.memory_space<vmem>> -> memref<16x768xf32, #tpu.memory_space<vmem>>
          %swap3A_1756 = arith.index_cast %swap3A_1751 : i32 to index
          %swap3A_1757 = arith.index_cast %multiple_of3A : i32 to index
          %swap3A_1758 = tpu.vector_load %swap3A_1755[%swap3A_1756, %swap3A_1757] {strides = array<i32>} : memref<16x768xf32, #tpu.memory_space<vmem>>, vector<1x16xf32>,
          %swap3A_1759 = vector.shape_cast %swap3A_1758 : vector<1x16xf32> to vector<16xf32>
          %swap3A_1760 = vector.shape_cast %add3A_1750 : vector<16xf32> to vector<1x16xf32>
          tpu.vector_store %swap3A_1755[%swap3A_1756, %swap3A_1757], %swap3A_1760 {add = true, strides = array<i32>} : memref<16x768xf32, #tpu.memory_space<vmem>>, vector<1x16xf32>,
          %get3A_1761 = arith.constant 13 : i32
          %get3A_1762 = arith.index_cast %get3A_1761 : i32 to index
          %get3A_1763 = arith.index_cast %multiple_of3A : i32 to index
          %get3A_1764 = tpu.vector_load %arg8[%get3A_1762, %get3A_1763] {strides = array<i32>} : memref<16x768xf32, #tpu.memory_space<vmem>>, vector<1x16xf32>,
          %get3A_1765 = vector.shape_cast %get3A_1764 : vector<1x16xf32> to vector<16xf32>
          %mul3A_1766 = arith.mulf %gather3A_1469, %get3A_1540 : vector<16xf32>
          %add3A_1767 = arith.addf %get3A_1765, %mul3A_1766 : vector<16xf32>
          %swap3A_1768 = arith.constant 13 : i32
          %swap3A_1769 = arith.constant 0 : i32
          %swap3A_1770 = arith.constant 0 : i32
          %swap3A_1771 = tpu.memref_slice %arg13[%scan3A_1514, %swap3A_1769, %swap3A_1770] : memref<4x16x768xf32, #tpu.memory_space<vmem>> -> memref<1x16x768xf32, #tpu.memory_space<vmem>>
          %swap3A_1772 = tpu.memref_squeeze %swap3A_1771 : memref<1x16x768xf32, #tpu.memory_space<vmem>> -> memref<16x768xf32, #tpu.memory_space<vmem>>
          %swap3A_1773 = arith.index_cast %swap3A_1768 : i32 to index
          %swap3A_1774 = arith.index_cast %multiple_of3A : i32 to index
          %swap3A_1775 = tpu.vector_load %swap3A_1772[%swap3A_1773, %swap3A_1774] {strides = array<i32>} : memref<16x768xf32, #tpu.memory_space<vmem>>, vector<1x16xf32>,
          %swap3A_1776 = vector.shape_cast %swap3A_1775 : vector<1x16xf32> to vector<16xf32>
          %swap3A_1777 = vector.shape_cast %add3A_1767 : vector<16xf32> to vector<1x16xf32>
          tpu.vector_store %swap3A_1772[%swap3A_1773, %swap3A_1774], %swap3A_1777 {add = true, strides = array<i32>} : memref<16x768xf32, #tpu.memory_space<vmem>>, vector<1x16xf32>,
          %get3A_1778 = arith.constant 14 : i32
          %get3A_1779 = arith.index_cast %get3A_1778 : i32 to index
          %get3A_1780 = arith.index_cast %multiple_of3A : i32 to index
          %get3A_1781 = tpu.vector_load %arg8[%get3A_1779, %get3A_1780] {strides = array<i32>} : memref<16x768xf32, #tpu.memory_space<vmem>>, vector<1x16xf32>,
          %get3A_1782 = vector.shape_cast %get3A_1781 : vector<1x16xf32> to vector<16xf32>
          %mul3A_1783 = arith.mulf %gather3A_1481, %get3A_1540 : vector<16xf32>
          %add3A_1784 = arith.addf %get3A_1782, %mul3A_1783 : vector<16xf32>
          %swap3A_1785 = arith.constant 14 : i32
          %swap3A_1786 = arith.constant 0 : i32
          %swap3A_1787 = arith.constant 0 : i32
          %swap3A_1788 = tpu.memref_slice %arg13[%scan3A_1514, %swap3A_1786, %swap3A_1787] : memref<4x16x768xf32, #tpu.memory_space<vmem>> -> memref<1x16x768xf32, #tpu.memory_space<vmem>>
          %swap3A_1789 = tpu.memref_squeeze %swap3A_1788 : memref<1x16x768xf32, #tpu.memory_space<vmem>> -> memref<16x768xf32, #tpu.memory_space<vmem>>
          %swap3A_1790 = arith.index_cast %swap3A_1785 : i32 to index
          %swap3A_1791 = arith.index_cast %multiple_of3A : i32 to index
          %swap3A_1792 = tpu.vector_load %swap3A_1789[%swap3A_1790, %swap3A_1791] {strides = array<i32>} : memref<16x768xf32, #tpu.memory_space<vmem>>, vector<1x16xf32>,
          %swap3A_1793 = vector.shape_cast %swap3A_1792 : vector<1x16xf32> to vector<16xf32>
          %swap3A_1794 = vector.shape_cast %add3A_1784 : vector<16xf32> to vector<1x16xf32>
          tpu.vector_store %swap3A_1789[%swap3A_1790, %swap3A_1791], %swap3A_1794 {add = true, strides = array<i32>} : memref<16x768xf32, #tpu.memory_space<vmem>>, vector<1x16xf32>,
          %get3A_1795 = arith.constant 15 : i32
          %get3A_1796 = arith.index_cast %get3A_1795 : i32 to index
          %get3A_1797 = arith.index_cast %multiple_of3A : i32 to index
          %get3A_1798 = tpu.vector_load %arg8[%get3A_1796, %get3A_1797] {strides = array<i32>} : memref<16x768xf32, #tpu.memory_space<vmem>>, vector<1x16xf32>,
          %get3A_1799 = vector.shape_cast %get3A_1798 : vector<1x16xf32> to vector<16xf32>
          %mul3A_1800 = arith.mulf %gather3A_1493, %get3A_1540 : vector<16xf32>
          %add3A_1801 = arith.addf %get3A_1799, %mul3A_1800 : vector<16xf32>
          %swap3A_1802 = arith.constant 15 : i32
          %swap3A_1803 = arith.constant 0 : i32
          %swap3A_1804 = arith.constant 0 : i32
          %swap3A_1805 = tpu.memref_slice %arg13[%scan3A_1514, %swap3A_1803, %swap3A_1804] : memref<4x16x768xf32, #tpu.memory_space<vmem>> -> memref<1x16x768xf32, #tpu.memory_space<vmem>>
          %swap3A_1806 = tpu.memref_squeeze %swap3A_1805 : memref<1x16x768xf32, #tpu.memory_space<vmem>> -> memref<16x768xf32, #tpu.memory_space<vmem>>
          %swap3A_1807 = arith.index_cast %swap3A_1802 : i32 to index
          %swap3A_1808 = arith.index_cast %multiple_of3A : i32 to index
          %swap3A_1809 = tpu.vector_load %swap3A_1806[%swap3A_1807, %swap3A_1808] {strides = array<i32>} : memref<16x768xf32, #tpu.memory_space<vmem>>, vector<1x16xf32>,
          %swap3A_1810 = vector.shape_cast %swap3A_1809 : vector<1x16xf32> to vector<16xf32>
          %swap3A_1811 = vector.shape_cast %add3A_1801 : vector<16xf32> to vector<1x16xf32>
          tpu.vector_store %swap3A_1806[%swap3A_1807, %swap3A_1808], %swap3A_1811 {add = true, strides = array<i32>} : memref<16x768xf32, #tpu.memory_space<vmem>>, vector<1x16xf32>,
        }
        %scan3A_1519 = arith.constant 48 : i32
        %dma_start3A_1520 = arith.constant 2 : i32
        %dma_start3A_1521 = arith.constant 0 : i32
        %dma_start3A_1522 = arith.constant 0 : i32
        %dma_start3A_1523 = tpu.memref_slice %arg13[%dma_start3A_1520, %dma_start3A_1521, %dma_start3A_1522] : memref<4x16x768xf32, #tpu.memory_space<vmem>> -> memref<1x16x768xf32, #tpu.memory_space<vmem>>
        %dma_start3A_1524 = tpu.memref_squeeze %dma_start3A_1523 : memref<1x16x768xf32, #tpu.memory_space<vmem>> -> memref<16x768xf32, #tpu.memory_space<vmem>>
        %dma_start3A_1525 = arith.constant 0 : i32
        %dma_start3A_1526 = tpu.memref_slice %arg7[%sub3A_1295, %mul3A_2, %dma_start3A_1525] : memref<64x512x768xf32, #tpu.memory_space<hbm>> -> memref<1x16x768xf32, #tpu.memory_space<hbm>>
        %dma_start3A_1527 = tpu.memref_squeeze %dma_start3A_1526 : memref<1x16x768xf32, #tpu.memory_space<hbm>> -> memref<16x768xf32, #tpu.memory_space<hbm>>
        %dma_start3A_1528 = arith.constant 0 : i32
        %dma_start3A_1529 = tpu.memref_slice %arg7[%sub3A_1295, %mul3A_2, %dma_start3A_1528] : memref<64x512x768xf32, #tpu.memory_space<hbm>> -> memref<1x16x768xf32, #tpu.memory_space<hbm>>
        %dma_start3A_1530 = tpu.memref_squeeze %dma_start3A_1529 : memref<1x16x768xf32, #tpu.memory_space<hbm>> -> memref<16x768xf32, #tpu.memory_space<hbm>>
        %dma_start3A_1531 = arith.constant 0 : i32
        %dma_start3A_1532 = arith.constant 0 : i32
        %dma_start3A_1533 = tpu.memref_slice %arg13[%dma_start3A_1520, %dma_start3A_1531, %dma_start3A_1532] : memref<4x16x768xf32, #tpu.memory_space<vmem>> -> memref<1x16x768xf32, #tpu.memory_space<vmem>>
        %dma_start3A_1534 = tpu.memref_squeeze %dma_start3A_1533 : memref<1x16x768xf32, #tpu.memory_space<vmem>> -> memref<16x768xf32, #tpu.memory_space<vmem>>
        tpu.enqueue_dma source(%dma_start3A_1534 : memref<16x768xf32, #tpu.memory_space<vmem>>) target(%dma_start3A_1530 : memref<16x768xf32, #tpu.memory_space<hbm>>) target_semaphore(%arg20 : memref<!tpu.dma_semaphore, #tpu.memory_space<semaphore_mem>>)
      } else {
      }
      %mul3A_679 = arith.constant 4 : i32
      %mul3A_680 = arith.muli %scan3A_632, %mul3A_679 : i32
      %add3A_681 = arith.constant 1 : i32
      %add3A_682 = arith.addi %mul3A_680, %add3A_681 : i32
      %ge3A_683 = arith.constant 1 : i32
      %ge3A_684 = arith.cmpi sge, %scan3A_632, %ge3A_683 : i32
      %convert_element_type3A_685 = arith.extui %ge3A_684 : i1 to i32
      %cond3A_686 = arith.constant 0 : i32
      %cond3A_687 = arith.cmpi ne, %convert_element_type3A_685, %cond3A_686 : i32
      scf.if %cond3A_687 {
        %dma_wait3A_1294 = arith.constant 1 : i32
        %dma_wait3A_1295 = arith.constant 0 : i32
        %dma_wait3A_1296 = arith.constant 0 : i32
        %dma_wait3A_1297 = arith.constant 0 : i32
        %dma_wait3A_1298 = tpu.memref_slice %arg13[%dma_wait3A_1294, %dma_wait3A_1296, %dma_wait3A_1297] : memref<4x16x768xf32, #tpu.memory_space<vmem>> -> memref<1x16x768xf32, #tpu.memory_space<vmem>>
        %dma_wait3A_1299 = tpu.memref_squeeze %dma_wait3A_1298 : memref<1x16x768xf32, #tpu.memory_space<vmem>> -> memref<16x768xf32, #tpu.memory_space<vmem>>
        %dma_wait3A_1300 = arith.constant 0 : i32
        %dma_wait3A_1301 = tpu.memref_slice %arg7[%dma_wait3A_1295, %mul3A_2, %dma_wait3A_1300] : memref<64x512x768xf32, #tpu.memory_space<hbm>> -> memref<1x16x768xf32, #tpu.memory_space<hbm>>
        %dma_wait3A_1302 = tpu.memref_squeeze %dma_wait3A_1301 : memref<1x16x768xf32, #tpu.memory_space<hbm>> -> memref<16x768xf32, #tpu.memory_space<hbm>>
        %dma_wait3A_1303 = arith.constant 0 : i32
        %dma_wait3A_1304 = tpu.memref_slice %arg7[%dma_wait3A_1295, %mul3A_2, %dma_wait3A_1303] : memref<64x512x768xf32, #tpu.memory_space<hbm>> -> memref<1x16x768xf32, #tpu.memory_space<hbm>>
        %dma_wait3A_1305 = tpu.memref_squeeze %dma_wait3A_1304 : memref<1x16x768xf32, #tpu.memory_space<hbm>> -> memref<16x768xf32, #tpu.memory_space<hbm>>
        %dma_wait3A_1306 = arith.constant 0 : i32
        %dma_wait3A_1307 = arith.constant 0 : i32
        %dma_wait3A_1308 = tpu.memref_slice %arg13[%dma_wait3A_1294, %dma_wait3A_1306, %dma_wait3A_1307] : memref<4x16x768xf32, #tpu.memory_space<vmem>> -> memref<1x16x768xf32, #tpu.memory_space<vmem>>
        %dma_wait3A_1309 = tpu.memref_squeeze %dma_wait3A_1308 : memref<1x16x768xf32, #tpu.memory_space<vmem>> -> memref<16x768xf32, #tpu.memory_space<vmem>>
        tpu.wait_dma2 semaphore(%arg19 : memref<!tpu.dma_semaphore, #tpu.memory_space<semaphore_mem>>) src(%dma_wait3A_1309 : memref<16x768xf32, #tpu.memory_space<vmem>>) dst(%dma_wait3A_1305 : memref<16x768xf32, #tpu.memory_space<hbm>>)
      } else {
      }
      %dma_wait3A_688 = arith.constant 1 : i32
      %dma_wait3A_689 = arith.constant 0 : i32
      %dma_wait3A_690 = tpu.memref_slice %arg11[%dma_wait3A_688, %dma_wait3A_689] : memref<4x16xi32, #tpu.memory_space<vmem>> -> memref<1x16xi32, #tpu.memory_space<vmem>>
      %dma_wait3A_691 = tpu.memref_squeeze %dma_wait3A_690 : memref<1x16xi32, #tpu.memory_space<vmem>> -> memref<16xi32, #tpu.memory_space<vmem>>
      %dma_wait3A_692 = tpu.memref_slice %arg2[%add3A_682, %mul3A_2] : memref<64x512xi32, #tpu.memory_space<hbm>> -> memref<1x16xi32, #tpu.memory_space<hbm>>
      %dma_wait3A_693 = tpu.memref_squeeze %dma_wait3A_692 : memref<1x16xi32, #tpu.memory_space<hbm>> -> memref<16xi32, #tpu.memory_space<hbm>>
      %dma_wait3A_694 = arith.constant 0 : i32
      %dma_wait3A_695 = tpu.memref_slice %arg11[%dma_wait3A_688, %dma_wait3A_694] : memref<4x16xi32, #tpu.memory_space<vmem>> -> memref<1x16xi32, #tpu.memory_space<vmem>>
      %dma_wait3A_696 = tpu.memref_squeeze %dma_wait3A_695 : memref<1x16xi32, #tpu.memory_space<vmem>> -> memref<16xi32, #tpu.memory_space<vmem>>
      %dma_wait3A_697 = tpu.memref_slice %arg2[%add3A_682, %mul3A_2] : memref<64x512xi32, #tpu.memory_space<hbm>> -> memref<1x16xi32, #tpu.memory_space<hbm>>
      %dma_wait3A_698 = tpu.memref_squeeze %dma_wait3A_697 : memref<1x16xi32, #tpu.memory_space<hbm>> -> memref<16xi32, #tpu.memory_space<hbm>>
      tpu.wait_dma2 semaphore(%arg23 : memref<!tpu.dma_semaphore, #tpu.memory_space<semaphore_mem>>) src(%dma_wait3A_698 : memref<16xi32, #tpu.memory_space<hbm>>) dst(%dma_wait3A_696 : memref<16xi32, #tpu.memory_space<vmem>>)
      %dma_wait3A_699 = arith.constant 1 : i32
      %dma_wait3A_700 = arith.constant 0 : i32
      %dma_wait3A_701 = tpu.memref_slice %arg12[%dma_wait3A_699, %dma_wait3A_700] : memref<4x16xi32, #tpu.memory_space<vmem>> -> memref<1x16xi32, #tpu.memory_space<vmem>>
      %dma_wait3A_702 = tpu.memref_squeeze %dma_wait3A_701 : memref<1x16xi32, #tpu.memory_space<vmem>> -> memref<16xi32, #tpu.memory_space<vmem>>
      %dma_wait3A_703 = tpu.memref_slice %arg3[%add3A_682, %mul3A_2] : memref<64x512xi32, #tpu.memory_space<hbm>> -> memref<1x16xi32, #tpu.memory_space<hbm>>
      %dma_wait3A_704 = tpu.memref_squeeze %dma_wait3A_703 : memref<1x16xi32, #tpu.memory_space<hbm>> -> memref<16xi32, #tpu.memory_space<hbm>>
      %dma_wait3A_705 = arith.constant 0 : i32
      %dma_wait3A_706 = tpu.memref_slice %arg12[%dma_wait3A_699, %dma_wait3A_705] : memref<4x16xi32, #tpu.memory_space<vmem>> -> memref<1x16xi32, #tpu.memory_space<vmem>>
      %dma_wait3A_707 = tpu.memref_squeeze %dma_wait3A_706 : memref<1x16xi32, #tpu.memory_space<vmem>> -> memref<16xi32, #tpu.memory_space<vmem>>
      %dma_wait3A_708 = tpu.memref_slice %arg3[%add3A_682, %mul3A_2] : memref<64x512xi32, #tpu.memory_space<hbm>> -> memref<1x16xi32, #tpu.memory_space<hbm>>
      %dma_wait3A_709 = tpu.memref_squeeze %dma_wait3A_708 : memref<1x16xi32, #tpu.memory_space<hbm>> -> memref<16xi32, #tpu.memory_space<hbm>>
      tpu.wait_dma2 semaphore(%arg23 : memref<!tpu.dma_semaphore, #tpu.memory_space<semaphore_mem>>) src(%dma_wait3A_709 : memref<16xi32, #tpu.memory_space<hbm>>) dst(%dma_wait3A_707 : memref<16xi32, #tpu.memory_space<vmem>>)
      %dma_start3A_710 = arith.constant 1 : i32
      %dma_start3A_711 = arith.constant 1 : i32
      %dma_start3A_712 = arith.constant 0 : i32
      %dma_start3A_713 = arith.constant 0 : i32
      %dma_start3A_714 = tpu.memref_slice %arg13[%dma_start3A_711, %dma_start3A_712, %dma_start3A_713] : memref<4x16x768xf32, #tpu.memory_space<vmem>> -> memref<1x16x768xf32, #tpu.memory_space<vmem>>
      %dma_start3A_715 = tpu.memref_squeeze %dma_start3A_714 : memref<1x16x768xf32, #tpu.memory_space<vmem>> -> memref<16x768xf32, #tpu.memory_space<vmem>>
      %dma_start3A_716 = arith.constant 0 : i32
      %dma_start3A_717 = tpu.memref_slice %arg11[%dma_start3A_710, %dma_start3A_716] : memref<4x16xi32, #tpu.memory_space<vmem>> -> memref<1x16xi32, #tpu.memory_space<vmem>>
      %dma_start3A_718 = tpu.memref_squeeze %dma_start3A_717 : memref<1x16xi32, #tpu.memory_space<vmem>> -> memref<16xi32, #tpu.memory_space<vmem>>
      %dma_start3A_719 = arith.constant 0 : i32
      %dma_start3A_720 = arith.constant 0 : i32
      %dma_start3A_721 = tpu.memref_slice %arg4[%dma_start3A_719, %dma_start3A_720] : memref<100000x768xf32, #tpu.memory_space<hbm>> -> memref<100000x768xf32, #tpu.memory_space<hbm>>
      tpu.enqueue_indirect_dma source(%dma_start3A_721 : memref<100000x768xf32, #tpu.memory_space<hbm>>) target(%dma_start3A_715 : memref<16x768xf32, #tpu.memory_space<vmem>>) offsets(%dma_start3A_718 : memref<16xi32, #tpu.memory_space<vmem>>) semaphore(%arg15 : memref<!tpu.dma_semaphore, #tpu.memory_space<semaphore_mem>>)
      %ge3A_722 = arith.constant 1 : i32
      %ge3A_723 = arith.cmpi sge, %scan3A_632, %ge3A_722 : i32
      %convert_element_type3A_724 = arith.extui %ge3A_723 : i1 to i32
      %cond3A_725 = arith.constant 0 : i32
      %cond3A_726 = arith.cmpi ne, %convert_element_type3A_724, %cond3A_725 : i32
      scf.if %cond3A_726 {
        %sub3A_1294 = arith.constant 2 : i32
        %sub3A_1295 = arith.subi %add3A_682, %sub3A_1294 : i32
        %get3A_1296 = arith.constant 3 : i32
        %get3A_1297 = arith.index_cast %get3A_1296 : i32 to index
        %get3A_1298 = arith.constant 0 : index
        %get3A_1299 = tpu.vector_load %arg12[%get3A_1297, %get3A_1298] {strides = array<i32>} : memref<4x16xi32, #tpu.memory_space<vmem>>, vector<1x16xi32>,
        %get3A_1300 = vector.shape_cast %get3A_1299 : vector<1x16xi32> to vector<16xi32>
        %convert_element_type3A_1301 = arith.sitofp %get3A_1300 : vector<16xi32> to vector<16xf32>
        %broadcast_in_dim3A_1302 = arith.constant 0 : i32
        %broadcast_in_dim3A_1303 = vector.broadcast %broadcast_in_dim3A_1302 : i32 to vector<16xi32>
        %lt3A_1304 = arith.constant 0 : i32
        %lt3A_1305 = vector.broadcast %lt3A_1304 : i32 to vector<16xi32>
        %lt3A_1306 = arith.cmpi slt, %broadcast_in_dim3A_1303, %lt3A_1305 : vector<16xi32>
        %add3A_1307 = arith.constant 16 : i32
        %add3A_1308 = vector.broadcast %add3A_1307 : i32 to vector<16xi32>
        %add3A_1309 = arith.addi %broadcast_in_dim3A_1303, %add3A_1308 : vector<16xi32>
        %select_n3A_1310 = arith.select %lt3A_1306, %add3A_1309, %broadcast_in_dim3A_1303 : vector<16xi1>, vector<16xi32>
        %broadcast_in_dim3A_1311 = vector.shape_cast %select_n3A_1310 : vector<16xi32> to vector<16x1xi32>
        %gather3A_1312 = vector.shape_cast %broadcast_in_dim3A_1311 : vector<16x1xi32> to vector<16xi32>
        %gather3A_1313 = tpu.dynamic_gather %convert_element_type3A_1301[%gather3A_1312] in [0] : vector<16xf32>, vector<16xi32> -> vector<16xf32>
        %broadcast_in_dim3A_1314 = arith.constant 1 : i32
        %broadcast_in_dim3A_1315 = vector.broadcast %broadcast_in_dim3A_1314 : i32 to vector<16xi32>
        %lt3A_1316 = arith.constant 0 : i32
        %lt3A_1317 = vector.broadcast %lt3A_1316 : i32 to vector<16xi32>
        %lt3A_1318 = arith.cmpi slt, %broadcast_in_dim3A_1315, %lt3A_1317 : vector<16xi32>
        %add3A_1319 = arith.constant 16 : i32
        %add3A_1320 = vector.broadcast %add3A_1319 : i32 to vector<16xi32>
        %add3A_1321 = arith.addi %broadcast_in_dim3A_1315, %add3A_1320 : vector<16xi32>
        %select_n3A_1322 = arith.select %lt3A_1318, %add3A_1321, %broadcast_in_dim3A_1315 : vector<16xi1>, vector<16xi32>
        %broadcast_in_dim3A_1323 = vector.shape_cast %select_n3A_1322 : vector<16xi32> to vector<16x1xi32>
        %gather3A_1324 = vector.shape_cast %broadcast_in_dim3A_1323 : vector<16x1xi32> to vector<16xi32>
        %gather3A_1325 = tpu.dynamic_gather %convert_element_type3A_1301[%gather3A_1324] in [0] : vector<16xf32>, vector<16xi32> -> vector<16xf32>
        %broadcast_in_dim3A_1326 = arith.constant 2 : i32
        %broadcast_in_dim3A_1327 = vector.broadcast %broadcast_in_dim3A_1326 : i32 to vector<16xi32>
        %lt3A_1328 = arith.constant 0 : i32
        %lt3A_1329 = vector.broadcast %lt3A_1328 : i32 to vector<16xi32>
        %lt3A_1330 = arith.cmpi slt, %broadcast_in_dim3A_1327, %lt3A_1329 : vector<16xi32>
        %add3A_1331 = arith.constant 16 : i32
        %add3A_1332 = vector.broadcast %add3A_1331 : i32 to vector<16xi32>
        %add3A_1333 = arith.addi %broadcast_in_dim3A_1327, %add3A_1332 : vector<16xi32>
        %select_n3A_1334 = arith.select %lt3A_1330, %add3A_1333, %broadcast_in_dim3A_1327 : vector<16xi1>, vector<16xi32>
        %broadcast_in_dim3A_1335 = vector.shape_cast %select_n3A_1334 : vector<16xi32> to vector<16x1xi32>
        %gather3A_1336 = vector.shape_cast %broadcast_in_dim3A_1335 : vector<16x1xi32> to vector<16xi32>
        %gather3A_1337 = tpu.dynamic_gather %convert_element_type3A_1301[%gather3A_1336] in [0] : vector<16xf32>, vector<16xi32> -> vector<16xf32>
        %broadcast_in_dim3A_1338 = arith.constant 3 : i32
        %broadcast_in_dim3A_1339 = vector.broadcast %broadcast_in_dim3A_1338 : i32 to vector<16xi32>
        %lt3A_1340 = arith.constant 0 : i32
        %lt3A_1341 = vector.broadcast %lt3A_1340 : i32 to vector<16xi32>
        %lt3A_1342 = arith.cmpi slt, %broadcast_in_dim3A_1339, %lt3A_1341 : vector<16xi32>
        %add3A_1343 = arith.constant 16 : i32
        %add3A_1344 = vector.broadcast %add3A_1343 : i32 to vector<16xi32>
        %add3A_1345 = arith.addi %broadcast_in_dim3A_1339, %add3A_1344 : vector<16xi32>
        %select_n3A_1346 = arith.select %lt3A_1342, %add3A_1345, %broadcast_in_dim3A_1339 : vector<16xi1>, vector<16xi32>
        %broadcast_in_dim3A_1347 = vector.shape_cast %select_n3A_1346 : vector<16xi32> to vector<16x1xi32>
        %gather3A_1348 = vector.shape_cast %broadcast_in_dim3A_1347 : vector<16x1xi32> to vector<16xi32>
        %gather3A_1349 = tpu.dynamic_gather %convert_element_type3A_1301[%gather3A_1348] in [0] : vector<16xf32>, vector<16xi32> -> vector<16xf32>
        %broadcast_in_dim3A_1350 = arith.constant 4 : i32
        %broadcast_in_dim3A_1351 = vector.broadcast %broadcast_in_dim3A_1350 : i32 to vector<16xi32>
        %lt3A_1352 = arith.constant 0 : i32
        %lt3A_1353 = vector.broadcast %lt3A_1352 : i32 to vector<16xi32>
        %lt3A_1354 = arith.cmpi slt, %broadcast_in_dim3A_1351, %lt3A_1353 : vector<16xi32>
        %add3A_1355 = arith.constant 16 : i32
        %add3A_1356 = vector.broadcast %add3A_1355 : i32 to vector<16xi32>
        %add3A_1357 = arith.addi %broadcast_in_dim3A_1351, %add3A_1356 : vector<16xi32>
        %select_n3A_1358 = arith.select %lt3A_1354, %add3A_1357, %broadcast_in_dim3A_1351 : vector<16xi1>, vector<16xi32>
        %broadcast_in_dim3A_1359 = vector.shape_cast %select_n3A_1358 : vector<16xi32> to vector<16x1xi32>
        %gather3A_1360 = vector.shape_cast %broadcast_in_dim3A_1359 : vector<16x1xi32> to vector<16xi32>
        %gather3A_1361 = tpu.dynamic_gather %convert_element_type3A_1301[%gather3A_1360] in [0] : vector<16xf32>, vector<16xi32> -> vector<16xf32>
        %broadcast_in_dim3A_1362 = arith.constant 5 : i32
        %broadcast_in_dim3A_1363 = vector.broadcast %broadcast_in_dim3A_1362 : i32 to vector<16xi32>
        %lt3A_1364 = arith.constant 0 : i32
        %lt3A_1365 = vector.broadcast %lt3A_1364 : i32 to vector<16xi32>
        %lt3A_1366 = arith.cmpi slt, %broadcast_in_dim3A_1363, %lt3A_1365 : vector<16xi32>
        %add3A_1367 = arith.constant 16 : i32
        %add3A_1368 = vector.broadcast %add3A_1367 : i32 to vector<16xi32>
        %add3A_1369 = arith.addi %broadcast_in_dim3A_1363, %add3A_1368 : vector<16xi32>
        %select_n3A_1370 = arith.select %lt3A_1366, %add3A_1369, %broadcast_in_dim3A_1363 : vector<16xi1>, vector<16xi32>
        %broadcast_in_dim3A_1371 = vector.shape_cast %select_n3A_1370 : vector<16xi32> to vector<16x1xi32>
        %gather3A_1372 = vector.shape_cast %broadcast_in_dim3A_1371 : vector<16x1xi32> to vector<16xi32>
        %gather3A_1373 = tpu.dynamic_gather %convert_element_type3A_1301[%gather3A_1372] in [0] : vector<16xf32>, vector<16xi32> -> vector<16xf32>
        %broadcast_in_dim3A_1374 = arith.constant 6 : i32
        %broadcast_in_dim3A_1375 = vector.broadcast %broadcast_in_dim3A_1374 : i32 to vector<16xi32>
        %lt3A_1376 = arith.constant 0 : i32
        %lt3A_1377 = vector.broadcast %lt3A_1376 : i32 to vector<16xi32>
        %lt3A_1378 = arith.cmpi slt, %broadcast_in_dim3A_1375, %lt3A_1377 : vector<16xi32>
        %add3A_1379 = arith.constant 16 : i32
        %add3A_1380 = vector.broadcast %add3A_1379 : i32 to vector<16xi32>
        %add3A_1381 = arith.addi %broadcast_in_dim3A_1375, %add3A_1380 : vector<16xi32>
        %select_n3A_1382 = arith.select %lt3A_1378, %add3A_1381, %broadcast_in_dim3A_1375 : vector<16xi1>, vector<16xi32>
        %broadcast_in_dim3A_1383 = vector.shape_cast %select_n3A_1382 : vector<16xi32> to vector<16x1xi32>
        %gather3A_1384 = vector.shape_cast %broadcast_in_dim3A_1383 : vector<16x1xi32> to vector<16xi32>
        %gather3A_1385 = tpu.dynamic_gather %convert_element_type3A_1301[%gather3A_1384] in [0] : vector<16xf32>, vector<16xi32> -> vector<16xf32>
        %broadcast_in_dim3A_1386 = arith.constant 7 : i32
        %broadcast_in_dim3A_1387 = vector.broadcast %broadcast_in_dim3A_1386 : i32 to vector<16xi32>
        %lt3A_1388 = arith.constant 0 : i32
        %lt3A_1389 = vector.broadcast %lt3A_1388 : i32 to vector<16xi32>
        %lt3A_1390 = arith.cmpi slt, %broadcast_in_dim3A_1387, %lt3A_1389 : vector<16xi32>
        %add3A_1391 = arith.constant 16 : i32
        %add3A_1392 = vector.broadcast %add3A_1391 : i32 to vector<16xi32>
        %add3A_1393 = arith.addi %broadcast_in_dim3A_1387, %add3A_1392 : vector<16xi32>
        %select_n3A_1394 = arith.select %lt3A_1390, %add3A_1393, %broadcast_in_dim3A_1387 : vector<16xi1>, vector<16xi32>
        %broadcast_in_dim3A_1395 = vector.shape_cast %select_n3A_1394 : vector<16xi32> to vector<16x1xi32>
        %gather3A_1396 = vector.shape_cast %broadcast_in_dim3A_1395 : vector<16x1xi32> to vector<16xi32>
        %gather3A_1397 = tpu.dynamic_gather %convert_element_type3A_1301[%gather3A_1396] in [0] : vector<16xf32>, vector<16xi32> -> vector<16xf32>
        %broadcast_in_dim3A_1398 = arith.constant 8 : i32
        %broadcast_in_dim3A_1399 = vector.broadcast %broadcast_in_dim3A_1398 : i32 to vector<16xi32>
        %lt3A_1400 = arith.constant 0 : i32
        %lt3A_1401 = vector.broadcast %lt3A_1400 : i32 to vector<16xi32>
        %lt3A_1402 = arith.cmpi slt, %broadcast_in_dim3A_1399, %lt3A_1401 : vector<16xi32>
        %add3A_1403 = arith.constant 16 : i32
        %add3A_1404 = vector.broadcast %add3A_1403 : i32 to vector<16xi32>
        %add3A_1405 = arith.addi %broadcast_in_dim3A_1399, %add3A_1404 : vector<16xi32>
        %select_n3A_1406 = arith.select %lt3A_1402, %add3A_1405, %broadcast_in_dim3A_1399 : vector<16xi1>, vector<16xi32>
        %broadcast_in_dim3A_1407 = vector.shape_cast %select_n3A_1406 : vector<16xi32> to vector<16x1xi32>
        %gather3A_1408 = vector.shape_cast %broadcast_in_dim3A_1407 : vector<16x1xi32> to vector<16xi32>
        %gather3A_1409 = tpu.dynamic_gather %convert_element_type3A_1301[%gather3A_1408] in [0] : vector<16xf32>, vector<16xi32> -> vector<16xf32>
        %broadcast_in_dim3A_1410 = arith.constant 9 : i32
        %broadcast_in_dim3A_1411 = vector.broadcast %broadcast_in_dim3A_1410 : i32 to vector<16xi32>
        %lt3A_1412 = arith.constant 0 : i32
        %lt3A_1413 = vector.broadcast %lt3A_1412 : i32 to vector<16xi32>
        %lt3A_1414 = arith.cmpi slt, %broadcast_in_dim3A_1411, %lt3A_1413 : vector<16xi32>
        %add3A_1415 = arith.constant 16 : i32
        %add3A_1416 = vector.broadcast %add3A_1415 : i32 to vector<16xi32>
        %add3A_1417 = arith.addi %broadcast_in_dim3A_1411, %add3A_1416 : vector<16xi32>
        %select_n3A_1418 = arith.select %lt3A_1414, %add3A_1417, %broadcast_in_dim3A_1411 : vector<16xi1>, vector<16xi32>
        %broadcast_in_dim3A_1419 = vector.shape_cast %select_n3A_1418 : vector<16xi32> to vector<16x1xi32>
        %gather3A_1420 = vector.shape_cast %broadcast_in_dim3A_1419 : vector<16x1xi32> to vector<16xi32>
        %gather3A_1421 = tpu.dynamic_gather %convert_element_type3A_1301[%gather3A_1420] in [0] : vector<16xf32>, vector<16xi32> -> vector<16xf32>
        %broadcast_in_dim3A_1422 = arith.constant 10 : i32
        %broadcast_in_dim3A_1423 = vector.broadcast %broadcast_in_dim3A_1422 : i32 to vector<16xi32>
        %lt3A_1424 = arith.constant 0 : i32
        %lt3A_1425 = vector.broadcast %lt3A_1424 : i32 to vector<16xi32>
        %lt3A_1426 = arith.cmpi slt, %broadcast_in_dim3A_1423, %lt3A_1425 : vector<16xi32>
        %add3A_1427 = arith.constant 16 : i32
        %add3A_1428 = vector.broadcast %add3A_1427 : i32 to vector<16xi32>
        %add3A_1429 = arith.addi %broadcast_in_dim3A_1423, %add3A_1428 : vector<16xi32>
        %select_n3A_1430 = arith.select %lt3A_1426, %add3A_1429, %broadcast_in_dim3A_1423 : vector<16xi1>, vector<16xi32>
        %broadcast_in_dim3A_1431 = vector.shape_cast %select_n3A_1430 : vector<16xi32> to vector<16x1xi32>
        %gather3A_1432 = vector.shape_cast %broadcast_in_dim3A_1431 : vector<16x1xi32> to vector<16xi32>
        %gather3A_1433 = tpu.dynamic_gather %convert_element_type3A_1301[%gather3A_1432] in [0] : vector<16xf32>, vector<16xi32> -> vector<16xf32>
        %broadcast_in_dim3A_1434 = arith.constant 11 : i32
        %broadcast_in_dim3A_1435 = vector.broadcast %broadcast_in_dim3A_1434 : i32 to vector<16xi32>
        %lt3A_1436 = arith.constant 0 : i32
        %lt3A_1437 = vector.broadcast %lt3A_1436 : i32 to vector<16xi32>
        %lt3A_1438 = arith.cmpi slt, %broadcast_in_dim3A_1435, %lt3A_1437 : vector<16xi32>
        %add3A_1439 = arith.constant 16 : i32
        %add3A_1440 = vector.broadcast %add3A_1439 : i32 to vector<16xi32>
        %add3A_1441 = arith.addi %broadcast_in_dim3A_1435, %add3A_1440 : vector<16xi32>
        %select_n3A_1442 = arith.select %lt3A_1438, %add3A_1441, %broadcast_in_dim3A_1435 : vector<16xi1>, vector<16xi32>
        %broadcast_in_dim3A_1443 = vector.shape_cast %select_n3A_1442 : vector<16xi32> to vector<16x1xi32>
        %gather3A_1444 = vector.shape_cast %broadcast_in_dim3A_1443 : vector<16x1xi32> to vector<16xi32>
        %gather3A_1445 = tpu.dynamic_gather %convert_element_type3A_1301[%gather3A_1444] in [0] : vector<16xf32>, vector<16xi32> -> vector<16xf32>
        %broadcast_in_dim3A_1446 = arith.constant 12 : i32
        %broadcast_in_dim3A_1447 = vector.broadcast %broadcast_in_dim3A_1446 : i32 to vector<16xi32>
        %lt3A_1448 = arith.constant 0 : i32
        %lt3A_1449 = vector.broadcast %lt3A_1448 : i32 to vector<16xi32>
        %lt3A_1450 = arith.cmpi slt, %broadcast_in_dim3A_1447, %lt3A_1449 : vector<16xi32>
        %add3A_1451 = arith.constant 16 : i32
        %add3A_1452 = vector.broadcast %add3A_1451 : i32 to vector<16xi32>
        %add3A_1453 = arith.addi %broadcast_in_dim3A_1447, %add3A_1452 : vector<16xi32>
        %select_n3A_1454 = arith.select %lt3A_1450, %add3A_1453, %broadcast_in_dim3A_1447 : vector<16xi1>, vector<16xi32>
        %broadcast_in_dim3A_1455 = vector.shape_cast %select_n3A_1454 : vector<16xi32> to vector<16x1xi32>
        %gather3A_1456 = vector.shape_cast %broadcast_in_dim3A_1455 : vector<16x1xi32> to vector<16xi32>
        %gather3A_1457 = tpu.dynamic_gather %convert_element_type3A_1301[%gather3A_1456] in [0] : vector<16xf32>, vector<16xi32> -> vector<16xf32>
        %broadcast_in_dim3A_1458 = arith.constant 13 : i32
        %broadcast_in_dim3A_1459 = vector.broadcast %broadcast_in_dim3A_1458 : i32 to vector<16xi32>
        %lt3A_1460 = arith.constant 0 : i32
        %lt3A_1461 = vector.broadcast %lt3A_1460 : i32 to vector<16xi32>
        %lt3A_1462 = arith.cmpi slt, %broadcast_in_dim3A_1459, %lt3A_1461 : vector<16xi32>
        %add3A_1463 = arith.constant 16 : i32
        %add3A_1464 = vector.broadcast %add3A_1463 : i32 to vector<16xi32>
        %add3A_1465 = arith.addi %broadcast_in_dim3A_1459, %add3A_1464 : vector<16xi32>
        %select_n3A_1466 = arith.select %lt3A_1462, %add3A_1465, %broadcast_in_dim3A_1459 : vector<16xi1>, vector<16xi32>
        %broadcast_in_dim3A_1467 = vector.shape_cast %select_n3A_1466 : vector<16xi32> to vector<16x1xi32>
        %gather3A_1468 = vector.shape_cast %broadcast_in_dim3A_1467 : vector<16x1xi32> to vector<16xi32>
        %gather3A_1469 = tpu.dynamic_gather %convert_element_type3A_1301[%gather3A_1468] in [0] : vector<16xf32>, vector<16xi32> -> vector<16xf32>
        %broadcast_in_dim3A_1470 = arith.constant 14 : i32
        %broadcast_in_dim3A_1471 = vector.broadcast %broadcast_in_dim3A_1470 : i32 to vector<16xi32>
        %lt3A_1472 = arith.constant 0 : i32
        %lt3A_1473 = vector.broadcast %lt3A_1472 : i32 to vector<16xi32>
        %lt3A_1474 = arith.cmpi slt, %broadcast_in_dim3A_1471, %lt3A_1473 : vector<16xi32>
        %add3A_1475 = arith.constant 16 : i32
        %add3A_1476 = vector.broadcast %add3A_1475 : i32 to vector<16xi32>
        %add3A_1477 = arith.addi %broadcast_in_dim3A_1471, %add3A_1476 : vector<16xi32>
        %select_n3A_1478 = arith.select %lt3A_1474, %add3A_1477, %broadcast_in_dim3A_1471 : vector<16xi1>, vector<16xi32>
        %broadcast_in_dim3A_1479 = vector.shape_cast %select_n3A_1478 : vector<16xi32> to vector<16x1xi32>
        %gather3A_1480 = vector.shape_cast %broadcast_in_dim3A_1479 : vector<16x1xi32> to vector<16xi32>
        %gather3A_1481 = tpu.dynamic_gather %convert_element_type3A_1301[%gather3A_1480] in [0] : vector<16xf32>, vector<16xi32> -> vector<16xf32>
        %broadcast_in_dim3A_1482 = arith.constant 15 : i32
        %broadcast_in_dim3A_1483 = vector.broadcast %broadcast_in_dim3A_1482 : i32 to vector<16xi32>
        %lt3A_1484 = arith.constant 0 : i32
        %lt3A_1485 = vector.broadcast %lt3A_1484 : i32 to vector<16xi32>
        %lt3A_1486 = arith.cmpi slt, %broadcast_in_dim3A_1483, %lt3A_1485 : vector<16xi32>
        %add3A_1487 = arith.constant 16 : i32
        %add3A_1488 = vector.broadcast %add3A_1487 : i32 to vector<16xi32>
        %add3A_1489 = arith.addi %broadcast_in_dim3A_1483, %add3A_1488 : vector<16xi32>
        %select_n3A_1490 = arith.select %lt3A_1486, %add3A_1489, %broadcast_in_dim3A_1483 : vector<16xi1>, vector<16xi32>
        %broadcast_in_dim3A_1491 = vector.shape_cast %select_n3A_1490 : vector<16xi32> to vector<16x1xi32>
        %gather3A_1492 = vector.shape_cast %broadcast_in_dim3A_1491 : vector<16x1xi32> to vector<16xi32>
        %gather3A_1493 = tpu.dynamic_gather %convert_element_type3A_1301[%gather3A_1492] in [0] : vector<16xf32>, vector<16xi32> -> vector<16xf32>
        %dma_wait3A_1494 = arith.constant 3 : i32
        %dma_wait3A_1495 = arith.constant 3 : i32
        %dma_wait3A_1496 = arith.constant 0 : i32
        %dma_wait3A_1497 = arith.constant 0 : i32
        %dma_wait3A_1498 = tpu.memref_slice %arg13[%dma_wait3A_1495, %dma_wait3A_1496, %dma_wait3A_1497] : memref<4x16x768xf32, #tpu.memory_space<vmem>> -> memref<1x16x768xf32, #tpu.memory_space<vmem>>
        %dma_wait3A_1499 = tpu.memref_squeeze %dma_wait3A_1498 : memref<1x16x768xf32, #tpu.memory_space<vmem>> -> memref<16x768xf32, #tpu.memory_space<vmem>>
        %dma_wait3A_1500 = arith.constant 0 : i32
        %dma_wait3A_1501 = tpu.memref_slice %arg11[%dma_wait3A_1494, %dma_wait3A_1500] : memref<4x16xi32, #tpu.memory_space<vmem>> -> memref<1x16xi32, #tpu.memory_space<vmem>>
        %dma_wait3A_1502 = tpu.memref_squeeze %dma_wait3A_1501 : memref<1x16xi32, #tpu.memory_space<vmem>> -> memref<16xi32, #tpu.memory_space<vmem>>
        %dma_wait3A_1503 = arith.constant 0 : i32
        %dma_wait3A_1504 = arith.constant 0 : i32
        %dma_wait3A_1505 = tpu.memref_slice %arg4[%dma_wait3A_1503, %dma_wait3A_1504] : memref<100000x768xf32, #tpu.memory_space<hbm>> -> memref<100000x768xf32, #tpu.memory_space<hbm>>
        tpu.wait_indirect_dma semaphore(%arg17 : memref<!tpu.dma_semaphore, #tpu.memory_space<semaphore_mem>>) src(%dma_wait3A_1505 : memref<100000x768xf32, #tpu.memory_space<hbm>>) dst(%dma_wait3A_1499 : memref<16x768xf32, #tpu.memory_space<vmem>>)
        %add3A_1506 = arith.constant 4 : i32
        %add3A_1507 = arith.addi %sub3A_1295, %add3A_1506 : i32
        %lt3A_1508 = arith.constant 64 : i32
        %lt3A_1509 = arith.cmpi slt, %add3A_1507, %lt3A_1508 : i32
        %convert_element_type3A_1510 = arith.extui %lt3A_1509 : i1 to i32
        %cond3A_1511 = arith.constant 0 : i32
        %cond3A_1512 = arith.cmpi ne, %convert_element_type3A_1510, %cond3A_1511 : i32
        scf.if %cond3A_1512 {
          %add3A_1535 = arith.constant 4 : i32
          %add3A_1536 = arith.addi %sub3A_1295, %add3A_1535 : i32
          %dma_start3A_1537 = arith.constant 3 : i32
          %dma_start3A_1538 = arith.constant 0 : i32
          %dma_start3A_1539 = tpu.memref_slice %arg11[%dma_start3A_1537, %dma_start3A_1538] : memref<4x16xi32, #tpu.memory_space<vmem>> -> memref<1x16xi32, #tpu.memory_space<vmem>>
          %dma_start3A_1540 = tpu.memref_squeeze %dma_start3A_1539 : memref<1x16xi32, #tpu.memory_space<vmem>> -> memref<16xi32, #tpu.memory_space<vmem>>
          %dma_start3A_1541 = tpu.memref_slice %arg2[%add3A_1536, %mul3A_2] : memref<64x512xi32, #tpu.memory_space<hbm>> -> memref<1x16xi32, #tpu.memory_space<hbm>>
          %dma_start3A_1542 = tpu.memref_squeeze %dma_start3A_1541 : memref<1x16xi32, #tpu.memory_space<hbm>> -> memref<16xi32, #tpu.memory_space<hbm>>
          %dma_start3A_1543 = arith.constant 0 : i32
          %dma_start3A_1544 = tpu.memref_slice %arg11[%dma_start3A_1537, %dma_start3A_1543] : memref<4x16xi32, #tpu.memory_space<vmem>> -> memref<1x16xi32, #tpu.memory_space<vmem>>
          %dma_start3A_1545 = tpu.memref_squeeze %dma_start3A_1544 : memref<1x16xi32, #tpu.memory_space<vmem>> -> memref<16xi32, #tpu.memory_space<vmem>>
          %dma_start3A_1546 = tpu.memref_slice %arg2[%add3A_1536, %mul3A_2] : memref<64x512xi32, #tpu.memory_space<hbm>> -> memref<1x16xi32, #tpu.memory_space<hbm>>
          %dma_start3A_1547 = tpu.memref_squeeze %dma_start3A_1546 : memref<1x16xi32, #tpu.memory_space<hbm>> -> memref<16xi32, #tpu.memory_space<hbm>>
          tpu.enqueue_dma source(%dma_start3A_1547 : memref<16xi32, #tpu.memory_space<hbm>>) target(%dma_start3A_1545 : memref<16xi32, #tpu.memory_space<vmem>>) target_semaphore(%arg25 : memref<!tpu.dma_semaphore, #tpu.memory_space<semaphore_mem>>)
          %dma_start3A_1548 = arith.constant 3 : i32
          %dma_start3A_1549 = arith.constant 0 : i32
          %dma_start3A_1550 = tpu.memref_slice %arg12[%dma_start3A_1548, %dma_start3A_1549] : memref<4x16xi32, #tpu.memory_space<vmem>> -> memref<1x16xi32, #tpu.memory_space<vmem>>
          %dma_start3A_1551 = tpu.memref_squeeze %dma_start3A_1550 : memref<1x16xi32, #tpu.memory_space<vmem>> -> memref<16xi32, #tpu.memory_space<vmem>>
          %dma_start3A_1552 = tpu.memref_slice %arg3[%add3A_1536, %mul3A_2] : memref<64x512xi32, #tpu.memory_space<hbm>> -> memref<1x16xi32, #tpu.memory_space<hbm>>
          %dma_start3A_1553 = tpu.memref_squeeze %dma_start3A_1552 : memref<1x16xi32, #tpu.memory_space<hbm>> -> memref<16xi32, #tpu.memory_space<hbm>>
          %dma_start3A_1554 = arith.constant 0 : i32
          %dma_start3A_1555 = tpu.memref_slice %arg12[%dma_start3A_1548, %dma_start3A_1554] : memref<4x16xi32, #tpu.memory_space<vmem>> -> memref<1x16xi32, #tpu.memory_space<vmem>>
          %dma_start3A_1556 = tpu.memref_squeeze %dma_start3A_1555 : memref<1x16xi32, #tpu.memory_space<vmem>> -> memref<16xi32, #tpu.memory_space<vmem>>
          %dma_start3A_1557 = tpu.memref_slice %arg3[%add3A_1536, %mul3A_2] : memref<64x512xi32, #tpu.memory_space<hbm>> -> memref<1x16xi32, #tpu.memory_space<hbm>>
          %dma_start3A_1558 = tpu.memref_squeeze %dma_start3A_1557 : memref<1x16xi32, #tpu.memory_space<hbm>> -> memref<16xi32, #tpu.memory_space<hbm>>
          tpu.enqueue_dma source(%dma_start3A_1558 : memref<16xi32, #tpu.memory_space<hbm>>) target(%dma_start3A_1556 : memref<16xi32, #tpu.memory_space<vmem>>) target_semaphore(%arg25 : memref<!tpu.dma_semaphore, #tpu.memory_space<semaphore_mem>>)
        } else {
        }
        %scan3A_1513 = arith.constant 0 : i32
        %scan3A_1514 = arith.constant 3 : i32
        %scan3A_1515 = arith.constant 0 : i32
        %scan3A_1516 = arith.constant 48 : i32
        %scan3A_1517 = arith.addi %scan3A_1515, %scan3A_1516 : i32
        %scan3A_1518 = arith.constant 1 : i32
        scf.for %scan3A_1535 = %scan3A_1515 to %scan3A_1517 step %scan3A_1518  : i32 {
          %mul3A_1536 = arith.constant 16 : i32
          %mul3A_1537 = arith.muli %scan3A_1535, %mul3A_1536 : i32
          %multiple_of3A = tpu.assume_multiple %mul3A_1537, 16 : i32
          %get3A_1538 = arith.index_cast %multiple_of3A : i32 to index
          %get3A_1539 = tpu.vector_load %arg9[%get3A_1538] {strides = array<i32>} : memref<768xf32, #tpu.memory_space<vmem>>, vector<16xf32>,
          %get3A_1540 = vector.shape_cast %get3A_1539 : vector<16xf32> to vector<16xf32>
          %get3A_1541 = arith.constant 0 : i32
          %get3A_1542 = arith.index_cast %get3A_1541 : i32 to index
          %get3A_1543 = arith.index_cast %multiple_of3A : i32 to index
          %get3A_1544 = tpu.vector_load %arg8[%get3A_1542, %get3A_1543] {strides = array<i32>} : memref<16x768xf32, #tpu.memory_space<vmem>>, vector<1x16xf32>,
          %get3A_1545 = vector.shape_cast %get3A_1544 : vector<1x16xf32> to vector<16xf32>
          %mul3A_1546 = arith.mulf %gather3A_1313, %get3A_1540 : vector<16xf32>
          %add3A_1547 = arith.addf %get3A_1545, %mul3A_1546 : vector<16xf32>
          %swap3A = arith.constant 0 : i32
          %swap3A_1548 = arith.constant 0 : i32
          %swap3A_1549 = arith.constant 0 : i32
          %swap3A_1550 = tpu.memref_slice %arg13[%scan3A_1514, %swap3A_1548, %swap3A_1549] : memref<4x16x768xf32, #tpu.memory_space<vmem>> -> memref<1x16x768xf32, #tpu.memory_space<vmem>>
          %swap3A_1551 = tpu.memref_squeeze %swap3A_1550 : memref<1x16x768xf32, #tpu.memory_space<vmem>> -> memref<16x768xf32, #tpu.memory_space<vmem>>
          %swap3A_1552 = arith.index_cast %swap3A : i32 to index
          %swap3A_1553 = arith.index_cast %multiple_of3A : i32 to index
          %swap3A_1554 = tpu.vector_load %swap3A_1551[%swap3A_1552, %swap3A_1553] {strides = array<i32>} : memref<16x768xf32, #tpu.memory_space<vmem>>, vector<1x16xf32>,
          %swap3A_1555 = vector.shape_cast %swap3A_1554 : vector<1x16xf32> to vector<16xf32>
          %swap3A_1556 = vector.shape_cast %add3A_1547 : vector<16xf32> to vector<1x16xf32>
          tpu.vector_store %swap3A_1551[%swap3A_1552, %swap3A_1553], %swap3A_1556 {add = true, strides = array<i32>} : memref<16x768xf32, #tpu.memory_space<vmem>>, vector<1x16xf32>,
          %get3A_1557 = arith.constant 1 : i32
          %get3A_1558 = arith.index_cast %get3A_1557 : i32 to index
          %get3A_1559 = arith.index_cast %multiple_of3A : i32 to index
          %get3A_1560 = tpu.vector_load %arg8[%get3A_1558, %get3A_1559] {strides = array<i32>} : memref<16x768xf32, #tpu.memory_space<vmem>>, vector<1x16xf32>,
          %get3A_1561 = vector.shape_cast %get3A_1560 : vector<1x16xf32> to vector<16xf32>
          %mul3A_1562 = arith.mulf %gather3A_1325, %get3A_1540 : vector<16xf32>
          %add3A_1563 = arith.addf %get3A_1561, %mul3A_1562 : vector<16xf32>
          %swap3A_1564 = arith.constant 1 : i32
          %swap3A_1565 = arith.constant 0 : i32
          %swap3A_1566 = arith.constant 0 : i32
          %swap3A_1567 = tpu.memref_slice %arg13[%scan3A_1514, %swap3A_1565, %swap3A_1566] : memref<4x16x768xf32, #tpu.memory_space<vmem>> -> memref<1x16x768xf32, #tpu.memory_space<vmem>>
          %swap3A_1568 = tpu.memref_squeeze %swap3A_1567 : memref<1x16x768xf32, #tpu.memory_space<vmem>> -> memref<16x768xf32, #tpu.memory_space<vmem>>
          %swap3A_1569 = arith.index_cast %swap3A_1564 : i32 to index
          %swap3A_1570 = arith.index_cast %multiple_of3A : i32 to index
          %swap3A_1571 = tpu.vector_load %swap3A_1568[%swap3A_1569, %swap3A_1570] {strides = array<i32>} : memref<16x768xf32, #tpu.memory_space<vmem>>, vector<1x16xf32>,
          %swap3A_1572 = vector.shape_cast %swap3A_1571 : vector<1x16xf32> to vector<16xf32>
          %swap3A_1573 = vector.shape_cast %add3A_1563 : vector<16xf32> to vector<1x16xf32>
          tpu.vector_store %swap3A_1568[%swap3A_1569, %swap3A_1570], %swap3A_1573 {add = true, strides = array<i32>} : memref<16x768xf32, #tpu.memory_space<vmem>>, vector<1x16xf32>,
          %get3A_1574 = arith.constant 2 : i32
          %get3A_1575 = arith.index_cast %get3A_1574 : i32 to index
          %get3A_1576 = arith.index_cast %multiple_of3A : i32 to index
          %get3A_1577 = tpu.vector_load %arg8[%get3A_1575, %get3A_1576] {strides = array<i32>} : memref<16x768xf32, #tpu.memory_space<vmem>>, vector<1x16xf32>,
          %get3A_1578 = vector.shape_cast %get3A_1577 : vector<1x16xf32> to vector<16xf32>
          %mul3A_1579 = arith.mulf %gather3A_1337, %get3A_1540 : vector<16xf32>
          %add3A_1580 = arith.addf %get3A_1578, %mul3A_1579 : vector<16xf32>
          %swap3A_1581 = arith.constant 2 : i32
          %swap3A_1582 = arith.constant 0 : i32
          %swap3A_1583 = arith.constant 0 : i32
          %swap3A_1584 = tpu.memref_slice %arg13[%scan3A_1514, %swap3A_1582, %swap3A_1583] : memref<4x16x768xf32, #tpu.memory_space<vmem>> -> memref<1x16x768xf32, #tpu.memory_space<vmem>>
          %swap3A_1585 = tpu.memref_squeeze %swap3A_1584 : memref<1x16x768xf32, #tpu.memory_space<vmem>> -> memref<16x768xf32, #tpu.memory_space<vmem>>
          %swap3A_1586 = arith.index_cast %swap3A_1581 : i32 to index
          %swap3A_1587 = arith.index_cast %multiple_of3A : i32 to index
          %swap3A_1588 = tpu.vector_load %swap3A_1585[%swap3A_1586, %swap3A_1587] {strides = array<i32>} : memref<16x768xf32, #tpu.memory_space<vmem>>, vector<1x16xf32>,
          %swap3A_1589 = vector.shape_cast %swap3A_1588 : vector<1x16xf32> to vector<16xf32>
          %swap3A_1590 = vector.shape_cast %add3A_1580 : vector<16xf32> to vector<1x16xf32>
          tpu.vector_store %swap3A_1585[%swap3A_1586, %swap3A_1587], %swap3A_1590 {add = true, strides = array<i32>} : memref<16x768xf32, #tpu.memory_space<vmem>>, vector<1x16xf32>,
          %get3A_1591 = arith.constant 3 : i32
          %get3A_1592 = arith.index_cast %get3A_1591 : i32 to index
          %get3A_1593 = arith.index_cast %multiple_of3A : i32 to index
          %get3A_1594 = tpu.vector_load %arg8[%get3A_1592, %get3A_1593] {strides = array<i32>} : memref<16x768xf32, #tpu.memory_space<vmem>>, vector<1x16xf32>,
          %get3A_1595 = vector.shape_cast %get3A_1594 : vector<1x16xf32> to vector<16xf32>
          %mul3A_1596 = arith.mulf %gather3A_1349, %get3A_1540 : vector<16xf32>
          %add3A_1597 = arith.addf %get3A_1595, %mul3A_1596 : vector<16xf32>
          %swap3A_1598 = arith.constant 3 : i32
          %swap3A_1599 = arith.constant 0 : i32
          %swap3A_1600 = arith.constant 0 : i32
          %swap3A_1601 = tpu.memref_slice %arg13[%scan3A_1514, %swap3A_1599, %swap3A_1600] : memref<4x16x768xf32, #tpu.memory_space<vmem>> -> memref<1x16x768xf32, #tpu.memory_space<vmem>>
          %swap3A_1602 = tpu.memref_squeeze %swap3A_1601 : memref<1x16x768xf32, #tpu.memory_space<vmem>> -> memref<16x768xf32, #tpu.memory_space<vmem>>
          %swap3A_1603 = arith.index_cast %swap3A_1598 : i32 to index
          %swap3A_1604 = arith.index_cast %multiple_of3A : i32 to index
          %swap3A_1605 = tpu.vector_load %swap3A_1602[%swap3A_1603, %swap3A_1604] {strides = array<i32>} : memref<16x768xf32, #tpu.memory_space<vmem>>, vector<1x16xf32>,
          %swap3A_1606 = vector.shape_cast %swap3A_1605 : vector<1x16xf32> to vector<16xf32>
          %swap3A_1607 = vector.shape_cast %add3A_1597 : vector<16xf32> to vector<1x16xf32>
          tpu.vector_store %swap3A_1602[%swap3A_1603, %swap3A_1604], %swap3A_1607 {add = true, strides = array<i32>} : memref<16x768xf32, #tpu.memory_space<vmem>>, vector<1x16xf32>,
          %get3A_1608 = arith.constant 4 : i32
          %get3A_1609 = arith.index_cast %get3A_1608 : i32 to index
          %get3A_1610 = arith.index_cast %multiple_of3A : i32 to index
          %get3A_1611 = tpu.vector_load %arg8[%get3A_1609, %get3A_1610] {strides = array<i32>} : memref<16x768xf32, #tpu.memory_space<vmem>>, vector<1x16xf32>,
          %get3A_1612 = vector.shape_cast %get3A_1611 : vector<1x16xf32> to vector<16xf32>
          %mul3A_1613 = arith.mulf %gather3A_1361, %get3A_1540 : vector<16xf32>
          %add3A_1614 = arith.addf %get3A_1612, %mul3A_1613 : vector<16xf32>
          %swap3A_1615 = arith.constant 4 : i32
          %swap3A_1616 = arith.constant 0 : i32
          %swap3A_1617 = arith.constant 0 : i32
          %swap3A_1618 = tpu.memref_slice %arg13[%scan3A_1514, %swap3A_1616, %swap3A_1617] : memref<4x16x768xf32, #tpu.memory_space<vmem>> -> memref<1x16x768xf32, #tpu.memory_space<vmem>>
          %swap3A_1619 = tpu.memref_squeeze %swap3A_1618 : memref<1x16x768xf32, #tpu.memory_space<vmem>> -> memref<16x768xf32, #tpu.memory_space<vmem>>
          %swap3A_1620 = arith.index_cast %swap3A_1615 : i32 to index
          %swap3A_1621 = arith.index_cast %multiple_of3A : i32 to index
          %swap3A_1622 = tpu.vector_load %swap3A_1619[%swap3A_1620, %swap3A_1621] {strides = array<i32>} : memref<16x768xf32, #tpu.memory_space<vmem>>, vector<1x16xf32>,
          %swap3A_1623 = vector.shape_cast %swap3A_1622 : vector<1x16xf32> to vector<16xf32>
          %swap3A_1624 = vector.shape_cast %add3A_1614 : vector<16xf32> to vector<1x16xf32>
          tpu.vector_store %swap3A_1619[%swap3A_1620, %swap3A_1621], %swap3A_1624 {add = true, strides = array<i32>} : memref<16x768xf32, #tpu.memory_space<vmem>>, vector<1x16xf32>,
          %get3A_1625 = arith.constant 5 : i32
          %get3A_1626 = arith.index_cast %get3A_1625 : i32 to index
          %get3A_1627 = arith.index_cast %multiple_of3A : i32 to index
          %get3A_1628 = tpu.vector_load %arg8[%get3A_1626, %get3A_1627] {strides = array<i32>} : memref<16x768xf32, #tpu.memory_space<vmem>>, vector<1x16xf32>,
          %get3A_1629 = vector.shape_cast %get3A_1628 : vector<1x16xf32> to vector<16xf32>
          %mul3A_1630 = arith.mulf %gather3A_1373, %get3A_1540 : vector<16xf32>
          %add3A_1631 = arith.addf %get3A_1629, %mul3A_1630 : vector<16xf32>
          %swap3A_1632 = arith.constant 5 : i32
          %swap3A_1633 = arith.constant 0 : i32
          %swap3A_1634 = arith.constant 0 : i32
          %swap3A_1635 = tpu.memref_slice %arg13[%scan3A_1514, %swap3A_1633, %swap3A_1634] : memref<4x16x768xf32, #tpu.memory_space<vmem>> -> memref<1x16x768xf32, #tpu.memory_space<vmem>>
          %swap3A_1636 = tpu.memref_squeeze %swap3A_1635 : memref<1x16x768xf32, #tpu.memory_space<vmem>> -> memref<16x768xf32, #tpu.memory_space<vmem>>
          %swap3A_1637 = arith.index_cast %swap3A_1632 : i32 to index
          %swap3A_1638 = arith.index_cast %multiple_of3A : i32 to index
          %swap3A_1639 = tpu.vector_load %swap3A_1636[%swap3A_1637, %swap3A_1638] {strides = array<i32>} : memref<16x768xf32, #tpu.memory_space<vmem>>, vector<1x16xf32>,
          %swap3A_1640 = vector.shape_cast %swap3A_1639 : vector<1x16xf32> to vector<16xf32>
          %swap3A_1641 = vector.shape_cast %add3A_1631 : vector<16xf32> to vector<1x16xf32>
          tpu.vector_store %swap3A_1636[%swap3A_1637, %swap3A_1638], %swap3A_1641 {add = true, strides = array<i32>} : memref<16x768xf32, #tpu.memory_space<vmem>>, vector<1x16xf32>,
          %get3A_1642 = arith.constant 6 : i32
          %get3A_1643 = arith.index_cast %get3A_1642 : i32 to index
          %get3A_1644 = arith.index_cast %multiple_of3A : i32 to index
          %get3A_1645 = tpu.vector_load %arg8[%get3A_1643, %get3A_1644] {strides = array<i32>} : memref<16x768xf32, #tpu.memory_space<vmem>>, vector<1x16xf32>,
          %get3A_1646 = vector.shape_cast %get3A_1645 : vector<1x16xf32> to vector<16xf32>
          %mul3A_1647 = arith.mulf %gather3A_1385, %get3A_1540 : vector<16xf32>
          %add3A_1648 = arith.addf %get3A_1646, %mul3A_1647 : vector<16xf32>
          %swap3A_1649 = arith.constant 6 : i32
          %swap3A_1650 = arith.constant 0 : i32
          %swap3A_1651 = arith.constant 0 : i32
          %swap3A_1652 = tpu.memref_slice %arg13[%scan3A_1514, %swap3A_1650, %swap3A_1651] : memref<4x16x768xf32, #tpu.memory_space<vmem>> -> memref<1x16x768xf32, #tpu.memory_space<vmem>>
          %swap3A_1653 = tpu.memref_squeeze %swap3A_1652 : memref<1x16x768xf32, #tpu.memory_space<vmem>> -> memref<16x768xf32, #tpu.memory_space<vmem>>
          %swap3A_1654 = arith.index_cast %swap3A_1649 : i32 to index
          %swap3A_1655 = arith.index_cast %multiple_of3A : i32 to index
          %swap3A_1656 = tpu.vector_load %swap3A_1653[%swap3A_1654, %swap3A_1655] {strides = array<i32>} : memref<16x768xf32, #tpu.memory_space<vmem>>, vector<1x16xf32>,
          %swap3A_1657 = vector.shape_cast %swap3A_1656 : vector<1x16xf32> to vector<16xf32>
          %swap3A_1658 = vector.shape_cast %add3A_1648 : vector<16xf32> to vector<1x16xf32>
          tpu.vector_store %swap3A_1653[%swap3A_1654, %swap3A_1655], %swap3A_1658 {add = true, strides = array<i32>} : memref<16x768xf32, #tpu.memory_space<vmem>>, vector<1x16xf32>,
          %get3A_1659 = arith.constant 7 : i32
          %get3A_1660 = arith.index_cast %get3A_1659 : i32 to index
          %get3A_1661 = arith.index_cast %multiple_of3A : i32 to index
          %get3A_1662 = tpu.vector_load %arg8[%get3A_1660, %get3A_1661] {strides = array<i32>} : memref<16x768xf32, #tpu.memory_space<vmem>>, vector<1x16xf32>,
          %get3A_1663 = vector.shape_cast %get3A_1662 : vector<1x16xf32> to vector<16xf32>
          %mul3A_1664 = arith.mulf %gather3A_1397, %get3A_1540 : vector<16xf32>
          %add3A_1665 = arith.addf %get3A_1663, %mul3A_1664 : vector<16xf32>
          %swap3A_1666 = arith.constant 7 : i32
          %swap3A_1667 = arith.constant 0 : i32
          %swap3A_1668 = arith.constant 0 : i32
          %swap3A_1669 = tpu.memref_slice %arg13[%scan3A_1514, %swap3A_1667, %swap3A_1668] : memref<4x16x768xf32, #tpu.memory_space<vmem>> -> memref<1x16x768xf32, #tpu.memory_space<vmem>>
          %swap3A_1670 = tpu.memref_squeeze %swap3A_1669 : memref<1x16x768xf32, #tpu.memory_space<vmem>> -> memref<16x768xf32, #tpu.memory_space<vmem>>
          %swap3A_1671 = arith.index_cast %swap3A_1666 : i32 to index
          %swap3A_1672 = arith.index_cast %multiple_of3A : i32 to index
          %swap3A_1673 = tpu.vector_load %swap3A_1670[%swap3A_1671, %swap3A_1672] {strides = array<i32>} : memref<16x768xf32, #tpu.memory_space<vmem>>, vector<1x16xf32>,
          %swap3A_1674 = vector.shape_cast %swap3A_1673 : vector<1x16xf32> to vector<16xf32>
          %swap3A_1675 = vector.shape_cast %add3A_1665 : vector<16xf32> to vector<1x16xf32>
          tpu.vector_store %swap3A_1670[%swap3A_1671, %swap3A_1672], %swap3A_1675 {add = true, strides = array<i32>} : memref<16x768xf32, #tpu.memory_space<vmem>>, vector<1x16xf32>,
          %get3A_1676 = arith.constant 8 : i32
          %get3A_1677 = arith.index_cast %get3A_1676 : i32 to index
          %get3A_1678 = arith.index_cast %multiple_of3A : i32 to index
          %get3A_1679 = tpu.vector_load %arg8[%get3A_1677, %get3A_1678] {strides = array<i32>} : memref<16x768xf32, #tpu.memory_space<vmem>>, vector<1x16xf32>,
          %get3A_1680 = vector.shape_cast %get3A_1679 : vector<1x16xf32> to vector<16xf32>
          %mul3A_1681 = arith.mulf %gather3A_1409, %get3A_1540 : vector<16xf32>
          %add3A_1682 = arith.addf %get3A_1680, %mul3A_1681 : vector<16xf32>
          %swap3A_1683 = arith.constant 8 : i32
          %swap3A_1684 = arith.constant 0 : i32
          %swap3A_1685 = arith.constant 0 : i32
          %swap3A_1686 = tpu.memref_slice %arg13[%scan3A_1514, %swap3A_1684, %swap3A_1685] : memref<4x16x768xf32, #tpu.memory_space<vmem>> -> memref<1x16x768xf32, #tpu.memory_space<vmem>>
          %swap3A_1687 = tpu.memref_squeeze %swap3A_1686 : memref<1x16x768xf32, #tpu.memory_space<vmem>> -> memref<16x768xf32, #tpu.memory_space<vmem>>
          %swap3A_1688 = arith.index_cast %swap3A_1683 : i32 to index
          %swap3A_1689 = arith.index_cast %multiple_of3A : i32 to index
          %swap3A_1690 = tpu.vector_load %swap3A_1687[%swap3A_1688, %swap3A_1689] {strides = array<i32>} : memref<16x768xf32, #tpu.memory_space<vmem>>, vector<1x16xf32>,
          %swap3A_1691 = vector.shape_cast %swap3A_1690 : vector<1x16xf32> to vector<16xf32>
          %swap3A_1692 = vector.shape_cast %add3A_1682 : vector<16xf32> to vector<1x16xf32>
          tpu.vector_store %swap3A_1687[%swap3A_1688, %swap3A_1689], %swap3A_1692 {add = true, strides = array<i32>} : memref<16x768xf32, #tpu.memory_space<vmem>>, vector<1x16xf32>,
          %get3A_1693 = arith.constant 9 : i32
          %get3A_1694 = arith.index_cast %get3A_1693 : i32 to index
          %get3A_1695 = arith.index_cast %multiple_of3A : i32 to index
          %get3A_1696 = tpu.vector_load %arg8[%get3A_1694, %get3A_1695] {strides = array<i32>} : memref<16x768xf32, #tpu.memory_space<vmem>>, vector<1x16xf32>,
          %get3A_1697 = vector.shape_cast %get3A_1696 : vector<1x16xf32> to vector<16xf32>
          %mul3A_1698 = arith.mulf %gather3A_1421, %get3A_1540 : vector<16xf32>
          %add3A_1699 = arith.addf %get3A_1697, %mul3A_1698 : vector<16xf32>
          %swap3A_1700 = arith.constant 9 : i32
          %swap3A_1701 = arith.constant 0 : i32
          %swap3A_1702 = arith.constant 0 : i32
          %swap3A_1703 = tpu.memref_slice %arg13[%scan3A_1514, %swap3A_1701, %swap3A_1702] : memref<4x16x768xf32, #tpu.memory_space<vmem>> -> memref<1x16x768xf32, #tpu.memory_space<vmem>>
          %swap3A_1704 = tpu.memref_squeeze %swap3A_1703 : memref<1x16x768xf32, #tpu.memory_space<vmem>> -> memref<16x768xf32, #tpu.memory_space<vmem>>
          %swap3A_1705 = arith.index_cast %swap3A_1700 : i32 to index
          %swap3A_1706 = arith.index_cast %multiple_of3A : i32 to index
          %swap3A_1707 = tpu.vector_load %swap3A_1704[%swap3A_1705, %swap3A_1706] {strides = array<i32>} : memref<16x768xf32, #tpu.memory_space<vmem>>, vector<1x16xf32>,
          %swap3A_1708 = vector.shape_cast %swap3A_1707 : vector<1x16xf32> to vector<16xf32>
          %swap3A_1709 = vector.shape_cast %add3A_1699 : vector<16xf32> to vector<1x16xf32>
          tpu.vector_store %swap3A_1704[%swap3A_1705, %swap3A_1706], %swap3A_1709 {add = true, strides = array<i32>} : memref<16x768xf32, #tpu.memory_space<vmem>>, vector<1x16xf32>,
          %get3A_1710 = arith.constant 10 : i32
          %get3A_1711 = arith.index_cast %get3A_1710 : i32 to index
          %get3A_1712 = arith.index_cast %multiple_of3A : i32 to index
          %get3A_1713 = tpu.vector_load %arg8[%get3A_1711, %get3A_1712] {strides = array<i32>} : memref<16x768xf32, #tpu.memory_space<vmem>>, vector<1x16xf32>,
          %get3A_1714 = vector.shape_cast %get3A_1713 : vector<1x16xf32> to vector<16xf32>
          %mul3A_1715 = arith.mulf %gather3A_1433, %get3A_1540 : vector<16xf32>
          %add3A_1716 = arith.addf %get3A_1714, %mul3A_1715 : vector<16xf32>
          %swap3A_1717 = arith.constant 10 : i32
          %swap3A_1718 = arith.constant 0 : i32
          %swap3A_1719 = arith.constant 0 : i32
          %swap3A_1720 = tpu.memref_slice %arg13[%scan3A_1514, %swap3A_1718, %swap3A_1719] : memref<4x16x768xf32, #tpu.memory_space<vmem>> -> memref<1x16x768xf32, #tpu.memory_space<vmem>>
          %swap3A_1721 = tpu.memref_squeeze %swap3A_1720 : memref<1x16x768xf32, #tpu.memory_space<vmem>> -> memref<16x768xf32, #tpu.memory_space<vmem>>
          %swap3A_1722 = arith.index_cast %swap3A_1717 : i32 to index
          %swap3A_1723 = arith.index_cast %multiple_of3A : i32 to index
          %swap3A_1724 = tpu.vector_load %swap3A_1721[%swap3A_1722, %swap3A_1723] {strides = array<i32>} : memref<16x768xf32, #tpu.memory_space<vmem>>, vector<1x16xf32>,
          %swap3A_1725 = vector.shape_cast %swap3A_1724 : vector<1x16xf32> to vector<16xf32>
          %swap3A_1726 = vector.shape_cast %add3A_1716 : vector<16xf32> to vector<1x16xf32>
          tpu.vector_store %swap3A_1721[%swap3A_1722, %swap3A_1723], %swap3A_1726 {add = true, strides = array<i32>} : memref<16x768xf32, #tpu.memory_space<vmem>>, vector<1x16xf32>,
          %get3A_1727 = arith.constant 11 : i32
          %get3A_1728 = arith.index_cast %get3A_1727 : i32 to index
          %get3A_1729 = arith.index_cast %multiple_of3A : i32 to index
          %get3A_1730 = tpu.vector_load %arg8[%get3A_1728, %get3A_1729] {strides = array<i32>} : memref<16x768xf32, #tpu.memory_space<vmem>>, vector<1x16xf32>,
          %get3A_1731 = vector.shape_cast %get3A_1730 : vector<1x16xf32> to vector<16xf32>
          %mul3A_1732 = arith.mulf %gather3A_1445, %get3A_1540 : vector<16xf32>
          %add3A_1733 = arith.addf %get3A_1731, %mul3A_1732 : vector<16xf32>
          %swap3A_1734 = arith.constant 11 : i32
          %swap3A_1735 = arith.constant 0 : i32
          %swap3A_1736 = arith.constant 0 : i32
          %swap3A_1737 = tpu.memref_slice %arg13[%scan3A_1514, %swap3A_1735, %swap3A_1736] : memref<4x16x768xf32, #tpu.memory_space<vmem>> -> memref<1x16x768xf32, #tpu.memory_space<vmem>>
          %swap3A_1738 = tpu.memref_squeeze %swap3A_1737 : memref<1x16x768xf32, #tpu.memory_space<vmem>> -> memref<16x768xf32, #tpu.memory_space<vmem>>
          %swap3A_1739 = arith.index_cast %swap3A_1734 : i32 to index
          %swap3A_1740 = arith.index_cast %multiple_of3A : i32 to index
          %swap3A_1741 = tpu.vector_load %swap3A_1738[%swap3A_1739, %swap3A_1740] {strides = array<i32>} : memref<16x768xf32, #tpu.memory_space<vmem>>, vector<1x16xf32>,
          %swap3A_1742 = vector.shape_cast %swap3A_1741 : vector<1x16xf32> to vector<16xf32>
          %swap3A_1743 = vector.shape_cast %add3A_1733 : vector<16xf32> to vector<1x16xf32>
          tpu.vector_store %swap3A_1738[%swap3A_1739, %swap3A_1740], %swap3A_1743 {add = true, strides = array<i32>} : memref<16x768xf32, #tpu.memory_space<vmem>>, vector<1x16xf32>,
          %get3A_1744 = arith.constant 12 : i32
          %get3A_1745 = arith.index_cast %get3A_1744 : i32 to index
          %get3A_1746 = arith.index_cast %multiple_of3A : i32 to index
          %get3A_1747 = tpu.vector_load %arg8[%get3A_1745, %get3A_1746] {strides = array<i32>} : memref<16x768xf32, #tpu.memory_space<vmem>>, vector<1x16xf32>,
          %get3A_1748 = vector.shape_cast %get3A_1747 : vector<1x16xf32> to vector<16xf32>
          %mul3A_1749 = arith.mulf %gather3A_1457, %get3A_1540 : vector<16xf32>
          %add3A_1750 = arith.addf %get3A_1748, %mul3A_1749 : vector<16xf32>
          %swap3A_1751 = arith.constant 12 : i32
          %swap3A_1752 = arith.constant 0 : i32
          %swap3A_1753 = arith.constant 0 : i32
          %swap3A_1754 = tpu.memref_slice %arg13[%scan3A_1514, %swap3A_1752, %swap3A_1753] : memref<4x16x768xf32, #tpu.memory_space<vmem>> -> memref<1x16x768xf32, #tpu.memory_space<vmem>>
          %swap3A_1755 = tpu.memref_squeeze %swap3A_1754 : memref<1x16x768xf32, #tpu.memory_space<vmem>> -> memref<16x768xf32, #tpu.memory_space<vmem>>
          %swap3A_1756 = arith.index_cast %swap3A_1751 : i32 to index
          %swap3A_1757 = arith.index_cast %multiple_of3A : i32 to index
          %swap3A_1758 = tpu.vector_load %swap3A_1755[%swap3A_1756, %swap3A_1757] {strides = array<i32>} : memref<16x768xf32, #tpu.memory_space<vmem>>, vector<1x16xf32>,
          %swap3A_1759 = vector.shape_cast %swap3A_1758 : vector<1x16xf32> to vector<16xf32>
          %swap3A_1760 = vector.shape_cast %add3A_1750 : vector<16xf32> to vector<1x16xf32>
          tpu.vector_store %swap3A_1755[%swap3A_1756, %swap3A_1757], %swap3A_1760 {add = true, strides = array<i32>} : memref<16x768xf32, #tpu.memory_space<vmem>>, vector<1x16xf32>,
          %get3A_1761 = arith.constant 13 : i32
          %get3A_1762 = arith.index_cast %get3A_1761 : i32 to index
          %get3A_1763 = arith.index_cast %multiple_of3A : i32 to index
          %get3A_1764 = tpu.vector_load %arg8[%get3A_1762, %get3A_1763] {strides = array<i32>} : memref<16x768xf32, #tpu.memory_space<vmem>>, vector<1x16xf32>,
          %get3A_1765 = vector.shape_cast %get3A_1764 : vector<1x16xf32> to vector<16xf32>
          %mul3A_1766 = arith.mulf %gather3A_1469, %get3A_1540 : vector<16xf32>
          %add3A_1767 = arith.addf %get3A_1765, %mul3A_1766 : vector<16xf32>
          %swap3A_1768 = arith.constant 13 : i32
          %swap3A_1769 = arith.constant 0 : i32
          %swap3A_1770 = arith.constant 0 : i32
          %swap3A_1771 = tpu.memref_slice %arg13[%scan3A_1514, %swap3A_1769, %swap3A_1770] : memref<4x16x768xf32, #tpu.memory_space<vmem>> -> memref<1x16x768xf32, #tpu.memory_space<vmem>>
          %swap3A_1772 = tpu.memref_squeeze %swap3A_1771 : memref<1x16x768xf32, #tpu.memory_space<vmem>> -> memref<16x768xf32, #tpu.memory_space<vmem>>
          %swap3A_1773 = arith.index_cast %swap3A_1768 : i32 to index
          %swap3A_1774 = arith.index_cast %multiple_of3A : i32 to index
          %swap3A_1775 = tpu.vector_load %swap3A_1772[%swap3A_1773, %swap3A_1774] {strides = array<i32>} : memref<16x768xf32, #tpu.memory_space<vmem>>, vector<1x16xf32>,
          %swap3A_1776 = vector.shape_cast %swap3A_1775 : vector<1x16xf32> to vector<16xf32>
          %swap3A_1777 = vector.shape_cast %add3A_1767 : vector<16xf32> to vector<1x16xf32>
          tpu.vector_store %swap3A_1772[%swap3A_1773, %swap3A_1774], %swap3A_1777 {add = true, strides = array<i32>} : memref<16x768xf32, #tpu.memory_space<vmem>>, vector<1x16xf32>,
          %get3A_1778 = arith.constant 14 : i32
          %get3A_1779 = arith.index_cast %get3A_1778 : i32 to index
          %get3A_1780 = arith.index_cast %multiple_of3A : i32 to index
          %get3A_1781 = tpu.vector_load %arg8[%get3A_1779, %get3A_1780] {strides = array<i32>} : memref<16x768xf32, #tpu.memory_space<vmem>>, vector<1x16xf32>,
          %get3A_1782 = vector.shape_cast %get3A_1781 : vector<1x16xf32> to vector<16xf32>
          %mul3A_1783 = arith.mulf %gather3A_1481, %get3A_1540 : vector<16xf32>
          %add3A_1784 = arith.addf %get3A_1782, %mul3A_1783 : vector<16xf32>
          %swap3A_1785 = arith.constant 14 : i32
          %swap3A_1786 = arith.constant 0 : i32
          %swap3A_1787 = arith.constant 0 : i32
          %swap3A_1788 = tpu.memref_slice %arg13[%scan3A_1514, %swap3A_1786, %swap3A_1787] : memref<4x16x768xf32, #tpu.memory_space<vmem>> -> memref<1x16x768xf32, #tpu.memory_space<vmem>>
          %swap3A_1789 = tpu.memref_squeeze %swap3A_1788 : memref<1x16x768xf32, #tpu.memory_space<vmem>> -> memref<16x768xf32, #tpu.memory_space<vmem>>
          %swap3A_1790 = arith.index_cast %swap3A_1785 : i32 to index
          %swap3A_1791 = arith.index_cast %multiple_of3A : i32 to index
          %swap3A_1792 = tpu.vector_load %swap3A_1789[%swap3A_1790, %swap3A_1791] {strides = array<i32>} : memref<16x768xf32, #tpu.memory_space<vmem>>, vector<1x16xf32>,
          %swap3A_1793 = vector.shape_cast %swap3A_1792 : vector<1x16xf32> to vector<16xf32>
          %swap3A_1794 = vector.shape_cast %add3A_1784 : vector<16xf32> to vector<1x16xf32>
          tpu.vector_store %swap3A_1789[%swap3A_1790, %swap3A_1791], %swap3A_1794 {add = true, strides = array<i32>} : memref<16x768xf32, #tpu.memory_space<vmem>>, vector<1x16xf32>,
          %get3A_1795 = arith.constant 15 : i32
          %get3A_1796 = arith.index_cast %get3A_1795 : i32 to index
          %get3A_1797 = arith.index_cast %multiple_of3A : i32 to index
          %get3A_1798 = tpu.vector_load %arg8[%get3A_1796, %get3A_1797] {strides = array<i32>} : memref<16x768xf32, #tpu.memory_space<vmem>>, vector<1x16xf32>,
          %get3A_1799 = vector.shape_cast %get3A_1798 : vector<1x16xf32> to vector<16xf32>
          %mul3A_1800 = arith.mulf %gather3A_1493, %get3A_1540 : vector<16xf32>
          %add3A_1801 = arith.addf %get3A_1799, %mul3A_1800 : vector<16xf32>
          %swap3A_1802 = arith.constant 15 : i32
          %swap3A_1803 = arith.constant 0 : i32
          %swap3A_1804 = arith.constant 0 : i32
          %swap3A_1805 = tpu.memref_slice %arg13[%scan3A_1514, %swap3A_1803, %swap3A_1804] : memref<4x16x768xf32, #tpu.memory_space<vmem>> -> memref<1x16x768xf32, #tpu.memory_space<vmem>>
          %swap3A_1806 = tpu.memref_squeeze %swap3A_1805 : memref<1x16x768xf32, #tpu.memory_space<vmem>> -> memref<16x768xf32, #tpu.memory_space<vmem>>
          %swap3A_1807 = arith.index_cast %swap3A_1802 : i32 to index
          %swap3A_1808 = arith.index_cast %multiple_of3A : i32 to index
          %swap3A_1809 = tpu.vector_load %swap3A_1806[%swap3A_1807, %swap3A_1808] {strides = array<i32>} : memref<16x768xf32, #tpu.memory_space<vmem>>, vector<1x16xf32>,
          %swap3A_1810 = vector.shape_cast %swap3A_1809 : vector<1x16xf32> to vector<16xf32>
          %swap3A_1811 = vector.shape_cast %add3A_1801 : vector<16xf32> to vector<1x16xf32>
          tpu.vector_store %swap3A_1806[%swap3A_1807, %swap3A_1808], %swap3A_1811 {add = true, strides = array<i32>} : memref<16x768xf32, #tpu.memory_space<vmem>>, vector<1x16xf32>,
        }
        %scan3A_1519 = arith.constant 48 : i32
        %dma_start3A_1520 = arith.constant 3 : i32
        %dma_start3A_1521 = arith.constant 0 : i32
        %dma_start3A_1522 = arith.constant 0 : i32
        %dma_start3A_1523 = tpu.memref_slice %arg13[%dma_start3A_1520, %dma_start3A_1521, %dma_start3A_1522] : memref<4x16x768xf32, #tpu.memory_space<vmem>> -> memref<1x16x768xf32, #tpu.memory_space<vmem>>
        %dma_start3A_1524 = tpu.memref_squeeze %dma_start3A_1523 : memref<1x16x768xf32, #tpu.memory_space<vmem>> -> memref<16x768xf32, #tpu.memory_space<vmem>>
        %dma_start3A_1525 = arith.constant 0 : i32
        %dma_start3A_1526 = tpu.memref_slice %arg7[%sub3A_1295, %mul3A_2, %dma_start3A_1525] : memref<64x512x768xf32, #tpu.memory_space<hbm>> -> memref<1x16x768xf32, #tpu.memory_space<hbm>>
        %dma_start3A_1527 = tpu.memref_squeeze %dma_start3A_1526 : memref<1x16x768xf32, #tpu.memory_space<hbm>> -> memref<16x768xf32, #tpu.memory_space<hbm>>
        %dma_start3A_1528 = arith.constant 0 : i32
        %dma_start3A_1529 = tpu.memref_slice %arg7[%sub3A_1295, %mul3A_2, %dma_start3A_1528] : memref<64x512x768xf32, #tpu.memory_space<hbm>> -> memref<1x16x768xf32, #tpu.memory_space<hbm>>
        %dma_start3A_1530 = tpu.memref_squeeze %dma_start3A_1529 : memref<1x16x768xf32, #tpu.memory_space<hbm>> -> memref<16x768xf32, #tpu.memory_space<hbm>>
        %dma_start3A_1531 = arith.constant 0 : i32
        %dma_start3A_1532 = arith.constant 0 : i32
        %dma_start3A_1533 = tpu.memref_slice %arg13[%dma_start3A_1520, %dma_start3A_1531, %dma_start3A_1532] : memref<4x16x768xf32, #tpu.memory_space<vmem>> -> memref<1x16x768xf32, #tpu.memory_space<vmem>>
        %dma_start3A_1534 = tpu.memref_squeeze %dma_start3A_1533 : memref<1x16x768xf32, #tpu.memory_space<vmem>> -> memref<16x768xf32, #tpu.memory_space<vmem>>
        tpu.enqueue_dma source(%dma_start3A_1534 : memref<16x768xf32, #tpu.memory_space<vmem>>) target(%dma_start3A_1530 : memref<16x768xf32, #tpu.memory_space<hbm>>) target_semaphore(%arg21 : memref<!tpu.dma_semaphore, #tpu.memory_space<semaphore_mem>>)
      } else {
      }
      %mul3A_727 = arith.constant 4 : i32
      %mul3A_728 = arith.muli %scan3A_632, %mul3A_727 : i32
      %add3A_729 = arith.constant 2 : i32
      %add3A_730 = arith.addi %mul3A_728, %add3A_729 : i32
      %ge3A_731 = arith.constant 1 : i32
      %ge3A_732 = arith.cmpi sge, %scan3A_632, %ge3A_731 : i32
      %convert_element_type3A_733 = arith.extui %ge3A_732 : i1 to i32
      %cond3A_734 = arith.constant 0 : i32
      %cond3A_735 = arith.cmpi ne, %convert_element_type3A_733, %cond3A_734 : i32
      scf.if %cond3A_735 {
        %dma_wait3A_1294 = arith.constant 2 : i32
        %dma_wait3A_1295 = arith.constant 0 : i32
        %dma_wait3A_1296 = arith.constant 0 : i32
        %dma_wait3A_1297 = arith.constant 0 : i32
        %dma_wait3A_1298 = tpu.memref_slice %arg13[%dma_wait3A_1294, %dma_wait3A_1296, %dma_wait3A_1297] : memref<4x16x768xf32, #tpu.memory_space<vmem>> -> memref<1x16x768xf32, #tpu.memory_space<vmem>>
        %dma_wait3A_1299 = tpu.memref_squeeze %dma_wait3A_1298 : memref<1x16x768xf32, #tpu.memory_space<vmem>> -> memref<16x768xf32, #tpu.memory_space<vmem>>
        %dma_wait3A_1300 = arith.constant 0 : i32
        %dma_wait3A_1301 = tpu.memref_slice %arg7[%dma_wait3A_1295, %mul3A_2, %dma_wait3A_1300] : memref<64x512x768xf32, #tpu.memory_space<hbm>> -> memref<1x16x768xf32, #tpu.memory_space<hbm>>
        %dma_wait3A_1302 = tpu.memref_squeeze %dma_wait3A_1301 : memref<1x16x768xf32, #tpu.memory_space<hbm>> -> memref<16x768xf32, #tpu.memory_space<hbm>>
        %dma_wait3A_1303 = arith.constant 0 : i32
        %dma_wait3A_1304 = tpu.memref_slice %arg7[%dma_wait3A_1295, %mul3A_2, %dma_wait3A_1303] : memref<64x512x768xf32, #tpu.memory_space<hbm>> -> memref<1x16x768xf32, #tpu.memory_space<hbm>>
        %dma_wait3A_1305 = tpu.memref_squeeze %dma_wait3A_1304 : memref<1x16x768xf32, #tpu.memory_space<hbm>> -> memref<16x768xf32, #tpu.memory_space<hbm>>
        %dma_wait3A_1306 = arith.constant 0 : i32
        %dma_wait3A_1307 = arith.constant 0 : i32
        %dma_wait3A_1308 = tpu.memref_slice %arg13[%dma_wait3A_1294, %dma_wait3A_1306, %dma_wait3A_1307] : memref<4x16x768xf32, #tpu.memory_space<vmem>> -> memref<1x16x768xf32, #tpu.memory_space<vmem>>
        %dma_wait3A_1309 = tpu.memref_squeeze %dma_wait3A_1308 : memref<1x16x768xf32, #tpu.memory_space<vmem>> -> memref<16x768xf32, #tpu.memory_space<vmem>>
        tpu.wait_dma2 semaphore(%arg20 : memref<!tpu.dma_semaphore, #tpu.memory_space<semaphore_mem>>) src(%dma_wait3A_1309 : memref<16x768xf32, #tpu.memory_space<vmem>>) dst(%dma_wait3A_1305 : memref<16x768xf32, #tpu.memory_space<hbm>>)
      } else {
      }
      %dma_wait3A_736 = arith.constant 2 : i32
      %dma_wait3A_737 = arith.constant 0 : i32
      %dma_wait3A_738 = tpu.memref_slice %arg11[%dma_wait3A_736, %dma_wait3A_737] : memref<4x16xi32, #tpu.memory_space<vmem>> -> memref<1x16xi32, #tpu.memory_space<vmem>>
      %dma_wait3A_739 = tpu.memref_squeeze %dma_wait3A_738 : memref<1x16xi32, #tpu.memory_space<vmem>> -> memref<16xi32, #tpu.memory_space<vmem>>
      %dma_wait3A_740 = tpu.memref_slice %arg2[%add3A_730, %mul3A_2] : memref<64x512xi32, #tpu.memory_space<hbm>> -> memref<1x16xi32, #tpu.memory_space<hbm>>
      %dma_wait3A_741 = tpu.memref_squeeze %dma_wait3A_740 : memref<1x16xi32, #tpu.memory_space<hbm>> -> memref<16xi32, #tpu.memory_space<hbm>>
      %dma_wait3A_742 = arith.constant 0 : i32
      %dma_wait3A_743 = tpu.memref_slice %arg11[%dma_wait3A_736, %dma_wait3A_742] : memref<4x16xi32, #tpu.memory_space<vmem>> -> memref<1x16xi32, #tpu.memory_space<vmem>>
      %dma_wait3A_744 = tpu.memref_squeeze %dma_wait3A_743 : memref<1x16xi32, #tpu.memory_space<vmem>> -> memref<16xi32, #tpu.memory_space<vmem>>
      %dma_wait3A_745 = tpu.memref_slice %arg2[%add3A_730, %mul3A_2] : memref<64x512xi32, #tpu.memory_space<hbm>> -> memref<1x16xi32, #tpu.memory_space<hbm>>
      %dma_wait3A_746 = tpu.memref_squeeze %dma_wait3A_745 : memref<1x16xi32, #tpu.memory_space<hbm>> -> memref<16xi32, #tpu.memory_space<hbm>>
      tpu.wait_dma2 semaphore(%arg24 : memref<!tpu.dma_semaphore, #tpu.memory_space<semaphore_mem>>) src(%dma_wait3A_746 : memref<16xi32, #tpu.memory_space<hbm>>) dst(%dma_wait3A_744 : memref<16xi32, #tpu.memory_space<vmem>>)
      %dma_wait3A_747 = arith.constant 2 : i32
      %dma_wait3A_748 = arith.constant 0 : i32
      %dma_wait3A_749 = tpu.memref_slice %arg12[%dma_wait3A_747, %dma_wait3A_748] : memref<4x16xi32, #tpu.memory_space<vmem>> -> memref<1x16xi32, #tpu.memory_space<vmem>>
      %dma_wait3A_750 = tpu.memref_squeeze %dma_wait3A_749 : memref<1x16xi32, #tpu.memory_space<vmem>> -> memref<16xi32, #tpu.memory_space<vmem>>
      %dma_wait3A_751 = tpu.memref_slice %arg3[%add3A_730, %mul3A_2] : memref<64x512xi32, #tpu.memory_space<hbm>> -> memref<1x16xi32, #tpu.memory_space<hbm>>
      %dma_wait3A_752 = tpu.memref_squeeze %dma_wait3A_751 : memref<1x16xi32, #tpu.memory_space<hbm>> -> memref<16xi32, #tpu.memory_space<hbm>>
      %dma_wait3A_753 = arith.constant 0 : i32
      %dma_wait3A_754 = tpu.memref_slice %arg12[%dma_wait3A_747, %dma_wait3A_753] : memref<4x16xi32, #tpu.memory_space<vmem>> -> memref<1x16xi32, #tpu.memory_space<vmem>>
      %dma_wait3A_755 = tpu.memref_squeeze %dma_wait3A_754 : memref<1x16xi32, #tpu.memory_space<vmem>> -> memref<16xi32, #tpu.memory_space<vmem>>
      %dma_wait3A_756 = tpu.memref_slice %arg3[%add3A_730, %mul3A_2] : memref<64x512xi32, #tpu.memory_space<hbm>> -> memref<1x16xi32, #tpu.memory_space<hbm>>
      %dma_wait3A_757 = tpu.memref_squeeze %dma_wait3A_756 : memref<1x16xi32, #tpu.memory_space<hbm>> -> memref<16xi32, #tpu.memory_space<hbm>>
      tpu.wait_dma2 semaphore(%arg24 : memref<!tpu.dma_semaphore, #tpu.memory_space<semaphore_mem>>) src(%dma_wait3A_757 : memref<16xi32, #tpu.memory_space<hbm>>) dst(%dma_wait3A_755 : memref<16xi32, #tpu.memory_space<vmem>>)
      %dma_start3A_758 = arith.constant 2 : i32
      %dma_start3A_759 = arith.constant 2 : i32
      %dma_start3A_760 = arith.constant 0 : i32
      %dma_start3A_761 = arith.constant 0 : i32
      %dma_start3A_762 = tpu.memref_slice %arg13[%dma_start3A_759, %dma_start3A_760, %dma_start3A_761] : memref<4x16x768xf32, #tpu.memory_space<vmem>> -> memref<1x16x768xf32, #tpu.memory_space<vmem>>
      %dma_start3A_763 = tpu.memref_squeeze %dma_start3A_762 : memref<1x16x768xf32, #tpu.memory_space<vmem>> -> memref<16x768xf32, #tpu.memory_space<vmem>>
      %dma_start3A_764 = arith.constant 0 : i32
      %dma_start3A_765 = tpu.memref_slice %arg11[%dma_start3A_758, %dma_start3A_764] : memref<4x16xi32, #tpu.memory_space<vmem>> -> memref<1x16xi32, #tpu.memory_space<vmem>>
      %dma_start3A_766 = tpu.memref_squeeze %dma_start3A_765 : memref<1x16xi32, #tpu.memory_space<vmem>> -> memref<16xi32, #tpu.memory_space<vmem>>
      %dma_start3A_767 = arith.constant 0 : i32
      %dma_start3A_768 = arith.constant 0 : i32
      %dma_start3A_769 = tpu.memref_slice %arg4[%dma_start3A_767, %dma_start3A_768] : memref<100000x768xf32, #tpu.memory_space<hbm>> -> memref<100000x768xf32, #tpu.memory_space<hbm>>
      tpu.enqueue_indirect_dma source(%dma_start3A_769 : memref<100000x768xf32, #tpu.memory_space<hbm>>) target(%dma_start3A_763 : memref<16x768xf32, #tpu.memory_space<vmem>>) offsets(%dma_start3A_766 : memref<16xi32, #tpu.memory_space<vmem>>) semaphore(%arg16 : memref<!tpu.dma_semaphore, #tpu.memory_space<semaphore_mem>>)
      %sub3A = arith.constant 2 : i32
      %sub3A_770 = arith.subi %add3A_730, %sub3A : i32
      %get3A_771 = arith.constant 0 : i32
      %get3A_772 = arith.index_cast %get3A_771 : i32 to index
      %get3A_773 = arith.constant 0 : index
      %get3A_774 = tpu.vector_load %arg12[%get3A_772, %get3A_773] {strides = array<i32>} : memref<4x16xi32, #tpu.memory_space<vmem>>, vector<1x16xi32>,
      %get3A_775 = vector.shape_cast %get3A_774 : vector<1x16xi32> to vector<16xi32>
      %convert_element_type3A_776 = arith.sitofp %get3A_775 : vector<16xi32> to vector<16xf32>
      %broadcast_in_dim3A_777 = arith.constant 0 : i32
      %broadcast_in_dim3A_778 = vector.broadcast %broadcast_in_dim3A_777 : i32 to vector<16xi32>
      %lt3A_779 = arith.constant 0 : i32
      %lt3A_780 = vector.broadcast %lt3A_779 : i32 to vector<16xi32>
      %lt3A_781 = arith.cmpi slt, %broadcast_in_dim3A_778, %lt3A_780 : vector<16xi32>
      %add3A_782 = arith.constant 16 : i32
      %add3A_783 = vector.broadcast %add3A_782 : i32 to vector<16xi32>
      %add3A_784 = arith.addi %broadcast_in_dim3A_778, %add3A_783 : vector<16xi32>
      %select_n3A_785 = arith.select %lt3A_781, %add3A_784, %broadcast_in_dim3A_778 : vector<16xi1>, vector<16xi32>
      %broadcast_in_dim3A_786 = vector.shape_cast %select_n3A_785 : vector<16xi32> to vector<16x1xi32>
      %gather3A_787 = vector.shape_cast %broadcast_in_dim3A_786 : vector<16x1xi32> to vector<16xi32>
      %gather3A_788 = tpu.dynamic_gather %convert_element_type3A_776[%gather3A_787] in [0] : vector<16xf32>, vector<16xi32> -> vector<16xf32>
      %broadcast_in_dim3A_789 = arith.constant 1 : i32
      %broadcast_in_dim3A_790 = vector.broadcast %broadcast_in_dim3A_789 : i32 to vector<16xi32>
      %lt3A_791 = arith.constant 0 : i32
      %lt3A_792 = vector.broadcast %lt3A_791 : i32 to vector<16xi32>
      %lt3A_793 = arith.cmpi slt, %broadcast_in_dim3A_790, %lt3A_792 : vector<16xi32>
      %add3A_794 = arith.constant 16 : i32
      %add3A_795 = vector.broadcast %add3A_794 : i32 to vector<16xi32>
      %add3A_796 = arith.addi %broadcast_in_dim3A_790, %add3A_795 : vector<16xi32>
      %select_n3A_797 = arith.select %lt3A_793, %add3A_796, %broadcast_in_dim3A_790 : vector<16xi1>, vector<16xi32>
      %broadcast_in_dim3A_798 = vector.shape_cast %select_n3A_797 : vector<16xi32> to vector<16x1xi32>
      %gather3A_799 = vector.shape_cast %broadcast_in_dim3A_798 : vector<16x1xi32> to vector<16xi32>
      %gather3A_800 = tpu.dynamic_gather %convert_element_type3A_776[%gather3A_799] in [0] : vector<16xf32>, vector<16xi32> -> vector<16xf32>
      %broadcast_in_dim3A_801 = arith.constant 2 : i32
      %broadcast_in_dim3A_802 = vector.broadcast %broadcast_in_dim3A_801 : i32 to vector<16xi32>
      %lt3A_803 = arith.constant 0 : i32
      %lt3A_804 = vector.broadcast %lt3A_803 : i32 to vector<16xi32>
      %lt3A_805 = arith.cmpi slt, %broadcast_in_dim3A_802, %lt3A_804 : vector<16xi32>
      %add3A_806 = arith.constant 16 : i32
      %add3A_807 = vector.broadcast %add3A_806 : i32 to vector<16xi32>
      %add3A_808 = arith.addi %broadcast_in_dim3A_802, %add3A_807 : vector<16xi32>
      %select_n3A_809 = arith.select %lt3A_805, %add3A_808, %broadcast_in_dim3A_802 : vector<16xi1>, vector<16xi32>
      %broadcast_in_dim3A_810 = vector.shape_cast %select_n3A_809 : vector<16xi32> to vector<16x1xi32>
      %gather3A_811 = vector.shape_cast %broadcast_in_dim3A_810 : vector<16x1xi32> to vector<16xi32>
      %gather3A_812 = tpu.dynamic_gather %convert_element_type3A_776[%gather3A_811] in [0] : vector<16xf32>, vector<16xi32> -> vector<16xf32>
      %broadcast_in_dim3A_813 = arith.constant 3 : i32
      %broadcast_in_dim3A_814 = vector.broadcast %broadcast_in_dim3A_813 : i32 to vector<16xi32>
      %lt3A_815 = arith.constant 0 : i32
      %lt3A_816 = vector.broadcast %lt3A_815 : i32 to vector<16xi32>
      %lt3A_817 = arith.cmpi slt, %broadcast_in_dim3A_814, %lt3A_816 : vector<16xi32>
      %add3A_818 = arith.constant 16 : i32
      %add3A_819 = vector.broadcast %add3A_818 : i32 to vector<16xi32>
      %add3A_820 = arith.addi %broadcast_in_dim3A_814, %add3A_819 : vector<16xi32>
      %select_n3A_821 = arith.select %lt3A_817, %add3A_820, %broadcast_in_dim3A_814 : vector<16xi1>, vector<16xi32>
      %broadcast_in_dim3A_822 = vector.shape_cast %select_n3A_821 : vector<16xi32> to vector<16x1xi32>
      %gather3A_823 = vector.shape_cast %broadcast_in_dim3A_822 : vector<16x1xi32> to vector<16xi32>
      %gather3A_824 = tpu.dynamic_gather %convert_element_type3A_776[%gather3A_823] in [0] : vector<16xf32>, vector<16xi32> -> vector<16xf32>
      %broadcast_in_dim3A_825 = arith.constant 4 : i32
      %broadcast_in_dim3A_826 = vector.broadcast %broadcast_in_dim3A_825 : i32 to vector<16xi32>
      %lt3A_827 = arith.constant 0 : i32
      %lt3A_828 = vector.broadcast %lt3A_827 : i32 to vector<16xi32>
      %lt3A_829 = arith.cmpi slt, %broadcast_in_dim3A_826, %lt3A_828 : vector<16xi32>
      %add3A_830 = arith.constant 16 : i32
      %add3A_831 = vector.broadcast %add3A_830 : i32 to vector<16xi32>
      %add3A_832 = arith.addi %broadcast_in_dim3A_826, %add3A_831 : vector<16xi32>
      %select_n3A_833 = arith.select %lt3A_829, %add3A_832, %broadcast_in_dim3A_826 : vector<16xi1>, vector<16xi32>
      %broadcast_in_dim3A_834 = vector.shape_cast %select_n3A_833 : vector<16xi32> to vector<16x1xi32>
      %gather3A_835 = vector.shape_cast %broadcast_in_dim3A_834 : vector<16x1xi32> to vector<16xi32>
      %gather3A_836 = tpu.dynamic_gather %convert_element_type3A_776[%gather3A_835] in [0] : vector<16xf32>, vector<16xi32> -> vector<16xf32>
      %broadcast_in_dim3A_837 = arith.constant 5 : i32
      %broadcast_in_dim3A_838 = vector.broadcast %broadcast_in_dim3A_837 : i32 to vector<16xi32>
      %lt3A_839 = arith.constant 0 : i32
      %lt3A_840 = vector.broadcast %lt3A_839 : i32 to vector<16xi32>
      %lt3A_841 = arith.cmpi slt, %broadcast_in_dim3A_838, %lt3A_840 : vector<16xi32>
      %add3A_842 = arith.constant 16 : i32
      %add3A_843 = vector.broadcast %add3A_842 : i32 to vector<16xi32>
      %add3A_844 = arith.addi %broadcast_in_dim3A_838, %add3A_843 : vector<16xi32>
      %select_n3A_845 = arith.select %lt3A_841, %add3A_844, %broadcast_in_dim3A_838 : vector<16xi1>, vector<16xi32>
      %broadcast_in_dim3A_846 = vector.shape_cast %select_n3A_845 : vector<16xi32> to vector<16x1xi32>
      %gather3A_847 = vector.shape_cast %broadcast_in_dim3A_846 : vector<16x1xi32> to vector<16xi32>
      %gather3A_848 = tpu.dynamic_gather %convert_element_type3A_776[%gather3A_847] in [0] : vector<16xf32>, vector<16xi32> -> vector<16xf32>
      %broadcast_in_dim3A_849 = arith.constant 6 : i32
      %broadcast_in_dim3A_850 = vector.broadcast %broadcast_in_dim3A_849 : i32 to vector<16xi32>
      %lt3A_851 = arith.constant 0 : i32
      %lt3A_852 = vector.broadcast %lt3A_851 : i32 to vector<16xi32>
      %lt3A_853 = arith.cmpi slt, %broadcast_in_dim3A_850, %lt3A_852 : vector<16xi32>
      %add3A_854 = arith.constant 16 : i32
      %add3A_855 = vector.broadcast %add3A_854 : i32 to vector<16xi32>
      %add3A_856 = arith.addi %broadcast_in_dim3A_850, %add3A_855 : vector<16xi32>
      %select_n3A_857 = arith.select %lt3A_853, %add3A_856, %broadcast_in_dim3A_850 : vector<16xi1>, vector<16xi32>
      %broadcast_in_dim3A_858 = vector.shape_cast %select_n3A_857 : vector<16xi32> to vector<16x1xi32>
      %gather3A_859 = vector.shape_cast %broadcast_in_dim3A_858 : vector<16x1xi32> to vector<16xi32>
      %gather3A_860 = tpu.dynamic_gather %convert_element_type3A_776[%gather3A_859] in [0] : vector<16xf32>, vector<16xi32> -> vector<16xf32>
      %broadcast_in_dim3A_861 = arith.constant 7 : i32
      %broadcast_in_dim3A_862 = vector.broadcast %broadcast_in_dim3A_861 : i32 to vector<16xi32>
      %lt3A_863 = arith.constant 0 : i32
      %lt3A_864 = vector.broadcast %lt3A_863 : i32 to vector<16xi32>
      %lt3A_865 = arith.cmpi slt, %broadcast_in_dim3A_862, %lt3A_864 : vector<16xi32>
      %add3A_866 = arith.constant 16 : i32
      %add3A_867 = vector.broadcast %add3A_866 : i32 to vector<16xi32>
      %add3A_868 = arith.addi %broadcast_in_dim3A_862, %add3A_867 : vector<16xi32>
      %select_n3A_869 = arith.select %lt3A_865, %add3A_868, %broadcast_in_dim3A_862 : vector<16xi1>, vector<16xi32>
      %broadcast_in_dim3A_870 = vector.shape_cast %select_n3A_869 : vector<16xi32> to vector<16x1xi32>
      %gather3A_871 = vector.shape_cast %broadcast_in_dim3A_870 : vector<16x1xi32> to vector<16xi32>
      %gather3A_872 = tpu.dynamic_gather %convert_element_type3A_776[%gather3A_871] in [0] : vector<16xf32>, vector<16xi32> -> vector<16xf32>
      %broadcast_in_dim3A_873 = arith.constant 8 : i32
      %broadcast_in_dim3A_874 = vector.broadcast %broadcast_in_dim3A_873 : i32 to vector<16xi32>
      %lt3A_875 = arith.constant 0 : i32
      %lt3A_876 = vector.broadcast %lt3A_875 : i32 to vector<16xi32>
      %lt3A_877 = arith.cmpi slt, %broadcast_in_dim3A_874, %lt3A_876 : vector<16xi32>
      %add3A_878 = arith.constant 16 : i32
      %add3A_879 = vector.broadcast %add3A_878 : i32 to vector<16xi32>
      %add3A_880 = arith.addi %broadcast_in_dim3A_874, %add3A_879 : vector<16xi32>
      %select_n3A_881 = arith.select %lt3A_877, %add3A_880, %broadcast_in_dim3A_874 : vector<16xi1>, vector<16xi32>
      %broadcast_in_dim3A_882 = vector.shape_cast %select_n3A_881 : vector<16xi32> to vector<16x1xi32>
      %gather3A_883 = vector.shape_cast %broadcast_in_dim3A_882 : vector<16x1xi32> to vector<16xi32>
      %gather3A_884 = tpu.dynamic_gather %convert_element_type3A_776[%gather3A_883] in [0] : vector<16xf32>, vector<16xi32> -> vector<16xf32>
      %broadcast_in_dim3A_885 = arith.constant 9 : i32
      %broadcast_in_dim3A_886 = vector.broadcast %broadcast_in_dim3A_885 : i32 to vector<16xi32>
      %lt3A_887 = arith.constant 0 : i32
      %lt3A_888 = vector.broadcast %lt3A_887 : i32 to vector<16xi32>
      %lt3A_889 = arith.cmpi slt, %broadcast_in_dim3A_886, %lt3A_888 : vector<16xi32>
      %add3A_890 = arith.constant 16 : i32
      %add3A_891 = vector.broadcast %add3A_890 : i32 to vector<16xi32>
      %add3A_892 = arith.addi %broadcast_in_dim3A_886, %add3A_891 : vector<16xi32>
      %select_n3A_893 = arith.select %lt3A_889, %add3A_892, %broadcast_in_dim3A_886 : vector<16xi1>, vector<16xi32>
      %broadcast_in_dim3A_894 = vector.shape_cast %select_n3A_893 : vector<16xi32> to vector<16x1xi32>
      %gather3A_895 = vector.shape_cast %broadcast_in_dim3A_894 : vector<16x1xi32> to vector<16xi32>
      %gather3A_896 = tpu.dynamic_gather %convert_element_type3A_776[%gather3A_895] in [0] : vector<16xf32>, vector<16xi32> -> vector<16xf32>
      %broadcast_in_dim3A_897 = arith.constant 10 : i32
      %broadcast_in_dim3A_898 = vector.broadcast %broadcast_in_dim3A_897 : i32 to vector<16xi32>
      %lt3A_899 = arith.constant 0 : i32
      %lt3A_900 = vector.broadcast %lt3A_899 : i32 to vector<16xi32>
      %lt3A_901 = arith.cmpi slt, %broadcast_in_dim3A_898, %lt3A_900 : vector<16xi32>
      %add3A_902 = arith.constant 16 : i32
      %add3A_903 = vector.broadcast %add3A_902 : i32 to vector<16xi32>
      %add3A_904 = arith.addi %broadcast_in_dim3A_898, %add3A_903 : vector<16xi32>
      %select_n3A_905 = arith.select %lt3A_901, %add3A_904, %broadcast_in_dim3A_898 : vector<16xi1>, vector<16xi32>
      %broadcast_in_dim3A_906 = vector.shape_cast %select_n3A_905 : vector<16xi32> to vector<16x1xi32>
      %gather3A_907 = vector.shape_cast %broadcast_in_dim3A_906 : vector<16x1xi32> to vector<16xi32>
      %gather3A_908 = tpu.dynamic_gather %convert_element_type3A_776[%gather3A_907] in [0] : vector<16xf32>, vector<16xi32> -> vector<16xf32>
      %broadcast_in_dim3A_909 = arith.constant 11 : i32
      %broadcast_in_dim3A_910 = vector.broadcast %broadcast_in_dim3A_909 : i32 to vector<16xi32>
      %lt3A_911 = arith.constant 0 : i32
      %lt3A_912 = vector.broadcast %lt3A_911 : i32 to vector<16xi32>
      %lt3A_913 = arith.cmpi slt, %broadcast_in_dim3A_910, %lt3A_912 : vector<16xi32>
      %add3A_914 = arith.constant 16 : i32
      %add3A_915 = vector.broadcast %add3A_914 : i32 to vector<16xi32>
      %add3A_916 = arith.addi %broadcast_in_dim3A_910, %add3A_915 : vector<16xi32>
      %select_n3A_917 = arith.select %lt3A_913, %add3A_916, %broadcast_in_dim3A_910 : vector<16xi1>, vector<16xi32>
      %broadcast_in_dim3A_918 = vector.shape_cast %select_n3A_917 : vector<16xi32> to vector<16x1xi32>
      %gather3A_919 = vector.shape_cast %broadcast_in_dim3A_918 : vector<16x1xi32> to vector<16xi32>
      %gather3A_920 = tpu.dynamic_gather %convert_element_type3A_776[%gather3A_919] in [0] : vector<16xf32>, vector<16xi32> -> vector<16xf32>
      %broadcast_in_dim3A_921 = arith.constant 12 : i32
      %broadcast_in_dim3A_922 = vector.broadcast %broadcast_in_dim3A_921 : i32 to vector<16xi32>
      %lt3A_923 = arith.constant 0 : i32
      %lt3A_924 = vector.broadcast %lt3A_923 : i32 to vector<16xi32>
      %lt3A_925 = arith.cmpi slt, %broadcast_in_dim3A_922, %lt3A_924 : vector<16xi32>
      %add3A_926 = arith.constant 16 : i32
      %add3A_927 = vector.broadcast %add3A_926 : i32 to vector<16xi32>
      %add3A_928 = arith.addi %broadcast_in_dim3A_922, %add3A_927 : vector<16xi32>
      %select_n3A_929 = arith.select %lt3A_925, %add3A_928, %broadcast_in_dim3A_922 : vector<16xi1>, vector<16xi32>
      %broadcast_in_dim3A_930 = vector.shape_cast %select_n3A_929 : vector<16xi32> to vector<16x1xi32>
      %gather3A_931 = vector.shape_cast %broadcast_in_dim3A_930 : vector<16x1xi32> to vector<16xi32>
      %gather3A_932 = tpu.dynamic_gather %convert_element_type3A_776[%gather3A_931] in [0] : vector<16xf32>, vector<16xi32> -> vector<16xf32>
      %broadcast_in_dim3A_933 = arith.constant 13 : i32
      %broadcast_in_dim3A_934 = vector.broadcast %broadcast_in_dim3A_933 : i32 to vector<16xi32>
      %lt3A_935 = arith.constant 0 : i32
      %lt3A_936 = vector.broadcast %lt3A_935 : i32 to vector<16xi32>
      %lt3A_937 = arith.cmpi slt, %broadcast_in_dim3A_934, %lt3A_936 : vector<16xi32>
      %add3A_938 = arith.constant 16 : i32
      %add3A_939 = vector.broadcast %add3A_938 : i32 to vector<16xi32>
      %add3A_940 = arith.addi %broadcast_in_dim3A_934, %add3A_939 : vector<16xi32>
      %select_n3A_941 = arith.select %lt3A_937, %add3A_940, %broadcast_in_dim3A_934 : vector<16xi1>, vector<16xi32>
      %broadcast_in_dim3A_942 = vector.shape_cast %select_n3A_941 : vector<16xi32> to vector<16x1xi32>
      %gather3A_943 = vector.shape_cast %broadcast_in_dim3A_942 : vector<16x1xi32> to vector<16xi32>
      %gather3A_944 = tpu.dynamic_gather %convert_element_type3A_776[%gather3A_943] in [0] : vector<16xf32>, vector<16xi32> -> vector<16xf32>
      %broadcast_in_dim3A_945 = arith.constant 14 : i32
      %broadcast_in_dim3A_946 = vector.broadcast %broadcast_in_dim3A_945 : i32 to vector<16xi32>
      %lt3A_947 = arith.constant 0 : i32
      %lt3A_948 = vector.broadcast %lt3A_947 : i32 to vector<16xi32>
      %lt3A_949 = arith.cmpi slt, %broadcast_in_dim3A_946, %lt3A_948 : vector<16xi32>
      %add3A_950 = arith.constant 16 : i32
      %add3A_951 = vector.broadcast %add3A_950 : i32 to vector<16xi32>
      %add3A_952 = arith.addi %broadcast_in_dim3A_946, %add3A_951 : vector<16xi32>
      %select_n3A_953 = arith.select %lt3A_949, %add3A_952, %broadcast_in_dim3A_946 : vector<16xi1>, vector<16xi32>
      %broadcast_in_dim3A_954 = vector.shape_cast %select_n3A_953 : vector<16xi32> to vector<16x1xi32>
      %gather3A_955 = vector.shape_cast %broadcast_in_dim3A_954 : vector<16x1xi32> to vector<16xi32>
      %gather3A_956 = tpu.dynamic_gather %convert_element_type3A_776[%gather3A_955] in [0] : vector<16xf32>, vector<16xi32> -> vector<16xf32>
      %broadcast_in_dim3A_957 = arith.constant 15 : i32
      %broadcast_in_dim3A_958 = vector.broadcast %broadcast_in_dim3A_957 : i32 to vector<16xi32>
      %lt3A_959 = arith.constant 0 : i32
      %lt3A_960 = vector.broadcast %lt3A_959 : i32 to vector<16xi32>
      %lt3A_961 = arith.cmpi slt, %broadcast_in_dim3A_958, %lt3A_960 : vector<16xi32>
      %add3A_962 = arith.constant 16 : i32
      %add3A_963 = vector.broadcast %add3A_962 : i32 to vector<16xi32>
      %add3A_964 = arith.addi %broadcast_in_dim3A_958, %add3A_963 : vector<16xi32>
      %select_n3A_965 = arith.select %lt3A_961, %add3A_964, %broadcast_in_dim3A_958 : vector<16xi1>, vector<16xi32>
      %broadcast_in_dim3A_966 = vector.shape_cast %select_n3A_965 : vector<16xi32> to vector<16x1xi32>
      %gather3A_967 = vector.shape_cast %broadcast_in_dim3A_966 : vector<16x1xi32> to vector<16xi32>
      %gather3A_968 = tpu.dynamic_gather %convert_element_type3A_776[%gather3A_967] in [0] : vector<16xf32>, vector<16xi32> -> vector<16xf32>
      %dma_wait3A_969 = arith.constant 0 : i32
      %dma_wait3A_970 = arith.constant 0 : i32
      %dma_wait3A_971 = arith.constant 0 : i32
      %dma_wait3A_972 = arith.constant 0 : i32
      %dma_wait3A_973 = tpu.memref_slice %arg13[%dma_wait3A_970, %dma_wait3A_971, %dma_wait3A_972] : memref<4x16x768xf32, #tpu.memory_space<vmem>> -> memref<1x16x768xf32, #tpu.memory_space<vmem>>
      %dma_wait3A_974 = tpu.memref_squeeze %dma_wait3A_973 : memref<1x16x768xf32, #tpu.memory_space<vmem>> -> memref<16x768xf32, #tpu.memory_space<vmem>>
      %dma_wait3A_975 = arith.constant 0 : i32
      %dma_wait3A_976 = tpu.memref_slice %arg11[%dma_wait3A_969, %dma_wait3A_975] : memref<4x16xi32, #tpu.memory_space<vmem>> -> memref<1x16xi32, #tpu.memory_space<vmem>>
      %dma_wait3A_977 = tpu.memref_squeeze %dma_wait3A_976 : memref<1x16xi32, #tpu.memory_space<vmem>> -> memref<16xi32, #tpu.memory_space<vmem>>
      %dma_wait3A_978 = arith.constant 0 : i32
      %dma_wait3A_979 = arith.constant 0 : i32
      %dma_wait3A_980 = tpu.memref_slice %arg4[%dma_wait3A_978, %dma_wait3A_979] : memref<100000x768xf32, #tpu.memory_space<hbm>> -> memref<100000x768xf32, #tpu.memory_space<hbm>>
      tpu.wait_indirect_dma semaphore(%arg14 : memref<!tpu.dma_semaphore, #tpu.memory_space<semaphore_mem>>) src(%dma_wait3A_980 : memref<100000x768xf32, #tpu.memory_space<hbm>>) dst(%dma_wait3A_974 : memref<16x768xf32, #tpu.memory_space<vmem>>)
      %add3A_981 = arith.constant 4 : i32
      %add3A_982 = arith.addi %sub3A_770, %add3A_981 : i32
      %lt3A_983 = arith.constant 64 : i32
      %lt3A_984 = arith.cmpi slt, %add3A_982, %lt3A_983 : i32
      %convert_element_type3A_985 = arith.extui %lt3A_984 : i1 to i32
      %cond3A_986 = arith.constant 0 : i32
      %cond3A_987 = arith.cmpi ne, %convert_element_type3A_985, %cond3A_986 : i32
      scf.if %cond3A_987 {
        %add3A_1294 = arith.constant 4 : i32
        %add3A_1295 = arith.addi %sub3A_770, %add3A_1294 : i32
        %dma_start3A_1296 = arith.constant 0 : i32
        %dma_start3A_1297 = arith.constant 0 : i32
        %dma_start3A_1298 = tpu.memref_slice %arg11[%dma_start3A_1296, %dma_start3A_1297] : memref<4x16xi32, #tpu.memory_space<vmem>> -> memref<1x16xi32, #tpu.memory_space<vmem>>
        %dma_start3A_1299 = tpu.memref_squeeze %dma_start3A_1298 : memref<1x16xi32, #tpu.memory_space<vmem>> -> memref<16xi32, #tpu.memory_space<vmem>>
        %dma_start3A_1300 = tpu.memref_slice %arg2[%add3A_1295, %mul3A_2] : memref<64x512xi32, #tpu.memory_space<hbm>> -> memref<1x16xi32, #tpu.memory_space<hbm>>
        %dma_start3A_1301 = tpu.memref_squeeze %dma_start3A_1300 : memref<1x16xi32, #tpu.memory_space<hbm>> -> memref<16xi32, #tpu.memory_space<hbm>>
        %dma_start3A_1302 = arith.constant 0 : i32
        %dma_start3A_1303 = tpu.memref_slice %arg11[%dma_start3A_1296, %dma_start3A_1302] : memref<4x16xi32, #tpu.memory_space<vmem>> -> memref<1x16xi32, #tpu.memory_space<vmem>>
        %dma_start3A_1304 = tpu.memref_squeeze %dma_start3A_1303 : memref<1x16xi32, #tpu.memory_space<vmem>> -> memref<16xi32, #tpu.memory_space<vmem>>
        %dma_start3A_1305 = tpu.memref_slice %arg2[%add3A_1295, %mul3A_2] : memref<64x512xi32, #tpu.memory_space<hbm>> -> memref<1x16xi32, #tpu.memory_space<hbm>>
        %dma_start3A_1306 = tpu.memref_squeeze %dma_start3A_1305 : memref<1x16xi32, #tpu.memory_space<hbm>> -> memref<16xi32, #tpu.memory_space<hbm>>
        tpu.enqueue_dma source(%dma_start3A_1306 : memref<16xi32, #tpu.memory_space<hbm>>) target(%dma_start3A_1304 : memref<16xi32, #tpu.memory_space<vmem>>) target_semaphore(%arg22 : memref<!tpu.dma_semaphore, #tpu.memory_space<semaphore_mem>>)
        %dma_start3A_1307 = arith.constant 0 : i32
        %dma_start3A_1308 = arith.constant 0 : i32
        %dma_start3A_1309 = tpu.memref_slice %arg12[%dma_start3A_1307, %dma_start3A_1308] : memref<4x16xi32, #tpu.memory_space<vmem>> -> memref<1x16xi32, #tpu.memory_space<vmem>>
        %dma_start3A_1310 = tpu.memref_squeeze %dma_start3A_1309 : memref<1x16xi32, #tpu.memory_space<vmem>> -> memref<16xi32, #tpu.memory_space<vmem>>
        %dma_start3A_1311 = tpu.memref_slice %arg3[%add3A_1295, %mul3A_2] : memref<64x512xi32, #tpu.memory_space<hbm>> -> memref<1x16xi32, #tpu.memory_space<hbm>>
        %dma_start3A_1312 = tpu.memref_squeeze %dma_start3A_1311 : memref<1x16xi32, #tpu.memory_space<hbm>> -> memref<16xi32, #tpu.memory_space<hbm>>
        %dma_start3A_1313 = arith.constant 0 : i32
        %dma_start3A_1314 = tpu.memref_slice %arg12[%dma_start3A_1307, %dma_start3A_1313] : memref<4x16xi32, #tpu.memory_space<vmem>> -> memref<1x16xi32, #tpu.memory_space<vmem>>
        %dma_start3A_1315 = tpu.memref_squeeze %dma_start3A_1314 : memref<1x16xi32, #tpu.memory_space<vmem>> -> memref<16xi32, #tpu.memory_space<vmem>>
        %dma_start3A_1316 = tpu.memref_slice %arg3[%add3A_1295, %mul3A_2] : memref<64x512xi32, #tpu.memory_space<hbm>> -> memref<1x16xi32, #tpu.memory_space<hbm>>
        %dma_start3A_1317 = tpu.memref_squeeze %dma_start3A_1316 : memref<1x16xi32, #tpu.memory_space<hbm>> -> memref<16xi32, #tpu.memory_space<hbm>>
        tpu.enqueue_dma source(%dma_start3A_1317 : memref<16xi32, #tpu.memory_space<hbm>>) target(%dma_start3A_1315 : memref<16xi32, #tpu.memory_space<vmem>>) target_semaphore(%arg22 : memref<!tpu.dma_semaphore, #tpu.memory_space<semaphore_mem>>)
      } else {
      }
      %scan3A_988 = arith.constant 0 : i32
      %scan3A_989 = arith.constant 0 : i32
      %scan3A_990 = arith.constant 0 : i32
      %scan3A_991 = arith.constant 48 : i32
      %scan3A_992 = arith.addi %scan3A_990, %scan3A_991 : i32
      %scan3A_993 = arith.constant 1 : i32
      scf.for %scan3A_1294 = %scan3A_990 to %scan3A_992 step %scan3A_993  : i32 {
        %mul3A_1295 = arith.constant 16 : i32
        %mul3A_1296 = arith.muli %scan3A_1294, %mul3A_1295 : i32
        %multiple_of3A = tpu.assume_multiple %mul3A_1296, 16 : i32
        %get3A_1297 = arith.index_cast %multiple_of3A : i32 to index
        %get3A_1298 = tpu.vector_load %arg9[%get3A_1297] {strides = array<i32>} : memref<768xf32, #tpu.memory_space<vmem>>, vector<16xf32>,
        %get3A_1299 = vector.shape_cast %get3A_1298 : vector<16xf32> to vector<16xf32>
        %get3A_1300 = arith.constant 0 : i32
        %get3A_1301 = arith.index_cast %get3A_1300 : i32 to index
        %get3A_1302 = arith.index_cast %multiple_of3A : i32 to index
        %get3A_1303 = tpu.vector_load %arg8[%get3A_1301, %get3A_1302] {strides = array<i32>} : memref<16x768xf32, #tpu.memory_space<vmem>>, vector<1x16xf32>,
        %get3A_1304 = vector.shape_cast %get3A_1303 : vector<1x16xf32> to vector<16xf32>
        %mul3A_1305 = arith.mulf %gather3A_788, %get3A_1299 : vector<16xf32>
        %add3A_1306 = arith.addf %get3A_1304, %mul3A_1305 : vector<16xf32>
        %swap3A = arith.constant 0 : i32
        %swap3A_1307 = arith.constant 0 : i32
        %swap3A_1308 = arith.constant 0 : i32
        %swap3A_1309 = tpu.memref_slice %arg13[%scan3A_989, %swap3A_1307, %swap3A_1308] : memref<4x16x768xf32, #tpu.memory_space<vmem>> -> memref<1x16x768xf32, #tpu.memory_space<vmem>>
        %swap3A_1310 = tpu.memref_squeeze %swap3A_1309 : memref<1x16x768xf32, #tpu.memory_space<vmem>> -> memref<16x768xf32, #tpu.memory_space<vmem>>
        %swap3A_1311 = arith.index_cast %swap3A : i32 to index
        %swap3A_1312 = arith.index_cast %multiple_of3A : i32 to index
        %swap3A_1313 = tpu.vector_load %swap3A_1310[%swap3A_1311, %swap3A_1312] {strides = array<i32>} : memref<16x768xf32, #tpu.memory_space<vmem>>, vector<1x16xf32>,
        %swap3A_1314 = vector.shape_cast %swap3A_1313 : vector<1x16xf32> to vector<16xf32>
        %swap3A_1315 = vector.shape_cast %add3A_1306 : vector<16xf32> to vector<1x16xf32>
        tpu.vector_store %swap3A_1310[%swap3A_1311, %swap3A_1312], %swap3A_1315 {add = true, strides = array<i32>} : memref<16x768xf32, #tpu.memory_space<vmem>>, vector<1x16xf32>,
        %get3A_1316 = arith.constant 1 : i32
        %get3A_1317 = arith.index_cast %get3A_1316 : i32 to index
        %get3A_1318 = arith.index_cast %multiple_of3A : i32 to index
        %get3A_1319 = tpu.vector_load %arg8[%get3A_1317, %get3A_1318] {strides = array<i32>} : memref<16x768xf32, #tpu.memory_space<vmem>>, vector<1x16xf32>,
        %get3A_1320 = vector.shape_cast %get3A_1319 : vector<1x16xf32> to vector<16xf32>
        %mul3A_1321 = arith.mulf %gather3A_800, %get3A_1299 : vector<16xf32>
        %add3A_1322 = arith.addf %get3A_1320, %mul3A_1321 : vector<16xf32>
        %swap3A_1323 = arith.constant 1 : i32
        %swap3A_1324 = arith.constant 0 : i32
        %swap3A_1325 = arith.constant 0 : i32
        %swap3A_1326 = tpu.memref_slice %arg13[%scan3A_989, %swap3A_1324, %swap3A_1325] : memref<4x16x768xf32, #tpu.memory_space<vmem>> -> memref<1x16x768xf32, #tpu.memory_space<vmem>>
        %swap3A_1327 = tpu.memref_squeeze %swap3A_1326 : memref<1x16x768xf32, #tpu.memory_space<vmem>> -> memref<16x768xf32, #tpu.memory_space<vmem>>
        %swap3A_1328 = arith.index_cast %swap3A_1323 : i32 to index
        %swap3A_1329 = arith.index_cast %multiple_of3A : i32 to index
        %swap3A_1330 = tpu.vector_load %swap3A_1327[%swap3A_1328, %swap3A_1329] {strides = array<i32>} : memref<16x768xf32, #tpu.memory_space<vmem>>, vector<1x16xf32>,
        %swap3A_1331 = vector.shape_cast %swap3A_1330 : vector<1x16xf32> to vector<16xf32>
        %swap3A_1332 = vector.shape_cast %add3A_1322 : vector<16xf32> to vector<1x16xf32>
        tpu.vector_store %swap3A_1327[%swap3A_1328, %swap3A_1329], %swap3A_1332 {add = true, strides = array<i32>} : memref<16x768xf32, #tpu.memory_space<vmem>>, vector<1x16xf32>,
        %get3A_1333 = arith.constant 2 : i32
        %get3A_1334 = arith.index_cast %get3A_1333 : i32 to index
        %get3A_1335 = arith.index_cast %multiple_of3A : i32 to index
        %get3A_1336 = tpu.vector_load %arg8[%get3A_1334, %get3A_1335] {strides = array<i32>} : memref<16x768xf32, #tpu.memory_space<vmem>>, vector<1x16xf32>,
        %get3A_1337 = vector.shape_cast %get3A_1336 : vector<1x16xf32> to vector<16xf32>
        %mul3A_1338 = arith.mulf %gather3A_812, %get3A_1299 : vector<16xf32>
        %add3A_1339 = arith.addf %get3A_1337, %mul3A_1338 : vector<16xf32>
        %swap3A_1340 = arith.constant 2 : i32
        %swap3A_1341 = arith.constant 0 : i32
        %swap3A_1342 = arith.constant 0 : i32
        %swap3A_1343 = tpu.memref_slice %arg13[%scan3A_989, %swap3A_1341, %swap3A_1342] : memref<4x16x768xf32, #tpu.memory_space<vmem>> -> memref<1x16x768xf32, #tpu.memory_space<vmem>>
        %swap3A_1344 = tpu.memref_squeeze %swap3A_1343 : memref<1x16x768xf32, #tpu.memory_space<vmem>> -> memref<16x768xf32, #tpu.memory_space<vmem>>
        %swap3A_1345 = arith.index_cast %swap3A_1340 : i32 to index
        %swap3A_1346 = arith.index_cast %multiple_of3A : i32 to index
        %swap3A_1347 = tpu.vector_load %swap3A_1344[%swap3A_1345, %swap3A_1346] {strides = array<i32>} : memref<16x768xf32, #tpu.memory_space<vmem>>, vector<1x16xf32>,
        %swap3A_1348 = vector.shape_cast %swap3A_1347 : vector<1x16xf32> to vector<16xf32>
        %swap3A_1349 = vector.shape_cast %add3A_1339 : vector<16xf32> to vector<1x16xf32>
        tpu.vector_store %swap3A_1344[%swap3A_1345, %swap3A_1346], %swap3A_1349 {add = true, strides = array<i32>} : memref<16x768xf32, #tpu.memory_space<vmem>>, vector<1x16xf32>,
        %get3A_1350 = arith.constant 3 : i32
        %get3A_1351 = arith.index_cast %get3A_1350 : i32 to index
        %get3A_1352 = arith.index_cast %multiple_of3A : i32 to index
        %get3A_1353 = tpu.vector_load %arg8[%get3A_1351, %get3A_1352] {strides = array<i32>} : memref<16x768xf32, #tpu.memory_space<vmem>>, vector<1x16xf32>,
        %get3A_1354 = vector.shape_cast %get3A_1353 : vector<1x16xf32> to vector<16xf32>
        %mul3A_1355 = arith.mulf %gather3A_824, %get3A_1299 : vector<16xf32>
        %add3A_1356 = arith.addf %get3A_1354, %mul3A_1355 : vector<16xf32>
        %swap3A_1357 = arith.constant 3 : i32
        %swap3A_1358 = arith.constant 0 : i32
        %swap3A_1359 = arith.constant 0 : i32
        %swap3A_1360 = tpu.memref_slice %arg13[%scan3A_989, %swap3A_1358, %swap3A_1359] : memref<4x16x768xf32, #tpu.memory_space<vmem>> -> memref<1x16x768xf32, #tpu.memory_space<vmem>>
        %swap3A_1361 = tpu.memref_squeeze %swap3A_1360 : memref<1x16x768xf32, #tpu.memory_space<vmem>> -> memref<16x768xf32, #tpu.memory_space<vmem>>
        %swap3A_1362 = arith.index_cast %swap3A_1357 : i32 to index
        %swap3A_1363 = arith.index_cast %multiple_of3A : i32 to index
        %swap3A_1364 = tpu.vector_load %swap3A_1361[%swap3A_1362, %swap3A_1363] {strides = array<i32>} : memref<16x768xf32, #tpu.memory_space<vmem>>, vector<1x16xf32>,
        %swap3A_1365 = vector.shape_cast %swap3A_1364 : vector<1x16xf32> to vector<16xf32>
        %swap3A_1366 = vector.shape_cast %add3A_1356 : vector<16xf32> to vector<1x16xf32>
        tpu.vector_store %swap3A_1361[%swap3A_1362, %swap3A_1363], %swap3A_1366 {add = true, strides = array<i32>} : memref<16x768xf32, #tpu.memory_space<vmem>>, vector<1x16xf32>,
        %get3A_1367 = arith.constant 4 : i32
        %get3A_1368 = arith.index_cast %get3A_1367 : i32 to index
        %get3A_1369 = arith.index_cast %multiple_of3A : i32 to index
        %get3A_1370 = tpu.vector_load %arg8[%get3A_1368, %get3A_1369] {strides = array<i32>} : memref<16x768xf32, #tpu.memory_space<vmem>>, vector<1x16xf32>,
        %get3A_1371 = vector.shape_cast %get3A_1370 : vector<1x16xf32> to vector<16xf32>
        %mul3A_1372 = arith.mulf %gather3A_836, %get3A_1299 : vector<16xf32>
        %add3A_1373 = arith.addf %get3A_1371, %mul3A_1372 : vector<16xf32>
        %swap3A_1374 = arith.constant 4 : i32
        %swap3A_1375 = arith.constant 0 : i32
        %swap3A_1376 = arith.constant 0 : i32
        %swap3A_1377 = tpu.memref_slice %arg13[%scan3A_989, %swap3A_1375, %swap3A_1376] : memref<4x16x768xf32, #tpu.memory_space<vmem>> -> memref<1x16x768xf32, #tpu.memory_space<vmem>>
        %swap3A_1378 = tpu.memref_squeeze %swap3A_1377 : memref<1x16x768xf32, #tpu.memory_space<vmem>> -> memref<16x768xf32, #tpu.memory_space<vmem>>
        %swap3A_1379 = arith.index_cast %swap3A_1374 : i32 to index
        %swap3A_1380 = arith.index_cast %multiple_of3A : i32 to index
        %swap3A_1381 = tpu.vector_load %swap3A_1378[%swap3A_1379, %swap3A_1380] {strides = array<i32>} : memref<16x768xf32, #tpu.memory_space<vmem>>, vector<1x16xf32>,
        %swap3A_1382 = vector.shape_cast %swap3A_1381 : vector<1x16xf32> to vector<16xf32>
        %swap3A_1383 = vector.shape_cast %add3A_1373 : vector<16xf32> to vector<1x16xf32>
        tpu.vector_store %swap3A_1378[%swap3A_1379, %swap3A_1380], %swap3A_1383 {add = true, strides = array<i32>} : memref<16x768xf32, #tpu.memory_space<vmem>>, vector<1x16xf32>,
        %get3A_1384 = arith.constant 5 : i32
        %get3A_1385 = arith.index_cast %get3A_1384 : i32 to index
        %get3A_1386 = arith.index_cast %multiple_of3A : i32 to index
        %get3A_1387 = tpu.vector_load %arg8[%get3A_1385, %get3A_1386] {strides = array<i32>} : memref<16x768xf32, #tpu.memory_space<vmem>>, vector<1x16xf32>,
        %get3A_1388 = vector.shape_cast %get3A_1387 : vector<1x16xf32> to vector<16xf32>
        %mul3A_1389 = arith.mulf %gather3A_848, %get3A_1299 : vector<16xf32>
        %add3A_1390 = arith.addf %get3A_1388, %mul3A_1389 : vector<16xf32>
        %swap3A_1391 = arith.constant 5 : i32
        %swap3A_1392 = arith.constant 0 : i32
        %swap3A_1393 = arith.constant 0 : i32
        %swap3A_1394 = tpu.memref_slice %arg13[%scan3A_989, %swap3A_1392, %swap3A_1393] : memref<4x16x768xf32, #tpu.memory_space<vmem>> -> memref<1x16x768xf32, #tpu.memory_space<vmem>>
        %swap3A_1395 = tpu.memref_squeeze %swap3A_1394 : memref<1x16x768xf32, #tpu.memory_space<vmem>> -> memref<16x768xf32, #tpu.memory_space<vmem>>
        %swap3A_1396 = arith.index_cast %swap3A_1391 : i32 to index
        %swap3A_1397 = arith.index_cast %multiple_of3A : i32 to index
        %swap3A_1398 = tpu.vector_load %swap3A_1395[%swap3A_1396, %swap3A_1397] {strides = array<i32>} : memref<16x768xf32, #tpu.memory_space<vmem>>, vector<1x16xf32>,
        %swap3A_1399 = vector.shape_cast %swap3A_1398 : vector<1x16xf32> to vector<16xf32>
        %swap3A_1400 = vector.shape_cast %add3A_1390 : vector<16xf32> to vector<1x16xf32>
        tpu.vector_store %swap3A_1395[%swap3A_1396, %swap3A_1397], %swap3A_1400 {add = true, strides = array<i32>} : memref<16x768xf32, #tpu.memory_space<vmem>>, vector<1x16xf32>,
        %get3A_1401 = arith.constant 6 : i32
        %get3A_1402 = arith.index_cast %get3A_1401 : i32 to index
        %get3A_1403 = arith.index_cast %multiple_of3A : i32 to index
        %get3A_1404 = tpu.vector_load %arg8[%get3A_1402, %get3A_1403] {strides = array<i32>} : memref<16x768xf32, #tpu.memory_space<vmem>>, vector<1x16xf32>,
        %get3A_1405 = vector.shape_cast %get3A_1404 : vector<1x16xf32> to vector<16xf32>
        %mul3A_1406 = arith.mulf %gather3A_860, %get3A_1299 : vector<16xf32>
        %add3A_1407 = arith.addf %get3A_1405, %mul3A_1406 : vector<16xf32>
        %swap3A_1408 = arith.constant 6 : i32
        %swap3A_1409 = arith.constant 0 : i32
        %swap3A_1410 = arith.constant 0 : i32
        %swap3A_1411 = tpu.memref_slice %arg13[%scan3A_989, %swap3A_1409, %swap3A_1410] : memref<4x16x768xf32, #tpu.memory_space<vmem>> -> memref<1x16x768xf32, #tpu.memory_space<vmem>>
        %swap3A_1412 = tpu.memref_squeeze %swap3A_1411 : memref<1x16x768xf32, #tpu.memory_space<vmem>> -> memref<16x768xf32, #tpu.memory_space<vmem>>
        %swap3A_1413 = arith.index_cast %swap3A_1408 : i32 to index
        %swap3A_1414 = arith.index_cast %multiple_of3A : i32 to index
        %swap3A_1415 = tpu.vector_load %swap3A_1412[%swap3A_1413, %swap3A_1414] {strides = array<i32>} : memref<16x768xf32, #tpu.memory_space<vmem>>, vector<1x16xf32>,
        %swap3A_1416 = vector.shape_cast %swap3A_1415 : vector<1x16xf32> to vector<16xf32>
        %swap3A_1417 = vector.shape_cast %add3A_1407 : vector<16xf32> to vector<1x16xf32>
        tpu.vector_store %swap3A_1412[%swap3A_1413, %swap3A_1414], %swap3A_1417 {add = true, strides = array<i32>} : memref<16x768xf32, #tpu.memory_space<vmem>>, vector<1x16xf32>,
        %get3A_1418 = arith.constant 7 : i32
        %get3A_1419 = arith.index_cast %get3A_1418 : i32 to index
        %get3A_1420 = arith.index_cast %multiple_of3A : i32 to index
        %get3A_1421 = tpu.vector_load %arg8[%get3A_1419, %get3A_1420] {strides = array<i32>} : memref<16x768xf32, #tpu.memory_space<vmem>>, vector<1x16xf32>,
        %get3A_1422 = vector.shape_cast %get3A_1421 : vector<1x16xf32> to vector<16xf32>
        %mul3A_1423 = arith.mulf %gather3A_872, %get3A_1299 : vector<16xf32>
        %add3A_1424 = arith.addf %get3A_1422, %mul3A_1423 : vector<16xf32>
        %swap3A_1425 = arith.constant 7 : i32
        %swap3A_1426 = arith.constant 0 : i32
        %swap3A_1427 = arith.constant 0 : i32
        %swap3A_1428 = tpu.memref_slice %arg13[%scan3A_989, %swap3A_1426, %swap3A_1427] : memref<4x16x768xf32, #tpu.memory_space<vmem>> -> memref<1x16x768xf32, #tpu.memory_space<vmem>>
        %swap3A_1429 = tpu.memref_squeeze %swap3A_1428 : memref<1x16x768xf32, #tpu.memory_space<vmem>> -> memref<16x768xf32, #tpu.memory_space<vmem>>
        %swap3A_1430 = arith.index_cast %swap3A_1425 : i32 to index
        %swap3A_1431 = arith.index_cast %multiple_of3A : i32 to index
        %swap3A_1432 = tpu.vector_load %swap3A_1429[%swap3A_1430, %swap3A_1431] {strides = array<i32>} : memref<16x768xf32, #tpu.memory_space<vmem>>, vector<1x16xf32>,
        %swap3A_1433 = vector.shape_cast %swap3A_1432 : vector<1x16xf32> to vector<16xf32>
        %swap3A_1434 = vector.shape_cast %add3A_1424 : vector<16xf32> to vector<1x16xf32>
        tpu.vector_store %swap3A_1429[%swap3A_1430, %swap3A_1431], %swap3A_1434 {add = true, strides = array<i32>} : memref<16x768xf32, #tpu.memory_space<vmem>>, vector<1x16xf32>,
        %get3A_1435 = arith.constant 8 : i32
        %get3A_1436 = arith.index_cast %get3A_1435 : i32 to index
        %get3A_1437 = arith.index_cast %multiple_of3A : i32 to index
        %get3A_1438 = tpu.vector_load %arg8[%get3A_1436, %get3A_1437] {strides = array<i32>} : memref<16x768xf32, #tpu.memory_space<vmem>>, vector<1x16xf32>,
        %get3A_1439 = vector.shape_cast %get3A_1438 : vector<1x16xf32> to vector<16xf32>
        %mul3A_1440 = arith.mulf %gather3A_884, %get3A_1299 : vector<16xf32>
        %add3A_1441 = arith.addf %get3A_1439, %mul3A_1440 : vector<16xf32>
        %swap3A_1442 = arith.constant 8 : i32
        %swap3A_1443 = arith.constant 0 : i32
        %swap3A_1444 = arith.constant 0 : i32
        %swap3A_1445 = tpu.memref_slice %arg13[%scan3A_989, %swap3A_1443, %swap3A_1444] : memref<4x16x768xf32, #tpu.memory_space<vmem>> -> memref<1x16x768xf32, #tpu.memory_space<vmem>>
        %swap3A_1446 = tpu.memref_squeeze %swap3A_1445 : memref<1x16x768xf32, #tpu.memory_space<vmem>> -> memref<16x768xf32, #tpu.memory_space<vmem>>
        %swap3A_1447 = arith.index_cast %swap3A_1442 : i32 to index
        %swap3A_1448 = arith.index_cast %multiple_of3A : i32 to index
        %swap3A_1449 = tpu.vector_load %swap3A_1446[%swap3A_1447, %swap3A_1448] {strides = array<i32>} : memref<16x768xf32, #tpu.memory_space<vmem>>, vector<1x16xf32>,
        %swap3A_1450 = vector.shape_cast %swap3A_1449 : vector<1x16xf32> to vector<16xf32>
        %swap3A_1451 = vector.shape_cast %add3A_1441 : vector<16xf32> to vector<1x16xf32>
        tpu.vector_store %swap3A_1446[%swap3A_1447, %swap3A_1448], %swap3A_1451 {add = true, strides = array<i32>} : memref<16x768xf32, #tpu.memory_space<vmem>>, vector<1x16xf32>,
        %get3A_1452 = arith.constant 9 : i32
        %get3A_1453 = arith.index_cast %get3A_1452 : i32 to index
        %get3A_1454 = arith.index_cast %multiple_of3A : i32 to index
        %get3A_1455 = tpu.vector_load %arg8[%get3A_1453, %get3A_1454] {strides = array<i32>} : memref<16x768xf32, #tpu.memory_space<vmem>>, vector<1x16xf32>,
        %get3A_1456 = vector.shape_cast %get3A_1455 : vector<1x16xf32> to vector<16xf32>
        %mul3A_1457 = arith.mulf %gather3A_896, %get3A_1299 : vector<16xf32>
        %add3A_1458 = arith.addf %get3A_1456, %mul3A_1457 : vector<16xf32>
        %swap3A_1459 = arith.constant 9 : i32
        %swap3A_1460 = arith.constant 0 : i32
        %swap3A_1461 = arith.constant 0 : i32
        %swap3A_1462 = tpu.memref_slice %arg13[%scan3A_989, %swap3A_1460, %swap3A_1461] : memref<4x16x768xf32, #tpu.memory_space<vmem>> -> memref<1x16x768xf32, #tpu.memory_space<vmem>>
        %swap3A_1463 = tpu.memref_squeeze %swap3A_1462 : memref<1x16x768xf32, #tpu.memory_space<vmem>> -> memref<16x768xf32, #tpu.memory_space<vmem>>
        %swap3A_1464 = arith.index_cast %swap3A_1459 : i32 to index
        %swap3A_1465 = arith.index_cast %multiple_of3A : i32 to index
        %swap3A_1466 = tpu.vector_load %swap3A_1463[%swap3A_1464, %swap3A_1465] {strides = array<i32>} : memref<16x768xf32, #tpu.memory_space<vmem>>, vector<1x16xf32>,
        %swap3A_1467 = vector.shape_cast %swap3A_1466 : vector<1x16xf32> to vector<16xf32>
        %swap3A_1468 = vector.shape_cast %add3A_1458 : vector<16xf32> to vector<1x16xf32>
        tpu.vector_store %swap3A_1463[%swap3A_1464, %swap3A_1465], %swap3A_1468 {add = true, strides = array<i32>} : memref<16x768xf32, #tpu.memory_space<vmem>>, vector<1x16xf32>,
        %get3A_1469 = arith.constant 10 : i32
        %get3A_1470 = arith.index_cast %get3A_1469 : i32 to index
        %get3A_1471 = arith.index_cast %multiple_of3A : i32 to index
        %get3A_1472 = tpu.vector_load %arg8[%get3A_1470, %get3A_1471] {strides = array<i32>} : memref<16x768xf32, #tpu.memory_space<vmem>>, vector<1x16xf32>,
        %get3A_1473 = vector.shape_cast %get3A_1472 : vector<1x16xf32> to vector<16xf32>
        %mul3A_1474 = arith.mulf %gather3A_908, %get3A_1299 : vector<16xf32>
        %add3A_1475 = arith.addf %get3A_1473, %mul3A_1474 : vector<16xf32>
        %swap3A_1476 = arith.constant 10 : i32
        %swap3A_1477 = arith.constant 0 : i32
        %swap3A_1478 = arith.constant 0 : i32
        %swap3A_1479 = tpu.memref_slice %arg13[%scan3A_989, %swap3A_1477, %swap3A_1478] : memref<4x16x768xf32, #tpu.memory_space<vmem>> -> memref<1x16x768xf32, #tpu.memory_space<vmem>>
        %swap3A_1480 = tpu.memref_squeeze %swap3A_1479 : memref<1x16x768xf32, #tpu.memory_space<vmem>> -> memref<16x768xf32, #tpu.memory_space<vmem>>
        %swap3A_1481 = arith.index_cast %swap3A_1476 : i32 to index
        %swap3A_1482 = arith.index_cast %multiple_of3A : i32 to index
        %swap3A_1483 = tpu.vector_load %swap3A_1480[%swap3A_1481, %swap3A_1482] {strides = array<i32>} : memref<16x768xf32, #tpu.memory_space<vmem>>, vector<1x16xf32>,
        %swap3A_1484 = vector.shape_cast %swap3A_1483 : vector<1x16xf32> to vector<16xf32>
        %swap3A_1485 = vector.shape_cast %add3A_1475 : vector<16xf32> to vector<1x16xf32>
        tpu.vector_store %swap3A_1480[%swap3A_1481, %swap3A_1482], %swap3A_1485 {add = true, strides = array<i32>} : memref<16x768xf32, #tpu.memory_space<vmem>>, vector<1x16xf32>,
        %get3A_1486 = arith.constant 11 : i32
        %get3A_1487 = arith.index_cast %get3A_1486 : i32 to index
        %get3A_1488 = arith.index_cast %multiple_of3A : i32 to index
        %get3A_1489 = tpu.vector_load %arg8[%get3A_1487, %get3A_1488] {strides = array<i32>} : memref<16x768xf32, #tpu.memory_space<vmem>>, vector<1x16xf32>,
        %get3A_1490 = vector.shape_cast %get3A_1489 : vector<1x16xf32> to vector<16xf32>
        %mul3A_1491 = arith.mulf %gather3A_920, %get3A_1299 : vector<16xf32>
        %add3A_1492 = arith.addf %get3A_1490, %mul3A_1491 : vector<16xf32>
        %swap3A_1493 = arith.constant 11 : i32
        %swap3A_1494 = arith.constant 0 : i32
        %swap3A_1495 = arith.constant 0 : i32
        %swap3A_1496 = tpu.memref_slice %arg13[%scan3A_989, %swap3A_1494, %swap3A_1495] : memref<4x16x768xf32, #tpu.memory_space<vmem>> -> memref<1x16x768xf32, #tpu.memory_space<vmem>>
        %swap3A_1497 = tpu.memref_squeeze %swap3A_1496 : memref<1x16x768xf32, #tpu.memory_space<vmem>> -> memref<16x768xf32, #tpu.memory_space<vmem>>
        %swap3A_1498 = arith.index_cast %swap3A_1493 : i32 to index
        %swap3A_1499 = arith.index_cast %multiple_of3A : i32 to index
        %swap3A_1500 = tpu.vector_load %swap3A_1497[%swap3A_1498, %swap3A_1499] {strides = array<i32>} : memref<16x768xf32, #tpu.memory_space<vmem>>, vector<1x16xf32>,
        %swap3A_1501 = vector.shape_cast %swap3A_1500 : vector<1x16xf32> to vector<16xf32>
        %swap3A_1502 = vector.shape_cast %add3A_1492 : vector<16xf32> to vector<1x16xf32>
        tpu.vector_store %swap3A_1497[%swap3A_1498, %swap3A_1499], %swap3A_1502 {add = true, strides = array<i32>} : memref<16x768xf32, #tpu.memory_space<vmem>>, vector<1x16xf32>,
        %get3A_1503 = arith.constant 12 : i32
        %get3A_1504 = arith.index_cast %get3A_1503 : i32 to index
        %get3A_1505 = arith.index_cast %multiple_of3A : i32 to index
        %get3A_1506 = tpu.vector_load %arg8[%get3A_1504, %get3A_1505] {strides = array<i32>} : memref<16x768xf32, #tpu.memory_space<vmem>>, vector<1x16xf32>,
        %get3A_1507 = vector.shape_cast %get3A_1506 : vector<1x16xf32> to vector<16xf32>
        %mul3A_1508 = arith.mulf %gather3A_932, %get3A_1299 : vector<16xf32>
        %add3A_1509 = arith.addf %get3A_1507, %mul3A_1508 : vector<16xf32>
        %swap3A_1510 = arith.constant 12 : i32
        %swap3A_1511 = arith.constant 0 : i32
        %swap3A_1512 = arith.constant 0 : i32
        %swap3A_1513 = tpu.memref_slice %arg13[%scan3A_989, %swap3A_1511, %swap3A_1512] : memref<4x16x768xf32, #tpu.memory_space<vmem>> -> memref<1x16x768xf32, #tpu.memory_space<vmem>>
        %swap3A_1514 = tpu.memref_squeeze %swap3A_1513 : memref<1x16x768xf32, #tpu.memory_space<vmem>> -> memref<16x768xf32, #tpu.memory_space<vmem>>
        %swap3A_1515 = arith.index_cast %swap3A_1510 : i32 to index
        %swap3A_1516 = arith.index_cast %multiple_of3A : i32 to index
        %swap3A_1517 = tpu.vector_load %swap3A_1514[%swap3A_1515, %swap3A_1516] {strides = array<i32>} : memref<16x768xf32, #tpu.memory_space<vmem>>, vector<1x16xf32>,
        %swap3A_1518 = vector.shape_cast %swap3A_1517 : vector<1x16xf32> to vector<16xf32>
        %swap3A_1519 = vector.shape_cast %add3A_1509 : vector<16xf32> to vector<1x16xf32>
        tpu.vector_store %swap3A_1514[%swap3A_1515, %swap3A_1516], %swap3A_1519 {add = true, strides = array<i32>} : memref<16x768xf32, #tpu.memory_space<vmem>>, vector<1x16xf32>,
        %get3A_1520 = arith.constant 13 : i32
        %get3A_1521 = arith.index_cast %get3A_1520 : i32 to index
        %get3A_1522 = arith.index_cast %multiple_of3A : i32 to index
        %get3A_1523 = tpu.vector_load %arg8[%get3A_1521, %get3A_1522] {strides = array<i32>} : memref<16x768xf32, #tpu.memory_space<vmem>>, vector<1x16xf32>,
        %get3A_1524 = vector.shape_cast %get3A_1523 : vector<1x16xf32> to vector<16xf32>
        %mul3A_1525 = arith.mulf %gather3A_944, %get3A_1299 : vector<16xf32>
        %add3A_1526 = arith.addf %get3A_1524, %mul3A_1525 : vector<16xf32>
        %swap3A_1527 = arith.constant 13 : i32
        %swap3A_1528 = arith.constant 0 : i32
        %swap3A_1529 = arith.constant 0 : i32
        %swap3A_1530 = tpu.memref_slice %arg13[%scan3A_989, %swap3A_1528, %swap3A_1529] : memref<4x16x768xf32, #tpu.memory_space<vmem>> -> memref<1x16x768xf32, #tpu.memory_space<vmem>>
        %swap3A_1531 = tpu.memref_squeeze %swap3A_1530 : memref<1x16x768xf32, #tpu.memory_space<vmem>> -> memref<16x768xf32, #tpu.memory_space<vmem>>
        %swap3A_1532 = arith.index_cast %swap3A_1527 : i32 to index
        %swap3A_1533 = arith.index_cast %multiple_of3A : i32 to index
        %swap3A_1534 = tpu.vector_load %swap3A_1531[%swap3A_1532, %swap3A_1533] {strides = array<i32>} : memref<16x768xf32, #tpu.memory_space<vmem>>, vector<1x16xf32>,
        %swap3A_1535 = vector.shape_cast %swap3A_1534 : vector<1x16xf32> to vector<16xf32>
        %swap3A_1536 = vector.shape_cast %add3A_1526 : vector<16xf32> to vector<1x16xf32>
        tpu.vector_store %swap3A_1531[%swap3A_1532, %swap3A_1533], %swap3A_1536 {add = true, strides = array<i32>} : memref<16x768xf32, #tpu.memory_space<vmem>>, vector<1x16xf32>,
        %get3A_1537 = arith.constant 14 : i32
        %get3A_1538 = arith.index_cast %get3A_1537 : i32 to index
        %get3A_1539 = arith.index_cast %multiple_of3A : i32 to index
        %get3A_1540 = tpu.vector_load %arg8[%get3A_1538, %get3A_1539] {strides = array<i32>} : memref<16x768xf32, #tpu.memory_space<vmem>>, vector<1x16xf32>,
        %get3A_1541 = vector.shape_cast %get3A_1540 : vector<1x16xf32> to vector<16xf32>
        %mul3A_1542 = arith.mulf %gather3A_956, %get3A_1299 : vector<16xf32>
        %add3A_1543 = arith.addf %get3A_1541, %mul3A_1542 : vector<16xf32>
        %swap3A_1544 = arith.constant 14 : i32
        %swap3A_1545 = arith.constant 0 : i32
        %swap3A_1546 = arith.constant 0 : i32
        %swap3A_1547 = tpu.memref_slice %arg13[%scan3A_989, %swap3A_1545, %swap3A_1546] : memref<4x16x768xf32, #tpu.memory_space<vmem>> -> memref<1x16x768xf32, #tpu.memory_space<vmem>>
        %swap3A_1548 = tpu.memref_squeeze %swap3A_1547 : memref<1x16x768xf32, #tpu.memory_space<vmem>> -> memref<16x768xf32, #tpu.memory_space<vmem>>
        %swap3A_1549 = arith.index_cast %swap3A_1544 : i32 to index
        %swap3A_1550 = arith.index_cast %multiple_of3A : i32 to index
        %swap3A_1551 = tpu.vector_load %swap3A_1548[%swap3A_1549, %swap3A_1550] {strides = array<i32>} : memref<16x768xf32, #tpu.memory_space<vmem>>, vector<1x16xf32>,
        %swap3A_1552 = vector.shape_cast %swap3A_1551 : vector<1x16xf32> to vector<16xf32>
        %swap3A_1553 = vector.shape_cast %add3A_1543 : vector<16xf32> to vector<1x16xf32>
        tpu.vector_store %swap3A_1548[%swap3A_1549, %swap3A_1550], %swap3A_1553 {add = true, strides = array<i32>} : memref<16x768xf32, #tpu.memory_space<vmem>>, vector<1x16xf32>,
        %get3A_1554 = arith.constant 15 : i32
        %get3A_1555 = arith.index_cast %get3A_1554 : i32 to index
        %get3A_1556 = arith.index_cast %multiple_of3A : i32 to index
        %get3A_1557 = tpu.vector_load %arg8[%get3A_1555, %get3A_1556] {strides = array<i32>} : memref<16x768xf32, #tpu.memory_space<vmem>>, vector<1x16xf32>,
        %get3A_1558 = vector.shape_cast %get3A_1557 : vector<1x16xf32> to vector<16xf32>
        %mul3A_1559 = arith.mulf %gather3A_968, %get3A_1299 : vector<16xf32>
        %add3A_1560 = arith.addf %get3A_1558, %mul3A_1559 : vector<16xf32>
        %swap3A_1561 = arith.constant 15 : i32
        %swap3A_1562 = arith.constant 0 : i32
        %swap3A_1563 = arith.constant 0 : i32
        %swap3A_1564 = tpu.memref_slice %arg13[%scan3A_989, %swap3A_1562, %swap3A_1563] : memref<4x16x768xf32, #tpu.memory_space<vmem>> -> memref<1x16x768xf32, #tpu.memory_space<vmem>>
        %swap3A_1565 = tpu.memref_squeeze %swap3A_1564 : memref<1x16x768xf32, #tpu.memory_space<vmem>> -> memref<16x768xf32, #tpu.memory_space<vmem>>
        %swap3A_1566 = arith.index_cast %swap3A_1561 : i32 to index
        %swap3A_1567 = arith.index_cast %multiple_of3A : i32 to index
        %swap3A_1568 = tpu.vector_load %swap3A_1565[%swap3A_1566, %swap3A_1567] {strides = array<i32>} : memref<16x768xf32, #tpu.memory_space<vmem>>, vector<1x16xf32>,
        %swap3A_1569 = vector.shape_cast %swap3A_1568 : vector<1x16xf32> to vector<16xf32>
        %swap3A_1570 = vector.shape_cast %add3A_1560 : vector<16xf32> to vector<1x16xf32>
        tpu.vector_store %swap3A_1565[%swap3A_1566, %swap3A_1567], %swap3A_1570 {add = true, strides = array<i32>} : memref<16x768xf32, #tpu.memory_space<vmem>>, vector<1x16xf32>,
      }
      %scan3A_994 = arith.constant 48 : i32
      %dma_start3A_995 = arith.constant 0 : i32
      %dma_start3A_996 = arith.constant 0 : i32
      %dma_start3A_997 = arith.constant 0 : i32
      %dma_start3A_998 = tpu.memref_slice %arg13[%dma_start3A_995, %dma_start3A_996, %dma_start3A_997] : memref<4x16x768xf32, #tpu.memory_space<vmem>> -> memref<1x16x768xf32, #tpu.memory_space<vmem>>
      %dma_start3A_999 = tpu.memref_squeeze %dma_start3A_998 : memref<1x16x768xf32, #tpu.memory_space<vmem>> -> memref<16x768xf32, #tpu.memory_space<vmem>>
      %dma_start3A_1000 = arith.constant 0 : i32
      %dma_start3A_1001 = tpu.memref_slice %arg7[%sub3A_770, %mul3A_2, %dma_start3A_1000] : memref<64x512x768xf32, #tpu.memory_space<hbm>> -> memref<1x16x768xf32, #tpu.memory_space<hbm>>
      %dma_start3A_1002 = tpu.memref_squeeze %dma_start3A_1001 : memref<1x16x768xf32, #tpu.memory_space<hbm>> -> memref<16x768xf32, #tpu.memory_space<hbm>>
      %dma_start3A_1003 = arith.constant 0 : i32
      %dma_start3A_1004 = tpu.memref_slice %arg7[%sub3A_770, %mul3A_2, %dma_start3A_1003] : memref<64x512x768xf32, #tpu.memory_space<hbm>> -> memref<1x16x768xf32, #tpu.memory_space<hbm>>
      %dma_start3A_1005 = tpu.memref_squeeze %dma_start3A_1004 : memref<1x16x768xf32, #tpu.memory_space<hbm>> -> memref<16x768xf32, #tpu.memory_space<hbm>>
      %dma_start3A_1006 = arith.constant 0 : i32
      %dma_start3A_1007 = arith.constant 0 : i32
      %dma_start3A_1008 = tpu.memref_slice %arg13[%dma_start3A_995, %dma_start3A_1006, %dma_start3A_1007] : memref<4x16x768xf32, #tpu.memory_space<vmem>> -> memref<1x16x768xf32, #tpu.memory_space<vmem>>
      %dma_start3A_1009 = tpu.memref_squeeze %dma_start3A_1008 : memref<1x16x768xf32, #tpu.memory_space<vmem>> -> memref<16x768xf32, #tpu.memory_space<vmem>>
      tpu.enqueue_dma source(%dma_start3A_1009 : memref<16x768xf32, #tpu.memory_space<vmem>>) target(%dma_start3A_1005 : memref<16x768xf32, #tpu.memory_space<hbm>>) target_semaphore(%arg18 : memref<!tpu.dma_semaphore, #tpu.memory_space<semaphore_mem>>)
      %mul3A_1010 = arith.constant 4 : i32
      %mul3A_1011 = arith.muli %scan3A_632, %mul3A_1010 : i32
      %add3A_1012 = arith.constant 3 : i32
      %add3A_1013 = arith.addi %mul3A_1011, %add3A_1012 : i32
      %ge3A_1014 = arith.constant 1 : i32
      %ge3A_1015 = arith.cmpi sge, %scan3A_632, %ge3A_1014 : i32
      %convert_element_type3A_1016 = arith.extui %ge3A_1015 : i1 to i32
      %cond3A_1017 = arith.constant 0 : i32
      %cond3A_1018 = arith.cmpi ne, %convert_element_type3A_1016, %cond3A_1017 : i32
      scf.if %cond3A_1018 {
        %dma_wait3A_1294 = arith.constant 3 : i32
        %dma_wait3A_1295 = arith.constant 0 : i32
        %dma_wait3A_1296 = arith.constant 0 : i32
        %dma_wait3A_1297 = arith.constant 0 : i32
        %dma_wait3A_1298 = tpu.memref_slice %arg13[%dma_wait3A_1294, %dma_wait3A_1296, %dma_wait3A_1297] : memref<4x16x768xf32, #tpu.memory_space<vmem>> -> memref<1x16x768xf32, #tpu.memory_space<vmem>>
        %dma_wait3A_1299 = tpu.memref_squeeze %dma_wait3A_1298 : memref<1x16x768xf32, #tpu.memory_space<vmem>> -> memref<16x768xf32, #tpu.memory_space<vmem>>
        %dma_wait3A_1300 = arith.constant 0 : i32
        %dma_wait3A_1301 = tpu.memref_slice %arg7[%dma_wait3A_1295, %mul3A_2, %dma_wait3A_1300] : memref<64x512x768xf32, #tpu.memory_space<hbm>> -> memref<1x16x768xf32, #tpu.memory_space<hbm>>
        %dma_wait3A_1302 = tpu.memref_squeeze %dma_wait3A_1301 : memref<1x16x768xf32, #tpu.memory_space<hbm>> -> memref<16x768xf32, #tpu.memory_space<hbm>>
        %dma_wait3A_1303 = arith.constant 0 : i32
        %dma_wait3A_1304 = tpu.memref_slice %arg7[%dma_wait3A_1295, %mul3A_2, %dma_wait3A_1303] : memref<64x512x768xf32, #tpu.memory_space<hbm>> -> memref<1x16x768xf32, #tpu.memory_space<hbm>>
        %dma_wait3A_1305 = tpu.memref_squeeze %dma_wait3A_1304 : memref<1x16x768xf32, #tpu.memory_space<hbm>> -> memref<16x768xf32, #tpu.memory_space<hbm>>
        %dma_wait3A_1306 = arith.constant 0 : i32
        %dma_wait3A_1307 = arith.constant 0 : i32
        %dma_wait3A_1308 = tpu.memref_slice %arg13[%dma_wait3A_1294, %dma_wait3A_1306, %dma_wait3A_1307] : memref<4x16x768xf32, #tpu.memory_space<vmem>> -> memref<1x16x768xf32, #tpu.memory_space<vmem>>
        %dma_wait3A_1309 = tpu.memref_squeeze %dma_wait3A_1308 : memref<1x16x768xf32, #tpu.memory_space<vmem>> -> memref<16x768xf32, #tpu.memory_space<vmem>>
        tpu.wait_dma2 semaphore(%arg21 : memref<!tpu.dma_semaphore, #tpu.memory_space<semaphore_mem>>) src(%dma_wait3A_1309 : memref<16x768xf32, #tpu.memory_space<vmem>>) dst(%dma_wait3A_1305 : memref<16x768xf32, #tpu.memory_space<hbm>>)
      } else {
      }
      %dma_wait3A_1019 = arith.constant 3 : i32
      %dma_wait3A_1020 = arith.constant 0 : i32
      %dma_wait3A_1021 = tpu.memref_slice %arg11[%dma_wait3A_1019, %dma_wait3A_1020] : memref<4x16xi32, #tpu.memory_space<vmem>> -> memref<1x16xi32, #tpu.memory_space<vmem>>
      %dma_wait3A_1022 = tpu.memref_squeeze %dma_wait3A_1021 : memref<1x16xi32, #tpu.memory_space<vmem>> -> memref<16xi32, #tpu.memory_space<vmem>>
      %dma_wait3A_1023 = tpu.memref_slice %arg2[%add3A_1013, %mul3A_2] : memref<64x512xi32, #tpu.memory_space<hbm>> -> memref<1x16xi32, #tpu.memory_space<hbm>>
      %dma_wait3A_1024 = tpu.memref_squeeze %dma_wait3A_1023 : memref<1x16xi32, #tpu.memory_space<hbm>> -> memref<16xi32, #tpu.memory_space<hbm>>
      %dma_wait3A_1025 = arith.constant 0 : i32
      %dma_wait3A_1026 = tpu.memref_slice %arg11[%dma_wait3A_1019, %dma_wait3A_1025] : memref<4x16xi32, #tpu.memory_space<vmem>> -> memref<1x16xi32, #tpu.memory_space<vmem>>
      %dma_wait3A_1027 = tpu.memref_squeeze %dma_wait3A_1026 : memref<1x16xi32, #tpu.memory_space<vmem>> -> memref<16xi32, #tpu.memory_space<vmem>>
      %dma_wait3A_1028 = tpu.memref_slice %arg2[%add3A_1013, %mul3A_2] : memref<64x512xi32, #tpu.memory_space<hbm>> -> memref<1x16xi32, #tpu.memory_space<hbm>>
      %dma_wait3A_1029 = tpu.memref_squeeze %dma_wait3A_1028 : memref<1x16xi32, #tpu.memory_space<hbm>> -> memref<16xi32, #tpu.memory_space<hbm>>
      tpu.wait_dma2 semaphore(%arg25 : memref<!tpu.dma_semaphore, #tpu.memory_space<semaphore_mem>>) src(%dma_wait3A_1029 : memref<16xi32, #tpu.memory_space<hbm>>) dst(%dma_wait3A_1027 : memref<16xi32, #tpu.memory_space<vmem>>)
      %dma_wait3A_1030 = arith.constant 3 : i32
      %dma_wait3A_1031 = arith.constant 0 : i32
      %dma_wait3A_1032 = tpu.memref_slice %arg12[%dma_wait3A_1030, %dma_wait3A_1031] : memref<4x16xi32, #tpu.memory_space<vmem>> -> memref<1x16xi32, #tpu.memory_space<vmem>>
      %dma_wait3A_1033 = tpu.memref_squeeze %dma_wait3A_1032 : memref<1x16xi32, #tpu.memory_space<vmem>> -> memref<16xi32, #tpu.memory_space<vmem>>
      %dma_wait3A_1034 = tpu.memref_slice %arg3[%add3A_1013, %mul3A_2] : memref<64x512xi32, #tpu.memory_space<hbm>> -> memref<1x16xi32, #tpu.memory_space<hbm>>
      %dma_wait3A_1035 = tpu.memref_squeeze %dma_wait3A_1034 : memref<1x16xi32, #tpu.memory_space<hbm>> -> memref<16xi32, #tpu.memory_space<hbm>>
      %dma_wait3A_1036 = arith.constant 0 : i32
      %dma_wait3A_1037 = tpu.memref_slice %arg12[%dma_wait3A_1030, %dma_wait3A_1036] : memref<4x16xi32, #tpu.memory_space<vmem>> -> memref<1x16xi32, #tpu.memory_space<vmem>>
      %dma_wait3A_1038 = tpu.memref_squeeze %dma_wait3A_1037 : memref<1x16xi32, #tpu.memory_space<vmem>> -> memref<16xi32, #tpu.memory_space<vmem>>
      %dma_wait3A_1039 = tpu.memref_slice %arg3[%add3A_1013, %mul3A_2] : memref<64x512xi32, #tpu.memory_space<hbm>> -> memref<1x16xi32, #tpu.memory_space<hbm>>
      %dma_wait3A_1040 = tpu.memref_squeeze %dma_wait3A_1039 : memref<1x16xi32, #tpu.memory_space<hbm>> -> memref<16xi32, #tpu.memory_space<hbm>>
      tpu.wait_dma2 semaphore(%arg25 : memref<!tpu.dma_semaphore, #tpu.memory_space<semaphore_mem>>) src(%dma_wait3A_1040 : memref<16xi32, #tpu.memory_space<hbm>>) dst(%dma_wait3A_1038 : memref<16xi32, #tpu.memory_space<vmem>>)
      %dma_start3A_1041 = arith.constant 3 : i32
      %dma_start3A_1042 = arith.constant 3 : i32
      %dma_start3A_1043 = arith.constant 0 : i32
      %dma_start3A_1044 = arith.constant 0 : i32
      %dma_start3A_1045 = tpu.memref_slice %arg13[%dma_start3A_1042, %dma_start3A_1043, %dma_start3A_1044] : memref<4x16x768xf32, #tpu.memory_space<vmem>> -> memref<1x16x768xf32, #tpu.memory_space<vmem>>
      %dma_start3A_1046 = tpu.memref_squeeze %dma_start3A_1045 : memref<1x16x768xf32, #tpu.memory_space<vmem>> -> memref<16x768xf32, #tpu.memory_space<vmem>>
      %dma_start3A_1047 = arith.constant 0 : i32
      %dma_start3A_1048 = tpu.memref_slice %arg11[%dma_start3A_1041, %dma_start3A_1047] : memref<4x16xi32, #tpu.memory_space<vmem>> -> memref<1x16xi32, #tpu.memory_space<vmem>>
      %dma_start3A_1049 = tpu.memref_squeeze %dma_start3A_1048 : memref<1x16xi32, #tpu.memory_space<vmem>> -> memref<16xi32, #tpu.memory_space<vmem>>
      %dma_start3A_1050 = arith.constant 0 : i32
      %dma_start3A_1051 = arith.constant 0 : i32
      %dma_start3A_1052 = tpu.memref_slice %arg4[%dma_start3A_1050, %dma_start3A_1051] : memref<100000x768xf32, #tpu.memory_space<hbm>> -> memref<100000x768xf32, #tpu.memory_space<hbm>>
      tpu.enqueue_indirect_dma source(%dma_start3A_1052 : memref<100000x768xf32, #tpu.memory_space<hbm>>) target(%dma_start3A_1046 : memref<16x768xf32, #tpu.memory_space<vmem>>) offsets(%dma_start3A_1049 : memref<16xi32, #tpu.memory_space<vmem>>) semaphore(%arg17 : memref<!tpu.dma_semaphore, #tpu.memory_space<semaphore_mem>>)
      %sub3A_1053 = arith.constant 2 : i32
      %sub3A_1054 = arith.subi %add3A_1013, %sub3A_1053 : i32
      %get3A_1055 = arith.constant 1 : i32
      %get3A_1056 = arith.index_cast %get3A_1055 : i32 to index
      %get3A_1057 = arith.constant 0 : index
      %get3A_1058 = tpu.vector_load %arg12[%get3A_1056, %get3A_1057] {strides = array<i32>} : memref<4x16xi32, #tpu.memory_space<vmem>>, vector<1x16xi32>,
      %get3A_1059 = vector.shape_cast %get3A_1058 : vector<1x16xi32> to vector<16xi32>
      %convert_element_type3A_1060 = arith.sitofp %get3A_1059 : vector<16xi32> to vector<16xf32>
      %broadcast_in_dim3A_1061 = arith.constant 0 : i32
      %broadcast_in_dim3A_1062 = vector.broadcast %broadcast_in_dim3A_1061 : i32 to vector<16xi32>
      %lt3A_1063 = arith.constant 0 : i32
      %lt3A_1064 = vector.broadcast %lt3A_1063 : i32 to vector<16xi32>
      %lt3A_1065 = arith.cmpi slt, %broadcast_in_dim3A_1062, %lt3A_1064 : vector<16xi32>
      %add3A_1066 = arith.constant 16 : i32
      %add3A_1067 = vector.broadcast %add3A_1066 : i32 to vector<16xi32>
      %add3A_1068 = arith.addi %broadcast_in_dim3A_1062, %add3A_1067 : vector<16xi32>
      %select_n3A_1069 = arith.select %lt3A_1065, %add3A_1068, %broadcast_in_dim3A_1062 : vector<16xi1>, vector<16xi32>
      %broadcast_in_dim3A_1070 = vector.shape_cast %select_n3A_1069 : vector<16xi32> to vector<16x1xi32>
      %gather3A_1071 = vector.shape_cast %broadcast_in_dim3A_1070 : vector<16x1xi32> to vector<16xi32>
      %gather3A_1072 = tpu.dynamic_gather %convert_element_type3A_1060[%gather3A_1071] in [0] : vector<16xf32>, vector<16xi32> -> vector<16xf32>
      %broadcast_in_dim3A_1073 = arith.constant 1 : i32
      %broadcast_in_dim3A_1074 = vector.broadcast %broadcast_in_dim3A_1073 : i32 to vector<16xi32>
      %lt3A_1075 = arith.constant 0 : i32
      %lt3A_1076 = vector.broadcast %lt3A_1075 : i32 to vector<16xi32>
      %lt3A_1077 = arith.cmpi slt, %broadcast_in_dim3A_1074, %lt3A_1076 : vector<16xi32>
      %add3A_1078 = arith.constant 16 : i32
      %add3A_1079 = vector.broadcast %add3A_1078 : i32 to vector<16xi32>
      %add3A_1080 = arith.addi %broadcast_in_dim3A_1074, %add3A_1079 : vector<16xi32>
      %select_n3A_1081 = arith.select %lt3A_1077, %add3A_1080, %broadcast_in_dim3A_1074 : vector<16xi1>, vector<16xi32>
      %broadcast_in_dim3A_1082 = vector.shape_cast %select_n3A_1081 : vector<16xi32> to vector<16x1xi32>
      %gather3A_1083 = vector.shape_cast %broadcast_in_dim3A_1082 : vector<16x1xi32> to vector<16xi32>
      %gather3A_1084 = tpu.dynamic_gather %convert_element_type3A_1060[%gather3A_1083] in [0] : vector<16xf32>, vector<16xi32> -> vector<16xf32>
      %broadcast_in_dim3A_1085 = arith.constant 2 : i32
      %broadcast_in_dim3A_1086 = vector.broadcast %broadcast_in_dim3A_1085 : i32 to vector<16xi32>
      %lt3A_1087 = arith.constant 0 : i32
      %lt3A_1088 = vector.broadcast %lt3A_1087 : i32 to vector<16xi32>
      %lt3A_1089 = arith.cmpi slt, %broadcast_in_dim3A_1086, %lt3A_1088 : vector<16xi32>
      %add3A_1090 = arith.constant 16 : i32
      %add3A_1091 = vector.broadcast %add3A_1090 : i32 to vector<16xi32>
      %add3A_1092 = arith.addi %broadcast_in_dim3A_1086, %add3A_1091 : vector<16xi32>
      %select_n3A_1093 = arith.select %lt3A_1089, %add3A_1092, %broadcast_in_dim3A_1086 : vector<16xi1>, vector<16xi32>
      %broadcast_in_dim3A_1094 = vector.shape_cast %select_n3A_1093 : vector<16xi32> to vector<16x1xi32>
      %gather3A_1095 = vector.shape_cast %broadcast_in_dim3A_1094 : vector<16x1xi32> to vector<16xi32>
      %gather3A_1096 = tpu.dynamic_gather %convert_element_type3A_1060[%gather3A_1095] in [0] : vector<16xf32>, vector<16xi32> -> vector<16xf32>
      %broadcast_in_dim3A_1097 = arith.constant 3 : i32
      %broadcast_in_dim3A_1098 = vector.broadcast %broadcast_in_dim3A_1097 : i32 to vector<16xi32>
      %lt3A_1099 = arith.constant 0 : i32
      %lt3A_1100 = vector.broadcast %lt3A_1099 : i32 to vector<16xi32>
      %lt3A_1101 = arith.cmpi slt, %broadcast_in_dim3A_1098, %lt3A_1100 : vector<16xi32>
      %add3A_1102 = arith.constant 16 : i32
      %add3A_1103 = vector.broadcast %add3A_1102 : i32 to vector<16xi32>
      %add3A_1104 = arith.addi %broadcast_in_dim3A_1098, %add3A_1103 : vector<16xi32>
      %select_n3A_1105 = arith.select %lt3A_1101, %add3A_1104, %broadcast_in_dim3A_1098 : vector<16xi1>, vector<16xi32>
      %broadcast_in_dim3A_1106 = vector.shape_cast %select_n3A_1105 : vector<16xi32> to vector<16x1xi32>
      %gather3A_1107 = vector.shape_cast %broadcast_in_dim3A_1106 : vector<16x1xi32> to vector<16xi32>
      %gather3A_1108 = tpu.dynamic_gather %convert_element_type3A_1060[%gather3A_1107] in [0] : vector<16xf32>, vector<16xi32> -> vector<16xf32>
      %broadcast_in_dim3A_1109 = arith.constant 4 : i32
      %broadcast_in_dim3A_1110 = vector.broadcast %broadcast_in_dim3A_1109 : i32 to vector<16xi32>
      %lt3A_1111 = arith.constant 0 : i32
      %lt3A_1112 = vector.broadcast %lt3A_1111 : i32 to vector<16xi32>
      %lt3A_1113 = arith.cmpi slt, %broadcast_in_dim3A_1110, %lt3A_1112 : vector<16xi32>
      %add3A_1114 = arith.constant 16 : i32
      %add3A_1115 = vector.broadcast %add3A_1114 : i32 to vector<16xi32>
      %add3A_1116 = arith.addi %broadcast_in_dim3A_1110, %add3A_1115 : vector<16xi32>
      %select_n3A_1117 = arith.select %lt3A_1113, %add3A_1116, %broadcast_in_dim3A_1110 : vector<16xi1>, vector<16xi32>
      %broadcast_in_dim3A_1118 = vector.shape_cast %select_n3A_1117 : vector<16xi32> to vector<16x1xi32>
      %gather3A_1119 = vector.shape_cast %broadcast_in_dim3A_1118 : vector<16x1xi32> to vector<16xi32>
      %gather3A_1120 = tpu.dynamic_gather %convert_element_type3A_1060[%gather3A_1119] in [0] : vector<16xf32>, vector<16xi32> -> vector<16xf32>
      %broadcast_in_dim3A_1121 = arith.constant 5 : i32
      %broadcast_in_dim3A_1122 = vector.broadcast %broadcast_in_dim3A_1121 : i32 to vector<16xi32>
      %lt3A_1123 = arith.constant 0 : i32
      %lt3A_1124 = vector.broadcast %lt3A_1123 : i32 to vector<16xi32>
      %lt3A_1125 = arith.cmpi slt, %broadcast_in_dim3A_1122, %lt3A_1124 : vector<16xi32>
      %add3A_1126 = arith.constant 16 : i32
      %add3A_1127 = vector.broadcast %add3A_1126 : i32 to vector<16xi32>
      %add3A_1128 = arith.addi %broadcast_in_dim3A_1122, %add3A_1127 : vector<16xi32>
      %select_n3A_1129 = arith.select %lt3A_1125, %add3A_1128, %broadcast_in_dim3A_1122 : vector<16xi1>, vector<16xi32>
      %broadcast_in_dim3A_1130 = vector.shape_cast %select_n3A_1129 : vector<16xi32> to vector<16x1xi32>
      %gather3A_1131 = vector.shape_cast %broadcast_in_dim3A_1130 : vector<16x1xi32> to vector<16xi32>
      %gather3A_1132 = tpu.dynamic_gather %convert_element_type3A_1060[%gather3A_1131] in [0] : vector<16xf32>, vector<16xi32> -> vector<16xf32>
      %broadcast_in_dim3A_1133 = arith.constant 6 : i32
      %broadcast_in_dim3A_1134 = vector.broadcast %broadcast_in_dim3A_1133 : i32 to vector<16xi32>
      %lt3A_1135 = arith.constant 0 : i32
      %lt3A_1136 = vector.broadcast %lt3A_1135 : i32 to vector<16xi32>
      %lt3A_1137 = arith.cmpi slt, %broadcast_in_dim3A_1134, %lt3A_1136 : vector<16xi32>
      %add3A_1138 = arith.constant 16 : i32
      %add3A_1139 = vector.broadcast %add3A_1138 : i32 to vector<16xi32>
      %add3A_1140 = arith.addi %broadcast_in_dim3A_1134, %add3A_1139 : vector<16xi32>
      %select_n3A_1141 = arith.select %lt3A_1137, %add3A_1140, %broadcast_in_dim3A_1134 : vector<16xi1>, vector<16xi32>
      %broadcast_in_dim3A_1142 = vector.shape_cast %select_n3A_1141 : vector<16xi32> to vector<16x1xi32>
      %gather3A_1143 = vector.shape_cast %broadcast_in_dim3A_1142 : vector<16x1xi32> to vector<16xi32>
      %gather3A_1144 = tpu.dynamic_gather %convert_element_type3A_1060[%gather3A_1143] in [0] : vector<16xf32>, vector<16xi32> -> vector<16xf32>
      %broadcast_in_dim3A_1145 = arith.constant 7 : i32
      %broadcast_in_dim3A_1146 = vector.broadcast %broadcast_in_dim3A_1145 : i32 to vector<16xi32>
      %lt3A_1147 = arith.constant 0 : i32
      %lt3A_1148 = vector.broadcast %lt3A_1147 : i32 to vector<16xi32>
      %lt3A_1149 = arith.cmpi slt, %broadcast_in_dim3A_1146, %lt3A_1148 : vector<16xi32>
      %add3A_1150 = arith.constant 16 : i32
      %add3A_1151 = vector.broadcast %add3A_1150 : i32 to vector<16xi32>
      %add3A_1152 = arith.addi %broadcast_in_dim3A_1146, %add3A_1151 : vector<16xi32>
      %select_n3A_1153 = arith.select %lt3A_1149, %add3A_1152, %broadcast_in_dim3A_1146 : vector<16xi1>, vector<16xi32>
      %broadcast_in_dim3A_1154 = vector.shape_cast %select_n3A_1153 : vector<16xi32> to vector<16x1xi32>
      %gather3A_1155 = vector.shape_cast %broadcast_in_dim3A_1154 : vector<16x1xi32> to vector<16xi32>
      %gather3A_1156 = tpu.dynamic_gather %convert_element_type3A_1060[%gather3A_1155] in [0] : vector<16xf32>, vector<16xi32> -> vector<16xf32>
      %broadcast_in_dim3A_1157 = arith.constant 8 : i32
      %broadcast_in_dim3A_1158 = vector.broadcast %broadcast_in_dim3A_1157 : i32 to vector<16xi32>
      %lt3A_1159 = arith.constant 0 : i32
      %lt3A_1160 = vector.broadcast %lt3A_1159 : i32 to vector<16xi32>
      %lt3A_1161 = arith.cmpi slt, %broadcast_in_dim3A_1158, %lt3A_1160 : vector<16xi32>
      %add3A_1162 = arith.constant 16 : i32
      %add3A_1163 = vector.broadcast %add3A_1162 : i32 to vector<16xi32>
      %add3A_1164 = arith.addi %broadcast_in_dim3A_1158, %add3A_1163 : vector<16xi32>
      %select_n3A_1165 = arith.select %lt3A_1161, %add3A_1164, %broadcast_in_dim3A_1158 : vector<16xi1>, vector<16xi32>
      %broadcast_in_dim3A_1166 = vector.shape_cast %select_n3A_1165 : vector<16xi32> to vector<16x1xi32>
      %gather3A_1167 = vector.shape_cast %broadcast_in_dim3A_1166 : vector<16x1xi32> to vector<16xi32>
      %gather3A_1168 = tpu.dynamic_gather %convert_element_type3A_1060[%gather3A_1167] in [0] : vector<16xf32>, vector<16xi32> -> vector<16xf32>
      %broadcast_in_dim3A_1169 = arith.constant 9 : i32
      %broadcast_in_dim3A_1170 = vector.broadcast %broadcast_in_dim3A_1169 : i32 to vector<16xi32>
      %lt3A_1171 = arith.constant 0 : i32
      %lt3A_1172 = vector.broadcast %lt3A_1171 : i32 to vector<16xi32>
      %lt3A_1173 = arith.cmpi slt, %broadcast_in_dim3A_1170, %lt3A_1172 : vector<16xi32>
      %add3A_1174 = arith.constant 16 : i32
      %add3A_1175 = vector.broadcast %add3A_1174 : i32 to vector<16xi32>
      %add3A_1176 = arith.addi %broadcast_in_dim3A_1170, %add3A_1175 : vector<16xi32>
      %select_n3A_1177 = arith.select %lt3A_1173, %add3A_1176, %broadcast_in_dim3A_1170 : vector<16xi1>, vector<16xi32>
      %broadcast_in_dim3A_1178 = vector.shape_cast %select_n3A_1177 : vector<16xi32> to vector<16x1xi32>
      %gather3A_1179 = vector.shape_cast %broadcast_in_dim3A_1178 : vector<16x1xi32> to vector<16xi32>
      %gather3A_1180 = tpu.dynamic_gather %convert_element_type3A_1060[%gather3A_1179] in [0] : vector<16xf32>, vector<16xi32> -> vector<16xf32>
      %broadcast_in_dim3A_1181 = arith.constant 10 : i32
      %broadcast_in_dim3A_1182 = vector.broadcast %broadcast_in_dim3A_1181 : i32 to vector<16xi32>
      %lt3A_1183 = arith.constant 0 : i32
      %lt3A_1184 = vector.broadcast %lt3A_1183 : i32 to vector<16xi32>
      %lt3A_1185 = arith.cmpi slt, %broadcast_in_dim3A_1182, %lt3A_1184 : vector<16xi32>
      %add3A_1186 = arith.constant 16 : i32
      %add3A_1187 = vector.broadcast %add3A_1186 : i32 to vector<16xi32>
      %add3A_1188 = arith.addi %broadcast_in_dim3A_1182, %add3A_1187 : vector<16xi32>
      %select_n3A_1189 = arith.select %lt3A_1185, %add3A_1188, %broadcast_in_dim3A_1182 : vector<16xi1>, vector<16xi32>
      %broadcast_in_dim3A_1190 = vector.shape_cast %select_n3A_1189 : vector<16xi32> to vector<16x1xi32>
      %gather3A_1191 = vector.shape_cast %broadcast_in_dim3A_1190 : vector<16x1xi32> to vector<16xi32>
      %gather3A_1192 = tpu.dynamic_gather %convert_element_type3A_1060[%gather3A_1191] in [0] : vector<16xf32>, vector<16xi32> -> vector<16xf32>
      %broadcast_in_dim3A_1193 = arith.constant 11 : i32
      %broadcast_in_dim3A_1194 = vector.broadcast %broadcast_in_dim3A_1193 : i32 to vector<16xi32>
      %lt3A_1195 = arith.constant 0 : i32
      %lt3A_1196 = vector.broadcast %lt3A_1195 : i32 to vector<16xi32>
      %lt3A_1197 = arith.cmpi slt, %broadcast_in_dim3A_1194, %lt3A_1196 : vector<16xi32>
      %add3A_1198 = arith.constant 16 : i32
      %add3A_1199 = vector.broadcast %add3A_1198 : i32 to vector<16xi32>
      %add3A_1200 = arith.addi %broadcast_in_dim3A_1194, %add3A_1199 : vector<16xi32>
      %select_n3A_1201 = arith.select %lt3A_1197, %add3A_1200, %broadcast_in_dim3A_1194 : vector<16xi1>, vector<16xi32>
      %broadcast_in_dim3A_1202 = vector.shape_cast %select_n3A_1201 : vector<16xi32> to vector<16x1xi32>
      %gather3A_1203 = vector.shape_cast %broadcast_in_dim3A_1202 : vector<16x1xi32> to vector<16xi32>
      %gather3A_1204 = tpu.dynamic_gather %convert_element_type3A_1060[%gather3A_1203] in [0] : vector<16xf32>, vector<16xi32> -> vector<16xf32>
      %broadcast_in_dim3A_1205 = arith.constant 12 : i32
      %broadcast_in_dim3A_1206 = vector.broadcast %broadcast_in_dim3A_1205 : i32 to vector<16xi32>
      %lt3A_1207 = arith.constant 0 : i32
      %lt3A_1208 = vector.broadcast %lt3A_1207 : i32 to vector<16xi32>
      %lt3A_1209 = arith.cmpi slt, %broadcast_in_dim3A_1206, %lt3A_1208 : vector<16xi32>
      %add3A_1210 = arith.constant 16 : i32
      %add3A_1211 = vector.broadcast %add3A_1210 : i32 to vector<16xi32>
      %add3A_1212 = arith.addi %broadcast_in_dim3A_1206, %add3A_1211 : vector<16xi32>
      %select_n3A_1213 = arith.select %lt3A_1209, %add3A_1212, %broadcast_in_dim3A_1206 : vector<16xi1>, vector<16xi32>
      %broadcast_in_dim3A_1214 = vector.shape_cast %select_n3A_1213 : vector<16xi32> to vector<16x1xi32>
      %gather3A_1215 = vector.shape_cast %broadcast_in_dim3A_1214 : vector<16x1xi32> to vector<16xi32>
      %gather3A_1216 = tpu.dynamic_gather %convert_element_type3A_1060[%gather3A_1215] in [0] : vector<16xf32>, vector<16xi32> -> vector<16xf32>
      %broadcast_in_dim3A_1217 = arith.constant 13 : i32
      %broadcast_in_dim3A_1218 = vector.broadcast %broadcast_in_dim3A_1217 : i32 to vector<16xi32>
      %lt3A_1219 = arith.constant 0 : i32
      %lt3A_1220 = vector.broadcast %lt3A_1219 : i32 to vector<16xi32>
      %lt3A_1221 = arith.cmpi slt, %broadcast_in_dim3A_1218, %lt3A_1220 : vector<16xi32>
      %add3A_1222 = arith.constant 16 : i32
      %add3A_1223 = vector.broadcast %add3A_1222 : i32 to vector<16xi32>
      %add3A_1224 = arith.addi %broadcast_in_dim3A_1218, %add3A_1223 : vector<16xi32>
      %select_n3A_1225 = arith.select %lt3A_1221, %add3A_1224, %broadcast_in_dim3A_1218 : vector<16xi1>, vector<16xi32>
      %broadcast_in_dim3A_1226 = vector.shape_cast %select_n3A_1225 : vector<16xi32> to vector<16x1xi32>
      %gather3A_1227 = vector.shape_cast %broadcast_in_dim3A_1226 : vector<16x1xi32> to vector<16xi32>
      %gather3A_1228 = tpu.dynamic_gather %convert_element_type3A_1060[%gather3A_1227] in [0] : vector<16xf32>, vector<16xi32> -> vector<16xf32>
      %broadcast_in_dim3A_1229 = arith.constant 14 : i32
      %broadcast_in_dim3A_1230 = vector.broadcast %broadcast_in_dim3A_1229 : i32 to vector<16xi32>
      %lt3A_1231 = arith.constant 0 : i32
      %lt3A_1232 = vector.broadcast %lt3A_1231 : i32 to vector<16xi32>
      %lt3A_1233 = arith.cmpi slt, %broadcast_in_dim3A_1230, %lt3A_1232 : vector<16xi32>
      %add3A_1234 = arith.constant 16 : i32
      %add3A_1235 = vector.broadcast %add3A_1234 : i32 to vector<16xi32>
      %add3A_1236 = arith.addi %broadcast_in_dim3A_1230, %add3A_1235 : vector<16xi32>
      %select_n3A_1237 = arith.select %lt3A_1233, %add3A_1236, %broadcast_in_dim3A_1230 : vector<16xi1>, vector<16xi32>
      %broadcast_in_dim3A_1238 = vector.shape_cast %select_n3A_1237 : vector<16xi32> to vector<16x1xi32>
      %gather3A_1239 = vector.shape_cast %broadcast_in_dim3A_1238 : vector<16x1xi32> to vector<16xi32>
      %gather3A_1240 = tpu.dynamic_gather %convert_element_type3A_1060[%gather3A_1239] in [0] : vector<16xf32>, vector<16xi32> -> vector<16xf32>
      %broadcast_in_dim3A_1241 = arith.constant 15 : i32
      %broadcast_in_dim3A_1242 = vector.broadcast %broadcast_in_dim3A_1241 : i32 to vector<16xi32>
      %lt3A_1243 = arith.constant 0 : i32
      %lt3A_1244 = vector.broadcast %lt3A_1243 : i32 to vector<16xi32>
      %lt3A_1245 = arith.cmpi slt, %broadcast_in_dim3A_1242, %lt3A_1244 : vector<16xi32>
      %add3A_1246 = arith.constant 16 : i32
      %add3A_1247 = vector.broadcast %add3A_1246 : i32 to vector<16xi32>
      %add3A_1248 = arith.addi %broadcast_in_dim3A_1242, %add3A_1247 : vector<16xi32>
      %select_n3A_1249 = arith.select %lt3A_1245, %add3A_1248, %broadcast_in_dim3A_1242 : vector<16xi1>, vector<16xi32>
      %broadcast_in_dim3A_1250 = vector.shape_cast %select_n3A_1249 : vector<16xi32> to vector<16x1xi32>
      %gather3A_1251 = vector.shape_cast %broadcast_in_dim3A_1250 : vector<16x1xi32> to vector<16xi32>
      %gather3A_1252 = tpu.dynamic_gather %convert_element_type3A_1060[%gather3A_1251] in [0] : vector<16xf32>, vector<16xi32> -> vector<16xf32>
      %dma_wait3A_1253 = arith.constant 1 : i32
      %dma_wait3A_1254 = arith.constant 1 : i32
      %dma_wait3A_1255 = arith.constant 0 : i32
      %dma_wait3A_1256 = arith.constant 0 : i32
      %dma_wait3A_1257 = tpu.memref_slice %arg13[%dma_wait3A_1254, %dma_wait3A_1255, %dma_wait3A_1256] : memref<4x16x768xf32, #tpu.memory_space<vmem>> -> memref<1x16x768xf32, #tpu.memory_space<vmem>>
      %dma_wait3A_1258 = tpu.memref_squeeze %dma_wait3A_1257 : memref<1x16x768xf32, #tpu.memory_space<vmem>> -> memref<16x768xf32, #tpu.memory_space<vmem>>
      %dma_wait3A_1259 = arith.constant 0 : i32
      %dma_wait3A_1260 = tpu.memref_slice %arg11[%dma_wait3A_1253, %dma_wait3A_1259] : memref<4x16xi32, #tpu.memory_space<vmem>> -> memref<1x16xi32, #tpu.memory_space<vmem>>
      %dma_wait3A_1261 = tpu.memref_squeeze %dma_wait3A_1260 : memref<1x16xi32, #tpu.memory_space<vmem>> -> memref<16xi32, #tpu.memory_space<vmem>>
      %dma_wait3A_1262 = arith.constant 0 : i32
      %dma_wait3A_1263 = arith.constant 0 : i32
      %dma_wait3A_1264 = tpu.memref_slice %arg4[%dma_wait3A_1262, %dma_wait3A_1263] : memref<100000x768xf32, #tpu.memory_space<hbm>> -> memref<100000x768xf32, #tpu.memory_space<hbm>>
      tpu.wait_indirect_dma semaphore(%arg15 : memref<!tpu.dma_semaphore, #tpu.memory_space<semaphore_mem>>) src(%dma_wait3A_1264 : memref<100000x768xf32, #tpu.memory_space<hbm>>) dst(%dma_wait3A_1258 : memref<16x768xf32, #tpu.memory_space<vmem>>)
      %add3A_1265 = arith.constant 4 : i32
      %add3A_1266 = arith.addi %sub3A_1054, %add3A_1265 : i32
      %lt3A_1267 = arith.constant 64 : i32
      %lt3A_1268 = arith.cmpi slt, %add3A_1266, %lt3A_1267 : i32
      %convert_element_type3A_1269 = arith.extui %lt3A_1268 : i1 to i32
      %cond3A_1270 = arith.constant 0 : i32
      %cond3A_1271 = arith.cmpi ne, %convert_element_type3A_1269, %cond3A_1270 : i32
      scf.if %cond3A_1271 {
        %add3A_1294 = arith.constant 4 : i32
        %add3A_1295 = arith.addi %sub3A_1054, %add3A_1294 : i32
        %dma_start3A_1296 = arith.constant 1 : i32
        %dma_start3A_1297 = arith.constant 0 : i32
        %dma_start3A_1298 = tpu.memref_slice %arg11[%dma_start3A_1296, %dma_start3A_1297] : memref<4x16xi32, #tpu.memory_space<vmem>> -> memref<1x16xi32, #tpu.memory_space<vmem>>
        %dma_start3A_1299 = tpu.memref_squeeze %dma_start3A_1298 : memref<1x16xi32, #tpu.memory_space<vmem>> -> memref<16xi32, #tpu.memory_space<vmem>>
        %dma_start3A_1300 = tpu.memref_slice %arg2[%add3A_1295, %mul3A_2] : memref<64x512xi32, #tpu.memory_space<hbm>> -> memref<1x16xi32, #tpu.memory_space<hbm>>
        %dma_start3A_1301 = tpu.memref_squeeze %dma_start3A_1300 : memref<1x16xi32, #tpu.memory_space<hbm>> -> memref<16xi32, #tpu.memory_space<hbm>>
        %dma_start3A_1302 = arith.constant 0 : i32
        %dma_start3A_1303 = tpu.memref_slice %arg11[%dma_start3A_1296, %dma_start3A_1302] : memref<4x16xi32, #tpu.memory_space<vmem>> -> memref<1x16xi32, #tpu.memory_space<vmem>>
        %dma_start3A_1304 = tpu.memref_squeeze %dma_start3A_1303 : memref<1x16xi32, #tpu.memory_space<vmem>> -> memref<16xi32, #tpu.memory_space<vmem>>
        %dma_start3A_1305 = tpu.memref_slice %arg2[%add3A_1295, %mul3A_2] : memref<64x512xi32, #tpu.memory_space<hbm>> -> memref<1x16xi32, #tpu.memory_space<hbm>>
        %dma_start3A_1306 = tpu.memref_squeeze %dma_start3A_1305 : memref<1x16xi32, #tpu.memory_space<hbm>> -> memref<16xi32, #tpu.memory_space<hbm>>
        tpu.enqueue_dma source(%dma_start3A_1306 : memref<16xi32, #tpu.memory_space<hbm>>) target(%dma_start3A_1304 : memref<16xi32, #tpu.memory_space<vmem>>) target_semaphore(%arg23 : memref<!tpu.dma_semaphore, #tpu.memory_space<semaphore_mem>>)
        %dma_start3A_1307 = arith.constant 1 : i32
        %dma_start3A_1308 = arith.constant 0 : i32
        %dma_start3A_1309 = tpu.memref_slice %arg12[%dma_start3A_1307, %dma_start3A_1308] : memref<4x16xi32, #tpu.memory_space<vmem>> -> memref<1x16xi32, #tpu.memory_space<vmem>>
        %dma_start3A_1310 = tpu.memref_squeeze %dma_start3A_1309 : memref<1x16xi32, #tpu.memory_space<vmem>> -> memref<16xi32, #tpu.memory_space<vmem>>
        %dma_start3A_1311 = tpu.memref_slice %arg3[%add3A_1295, %mul3A_2] : memref<64x512xi32, #tpu.memory_space<hbm>> -> memref<1x16xi32, #tpu.memory_space<hbm>>
        %dma_start3A_1312 = tpu.memref_squeeze %dma_start3A_1311 : memref<1x16xi32, #tpu.memory_space<hbm>> -> memref<16xi32, #tpu.memory_space<hbm>>
        %dma_start3A_1313 = arith.constant 0 : i32
        %dma_start3A_1314 = tpu.memref_slice %arg12[%dma_start3A_1307, %dma_start3A_1313] : memref<4x16xi32, #tpu.memory_space<vmem>> -> memref<1x16xi32, #tpu.memory_space<vmem>>
        %dma_start3A_1315 = tpu.memref_squeeze %dma_start3A_1314 : memref<1x16xi32, #tpu.memory_space<vmem>> -> memref<16xi32, #tpu.memory_space<vmem>>
        %dma_start3A_1316 = tpu.memref_slice %arg3[%add3A_1295, %mul3A_2] : memref<64x512xi32, #tpu.memory_space<hbm>> -> memref<1x16xi32, #tpu.memory_space<hbm>>
        %dma_start3A_1317 = tpu.memref_squeeze %dma_start3A_1316 : memref<1x16xi32, #tpu.memory_space<hbm>> -> memref<16xi32, #tpu.memory_space<hbm>>
        tpu.enqueue_dma source(%dma_start3A_1317 : memref<16xi32, #tpu.memory_space<hbm>>) target(%dma_start3A_1315 : memref<16xi32, #tpu.memory_space<vmem>>) target_semaphore(%arg23 : memref<!tpu.dma_semaphore, #tpu.memory_space<semaphore_mem>>)
      } else {
      }
      %scan3A_1272 = arith.constant 0 : i32
      %scan3A_1273 = arith.constant 1 : i32
      %scan3A_1274 = arith.constant 0 : i32
      %scan3A_1275 = arith.constant 48 : i32
      %scan3A_1276 = arith.addi %scan3A_1274, %scan3A_1275 : i32
      %scan3A_1277 = arith.constant 1 : i32
      scf.for %scan3A_1294 = %scan3A_1274 to %scan3A_1276 step %scan3A_1277  : i32 {
        %mul3A_1295 = arith.constant 16 : i32
        %mul3A_1296 = arith.muli %scan3A_1294, %mul3A_1295 : i32
        %multiple_of3A = tpu.assume_multiple %mul3A_1296, 16 : i32
        %get3A_1297 = arith.index_cast %multiple_of3A : i32 to index
        %get3A_1298 = tpu.vector_load %arg9[%get3A_1297] {strides = array<i32>} : memref<768xf32, #tpu.memory_space<vmem>>, vector<16xf32>,
        %get3A_1299 = vector.shape_cast %get3A_1298 : vector<16xf32> to vector<16xf32>
        %get3A_1300 = arith.constant 0 : i32
        %get3A_1301 = arith.index_cast %get3A_1300 : i32 to index
        %get3A_1302 = arith.index_cast %multiple_of3A : i32 to index
        %get3A_1303 = tpu.vector_load %arg8[%get3A_1301, %get3A_1302] {strides = array<i32>} : memref<16x768xf32, #tpu.memory_space<vmem>>, vector<1x16xf32>,
        %get3A_1304 = vector.shape_cast %get3A_1303 : vector<1x16xf32> to vector<16xf32>
        %mul3A_1305 = arith.mulf %gather3A_1072, %get3A_1299 : vector<16xf32>
        %add3A_1306 = arith.addf %get3A_1304, %mul3A_1305 : vector<16xf32>
        %swap3A = arith.constant 0 : i32
        %swap3A_1307 = arith.constant 0 : i32
        %swap3A_1308 = arith.constant 0 : i32
        %swap3A_1309 = tpu.memref_slice %arg13[%scan3A_1273, %swap3A_1307, %swap3A_1308] : memref<4x16x768xf32, #tpu.memory_space<vmem>> -> memref<1x16x768xf32, #tpu.memory_space<vmem>>
        %swap3A_1310 = tpu.memref_squeeze %swap3A_1309 : memref<1x16x768xf32, #tpu.memory_space<vmem>> -> memref<16x768xf32, #tpu.memory_space<vmem>>
        %swap3A_1311 = arith.index_cast %swap3A : i32 to index
        %swap3A_1312 = arith.index_cast %multiple_of3A : i32 to index
        %swap3A_1313 = tpu.vector_load %swap3A_1310[%swap3A_1311, %swap3A_1312] {strides = array<i32>} : memref<16x768xf32, #tpu.memory_space<vmem>>, vector<1x16xf32>,
        %swap3A_1314 = vector.shape_cast %swap3A_1313 : vector<1x16xf32> to vector<16xf32>
        %swap3A_1315 = vector.shape_cast %add3A_1306 : vector<16xf32> to vector<1x16xf32>
        tpu.vector_store %swap3A_1310[%swap3A_1311, %swap3A_1312], %swap3A_1315 {add = true, strides = array<i32>} : memref<16x768xf32, #tpu.memory_space<vmem>>, vector<1x16xf32>,
        %get3A_1316 = arith.constant 1 : i32
        %get3A_1317 = arith.index_cast %get3A_1316 : i32 to index
        %get3A_1318 = arith.index_cast %multiple_of3A : i32 to index
        %get3A_1319 = tpu.vector_load %arg8[%get3A_1317, %get3A_1318] {strides = array<i32>} : memref<16x768xf32, #tpu.memory_space<vmem>>, vector<1x16xf32>,
        %get3A_1320 = vector.shape_cast %get3A_1319 : vector<1x16xf32> to vector<16xf32>
        %mul3A_1321 = arith.mulf %gather3A_1084, %get3A_1299 : vector<16xf32>
        %add3A_1322 = arith.addf %get3A_1320, %mul3A_1321 : vector<16xf32>
        %swap3A_1323 = arith.constant 1 : i32
        %swap3A_1324 = arith.constant 0 : i32
        %swap3A_1325 = arith.constant 0 : i32
        %swap3A_1326 = tpu.memref_slice %arg13[%scan3A_1273, %swap3A_1324, %swap3A_1325] : memref<4x16x768xf32, #tpu.memory_space<vmem>> -> memref<1x16x768xf32, #tpu.memory_space<vmem>>
        %swap3A_1327 = tpu.memref_squeeze %swap3A_1326 : memref<1x16x768xf32, #tpu.memory_space<vmem>> -> memref<16x768xf32, #tpu.memory_space<vmem>>
        %swap3A_1328 = arith.index_cast %swap3A_1323 : i32 to index
        %swap3A_1329 = arith.index_cast %multiple_of3A : i32 to index
        %swap3A_1330 = tpu.vector_load %swap3A_1327[%swap3A_1328, %swap3A_1329] {strides = array<i32>} : memref<16x768xf32, #tpu.memory_space<vmem>>, vector<1x16xf32>,
        %swap3A_1331 = vector.shape_cast %swap3A_1330 : vector<1x16xf32> to vector<16xf32>
        %swap3A_1332 = vector.shape_cast %add3A_1322 : vector<16xf32> to vector<1x16xf32>
        tpu.vector_store %swap3A_1327[%swap3A_1328, %swap3A_1329], %swap3A_1332 {add = true, strides = array<i32>} : memref<16x768xf32, #tpu.memory_space<vmem>>, vector<1x16xf32>,
        %get3A_1333 = arith.constant 2 : i32
        %get3A_1334 = arith.index_cast %get3A_1333 : i32 to index
        %get3A_1335 = arith.index_cast %multiple_of3A : i32 to index
        %get3A_1336 = tpu.vector_load %arg8[%get3A_1334, %get3A_1335] {strides = array<i32>} : memref<16x768xf32, #tpu.memory_space<vmem>>, vector<1x16xf32>,
        %get3A_1337 = vector.shape_cast %get3A_1336 : vector<1x16xf32> to vector<16xf32>
        %mul3A_1338 = arith.mulf %gather3A_1096, %get3A_1299 : vector<16xf32>
        %add3A_1339 = arith.addf %get3A_1337, %mul3A_1338 : vector<16xf32>
        %swap3A_1340 = arith.constant 2 : i32
        %swap3A_1341 = arith.constant 0 : i32
        %swap3A_1342 = arith.constant 0 : i32
        %swap3A_1343 = tpu.memref_slice %arg13[%scan3A_1273, %swap3A_1341, %swap3A_1342] : memref<4x16x768xf32, #tpu.memory_space<vmem>> -> memref<1x16x768xf32, #tpu.memory_space<vmem>>
        %swap3A_1344 = tpu.memref_squeeze %swap3A_1343 : memref<1x16x768xf32, #tpu.memory_space<vmem>> -> memref<16x768xf32, #tpu.memory_space<vmem>>
        %swap3A_1345 = arith.index_cast %swap3A_1340 : i32 to index
        %swap3A_1346 = arith.index_cast %multiple_of3A : i32 to index
        %swap3A_1347 = tpu.vector_load %swap3A_1344[%swap3A_1345, %swap3A_1346] {strides = array<i32>} : memref<16x768xf32, #tpu.memory_space<vmem>>, vector<1x16xf32>,
        %swap3A_1348 = vector.shape_cast %swap3A_1347 : vector<1x16xf32> to vector<16xf32>
        %swap3A_1349 = vector.shape_cast %add3A_1339 : vector<16xf32> to vector<1x16xf32>
        tpu.vector_store %swap3A_1344[%swap3A_1345, %swap3A_1346], %swap3A_1349 {add = true, strides = array<i32>} : memref<16x768xf32, #tpu.memory_space<vmem>>, vector<1x16xf32>,
        %get3A_1350 = arith.constant 3 : i32
        %get3A_1351 = arith.index_cast %get3A_1350 : i32 to index
        %get3A_1352 = arith.index_cast %multiple_of3A : i32 to index
        %get3A_1353 = tpu.vector_load %arg8[%get3A_1351, %get3A_1352] {strides = array<i32>} : memref<16x768xf32, #tpu.memory_space<vmem>>, vector<1x16xf32>,
        %get3A_1354 = vector.shape_cast %get3A_1353 : vector<1x16xf32> to vector<16xf32>
        %mul3A_1355 = arith.mulf %gather3A_1108, %get3A_1299 : vector<16xf32>
        %add3A_1356 = arith.addf %get3A_1354, %mul3A_1355 : vector<16xf32>
        %swap3A_1357 = arith.constant 3 : i32
        %swap3A_1358 = arith.constant 0 : i32
        %swap3A_1359 = arith.constant 0 : i32
        %swap3A_1360 = tpu.memref_slice %arg13[%scan3A_1273, %swap3A_1358, %swap3A_1359] : memref<4x16x768xf32, #tpu.memory_space<vmem>> -> memref<1x16x768xf32, #tpu.memory_space<vmem>>
        %swap3A_1361 = tpu.memref_squeeze %swap3A_1360 : memref<1x16x768xf32, #tpu.memory_space<vmem>> -> memref<16x768xf32, #tpu.memory_space<vmem>>
        %swap3A_1362 = arith.index_cast %swap3A_1357 : i32 to index
        %swap3A_1363 = arith.index_cast %multiple_of3A : i32 to index
        %swap3A_1364 = tpu.vector_load %swap3A_1361[%swap3A_1362, %swap3A_1363] {strides = array<i32>} : memref<16x768xf32, #tpu.memory_space<vmem>>, vector<1x16xf32>,
        %swap3A_1365 = vector.shape_cast %swap3A_1364 : vector<1x16xf32> to vector<16xf32>
        %swap3A_1366 = vector.shape_cast %add3A_1356 : vector<16xf32> to vector<1x16xf32>
        tpu.vector_store %swap3A_1361[%swap3A_1362, %swap3A_1363], %swap3A_1366 {add = true, strides = array<i32>} : memref<16x768xf32, #tpu.memory_space<vmem>>, vector<1x16xf32>,
        %get3A_1367 = arith.constant 4 : i32
        %get3A_1368 = arith.index_cast %get3A_1367 : i32 to index
        %get3A_1369 = arith.index_cast %multiple_of3A : i32 to index
        %get3A_1370 = tpu.vector_load %arg8[%get3A_1368, %get3A_1369] {strides = array<i32>} : memref<16x768xf32, #tpu.memory_space<vmem>>, vector<1x16xf32>,
        %get3A_1371 = vector.shape_cast %get3A_1370 : vector<1x16xf32> to vector<16xf32>
        %mul3A_1372 = arith.mulf %gather3A_1120, %get3A_1299 : vector<16xf32>
        %add3A_1373 = arith.addf %get3A_1371, %mul3A_1372 : vector<16xf32>
        %swap3A_1374 = arith.constant 4 : i32
        %swap3A_1375 = arith.constant 0 : i32
        %swap3A_1376 = arith.constant 0 : i32
        %swap3A_1377 = tpu.memref_slice %arg13[%scan3A_1273, %swap3A_1375, %swap3A_1376] : memref<4x16x768xf32, #tpu.memory_space<vmem>> -> memref<1x16x768xf32, #tpu.memory_space<vmem>>
        %swap3A_1378 = tpu.memref_squeeze %swap3A_1377 : memref<1x16x768xf32, #tpu.memory_space<vmem>> -> memref<16x768xf32, #tpu.memory_space<vmem>>
        %swap3A_1379 = arith.index_cast %swap3A_1374 : i32 to index
        %swap3A_1380 = arith.index_cast %multiple_of3A : i32 to index
        %swap3A_1381 = tpu.vector_load %swap3A_1378[%swap3A_1379, %swap3A_1380] {strides = array<i32>} : memref<16x768xf32, #tpu.memory_space<vmem>>, vector<1x16xf32>,
        %swap3A_1382 = vector.shape_cast %swap3A_1381 : vector<1x16xf32> to vector<16xf32>
        %swap3A_1383 = vector.shape_cast %add3A_1373 : vector<16xf32> to vector<1x16xf32>
        tpu.vector_store %swap3A_1378[%swap3A_1379, %swap3A_1380], %swap3A_1383 {add = true, strides = array<i32>} : memref<16x768xf32, #tpu.memory_space<vmem>>, vector<1x16xf32>,
        %get3A_1384 = arith.constant 5 : i32
        %get3A_1385 = arith.index_cast %get3A_1384 : i32 to index
        %get3A_1386 = arith.index_cast %multiple_of3A : i32 to index
        %get3A_1387 = tpu.vector_load %arg8[%get3A_1385, %get3A_1386] {strides = array<i32>} : memref<16x768xf32, #tpu.memory_space<vmem>>, vector<1x16xf32>,
        %get3A_1388 = vector.shape_cast %get3A_1387 : vector<1x16xf32> to vector<16xf32>
        %mul3A_1389 = arith.mulf %gather3A_1132, %get3A_1299 : vector<16xf32>
        %add3A_1390 = arith.addf %get3A_1388, %mul3A_1389 : vector<16xf32>
        %swap3A_1391 = arith.constant 5 : i32
        %swap3A_1392 = arith.constant 0 : i32
        %swap3A_1393 = arith.constant 0 : i32
        %swap3A_1394 = tpu.memref_slice %arg13[%scan3A_1273, %swap3A_1392, %swap3A_1393] : memref<4x16x768xf32, #tpu.memory_space<vmem>> -> memref<1x16x768xf32, #tpu.memory_space<vmem>>
        %swap3A_1395 = tpu.memref_squeeze %swap3A_1394 : memref<1x16x768xf32, #tpu.memory_space<vmem>> -> memref<16x768xf32, #tpu.memory_space<vmem>>
        %swap3A_1396 = arith.index_cast %swap3A_1391 : i32 to index
        %swap3A_1397 = arith.index_cast %multiple_of3A : i32 to index
        %swap3A_1398 = tpu.vector_load %swap3A_1395[%swap3A_1396, %swap3A_1397] {strides = array<i32>} : memref<16x768xf32, #tpu.memory_space<vmem>>, vector<1x16xf32>,
        %swap3A_1399 = vector.shape_cast %swap3A_1398 : vector<1x16xf32> to vector<16xf32>
        %swap3A_1400 = vector.shape_cast %add3A_1390 : vector<16xf32> to vector<1x16xf32>
        tpu.vector_store %swap3A_1395[%swap3A_1396, %swap3A_1397], %swap3A_1400 {add = true, strides = array<i32>} : memref<16x768xf32, #tpu.memory_space<vmem>>, vector<1x16xf32>,
        %get3A_1401 = arith.constant 6 : i32
        %get3A_1402 = arith.index_cast %get3A_1401 : i32 to index
        %get3A_1403 = arith.index_cast %multiple_of3A : i32 to index
        %get3A_1404 = tpu.vector_load %arg8[%get3A_1402, %get3A_1403] {strides = array<i32>} : memref<16x768xf32, #tpu.memory_space<vmem>>, vector<1x16xf32>,
        %get3A_1405 = vector.shape_cast %get3A_1404 : vector<1x16xf32> to vector<16xf32>
        %mul3A_1406 = arith.mulf %gather3A_1144, %get3A_1299 : vector<16xf32>
        %add3A_1407 = arith.addf %get3A_1405, %mul3A_1406 : vector<16xf32>
        %swap3A_1408 = arith.constant 6 : i32
        %swap3A_1409 = arith.constant 0 : i32
        %swap3A_1410 = arith.constant 0 : i32
        %swap3A_1411 = tpu.memref_slice %arg13[%scan3A_1273, %swap3A_1409, %swap3A_1410] : memref<4x16x768xf32, #tpu.memory_space<vmem>> -> memref<1x16x768xf32, #tpu.memory_space<vmem>>
        %swap3A_1412 = tpu.memref_squeeze %swap3A_1411 : memref<1x16x768xf32, #tpu.memory_space<vmem>> -> memref<16x768xf32, #tpu.memory_space<vmem>>
        %swap3A_1413 = arith.index_cast %swap3A_1408 : i32 to index
        %swap3A_1414 = arith.index_cast %multiple_of3A : i32 to index
        %swap3A_1415 = tpu.vector_load %swap3A_1412[%swap3A_1413, %swap3A_1414] {strides = array<i32>} : memref<16x768xf32, #tpu.memory_space<vmem>>, vector<1x16xf32>,
        %swap3A_1416 = vector.shape_cast %swap3A_1415 : vector<1x16xf32> to vector<16xf32>
        %swap3A_1417 = vector.shape_cast %add3A_1407 : vector<16xf32> to vector<1x16xf32>
        tpu.vector_store %swap3A_1412[%swap3A_1413, %swap3A_1414], %swap3A_1417 {add = true, strides = array<i32>} : memref<16x768xf32, #tpu.memory_space<vmem>>, vector<1x16xf32>,
        %get3A_1418 = arith.constant 7 : i32
        %get3A_1419 = arith.index_cast %get3A_1418 : i32 to index
        %get3A_1420 = arith.index_cast %multiple_of3A : i32 to index
        %get3A_1421 = tpu.vector_load %arg8[%get3A_1419, %get3A_1420] {strides = array<i32>} : memref<16x768xf32, #tpu.memory_space<vmem>>, vector<1x16xf32>,
        %get3A_1422 = vector.shape_cast %get3A_1421 : vector<1x16xf32> to vector<16xf32>
        %mul3A_1423 = arith.mulf %gather3A_1156, %get3A_1299 : vector<16xf32>
        %add3A_1424 = arith.addf %get3A_1422, %mul3A_1423 : vector<16xf32>
        %swap3A_1425 = arith.constant 7 : i32
        %swap3A_1426 = arith.constant 0 : i32
        %swap3A_1427 = arith.constant 0 : i32
        %swap3A_1428 = tpu.memref_slice %arg13[%scan3A_1273, %swap3A_1426, %swap3A_1427] : memref<4x16x768xf32, #tpu.memory_space<vmem>> -> memref<1x16x768xf32, #tpu.memory_space<vmem>>
        %swap3A_1429 = tpu.memref_squeeze %swap3A_1428 : memref<1x16x768xf32, #tpu.memory_space<vmem>> -> memref<16x768xf32, #tpu.memory_space<vmem>>
        %swap3A_1430 = arith.index_cast %swap3A_1425 : i32 to index
        %swap3A_1431 = arith.index_cast %multiple_of3A : i32 to index
        %swap3A_1432 = tpu.vector_load %swap3A_1429[%swap3A_1430, %swap3A_1431] {strides = array<i32>} : memref<16x768xf32, #tpu.memory_space<vmem>>, vector<1x16xf32>,
        %swap3A_1433 = vector.shape_cast %swap3A_1432 : vector<1x16xf32> to vector<16xf32>
        %swap3A_1434 = vector.shape_cast %add3A_1424 : vector<16xf32> to vector<1x16xf32>
        tpu.vector_store %swap3A_1429[%swap3A_1430, %swap3A_1431], %swap3A_1434 {add = true, strides = array<i32>} : memref<16x768xf32, #tpu.memory_space<vmem>>, vector<1x16xf32>,
        %get3A_1435 = arith.constant 8 : i32
        %get3A_1436 = arith.index_cast %get3A_1435 : i32 to index
        %get3A_1437 = arith.index_cast %multiple_of3A : i32 to index
        %get3A_1438 = tpu.vector_load %arg8[%get3A_1436, %get3A_1437] {strides = array<i32>} : memref<16x768xf32, #tpu.memory_space<vmem>>, vector<1x16xf32>,
        %get3A_1439 = vector.shape_cast %get3A_1438 : vector<1x16xf32> to vector<16xf32>
        %mul3A_1440 = arith.mulf %gather3A_1168, %get3A_1299 : vector<16xf32>
        %add3A_1441 = arith.addf %get3A_1439, %mul3A_1440 : vector<16xf32>
        %swap3A_1442 = arith.constant 8 : i32
        %swap3A_1443 = arith.constant 0 : i32
        %swap3A_1444 = arith.constant 0 : i32
        %swap3A_1445 = tpu.memref_slice %arg13[%scan3A_1273, %swap3A_1443, %swap3A_1444] : memref<4x16x768xf32, #tpu.memory_space<vmem>> -> memref<1x16x768xf32, #tpu.memory_space<vmem>>
        %swap3A_1446 = tpu.memref_squeeze %swap3A_1445 : memref<1x16x768xf32, #tpu.memory_space<vmem>> -> memref<16x768xf32, #tpu.memory_space<vmem>>
        %swap3A_1447 = arith.index_cast %swap3A_1442 : i32 to index
        %swap3A_1448 = arith.index_cast %multiple_of3A : i32 to index
        %swap3A_1449 = tpu.vector_load %swap3A_1446[%swap3A_1447, %swap3A_1448] {strides = array<i32>} : memref<16x768xf32, #tpu.memory_space<vmem>>, vector<1x16xf32>,
        %swap3A_1450 = vector.shape_cast %swap3A_1449 : vector<1x16xf32> to vector<16xf32>
        %swap3A_1451 = vector.shape_cast %add3A_1441 : vector<16xf32> to vector<1x16xf32>
        tpu.vector_store %swap3A_1446[%swap3A_1447, %swap3A_1448], %swap3A_1451 {add = true, strides = array<i32>} : memref<16x768xf32, #tpu.memory_space<vmem>>, vector<1x16xf32>,
        %get3A_1452 = arith.constant 9 : i32
        %get3A_1453 = arith.index_cast %get3A_1452 : i32 to index
        %get3A_1454 = arith.index_cast %multiple_of3A : i32 to index
        %get3A_1455 = tpu.vector_load %arg8[%get3A_1453, %get3A_1454] {strides = array<i32>} : memref<16x768xf32, #tpu.memory_space<vmem>>, vector<1x16xf32>,
        %get3A_1456 = vector.shape_cast %get3A_1455 : vector<1x16xf32> to vector<16xf32>
        %mul3A_1457 = arith.mulf %gather3A_1180, %get3A_1299 : vector<16xf32>
        %add3A_1458 = arith.addf %get3A_1456, %mul3A_1457 : vector<16xf32>
        %swap3A_1459 = arith.constant 9 : i32
        %swap3A_1460 = arith.constant 0 : i32
        %swap3A_1461 = arith.constant 0 : i32
        %swap3A_1462 = tpu.memref_slice %arg13[%scan3A_1273, %swap3A_1460, %swap3A_1461] : memref<4x16x768xf32, #tpu.memory_space<vmem>> -> memref<1x16x768xf32, #tpu.memory_space<vmem>>
        %swap3A_1463 = tpu.memref_squeeze %swap3A_1462 : memref<1x16x768xf32, #tpu.memory_space<vmem>> -> memref<16x768xf32, #tpu.memory_space<vmem>>
        %swap3A_1464 = arith.index_cast %swap3A_1459 : i32 to index
        %swap3A_1465 = arith.index_cast %multiple_of3A : i32 to index
        %swap3A_1466 = tpu.vector_load %swap3A_1463[%swap3A_1464, %swap3A_1465] {strides = array<i32>} : memref<16x768xf32, #tpu.memory_space<vmem>>, vector<1x16xf32>,
        %swap3A_1467 = vector.shape_cast %swap3A_1466 : vector<1x16xf32> to vector<16xf32>
        %swap3A_1468 = vector.shape_cast %add3A_1458 : vector<16xf32> to vector<1x16xf32>
        tpu.vector_store %swap3A_1463[%swap3A_1464, %swap3A_1465], %swap3A_1468 {add = true, strides = array<i32>} : memref<16x768xf32, #tpu.memory_space<vmem>>, vector<1x16xf32>,
        %get3A_1469 = arith.constant 10 : i32
        %get3A_1470 = arith.index_cast %get3A_1469 : i32 to index
        %get3A_1471 = arith.index_cast %multiple_of3A : i32 to index
        %get3A_1472 = tpu.vector_load %arg8[%get3A_1470, %get3A_1471] {strides = array<i32>} : memref<16x768xf32, #tpu.memory_space<vmem>>, vector<1x16xf32>,
        %get3A_1473 = vector.shape_cast %get3A_1472 : vector<1x16xf32> to vector<16xf32>
        %mul3A_1474 = arith.mulf %gather3A_1192, %get3A_1299 : vector<16xf32>
        %add3A_1475 = arith.addf %get3A_1473, %mul3A_1474 : vector<16xf32>
        %swap3A_1476 = arith.constant 10 : i32
        %swap3A_1477 = arith.constant 0 : i32
        %swap3A_1478 = arith.constant 0 : i32
        %swap3A_1479 = tpu.memref_slice %arg13[%scan3A_1273, %swap3A_1477, %swap3A_1478] : memref<4x16x768xf32, #tpu.memory_space<vmem>> -> memref<1x16x768xf32, #tpu.memory_space<vmem>>
        %swap3A_1480 = tpu.memref_squeeze %swap3A_1479 : memref<1x16x768xf32, #tpu.memory_space<vmem>> -> memref<16x768xf32, #tpu.memory_space<vmem>>
        %swap3A_1481 = arith.index_cast %swap3A_1476 : i32 to index
        %swap3A_1482 = arith.index_cast %multiple_of3A : i32 to index
        %swap3A_1483 = tpu.vector_load %swap3A_1480[%swap3A_1481, %swap3A_1482] {strides = array<i32>} : memref<16x768xf32, #tpu.memory_space<vmem>>, vector<1x16xf32>,
        %swap3A_1484 = vector.shape_cast %swap3A_1483 : vector<1x16xf32> to vector<16xf32>
        %swap3A_1485 = vector.shape_cast %add3A_1475 : vector<16xf32> to vector<1x16xf32>
        tpu.vector_store %swap3A_1480[%swap3A_1481, %swap3A_1482], %swap3A_1485 {add = true, strides = array<i32>} : memref<16x768xf32, #tpu.memory_space<vmem>>, vector<1x16xf32>,
        %get3A_1486 = arith.constant 11 : i32
        %get3A_1487 = arith.index_cast %get3A_1486 : i32 to index
        %get3A_1488 = arith.index_cast %multiple_of3A : i32 to index
        %get3A_1489 = tpu.vector_load %arg8[%get3A_1487, %get3A_1488] {strides = array<i32>} : memref<16x768xf32, #tpu.memory_space<vmem>>, vector<1x16xf32>,
        %get3A_1490 = vector.shape_cast %get3A_1489 : vector<1x16xf32> to vector<16xf32>
        %mul3A_1491 = arith.mulf %gather3A_1204, %get3A_1299 : vector<16xf32>
        %add3A_1492 = arith.addf %get3A_1490, %mul3A_1491 : vector<16xf32>
        %swap3A_1493 = arith.constant 11 : i32
        %swap3A_1494 = arith.constant 0 : i32
        %swap3A_1495 = arith.constant 0 : i32
        %swap3A_1496 = tpu.memref_slice %arg13[%scan3A_1273, %swap3A_1494, %swap3A_1495] : memref<4x16x768xf32, #tpu.memory_space<vmem>> -> memref<1x16x768xf32, #tpu.memory_space<vmem>>
        %swap3A_1497 = tpu.memref_squeeze %swap3A_1496 : memref<1x16x768xf32, #tpu.memory_space<vmem>> -> memref<16x768xf32, #tpu.memory_space<vmem>>
        %swap3A_1498 = arith.index_cast %swap3A_1493 : i32 to index
        %swap3A_1499 = arith.index_cast %multiple_of3A : i32 to index
        %swap3A_1500 = tpu.vector_load %swap3A_1497[%swap3A_1498, %swap3A_1499] {strides = array<i32>} : memref<16x768xf32, #tpu.memory_space<vmem>>, vector<1x16xf32>,
        %swap3A_1501 = vector.shape_cast %swap3A_1500 : vector<1x16xf32> to vector<16xf32>
        %swap3A_1502 = vector.shape_cast %add3A_1492 : vector<16xf32> to vector<1x16xf32>
        tpu.vector_store %swap3A_1497[%swap3A_1498, %swap3A_1499], %swap3A_1502 {add = true, strides = array<i32>} : memref<16x768xf32, #tpu.memory_space<vmem>>, vector<1x16xf32>,
        %get3A_1503 = arith.constant 12 : i32
        %get3A_1504 = arith.index_cast %get3A_1503 : i32 to index
        %get3A_1505 = arith.index_cast %multiple_of3A : i32 to index
        %get3A_1506 = tpu.vector_load %arg8[%get3A_1504, %get3A_1505] {strides = array<i32>} : memref<16x768xf32, #tpu.memory_space<vmem>>, vector<1x16xf32>,
        %get3A_1507 = vector.shape_cast %get3A_1506 : vector<1x16xf32> to vector<16xf32>
        %mul3A_1508 = arith.mulf %gather3A_1216, %get3A_1299 : vector<16xf32>
        %add3A_1509 = arith.addf %get3A_1507, %mul3A_1508 : vector<16xf32>
        %swap3A_1510 = arith.constant 12 : i32
        %swap3A_1511 = arith.constant 0 : i32
        %swap3A_1512 = arith.constant 0 : i32
        %swap3A_1513 = tpu.memref_slice %arg13[%scan3A_1273, %swap3A_1511, %swap3A_1512] : memref<4x16x768xf32, #tpu.memory_space<vmem>> -> memref<1x16x768xf32, #tpu.memory_space<vmem>>
        %swap3A_1514 = tpu.memref_squeeze %swap3A_1513 : memref<1x16x768xf32, #tpu.memory_space<vmem>> -> memref<16x768xf32, #tpu.memory_space<vmem>>
        %swap3A_1515 = arith.index_cast %swap3A_1510 : i32 to index
        %swap3A_1516 = arith.index_cast %multiple_of3A : i32 to index
        %swap3A_1517 = tpu.vector_load %swap3A_1514[%swap3A_1515, %swap3A_1516] {strides = array<i32>} : memref<16x768xf32, #tpu.memory_space<vmem>>, vector<1x16xf32>,
        %swap3A_1518 = vector.shape_cast %swap3A_1517 : vector<1x16xf32> to vector<16xf32>
        %swap3A_1519 = vector.shape_cast %add3A_1509 : vector<16xf32> to vector<1x16xf32>
        tpu.vector_store %swap3A_1514[%swap3A_1515, %swap3A_1516], %swap3A_1519 {add = true, strides = array<i32>} : memref<16x768xf32, #tpu.memory_space<vmem>>, vector<1x16xf32>,
        %get3A_1520 = arith.constant 13 : i32
        %get3A_1521 = arith.index_cast %get3A_1520 : i32 to index
        %get3A_1522 = arith.index_cast %multiple_of3A : i32 to index
        %get3A_1523 = tpu.vector_load %arg8[%get3A_1521, %get3A_1522] {strides = array<i32>} : memref<16x768xf32, #tpu.memory_space<vmem>>, vector<1x16xf32>,
        %get3A_1524 = vector.shape_cast %get3A_1523 : vector<1x16xf32> to vector<16xf32>
        %mul3A_1525 = arith.mulf %gather3A_1228, %get3A_1299 : vector<16xf32>
        %add3A_1526 = arith.addf %get3A_1524, %mul3A_1525 : vector<16xf32>
        %swap3A_1527 = arith.constant 13 : i32
        %swap3A_1528 = arith.constant 0 : i32
        %swap3A_1529 = arith.constant 0 : i32
        %swap3A_1530 = tpu.memref_slice %arg13[%scan3A_1273, %swap3A_1528, %swap3A_1529] : memref<4x16x768xf32, #tpu.memory_space<vmem>> -> memref<1x16x768xf32, #tpu.memory_space<vmem>>
        %swap3A_1531 = tpu.memref_squeeze %swap3A_1530 : memref<1x16x768xf32, #tpu.memory_space<vmem>> -> memref<16x768xf32, #tpu.memory_space<vmem>>
        %swap3A_1532 = arith.index_cast %swap3A_1527 : i32 to index
        %swap3A_1533 = arith.index_cast %multiple_of3A : i32 to index
        %swap3A_1534 = tpu.vector_load %swap3A_1531[%swap3A_1532, %swap3A_1533] {strides = array<i32>} : memref<16x768xf32, #tpu.memory_space<vmem>>, vector<1x16xf32>,
        %swap3A_1535 = vector.shape_cast %swap3A_1534 : vector<1x16xf32> to vector<16xf32>
        %swap3A_1536 = vector.shape_cast %add3A_1526 : vector<16xf32> to vector<1x16xf32>
        tpu.vector_store %swap3A_1531[%swap3A_1532, %swap3A_1533], %swap3A_1536 {add = true, strides = array<i32>} : memref<16x768xf32, #tpu.memory_space<vmem>>, vector<1x16xf32>,
        %get3A_1537 = arith.constant 14 : i32
        %get3A_1538 = arith.index_cast %get3A_1537 : i32 to index
        %get3A_1539 = arith.index_cast %multiple_of3A : i32 to index
        %get3A_1540 = tpu.vector_load %arg8[%get3A_1538, %get3A_1539] {strides = array<i32>} : memref<16x768xf32, #tpu.memory_space<vmem>>, vector<1x16xf32>,
        %get3A_1541 = vector.shape_cast %get3A_1540 : vector<1x16xf32> to vector<16xf32>
        %mul3A_1542 = arith.mulf %gather3A_1240, %get3A_1299 : vector<16xf32>
        %add3A_1543 = arith.addf %get3A_1541, %mul3A_1542 : vector<16xf32>
        %swap3A_1544 = arith.constant 14 : i32
        %swap3A_1545 = arith.constant 0 : i32
        %swap3A_1546 = arith.constant 0 : i32
        %swap3A_1547 = tpu.memref_slice %arg13[%scan3A_1273, %swap3A_1545, %swap3A_1546] : memref<4x16x768xf32, #tpu.memory_space<vmem>> -> memref<1x16x768xf32, #tpu.memory_space<vmem>>
        %swap3A_1548 = tpu.memref_squeeze %swap3A_1547 : memref<1x16x768xf32, #tpu.memory_space<vmem>> -> memref<16x768xf32, #tpu.memory_space<vmem>>
        %swap3A_1549 = arith.index_cast %swap3A_1544 : i32 to index
        %swap3A_1550 = arith.index_cast %multiple_of3A : i32 to index
        %swap3A_1551 = tpu.vector_load %swap3A_1548[%swap3A_1549, %swap3A_1550] {strides = array<i32>} : memref<16x768xf32, #tpu.memory_space<vmem>>, vector<1x16xf32>,
        %swap3A_1552 = vector.shape_cast %swap3A_1551 : vector<1x16xf32> to vector<16xf32>
        %swap3A_1553 = vector.shape_cast %add3A_1543 : vector<16xf32> to vector<1x16xf32>
        tpu.vector_store %swap3A_1548[%swap3A_1549, %swap3A_1550], %swap3A_1553 {add = true, strides = array<i32>} : memref<16x768xf32, #tpu.memory_space<vmem>>, vector<1x16xf32>,
        %get3A_1554 = arith.constant 15 : i32
        %get3A_1555 = arith.index_cast %get3A_1554 : i32 to index
        %get3A_1556 = arith.index_cast %multiple_of3A : i32 to index
        %get3A_1557 = tpu.vector_load %arg8[%get3A_1555, %get3A_1556] {strides = array<i32>} : memref<16x768xf32, #tpu.memory_space<vmem>>, vector<1x16xf32>,
        %get3A_1558 = vector.shape_cast %get3A_1557 : vector<1x16xf32> to vector<16xf32>
        %mul3A_1559 = arith.mulf %gather3A_1252, %get3A_1299 : vector<16xf32>
        %add3A_1560 = arith.addf %get3A_1558, %mul3A_1559 : vector<16xf32>
        %swap3A_1561 = arith.constant 15 : i32
        %swap3A_1562 = arith.constant 0 : i32
        %swap3A_1563 = arith.constant 0 : i32
        %swap3A_1564 = tpu.memref_slice %arg13[%scan3A_1273, %swap3A_1562, %swap3A_1563] : memref<4x16x768xf32, #tpu.memory_space<vmem>> -> memref<1x16x768xf32, #tpu.memory_space<vmem>>
        %swap3A_1565 = tpu.memref_squeeze %swap3A_1564 : memref<1x16x768xf32, #tpu.memory_space<vmem>> -> memref<16x768xf32, #tpu.memory_space<vmem>>
        %swap3A_1566 = arith.index_cast %swap3A_1561 : i32 to index
        %swap3A_1567 = arith.index_cast %multiple_of3A : i32 to index
        %swap3A_1568 = tpu.vector_load %swap3A_1565[%swap3A_1566, %swap3A_1567] {strides = array<i32>} : memref<16x768xf32, #tpu.memory_space<vmem>>, vector<1x16xf32>,
        %swap3A_1569 = vector.shape_cast %swap3A_1568 : vector<1x16xf32> to vector<16xf32>
        %swap3A_1570 = vector.shape_cast %add3A_1560 : vector<16xf32> to vector<1x16xf32>
        tpu.vector_store %swap3A_1565[%swap3A_1566, %swap3A_1567], %swap3A_1570 {add = true, strides = array<i32>} : memref<16x768xf32, #tpu.memory_space<vmem>>, vector<1x16xf32>,
      }
      %scan3A_1278 = arith.constant 48 : i32
      %dma_start3A_1279 = arith.constant 1 : i32
      %dma_start3A_1280 = arith.constant 0 : i32
      %dma_start3A_1281 = arith.constant 0 : i32
      %dma_start3A_1282 = tpu.memref_slice %arg13[%dma_start3A_1279, %dma_start3A_1280, %dma_start3A_1281] : memref<4x16x768xf32, #tpu.memory_space<vmem>> -> memref<1x16x768xf32, #tpu.memory_space<vmem>>
      %dma_start3A_1283 = tpu.memref_squeeze %dma_start3A_1282 : memref<1x16x768xf32, #tpu.memory_space<vmem>> -> memref<16x768xf32, #tpu.memory_space<vmem>>
      %dma_start3A_1284 = arith.constant 0 : i32
      %dma_start3A_1285 = tpu.memref_slice %arg7[%sub3A_1054, %mul3A_2, %dma_start3A_1284] : memref<64x512x768xf32, #tpu.memory_space<hbm>> -> memref<1x16x768xf32, #tpu.memory_space<hbm>>
      %dma_start3A_1286 = tpu.memref_squeeze %dma_start3A_1285 : memref<1x16x768xf32, #tpu.memory_space<hbm>> -> memref<16x768xf32, #tpu.memory_space<hbm>>
      %dma_start3A_1287 = arith.constant 0 : i32
      %dma_start3A_1288 = tpu.memref_slice %arg7[%sub3A_1054, %mul3A_2, %dma_start3A_1287] : memref<64x512x768xf32, #tpu.memory_space<hbm>> -> memref<1x16x768xf32, #tpu.memory_space<hbm>>
      %dma_start3A_1289 = tpu.memref_squeeze %dma_start3A_1288 : memref<1x16x768xf32, #tpu.memory_space<hbm>> -> memref<16x768xf32, #tpu.memory_space<hbm>>
      %dma_start3A_1290 = arith.constant 0 : i32
      %dma_start3A_1291 = arith.constant 0 : i32
      %dma_start3A_1292 = tpu.memref_slice %arg13[%dma_start3A_1279, %dma_start3A_1290, %dma_start3A_1291] : memref<4x16x768xf32, #tpu.memory_space<vmem>> -> memref<1x16x768xf32, #tpu.memory_space<vmem>>
      %dma_start3A_1293 = tpu.memref_squeeze %dma_start3A_1292 : memref<1x16x768xf32, #tpu.memory_space<vmem>> -> memref<16x768xf32, #tpu.memory_space<vmem>>
      tpu.enqueue_dma source(%dma_start3A_1293 : memref<16x768xf32, #tpu.memory_space<vmem>>) target(%dma_start3A_1289 : memref<16x768xf32, #tpu.memory_space<hbm>>) target_semaphore(%arg19 : memref<!tpu.dma_semaphore, #tpu.memory_space<semaphore_mem>>)
    }
    %scan3A_108 = arith.constant 16 : i32
    %get3A = arith.constant 2 : i32
    %get3A_109 = arith.index_cast %get3A : i32 to index
    %get3A_110 = arith.constant 0 : index
    %get3A_111 = tpu.vector_load %arg12[%get3A_109, %get3A_110] {strides = array<i32>} : memref<4x16xi32, #tpu.memory_space<vmem>>, vector<1x16xi32>,
    %get3A_112 = vector.shape_cast %get3A_111 : vector<1x16xi32> to vector<16xi32>
    %convert_element_type3A = arith.sitofp %get3A_112 : vector<16xi32> to vector<16xf32>
    %broadcast_in_dim3A = arith.constant 0 : i32
    %broadcast_in_dim3A_113 = vector.broadcast %broadcast_in_dim3A : i32 to vector<16xi32>
    %lt3A = arith.constant 0 : i32
    %lt3A_114 = vector.broadcast %lt3A : i32 to vector<16xi32>
    %lt3A_115 = arith.cmpi slt, %broadcast_in_dim3A_113, %lt3A_114 : vector<16xi32>
    %add3A_116 = arith.constant 16 : i32
    %add3A_117 = vector.broadcast %add3A_116 : i32 to vector<16xi32>
    %add3A_118 = arith.addi %broadcast_in_dim3A_113, %add3A_117 : vector<16xi32>
    %select_n3A = arith.select %lt3A_115, %add3A_118, %broadcast_in_dim3A_113 : vector<16xi1>, vector<16xi32>
    %broadcast_in_dim3A_119 = vector.shape_cast %select_n3A : vector<16xi32> to vector<16x1xi32>
    %gather3A = vector.shape_cast %broadcast_in_dim3A_119 : vector<16x1xi32> to vector<16xi32>
    %gather3A_120 = tpu.dynamic_gather %convert_element_type3A[%gather3A] in [0] : vector<16xf32>, vector<16xi32> -> vector<16xf32>
    %broadcast_in_dim3A_121 = arith.constant 1 : i32
    %broadcast_in_dim3A_122 = vector.broadcast %broadcast_in_dim3A_121 : i32 to vector<16xi32>
    %lt3A_123 = arith.constant 0 : i32
    %lt3A_124 = vector.broadcast %lt3A_123 : i32 to vector<16xi32>
    %lt3A_125 = arith.cmpi slt, %broadcast_in_dim3A_122, %lt3A_124 : vector<16xi32>
    %add3A_126 = arith.constant 16 : i32
    %add3A_127 = vector.broadcast %add3A_126 : i32 to vector<16xi32>
    %add3A_128 = arith.addi %broadcast_in_dim3A_122, %add3A_127 : vector<16xi32>
    %select_n3A_129 = arith.select %lt3A_125, %add3A_128, %broadcast_in_dim3A_122 : vector<16xi1>, vector<16xi32>
    %broadcast_in_dim3A_130 = vector.shape_cast %select_n3A_129 : vector<16xi32> to vector<16x1xi32>
    %gather3A_131 = vector.shape_cast %broadcast_in_dim3A_130 : vector<16x1xi32> to vector<16xi32>
    %gather3A_132 = tpu.dynamic_gather %convert_element_type3A[%gather3A_131] in [0] : vector<16xf32>, vector<16xi32> -> vector<16xf32>
    %broadcast_in_dim3A_133 = arith.constant 2 : i32
    %broadcast_in_dim3A_134 = vector.broadcast %broadcast_in_dim3A_133 : i32 to vector<16xi32>
    %lt3A_135 = arith.constant 0 : i32
    %lt3A_136 = vector.broadcast %lt3A_135 : i32 to vector<16xi32>
    %lt3A_137 = arith.cmpi slt, %broadcast_in_dim3A_134, %lt3A_136 : vector<16xi32>
    %add3A_138 = arith.constant 16 : i32
    %add3A_139 = vector.broadcast %add3A_138 : i32 to vector<16xi32>
    %add3A_140 = arith.addi %broadcast_in_dim3A_134, %add3A_139 : vector<16xi32>
    %select_n3A_141 = arith.select %lt3A_137, %add3A_140, %broadcast_in_dim3A_134 : vector<16xi1>, vector<16xi32>
    %broadcast_in_dim3A_142 = vector.shape_cast %select_n3A_141 : vector<16xi32> to vector<16x1xi32>
    %gather3A_143 = vector.shape_cast %broadcast_in_dim3A_142 : vector<16x1xi32> to vector<16xi32>
    %gather3A_144 = tpu.dynamic_gather %convert_element_type3A[%gather3A_143] in [0] : vector<16xf32>, vector<16xi32> -> vector<16xf32>
    %broadcast_in_dim3A_145 = arith.constant 3 : i32
    %broadcast_in_dim3A_146 = vector.broadcast %broadcast_in_dim3A_145 : i32 to vector<16xi32>
    %lt3A_147 = arith.constant 0 : i32
    %lt3A_148 = vector.broadcast %lt3A_147 : i32 to vector<16xi32>
    %lt3A_149 = arith.cmpi slt, %broadcast_in_dim3A_146, %lt3A_148 : vector<16xi32>
    %add3A_150 = arith.constant 16 : i32
    %add3A_151 = vector.broadcast %add3A_150 : i32 to vector<16xi32>
    %add3A_152 = arith.addi %broadcast_in_dim3A_146, %add3A_151 : vector<16xi32>
    %select_n3A_153 = arith.select %lt3A_149, %add3A_152, %broadcast_in_dim3A_146 : vector<16xi1>, vector<16xi32>
    %broadcast_in_dim3A_154 = vector.shape_cast %select_n3A_153 : vector<16xi32> to vector<16x1xi32>
    %gather3A_155 = vector.shape_cast %broadcast_in_dim3A_154 : vector<16x1xi32> to vector<16xi32>
    %gather3A_156 = tpu.dynamic_gather %convert_element_type3A[%gather3A_155] in [0] : vector<16xf32>, vector<16xi32> -> vector<16xf32>
    %broadcast_in_dim3A_157 = arith.constant 4 : i32
    %broadcast_in_dim3A_158 = vector.broadcast %broadcast_in_dim3A_157 : i32 to vector<16xi32>
    %lt3A_159 = arith.constant 0 : i32
    %lt3A_160 = vector.broadcast %lt3A_159 : i32 to vector<16xi32>
    %lt3A_161 = arith.cmpi slt, %broadcast_in_dim3A_158, %lt3A_160 : vector<16xi32>
    %add3A_162 = arith.constant 16 : i32
    %add3A_163 = vector.broadcast %add3A_162 : i32 to vector<16xi32>
    %add3A_164 = arith.addi %broadcast_in_dim3A_158, %add3A_163 : vector<16xi32>
    %select_n3A_165 = arith.select %lt3A_161, %add3A_164, %broadcast_in_dim3A_158 : vector<16xi1>, vector<16xi32>
    %broadcast_in_dim3A_166 = vector.shape_cast %select_n3A_165 : vector<16xi32> to vector<16x1xi32>
    %gather3A_167 = vector.shape_cast %broadcast_in_dim3A_166 : vector<16x1xi32> to vector<16xi32>
    %gather3A_168 = tpu.dynamic_gather %convert_element_type3A[%gather3A_167] in [0] : vector<16xf32>, vector<16xi32> -> vector<16xf32>
    %broadcast_in_dim3A_169 = arith.constant 5 : i32
    %broadcast_in_dim3A_170 = vector.broadcast %broadcast_in_dim3A_169 : i32 to vector<16xi32>
    %lt3A_171 = arith.constant 0 : i32
    %lt3A_172 = vector.broadcast %lt3A_171 : i32 to vector<16xi32>
    %lt3A_173 = arith.cmpi slt, %broadcast_in_dim3A_170, %lt3A_172 : vector<16xi32>
    %add3A_174 = arith.constant 16 : i32
    %add3A_175 = vector.broadcast %add3A_174 : i32 to vector<16xi32>
    %add3A_176 = arith.addi %broadcast_in_dim3A_170, %add3A_175 : vector<16xi32>
    %select_n3A_177 = arith.select %lt3A_173, %add3A_176, %broadcast_in_dim3A_170 : vector<16xi1>, vector<16xi32>
    %broadcast_in_dim3A_178 = vector.shape_cast %select_n3A_177 : vector<16xi32> to vector<16x1xi32>
    %gather3A_179 = vector.shape_cast %broadcast_in_dim3A_178 : vector<16x1xi32> to vector<16xi32>
    %gather3A_180 = tpu.dynamic_gather %convert_element_type3A[%gather3A_179] in [0] : vector<16xf32>, vector<16xi32> -> vector<16xf32>
    %broadcast_in_dim3A_181 = arith.constant 6 : i32
    %broadcast_in_dim3A_182 = vector.broadcast %broadcast_in_dim3A_181 : i32 to vector<16xi32>
    %lt3A_183 = arith.constant 0 : i32
    %lt3A_184 = vector.broadcast %lt3A_183 : i32 to vector<16xi32>
    %lt3A_185 = arith.cmpi slt, %broadcast_in_dim3A_182, %lt3A_184 : vector<16xi32>
    %add3A_186 = arith.constant 16 : i32
    %add3A_187 = vector.broadcast %add3A_186 : i32 to vector<16xi32>
    %add3A_188 = arith.addi %broadcast_in_dim3A_182, %add3A_187 : vector<16xi32>
    %select_n3A_189 = arith.select %lt3A_185, %add3A_188, %broadcast_in_dim3A_182 : vector<16xi1>, vector<16xi32>
    %broadcast_in_dim3A_190 = vector.shape_cast %select_n3A_189 : vector<16xi32> to vector<16x1xi32>
    %gather3A_191 = vector.shape_cast %broadcast_in_dim3A_190 : vector<16x1xi32> to vector<16xi32>
    %gather3A_192 = tpu.dynamic_gather %convert_element_type3A[%gather3A_191] in [0] : vector<16xf32>, vector<16xi32> -> vector<16xf32>
    %broadcast_in_dim3A_193 = arith.constant 7 : i32
    %broadcast_in_dim3A_194 = vector.broadcast %broadcast_in_dim3A_193 : i32 to vector<16xi32>
    %lt3A_195 = arith.constant 0 : i32
    %lt3A_196 = vector.broadcast %lt3A_195 : i32 to vector<16xi32>
    %lt3A_197 = arith.cmpi slt, %broadcast_in_dim3A_194, %lt3A_196 : vector<16xi32>
    %add3A_198 = arith.constant 16 : i32
    %add3A_199 = vector.broadcast %add3A_198 : i32 to vector<16xi32>
    %add3A_200 = arith.addi %broadcast_in_dim3A_194, %add3A_199 : vector<16xi32>
    %select_n3A_201 = arith.select %lt3A_197, %add3A_200, %broadcast_in_dim3A_194 : vector<16xi1>, vector<16xi32>
    %broadcast_in_dim3A_202 = vector.shape_cast %select_n3A_201 : vector<16xi32> to vector<16x1xi32>
    %gather3A_203 = vector.shape_cast %broadcast_in_dim3A_202 : vector<16x1xi32> to vector<16xi32>
    %gather3A_204 = tpu.dynamic_gather %convert_element_type3A[%gather3A_203] in [0] : vector<16xf32>, vector<16xi32> -> vector<16xf32>
    %broadcast_in_dim3A_205 = arith.constant 8 : i32
    %broadcast_in_dim3A_206 = vector.broadcast %broadcast_in_dim3A_205 : i32 to vector<16xi32>
    %lt3A_207 = arith.constant 0 : i32
    %lt3A_208 = vector.broadcast %lt3A_207 : i32 to vector<16xi32>
    %lt3A_209 = arith.cmpi slt, %broadcast_in_dim3A_206, %lt3A_208 : vector<16xi32>
    %add3A_210 = arith.constant 16 : i32
    %add3A_211 = vector.broadcast %add3A_210 : i32 to vector<16xi32>
    %add3A_212 = arith.addi %broadcast_in_dim3A_206, %add3A_211 : vector<16xi32>
    %select_n3A_213 = arith.select %lt3A_209, %add3A_212, %broadcast_in_dim3A_206 : vector<16xi1>, vector<16xi32>
    %broadcast_in_dim3A_214 = vector.shape_cast %select_n3A_213 : vector<16xi32> to vector<16x1xi32>
    %gather3A_215 = vector.shape_cast %broadcast_in_dim3A_214 : vector<16x1xi32> to vector<16xi32>
    %gather3A_216 = tpu.dynamic_gather %convert_element_type3A[%gather3A_215] in [0] : vector<16xf32>, vector<16xi32> -> vector<16xf32>
    %broadcast_in_dim3A_217 = arith.constant 9 : i32
    %broadcast_in_dim3A_218 = vector.broadcast %broadcast_in_dim3A_217 : i32 to vector<16xi32>
    %lt3A_219 = arith.constant 0 : i32
    %lt3A_220 = vector.broadcast %lt3A_219 : i32 to vector<16xi32>
    %lt3A_221 = arith.cmpi slt, %broadcast_in_dim3A_218, %lt3A_220 : vector<16xi32>
    %add3A_222 = arith.constant 16 : i32
    %add3A_223 = vector.broadcast %add3A_222 : i32 to vector<16xi32>
    %add3A_224 = arith.addi %broadcast_in_dim3A_218, %add3A_223 : vector<16xi32>
    %select_n3A_225 = arith.select %lt3A_221, %add3A_224, %broadcast_in_dim3A_218 : vector<16xi1>, vector<16xi32>
    %broadcast_in_dim3A_226 = vector.shape_cast %select_n3A_225 : vector<16xi32> to vector<16x1xi32>
    %gather3A_227 = vector.shape_cast %broadcast_in_dim3A_226 : vector<16x1xi32> to vector<16xi32>
    %gather3A_228 = tpu.dynamic_gather %convert_element_type3A[%gather3A_227] in [0] : vector<16xf32>, vector<16xi32> -> vector<16xf32>
    %broadcast_in_dim3A_229 = arith.constant 10 : i32
    %broadcast_in_dim3A_230 = vector.broadcast %broadcast_in_dim3A_229 : i32 to vector<16xi32>
    %lt3A_231 = arith.constant 0 : i32
    %lt3A_232 = vector.broadcast %lt3A_231 : i32 to vector<16xi32>
    %lt3A_233 = arith.cmpi slt, %broadcast_in_dim3A_230, %lt3A_232 : vector<16xi32>
    %add3A_234 = arith.constant 16 : i32
    %add3A_235 = vector.broadcast %add3A_234 : i32 to vector<16xi32>
    %add3A_236 = arith.addi %broadcast_in_dim3A_230, %add3A_235 : vector<16xi32>
    %select_n3A_237 = arith.select %lt3A_233, %add3A_236, %broadcast_in_dim3A_230 : vector<16xi1>, vector<16xi32>
    %broadcast_in_dim3A_238 = vector.shape_cast %select_n3A_237 : vector<16xi32> to vector<16x1xi32>
    %gather3A_239 = vector.shape_cast %broadcast_in_dim3A_238 : vector<16x1xi32> to vector<16xi32>
    %gather3A_240 = tpu.dynamic_gather %convert_element_type3A[%gather3A_239] in [0] : vector<16xf32>, vector<16xi32> -> vector<16xf32>
    %broadcast_in_dim3A_241 = arith.constant 11 : i32
    %broadcast_in_dim3A_242 = vector.broadcast %broadcast_in_dim3A_241 : i32 to vector<16xi32>
    %lt3A_243 = arith.constant 0 : i32
    %lt3A_244 = vector.broadcast %lt3A_243 : i32 to vector<16xi32>
    %lt3A_245 = arith.cmpi slt, %broadcast_in_dim3A_242, %lt3A_244 : vector<16xi32>
    %add3A_246 = arith.constant 16 : i32
    %add3A_247 = vector.broadcast %add3A_246 : i32 to vector<16xi32>
    %add3A_248 = arith.addi %broadcast_in_dim3A_242, %add3A_247 : vector<16xi32>
    %select_n3A_249 = arith.select %lt3A_245, %add3A_248, %broadcast_in_dim3A_242 : vector<16xi1>, vector<16xi32>
    %broadcast_in_dim3A_250 = vector.shape_cast %select_n3A_249 : vector<16xi32> to vector<16x1xi32>
    %gather3A_251 = vector.shape_cast %broadcast_in_dim3A_250 : vector<16x1xi32> to vector<16xi32>
    %gather3A_252 = tpu.dynamic_gather %convert_element_type3A[%gather3A_251] in [0] : vector<16xf32>, vector<16xi32> -> vector<16xf32>
    %broadcast_in_dim3A_253 = arith.constant 12 : i32
    %broadcast_in_dim3A_254 = vector.broadcast %broadcast_in_dim3A_253 : i32 to vector<16xi32>
    %lt3A_255 = arith.constant 0 : i32
    %lt3A_256 = vector.broadcast %lt3A_255 : i32 to vector<16xi32>
    %lt3A_257 = arith.cmpi slt, %broadcast_in_dim3A_254, %lt3A_256 : vector<16xi32>
    %add3A_258 = arith.constant 16 : i32
    %add3A_259 = vector.broadcast %add3A_258 : i32 to vector<16xi32>
    %add3A_260 = arith.addi %broadcast_in_dim3A_254, %add3A_259 : vector<16xi32>
    %select_n3A_261 = arith.select %lt3A_257, %add3A_260, %broadcast_in_dim3A_254 : vector<16xi1>, vector<16xi32>
    %broadcast_in_dim3A_262 = vector.shape_cast %select_n3A_261 : vector<16xi32> to vector<16x1xi32>
    %gather3A_263 = vector.shape_cast %broadcast_in_dim3A_262 : vector<16x1xi32> to vector<16xi32>
    %gather3A_264 = tpu.dynamic_gather %convert_element_type3A[%gather3A_263] in [0] : vector<16xf32>, vector<16xi32> -> vector<16xf32>
    %broadcast_in_dim3A_265 = arith.constant 13 : i32
    %broadcast_in_dim3A_266 = vector.broadcast %broadcast_in_dim3A_265 : i32 to vector<16xi32>
    %lt3A_267 = arith.constant 0 : i32
    %lt3A_268 = vector.broadcast %lt3A_267 : i32 to vector<16xi32>
    %lt3A_269 = arith.cmpi slt, %broadcast_in_dim3A_266, %lt3A_268 : vector<16xi32>
    %add3A_270 = arith.constant 16 : i32
    %add3A_271 = vector.broadcast %add3A_270 : i32 to vector<16xi32>
    %add3A_272 = arith.addi %broadcast_in_dim3A_266, %add3A_271 : vector<16xi32>
    %select_n3A_273 = arith.select %lt3A_269, %add3A_272, %broadcast_in_dim3A_266 : vector<16xi1>, vector<16xi32>
    %broadcast_in_dim3A_274 = vector.shape_cast %select_n3A_273 : vector<16xi32> to vector<16x1xi32>
    %gather3A_275 = vector.shape_cast %broadcast_in_dim3A_274 : vector<16x1xi32> to vector<16xi32>
    %gather3A_276 = tpu.dynamic_gather %convert_element_type3A[%gather3A_275] in [0] : vector<16xf32>, vector<16xi32> -> vector<16xf32>
    %broadcast_in_dim3A_277 = arith.constant 14 : i32
    %broadcast_in_dim3A_278 = vector.broadcast %broadcast_in_dim3A_277 : i32 to vector<16xi32>
    %lt3A_279 = arith.constant 0 : i32
    %lt3A_280 = vector.broadcast %lt3A_279 : i32 to vector<16xi32>
    %lt3A_281 = arith.cmpi slt, %broadcast_in_dim3A_278, %lt3A_280 : vector<16xi32>
    %add3A_282 = arith.constant 16 : i32
    %add3A_283 = vector.broadcast %add3A_282 : i32 to vector<16xi32>
    %add3A_284 = arith.addi %broadcast_in_dim3A_278, %add3A_283 : vector<16xi32>
    %select_n3A_285 = arith.select %lt3A_281, %add3A_284, %broadcast_in_dim3A_278 : vector<16xi1>, vector<16xi32>
    %broadcast_in_dim3A_286 = vector.shape_cast %select_n3A_285 : vector<16xi32> to vector<16x1xi32>
    %gather3A_287 = vector.shape_cast %broadcast_in_dim3A_286 : vector<16x1xi32> to vector<16xi32>
    %gather3A_288 = tpu.dynamic_gather %convert_element_type3A[%gather3A_287] in [0] : vector<16xf32>, vector<16xi32> -> vector<16xf32>
    %broadcast_in_dim3A_289 = arith.constant 15 : i32
    %broadcast_in_dim3A_290 = vector.broadcast %broadcast_in_dim3A_289 : i32 to vector<16xi32>
    %lt3A_291 = arith.constant 0 : i32
    %lt3A_292 = vector.broadcast %lt3A_291 : i32 to vector<16xi32>
    %lt3A_293 = arith.cmpi slt, %broadcast_in_dim3A_290, %lt3A_292 : vector<16xi32>
    %add3A_294 = arith.constant 16 : i32
    %add3A_295 = vector.broadcast %add3A_294 : i32 to vector<16xi32>
    %add3A_296 = arith.addi %broadcast_in_dim3A_290, %add3A_295 : vector<16xi32>
    %select_n3A_297 = arith.select %lt3A_293, %add3A_296, %broadcast_in_dim3A_290 : vector<16xi1>, vector<16xi32>
    %broadcast_in_dim3A_298 = vector.shape_cast %select_n3A_297 : vector<16xi32> to vector<16x1xi32>
    %gather3A_299 = vector.shape_cast %broadcast_in_dim3A_298 : vector<16x1xi32> to vector<16xi32>
    %gather3A_300 = tpu.dynamic_gather %convert_element_type3A[%gather3A_299] in [0] : vector<16xf32>, vector<16xi32> -> vector<16xf32>
    %dma_wait3A = arith.constant 2 : i32
    %dma_wait3A_301 = arith.constant 2 : i32
    %dma_wait3A_302 = arith.constant 0 : i32
    %dma_wait3A_303 = arith.constant 0 : i32
    %dma_wait3A_304 = tpu.memref_slice %arg13[%dma_wait3A_301, %dma_wait3A_302, %dma_wait3A_303] : memref<4x16x768xf32, #tpu.memory_space<vmem>> -> memref<1x16x768xf32, #tpu.memory_space<vmem>>
    %dma_wait3A_305 = tpu.memref_squeeze %dma_wait3A_304 : memref<1x16x768xf32, #tpu.memory_space<vmem>> -> memref<16x768xf32, #tpu.memory_space<vmem>>
    %dma_wait3A_306 = arith.constant 0 : i32
    %dma_wait3A_307 = tpu.memref_slice %arg11[%dma_wait3A, %dma_wait3A_306] : memref<4x16xi32, #tpu.memory_space<vmem>> -> memref<1x16xi32, #tpu.memory_space<vmem>>
    %dma_wait3A_308 = tpu.memref_squeeze %dma_wait3A_307 : memref<1x16xi32, #tpu.memory_space<vmem>> -> memref<16xi32, #tpu.memory_space<vmem>>
    %dma_wait3A_309 = arith.constant 0 : i32
    %dma_wait3A_310 = arith.constant 0 : i32
    %dma_wait3A_311 = tpu.memref_slice %arg4[%dma_wait3A_309, %dma_wait3A_310] : memref<100000x768xf32, #tpu.memory_space<hbm>> -> memref<100000x768xf32, #tpu.memory_space<hbm>>
    tpu.wait_indirect_dma semaphore(%arg16 : memref<!tpu.dma_semaphore, #tpu.memory_space<semaphore_mem>>) src(%dma_wait3A_311 : memref<100000x768xf32, #tpu.memory_space<hbm>>) dst(%dma_wait3A_305 : memref<16x768xf32, #tpu.memory_space<vmem>>)
    %scan3A_312 = arith.constant 0 : i32
    %scan3A_313 = arith.constant 2 : i32
    %scan3A_314 = arith.constant 0 : i32
    %scan3A_315 = arith.constant 48 : i32
    %scan3A_316 = arith.addi %scan3A_314, %scan3A_315 : i32
    %scan3A_317 = arith.constant 1 : i32
    scf.for %scan3A_632 = %scan3A_314 to %scan3A_316 step %scan3A_317  : i32 {
      %mul3A_633 = arith.constant 16 : i32
      %mul3A_634 = arith.muli %scan3A_632, %mul3A_633 : i32
      %multiple_of3A = tpu.assume_multiple %mul3A_634, 16 : i32
      %get3A_635 = arith.index_cast %multiple_of3A : i32 to index
      %get3A_636 = tpu.vector_load %arg9[%get3A_635] {strides = array<i32>} : memref<768xf32, #tpu.memory_space<vmem>>, vector<16xf32>,
      %get3A_637 = vector.shape_cast %get3A_636 : vector<16xf32> to vector<16xf32>
      %get3A_638 = arith.constant 0 : i32
      %get3A_639 = arith.index_cast %get3A_638 : i32 to index
      %get3A_640 = arith.index_cast %multiple_of3A : i32 to index
      %get3A_641 = tpu.vector_load %arg8[%get3A_639, %get3A_640] {strides = array<i32>} : memref<16x768xf32, #tpu.memory_space<vmem>>, vector<1x16xf32>,
      %get3A_642 = vector.shape_cast %get3A_641 : vector<1x16xf32> to vector<16xf32>
      %mul3A_643 = arith.mulf %gather3A_120, %get3A_637 : vector<16xf32>
      %add3A_644 = arith.addf %get3A_642, %mul3A_643 : vector<16xf32>
      %swap3A = arith.constant 0 : i32
      %swap3A_645 = arith.constant 0 : i32
      %swap3A_646 = arith.constant 0 : i32
      %swap3A_647 = tpu.memref_slice %arg13[%scan3A_313, %swap3A_645, %swap3A_646] : memref<4x16x768xf32, #tpu.memory_space<vmem>> -> memref<1x16x768xf32, #tpu.memory_space<vmem>>
      %swap3A_648 = tpu.memref_squeeze %swap3A_647 : memref<1x16x768xf32, #tpu.memory_space<vmem>> -> memref<16x768xf32, #tpu.memory_space<vmem>>
      %swap3A_649 = arith.index_cast %swap3A : i32 to index
      %swap3A_650 = arith.index_cast %multiple_of3A : i32 to index
      %swap3A_651 = tpu.vector_load %swap3A_648[%swap3A_649, %swap3A_650] {strides = array<i32>} : memref<16x768xf32, #tpu.memory_space<vmem>>, vector<1x16xf32>,
      %swap3A_652 = vector.shape_cast %swap3A_651 : vector<1x16xf32> to vector<16xf32>
      %swap3A_653 = vector.shape_cast %add3A_644 : vector<16xf32> to vector<1x16xf32>
      tpu.vector_store %swap3A_648[%swap3A_649, %swap3A_650], %swap3A_653 {add = true, strides = array<i32>} : memref<16x768xf32, #tpu.memory_space<vmem>>, vector<1x16xf32>,
      %get3A_654 = arith.constant 1 : i32
      %get3A_655 = arith.index_cast %get3A_654 : i32 to index
      %get3A_656 = arith.index_cast %multiple_of3A : i32 to index
      %get3A_657 = tpu.vector_load %arg8[%get3A_655, %get3A_656] {strides = array<i32>} : memref<16x768xf32, #tpu.memory_space<vmem>>, vector<1x16xf32>,
      %get3A_658 = vector.shape_cast %get3A_657 : vector<1x16xf32> to vector<16xf32>
      %mul3A_659 = arith.mulf %gather3A_132, %get3A_637 : vector<16xf32>
      %add3A_660 = arith.addf %get3A_658, %mul3A_659 : vector<16xf32>
      %swap3A_661 = arith.constant 1 : i32
      %swap3A_662 = arith.constant 0 : i32
      %swap3A_663 = arith.constant 0 : i32
      %swap3A_664 = tpu.memref_slice %arg13[%scan3A_313, %swap3A_662, %swap3A_663] : memref<4x16x768xf32, #tpu.memory_space<vmem>> -> memref<1x16x768xf32, #tpu.memory_space<vmem>>
      %swap3A_665 = tpu.memref_squeeze %swap3A_664 : memref<1x16x768xf32, #tpu.memory_space<vmem>> -> memref<16x768xf32, #tpu.memory_space<vmem>>
      %swap3A_666 = arith.index_cast %swap3A_661 : i32 to index
      %swap3A_667 = arith.index_cast %multiple_of3A : i32 to index
      %swap3A_668 = tpu.vector_load %swap3A_665[%swap3A_666, %swap3A_667] {strides = array<i32>} : memref<16x768xf32, #tpu.memory_space<vmem>>, vector<1x16xf32>,
      %swap3A_669 = vector.shape_cast %swap3A_668 : vector<1x16xf32> to vector<16xf32>
      %swap3A_670 = vector.shape_cast %add3A_660 : vector<16xf32> to vector<1x16xf32>
      tpu.vector_store %swap3A_665[%swap3A_666, %swap3A_667], %swap3A_670 {add = true, strides = array<i32>} : memref<16x768xf32, #tpu.memory_space<vmem>>, vector<1x16xf32>,
      %get3A_671 = arith.constant 2 : i32
      %get3A_672 = arith.index_cast %get3A_671 : i32 to index
      %get3A_673 = arith.index_cast %multiple_of3A : i32 to index
      %get3A_674 = tpu.vector_load %arg8[%get3A_672, %get3A_673] {strides = array<i32>} : memref<16x768xf32, #tpu.memory_space<vmem>>, vector<1x16xf32>,
      %get3A_675 = vector.shape_cast %get3A_674 : vector<1x16xf32> to vector<16xf32>
      %mul3A_676 = arith.mulf %gather3A_144, %get3A_637 : vector<16xf32>
      %add3A_677 = arith.addf %get3A_675, %mul3A_676 : vector<16xf32>
      %swap3A_678 = arith.constant 2 : i32
      %swap3A_679 = arith.constant 0 : i32
      %swap3A_680 = arith.constant 0 : i32
      %swap3A_681 = tpu.memref_slice %arg13[%scan3A_313, %swap3A_679, %swap3A_680] : memref<4x16x768xf32, #tpu.memory_space<vmem>> -> memref<1x16x768xf32, #tpu.memory_space<vmem>>
      %swap3A_682 = tpu.memref_squeeze %swap3A_681 : memref<1x16x768xf32, #tpu.memory_space<vmem>> -> memref<16x768xf32, #tpu.memory_space<vmem>>
      %swap3A_683 = arith.index_cast %swap3A_678 : i32 to index
      %swap3A_684 = arith.index_cast %multiple_of3A : i32 to index
      %swap3A_685 = tpu.vector_load %swap3A_682[%swap3A_683, %swap3A_684] {strides = array<i32>} : memref<16x768xf32, #tpu.memory_space<vmem>>, vector<1x16xf32>,
      %swap3A_686 = vector.shape_cast %swap3A_685 : vector<1x16xf32> to vector<16xf32>
      %swap3A_687 = vector.shape_cast %add3A_677 : vector<16xf32> to vector<1x16xf32>
      tpu.vector_store %swap3A_682[%swap3A_683, %swap3A_684], %swap3A_687 {add = true, strides = array<i32>} : memref<16x768xf32, #tpu.memory_space<vmem>>, vector<1x16xf32>,
      %get3A_688 = arith.constant 3 : i32
      %get3A_689 = arith.index_cast %get3A_688 : i32 to index
      %get3A_690 = arith.index_cast %multiple_of3A : i32 to index
      %get3A_691 = tpu.vector_load %arg8[%get3A_689, %get3A_690] {strides = array<i32>} : memref<16x768xf32, #tpu.memory_space<vmem>>, vector<1x16xf32>,
      %get3A_692 = vector.shape_cast %get3A_691 : vector<1x16xf32> to vector<16xf32>
      %mul3A_693 = arith.mulf %gather3A_156, %get3A_637 : vector<16xf32>
      %add3A_694 = arith.addf %get3A_692, %mul3A_693 : vector<16xf32>
      %swap3A_695 = arith.constant 3 : i32
      %swap3A_696 = arith.constant 0 : i32
      %swap3A_697 = arith.constant 0 : i32
      %swap3A_698 = tpu.memref_slice %arg13[%scan3A_313, %swap3A_696, %swap3A_697] : memref<4x16x768xf32, #tpu.memory_space<vmem>> -> memref<1x16x768xf32, #tpu.memory_space<vmem>>
      %swap3A_699 = tpu.memref_squeeze %swap3A_698 : memref<1x16x768xf32, #tpu.memory_space<vmem>> -> memref<16x768xf32, #tpu.memory_space<vmem>>
      %swap3A_700 = arith.index_cast %swap3A_695 : i32 to index
      %swap3A_701 = arith.index_cast %multiple_of3A : i32 to index
      %swap3A_702 = tpu.vector_load %swap3A_699[%swap3A_700, %swap3A_701] {strides = array<i32>} : memref<16x768xf32, #tpu.memory_space<vmem>>, vector<1x16xf32>,
      %swap3A_703 = vector.shape_cast %swap3A_702 : vector<1x16xf32> to vector<16xf32>
      %swap3A_704 = vector.shape_cast %add3A_694 : vector<16xf32> to vector<1x16xf32>
      tpu.vector_store %swap3A_699[%swap3A_700, %swap3A_701], %swap3A_704 {add = true, strides = array<i32>} : memref<16x768xf32, #tpu.memory_space<vmem>>, vector<1x16xf32>,
      %get3A_705 = arith.constant 4 : i32
      %get3A_706 = arith.index_cast %get3A_705 : i32 to index
      %get3A_707 = arith.index_cast %multiple_of3A : i32 to index
      %get3A_708 = tpu.vector_load %arg8[%get3A_706, %get3A_707] {strides = array<i32>} : memref<16x768xf32, #tpu.memory_space<vmem>>, vector<1x16xf32>,
      %get3A_709 = vector.shape_cast %get3A_708 : vector<1x16xf32> to vector<16xf32>
      %mul3A_710 = arith.mulf %gather3A_168, %get3A_637 : vector<16xf32>
      %add3A_711 = arith.addf %get3A_709, %mul3A_710 : vector<16xf32>
      %swap3A_712 = arith.constant 4 : i32
      %swap3A_713 = arith.constant 0 : i32
      %swap3A_714 = arith.constant 0 : i32
      %swap3A_715 = tpu.memref_slice %arg13[%scan3A_313, %swap3A_713, %swap3A_714] : memref<4x16x768xf32, #tpu.memory_space<vmem>> -> memref<1x16x768xf32, #tpu.memory_space<vmem>>
      %swap3A_716 = tpu.memref_squeeze %swap3A_715 : memref<1x16x768xf32, #tpu.memory_space<vmem>> -> memref<16x768xf32, #tpu.memory_space<vmem>>
      %swap3A_717 = arith.index_cast %swap3A_712 : i32 to index
      %swap3A_718 = arith.index_cast %multiple_of3A : i32 to index
      %swap3A_719 = tpu.vector_load %swap3A_716[%swap3A_717, %swap3A_718] {strides = array<i32>} : memref<16x768xf32, #tpu.memory_space<vmem>>, vector<1x16xf32>,
      %swap3A_720 = vector.shape_cast %swap3A_719 : vector<1x16xf32> to vector<16xf32>
      %swap3A_721 = vector.shape_cast %add3A_711 : vector<16xf32> to vector<1x16xf32>
      tpu.vector_store %swap3A_716[%swap3A_717, %swap3A_718], %swap3A_721 {add = true, strides = array<i32>} : memref<16x768xf32, #tpu.memory_space<vmem>>, vector<1x16xf32>,
      %get3A_722 = arith.constant 5 : i32
      %get3A_723 = arith.index_cast %get3A_722 : i32 to index
      %get3A_724 = arith.index_cast %multiple_of3A : i32 to index
      %get3A_725 = tpu.vector_load %arg8[%get3A_723, %get3A_724] {strides = array<i32>} : memref<16x768xf32, #tpu.memory_space<vmem>>, vector<1x16xf32>,
      %get3A_726 = vector.shape_cast %get3A_725 : vector<1x16xf32> to vector<16xf32>
      %mul3A_727 = arith.mulf %gather3A_180, %get3A_637 : vector<16xf32>
      %add3A_728 = arith.addf %get3A_726, %mul3A_727 : vector<16xf32>
      %swap3A_729 = arith.constant 5 : i32
      %swap3A_730 = arith.constant 0 : i32
      %swap3A_731 = arith.constant 0 : i32
      %swap3A_732 = tpu.memref_slice %arg13[%scan3A_313, %swap3A_730, %swap3A_731] : memref<4x16x768xf32, #tpu.memory_space<vmem>> -> memref<1x16x768xf32, #tpu.memory_space<vmem>>
      %swap3A_733 = tpu.memref_squeeze %swap3A_732 : memref<1x16x768xf32, #tpu.memory_space<vmem>> -> memref<16x768xf32, #tpu.memory_space<vmem>>
      %swap3A_734 = arith.index_cast %swap3A_729 : i32 to index
      %swap3A_735 = arith.index_cast %multiple_of3A : i32 to index
      %swap3A_736 = tpu.vector_load %swap3A_733[%swap3A_734, %swap3A_735] {strides = array<i32>} : memref<16x768xf32, #tpu.memory_space<vmem>>, vector<1x16xf32>,
      %swap3A_737 = vector.shape_cast %swap3A_736 : vector<1x16xf32> to vector<16xf32>
      %swap3A_738 = vector.shape_cast %add3A_728 : vector<16xf32> to vector<1x16xf32>
      tpu.vector_store %swap3A_733[%swap3A_734, %swap3A_735], %swap3A_738 {add = true, strides = array<i32>} : memref<16x768xf32, #tpu.memory_space<vmem>>, vector<1x16xf32>,
      %get3A_739 = arith.constant 6 : i32
      %get3A_740 = arith.index_cast %get3A_739 : i32 to index
      %get3A_741 = arith.index_cast %multiple_of3A : i32 to index
      %get3A_742 = tpu.vector_load %arg8[%get3A_740, %get3A_741] {strides = array<i32>} : memref<16x768xf32, #tpu.memory_space<vmem>>, vector<1x16xf32>,
      %get3A_743 = vector.shape_cast %get3A_742 : vector<1x16xf32> to vector<16xf32>
      %mul3A_744 = arith.mulf %gather3A_192, %get3A_637 : vector<16xf32>
      %add3A_745 = arith.addf %get3A_743, %mul3A_744 : vector<16xf32>
      %swap3A_746 = arith.constant 6 : i32
      %swap3A_747 = arith.constant 0 : i32
      %swap3A_748 = arith.constant 0 : i32
      %swap3A_749 = tpu.memref_slice %arg13[%scan3A_313, %swap3A_747, %swap3A_748] : memref<4x16x768xf32, #tpu.memory_space<vmem>> -> memref<1x16x768xf32, #tpu.memory_space<vmem>>
      %swap3A_750 = tpu.memref_squeeze %swap3A_749 : memref<1x16x768xf32, #tpu.memory_space<vmem>> -> memref<16x768xf32, #tpu.memory_space<vmem>>
      %swap3A_751 = arith.index_cast %swap3A_746 : i32 to index
      %swap3A_752 = arith.index_cast %multiple_of3A : i32 to index
      %swap3A_753 = tpu.vector_load %swap3A_750[%swap3A_751, %swap3A_752] {strides = array<i32>} : memref<16x768xf32, #tpu.memory_space<vmem>>, vector<1x16xf32>,
      %swap3A_754 = vector.shape_cast %swap3A_753 : vector<1x16xf32> to vector<16xf32>
      %swap3A_755 = vector.shape_cast %add3A_745 : vector<16xf32> to vector<1x16xf32>
      tpu.vector_store %swap3A_750[%swap3A_751, %swap3A_752], %swap3A_755 {add = true, strides = array<i32>} : memref<16x768xf32, #tpu.memory_space<vmem>>, vector<1x16xf32>,
      %get3A_756 = arith.constant 7 : i32
      %get3A_757 = arith.index_cast %get3A_756 : i32 to index
      %get3A_758 = arith.index_cast %multiple_of3A : i32 to index
      %get3A_759 = tpu.vector_load %arg8[%get3A_757, %get3A_758] {strides = array<i32>} : memref<16x768xf32, #tpu.memory_space<vmem>>, vector<1x16xf32>,
      %get3A_760 = vector.shape_cast %get3A_759 : vector<1x16xf32> to vector<16xf32>
      %mul3A_761 = arith.mulf %gather3A_204, %get3A_637 : vector<16xf32>
      %add3A_762 = arith.addf %get3A_760, %mul3A_761 : vector<16xf32>
      %swap3A_763 = arith.constant 7 : i32
      %swap3A_764 = arith.constant 0 : i32
      %swap3A_765 = arith.constant 0 : i32
      %swap3A_766 = tpu.memref_slice %arg13[%scan3A_313, %swap3A_764, %swap3A_765] : memref<4x16x768xf32, #tpu.memory_space<vmem>> -> memref<1x16x768xf32, #tpu.memory_space<vmem>>
      %swap3A_767 = tpu.memref_squeeze %swap3A_766 : memref<1x16x768xf32, #tpu.memory_space<vmem>> -> memref<16x768xf32, #tpu.memory_space<vmem>>
      %swap3A_768 = arith.index_cast %swap3A_763 : i32 to index
      %swap3A_769 = arith.index_cast %multiple_of3A : i32 to index
      %swap3A_770 = tpu.vector_load %swap3A_767[%swap3A_768, %swap3A_769] {strides = array<i32>} : memref<16x768xf32, #tpu.memory_space<vmem>>, vector<1x16xf32>,
      %swap3A_771 = vector.shape_cast %swap3A_770 : vector<1x16xf32> to vector<16xf32>
      %swap3A_772 = vector.shape_cast %add3A_762 : vector<16xf32> to vector<1x16xf32>
      tpu.vector_store %swap3A_767[%swap3A_768, %swap3A_769], %swap3A_772 {add = true, strides = array<i32>} : memref<16x768xf32, #tpu.memory_space<vmem>>, vector<1x16xf32>,
      %get3A_773 = arith.constant 8 : i32
      %get3A_774 = arith.index_cast %get3A_773 : i32 to index
      %get3A_775 = arith.index_cast %multiple_of3A : i32 to index
      %get3A_776 = tpu.vector_load %arg8[%get3A_774, %get3A_775] {strides = array<i32>} : memref<16x768xf32, #tpu.memory_space<vmem>>, vector<1x16xf32>,
      %get3A_777 = vector.shape_cast %get3A_776 : vector<1x16xf32> to vector<16xf32>
      %mul3A_778 = arith.mulf %gather3A_216, %get3A_637 : vector<16xf32>
      %add3A_779 = arith.addf %get3A_777, %mul3A_778 : vector<16xf32>
      %swap3A_780 = arith.constant 8 : i32
      %swap3A_781 = arith.constant 0 : i32
      %swap3A_782 = arith.constant 0 : i32
      %swap3A_783 = tpu.memref_slice %arg13[%scan3A_313, %swap3A_781, %swap3A_782] : memref<4x16x768xf32, #tpu.memory_space<vmem>> -> memref<1x16x768xf32, #tpu.memory_space<vmem>>
      %swap3A_784 = tpu.memref_squeeze %swap3A_783 : memref<1x16x768xf32, #tpu.memory_space<vmem>> -> memref<16x768xf32, #tpu.memory_space<vmem>>
      %swap3A_785 = arith.index_cast %swap3A_780 : i32 to index
      %swap3A_786 = arith.index_cast %multiple_of3A : i32 to index
      %swap3A_787 = tpu.vector_load %swap3A_784[%swap3A_785, %swap3A_786] {strides = array<i32>} : memref<16x768xf32, #tpu.memory_space<vmem>>, vector<1x16xf32>,
      %swap3A_788 = vector.shape_cast %swap3A_787 : vector<1x16xf32> to vector<16xf32>
      %swap3A_789 = vector.shape_cast %add3A_779 : vector<16xf32> to vector<1x16xf32>
      tpu.vector_store %swap3A_784[%swap3A_785, %swap3A_786], %swap3A_789 {add = true, strides = array<i32>} : memref<16x768xf32, #tpu.memory_space<vmem>>, vector<1x16xf32>,
      %get3A_790 = arith.constant 9 : i32
      %get3A_791 = arith.index_cast %get3A_790 : i32 to index
      %get3A_792 = arith.index_cast %multiple_of3A : i32 to index
      %get3A_793 = tpu.vector_load %arg8[%get3A_791, %get3A_792] {strides = array<i32>} : memref<16x768xf32, #tpu.memory_space<vmem>>, vector<1x16xf32>,
      %get3A_794 = vector.shape_cast %get3A_793 : vector<1x16xf32> to vector<16xf32>
      %mul3A_795 = arith.mulf %gather3A_228, %get3A_637 : vector<16xf32>
      %add3A_796 = arith.addf %get3A_794, %mul3A_795 : vector<16xf32>
      %swap3A_797 = arith.constant 9 : i32
      %swap3A_798 = arith.constant 0 : i32
      %swap3A_799 = arith.constant 0 : i32
      %swap3A_800 = tpu.memref_slice %arg13[%scan3A_313, %swap3A_798, %swap3A_799] : memref<4x16x768xf32, #tpu.memory_space<vmem>> -> memref<1x16x768xf32, #tpu.memory_space<vmem>>
      %swap3A_801 = tpu.memref_squeeze %swap3A_800 : memref<1x16x768xf32, #tpu.memory_space<vmem>> -> memref<16x768xf32, #tpu.memory_space<vmem>>
      %swap3A_802 = arith.index_cast %swap3A_797 : i32 to index
      %swap3A_803 = arith.index_cast %multiple_of3A : i32 to index
      %swap3A_804 = tpu.vector_load %swap3A_801[%swap3A_802, %swap3A_803] {strides = array<i32>} : memref<16x768xf32, #tpu.memory_space<vmem>>, vector<1x16xf32>,
      %swap3A_805 = vector.shape_cast %swap3A_804 : vector<1x16xf32> to vector<16xf32>
      %swap3A_806 = vector.shape_cast %add3A_796 : vector<16xf32> to vector<1x16xf32>
      tpu.vector_store %swap3A_801[%swap3A_802, %swap3A_803], %swap3A_806 {add = true, strides = array<i32>} : memref<16x768xf32, #tpu.memory_space<vmem>>, vector<1x16xf32>,
      %get3A_807 = arith.constant 10 : i32
      %get3A_808 = arith.index_cast %get3A_807 : i32 to index
      %get3A_809 = arith.index_cast %multiple_of3A : i32 to index
      %get3A_810 = tpu.vector_load %arg8[%get3A_808, %get3A_809] {strides = array<i32>} : memref<16x768xf32, #tpu.memory_space<vmem>>, vector<1x16xf32>,
      %get3A_811 = vector.shape_cast %get3A_810 : vector<1x16xf32> to vector<16xf32>
      %mul3A_812 = arith.mulf %gather3A_240, %get3A_637 : vector<16xf32>
      %add3A_813 = arith.addf %get3A_811, %mul3A_812 : vector<16xf32>
      %swap3A_814 = arith.constant 10 : i32
      %swap3A_815 = arith.constant 0 : i32
      %swap3A_816 = arith.constant 0 : i32
      %swap3A_817 = tpu.memref_slice %arg13[%scan3A_313, %swap3A_815, %swap3A_816] : memref<4x16x768xf32, #tpu.memory_space<vmem>> -> memref<1x16x768xf32, #tpu.memory_space<vmem>>
      %swap3A_818 = tpu.memref_squeeze %swap3A_817 : memref<1x16x768xf32, #tpu.memory_space<vmem>> -> memref<16x768xf32, #tpu.memory_space<vmem>>
      %swap3A_819 = arith.index_cast %swap3A_814 : i32 to index
      %swap3A_820 = arith.index_cast %multiple_of3A : i32 to index
      %swap3A_821 = tpu.vector_load %swap3A_818[%swap3A_819, %swap3A_820] {strides = array<i32>} : memref<16x768xf32, #tpu.memory_space<vmem>>, vector<1x16xf32>,
      %swap3A_822 = vector.shape_cast %swap3A_821 : vector<1x16xf32> to vector<16xf32>
      %swap3A_823 = vector.shape_cast %add3A_813 : vector<16xf32> to vector<1x16xf32>
      tpu.vector_store %swap3A_818[%swap3A_819, %swap3A_820], %swap3A_823 {add = true, strides = array<i32>} : memref<16x768xf32, #tpu.memory_space<vmem>>, vector<1x16xf32>,
      %get3A_824 = arith.constant 11 : i32
      %get3A_825 = arith.index_cast %get3A_824 : i32 to index
      %get3A_826 = arith.index_cast %multiple_of3A : i32 to index
      %get3A_827 = tpu.vector_load %arg8[%get3A_825, %get3A_826] {strides = array<i32>} : memref<16x768xf32, #tpu.memory_space<vmem>>, vector<1x16xf32>,
      %get3A_828 = vector.shape_cast %get3A_827 : vector<1x16xf32> to vector<16xf32>
      %mul3A_829 = arith.mulf %gather3A_252, %get3A_637 : vector<16xf32>
      %add3A_830 = arith.addf %get3A_828, %mul3A_829 : vector<16xf32>
      %swap3A_831 = arith.constant 11 : i32
      %swap3A_832 = arith.constant 0 : i32
      %swap3A_833 = arith.constant 0 : i32
      %swap3A_834 = tpu.memref_slice %arg13[%scan3A_313, %swap3A_832, %swap3A_833] : memref<4x16x768xf32, #tpu.memory_space<vmem>> -> memref<1x16x768xf32, #tpu.memory_space<vmem>>
      %swap3A_835 = tpu.memref_squeeze %swap3A_834 : memref<1x16x768xf32, #tpu.memory_space<vmem>> -> memref<16x768xf32, #tpu.memory_space<vmem>>
      %swap3A_836 = arith.index_cast %swap3A_831 : i32 to index
      %swap3A_837 = arith.index_cast %multiple_of3A : i32 to index
      %swap3A_838 = tpu.vector_load %swap3A_835[%swap3A_836, %swap3A_837] {strides = array<i32>} : memref<16x768xf32, #tpu.memory_space<vmem>>, vector<1x16xf32>,
      %swap3A_839 = vector.shape_cast %swap3A_838 : vector<1x16xf32> to vector<16xf32>
      %swap3A_840 = vector.shape_cast %add3A_830 : vector<16xf32> to vector<1x16xf32>
      tpu.vector_store %swap3A_835[%swap3A_836, %swap3A_837], %swap3A_840 {add = true, strides = array<i32>} : memref<16x768xf32, #tpu.memory_space<vmem>>, vector<1x16xf32>,
      %get3A_841 = arith.constant 12 : i32
      %get3A_842 = arith.index_cast %get3A_841 : i32 to index
      %get3A_843 = arith.index_cast %multiple_of3A : i32 to index
      %get3A_844 = tpu.vector_load %arg8[%get3A_842, %get3A_843] {strides = array<i32>} : memref<16x768xf32, #tpu.memory_space<vmem>>, vector<1x16xf32>,
      %get3A_845 = vector.shape_cast %get3A_844 : vector<1x16xf32> to vector<16xf32>
      %mul3A_846 = arith.mulf %gather3A_264, %get3A_637 : vector<16xf32>
      %add3A_847 = arith.addf %get3A_845, %mul3A_846 : vector<16xf32>
      %swap3A_848 = arith.constant 12 : i32
      %swap3A_849 = arith.constant 0 : i32
      %swap3A_850 = arith.constant 0 : i32
      %swap3A_851 = tpu.memref_slice %arg13[%scan3A_313, %swap3A_849, %swap3A_850] : memref<4x16x768xf32, #tpu.memory_space<vmem>> -> memref<1x16x768xf32, #tpu.memory_space<vmem>>
      %swap3A_852 = tpu.memref_squeeze %swap3A_851 : memref<1x16x768xf32, #tpu.memory_space<vmem>> -> memref<16x768xf32, #tpu.memory_space<vmem>>
      %swap3A_853 = arith.index_cast %swap3A_848 : i32 to index
      %swap3A_854 = arith.index_cast %multiple_of3A : i32 to index
      %swap3A_855 = tpu.vector_load %swap3A_852[%swap3A_853, %swap3A_854] {strides = array<i32>} : memref<16x768xf32, #tpu.memory_space<vmem>>, vector<1x16xf32>,
      %swap3A_856 = vector.shape_cast %swap3A_855 : vector<1x16xf32> to vector<16xf32>
      %swap3A_857 = vector.shape_cast %add3A_847 : vector<16xf32> to vector<1x16xf32>
      tpu.vector_store %swap3A_852[%swap3A_853, %swap3A_854], %swap3A_857 {add = true, strides = array<i32>} : memref<16x768xf32, #tpu.memory_space<vmem>>, vector<1x16xf32>,
      %get3A_858 = arith.constant 13 : i32
      %get3A_859 = arith.index_cast %get3A_858 : i32 to index
      %get3A_860 = arith.index_cast %multiple_of3A : i32 to index
      %get3A_861 = tpu.vector_load %arg8[%get3A_859, %get3A_860] {strides = array<i32>} : memref<16x768xf32, #tpu.memory_space<vmem>>, vector<1x16xf32>,
      %get3A_862 = vector.shape_cast %get3A_861 : vector<1x16xf32> to vector<16xf32>
      %mul3A_863 = arith.mulf %gather3A_276, %get3A_637 : vector<16xf32>
      %add3A_864 = arith.addf %get3A_862, %mul3A_863 : vector<16xf32>
      %swap3A_865 = arith.constant 13 : i32
      %swap3A_866 = arith.constant 0 : i32
      %swap3A_867 = arith.constant 0 : i32
      %swap3A_868 = tpu.memref_slice %arg13[%scan3A_313, %swap3A_866, %swap3A_867] : memref<4x16x768xf32, #tpu.memory_space<vmem>> -> memref<1x16x768xf32, #tpu.memory_space<vmem>>
      %swap3A_869 = tpu.memref_squeeze %swap3A_868 : memref<1x16x768xf32, #tpu.memory_space<vmem>> -> memref<16x768xf32, #tpu.memory_space<vmem>>
      %swap3A_870 = arith.index_cast %swap3A_865 : i32 to index
      %swap3A_871 = arith.index_cast %multiple_of3A : i32 to index
      %swap3A_872 = tpu.vector_load %swap3A_869[%swap3A_870, %swap3A_871] {strides = array<i32>} : memref<16x768xf32, #tpu.memory_space<vmem>>, vector<1x16xf32>,
      %swap3A_873 = vector.shape_cast %swap3A_872 : vector<1x16xf32> to vector<16xf32>
      %swap3A_874 = vector.shape_cast %add3A_864 : vector<16xf32> to vector<1x16xf32>
      tpu.vector_store %swap3A_869[%swap3A_870, %swap3A_871], %swap3A_874 {add = true, strides = array<i32>} : memref<16x768xf32, #tpu.memory_space<vmem>>, vector<1x16xf32>,
      %get3A_875 = arith.constant 14 : i32
      %get3A_876 = arith.index_cast %get3A_875 : i32 to index
      %get3A_877 = arith.index_cast %multiple_of3A : i32 to index
      %get3A_878 = tpu.vector_load %arg8[%get3A_876, %get3A_877] {strides = array<i32>} : memref<16x768xf32, #tpu.memory_space<vmem>>, vector<1x16xf32>,
      %get3A_879 = vector.shape_cast %get3A_878 : vector<1x16xf32> to vector<16xf32>
      %mul3A_880 = arith.mulf %gather3A_288, %get3A_637 : vector<16xf32>
      %add3A_881 = arith.addf %get3A_879, %mul3A_880 : vector<16xf32>
      %swap3A_882 = arith.constant 14 : i32
      %swap3A_883 = arith.constant 0 : i32
      %swap3A_884 = arith.constant 0 : i32
      %swap3A_885 = tpu.memref_slice %arg13[%scan3A_313, %swap3A_883, %swap3A_884] : memref<4x16x768xf32, #tpu.memory_space<vmem>> -> memref<1x16x768xf32, #tpu.memory_space<vmem>>
      %swap3A_886 = tpu.memref_squeeze %swap3A_885 : memref<1x16x768xf32, #tpu.memory_space<vmem>> -> memref<16x768xf32, #tpu.memory_space<vmem>>
      %swap3A_887 = arith.index_cast %swap3A_882 : i32 to index
      %swap3A_888 = arith.index_cast %multiple_of3A : i32 to index
      %swap3A_889 = tpu.vector_load %swap3A_886[%swap3A_887, %swap3A_888] {strides = array<i32>} : memref<16x768xf32, #tpu.memory_space<vmem>>, vector<1x16xf32>,
      %swap3A_890 = vector.shape_cast %swap3A_889 : vector<1x16xf32> to vector<16xf32>
      %swap3A_891 = vector.shape_cast %add3A_881 : vector<16xf32> to vector<1x16xf32>
      tpu.vector_store %swap3A_886[%swap3A_887, %swap3A_888], %swap3A_891 {add = true, strides = array<i32>} : memref<16x768xf32, #tpu.memory_space<vmem>>, vector<1x16xf32>,
      %get3A_892 = arith.constant 15 : i32
      %get3A_893 = arith.index_cast %get3A_892 : i32 to index
      %get3A_894 = arith.index_cast %multiple_of3A : i32 to index
      %get3A_895 = tpu.vector_load %arg8[%get3A_893, %get3A_894] {strides = array<i32>} : memref<16x768xf32, #tpu.memory_space<vmem>>, vector<1x16xf32>,
      %get3A_896 = vector.shape_cast %get3A_895 : vector<1x16xf32> to vector<16xf32>
      %mul3A_897 = arith.mulf %gather3A_300, %get3A_637 : vector<16xf32>
      %add3A_898 = arith.addf %get3A_896, %mul3A_897 : vector<16xf32>
      %swap3A_899 = arith.constant 15 : i32
      %swap3A_900 = arith.constant 0 : i32
      %swap3A_901 = arith.constant 0 : i32
      %swap3A_902 = tpu.memref_slice %arg13[%scan3A_313, %swap3A_900, %swap3A_901] : memref<4x16x768xf32, #tpu.memory_space<vmem>> -> memref<1x16x768xf32, #tpu.memory_space<vmem>>
      %swap3A_903 = tpu.memref_squeeze %swap3A_902 : memref<1x16x768xf32, #tpu.memory_space<vmem>> -> memref<16x768xf32, #tpu.memory_space<vmem>>
      %swap3A_904 = arith.index_cast %swap3A_899 : i32 to index
      %swap3A_905 = arith.index_cast %multiple_of3A : i32 to index
      %swap3A_906 = tpu.vector_load %swap3A_903[%swap3A_904, %swap3A_905] {strides = array<i32>} : memref<16x768xf32, #tpu.memory_space<vmem>>, vector<1x16xf32>,
      %swap3A_907 = vector.shape_cast %swap3A_906 : vector<1x16xf32> to vector<16xf32>
      %swap3A_908 = vector.shape_cast %add3A_898 : vector<16xf32> to vector<1x16xf32>
      tpu.vector_store %swap3A_903[%swap3A_904, %swap3A_905], %swap3A_908 {add = true, strides = array<i32>} : memref<16x768xf32, #tpu.memory_space<vmem>>, vector<1x16xf32>,
    }
    %scan3A_318 = arith.constant 48 : i32
    %dma_start3A_319 = arith.constant 2 : i32
    %dma_start3A_320 = arith.constant 62 : i32
    %dma_start3A_321 = arith.constant 0 : i32
    %dma_start3A_322 = arith.constant 0 : i32
    %dma_start3A_323 = tpu.memref_slice %arg13[%dma_start3A_319, %dma_start3A_321, %dma_start3A_322] : memref<4x16x768xf32, #tpu.memory_space<vmem>> -> memref<1x16x768xf32, #tpu.memory_space<vmem>>
    %dma_start3A_324 = tpu.memref_squeeze %dma_start3A_323 : memref<1x16x768xf32, #tpu.memory_space<vmem>> -> memref<16x768xf32, #tpu.memory_space<vmem>>
    %dma_start3A_325 = arith.constant 0 : i32
    %dma_start3A_326 = tpu.memref_slice %arg7[%dma_start3A_320, %mul3A_2, %dma_start3A_325] : memref<64x512x768xf32, #tpu.memory_space<hbm>> -> memref<1x16x768xf32, #tpu.memory_space<hbm>>
    %dma_start3A_327 = tpu.memref_squeeze %dma_start3A_326 : memref<1x16x768xf32, #tpu.memory_space<hbm>> -> memref<16x768xf32, #tpu.memory_space<hbm>>
    %dma_start3A_328 = arith.constant 0 : i32
    %dma_start3A_329 = tpu.memref_slice %arg7[%dma_start3A_320, %mul3A_2, %dma_start3A_328] : memref<64x512x768xf32, #tpu.memory_space<hbm>> -> memref<1x16x768xf32, #tpu.memory_space<hbm>>
    %dma_start3A_330 = tpu.memref_squeeze %dma_start3A_329 : memref<1x16x768xf32, #tpu.memory_space<hbm>> -> memref<16x768xf32, #tpu.memory_space<hbm>>
    %dma_start3A_331 = arith.constant 0 : i32
    %dma_start3A_332 = arith.constant 0 : i32
    %dma_start3A_333 = tpu.memref_slice %arg13[%dma_start3A_319, %dma_start3A_331, %dma_start3A_332] : memref<4x16x768xf32, #tpu.memory_space<vmem>> -> memref<1x16x768xf32, #tpu.memory_space<vmem>>
    %dma_start3A_334 = tpu.memref_squeeze %dma_start3A_333 : memref<1x16x768xf32, #tpu.memory_space<vmem>> -> memref<16x768xf32, #tpu.memory_space<vmem>>
    tpu.enqueue_dma source(%dma_start3A_334 : memref<16x768xf32, #tpu.memory_space<vmem>>) target(%dma_start3A_330 : memref<16x768xf32, #tpu.memory_space<hbm>>) target_semaphore(%arg20 : memref<!tpu.dma_semaphore, #tpu.memory_space<semaphore_mem>>)
    %get3A_335 = arith.constant 3 : i32
    %get3A_336 = arith.index_cast %get3A_335 : i32 to index
    %get3A_337 = arith.constant 0 : index
    %get3A_338 = tpu.vector_load %arg12[%get3A_336, %get3A_337] {strides = array<i32>} : memref<4x16xi32, #tpu.memory_space<vmem>>, vector<1x16xi32>,
    %get3A_339 = vector.shape_cast %get3A_338 : vector<1x16xi32> to vector<16xi32>
    %convert_element_type3A_340 = arith.sitofp %get3A_339 : vector<16xi32> to vector<16xf32>
    %broadcast_in_dim3A_341 = arith.constant 0 : i32
    %broadcast_in_dim3A_342 = vector.broadcast %broadcast_in_dim3A_341 : i32 to vector<16xi32>
    %lt3A_343 = arith.constant 0 : i32
    %lt3A_344 = vector.broadcast %lt3A_343 : i32 to vector<16xi32>
    %lt3A_345 = arith.cmpi slt, %broadcast_in_dim3A_342, %lt3A_344 : vector<16xi32>
    %add3A_346 = arith.constant 16 : i32
    %add3A_347 = vector.broadcast %add3A_346 : i32 to vector<16xi32>
    %add3A_348 = arith.addi %broadcast_in_dim3A_342, %add3A_347 : vector<16xi32>
    %select_n3A_349 = arith.select %lt3A_345, %add3A_348, %broadcast_in_dim3A_342 : vector<16xi1>, vector<16xi32>
    %broadcast_in_dim3A_350 = vector.shape_cast %select_n3A_349 : vector<16xi32> to vector<16x1xi32>
    %gather3A_351 = vector.shape_cast %broadcast_in_dim3A_350 : vector<16x1xi32> to vector<16xi32>
    %gather3A_352 = tpu.dynamic_gather %convert_element_type3A_340[%gather3A_351] in [0] : vector<16xf32>, vector<16xi32> -> vector<16xf32>
    %broadcast_in_dim3A_353 = arith.constant 1 : i32
    %broadcast_in_dim3A_354 = vector.broadcast %broadcast_in_dim3A_353 : i32 to vector<16xi32>
    %lt3A_355 = arith.constant 0 : i32
    %lt3A_356 = vector.broadcast %lt3A_355 : i32 to vector<16xi32>
    %lt3A_357 = arith.cmpi slt, %broadcast_in_dim3A_354, %lt3A_356 : vector<16xi32>
    %add3A_358 = arith.constant 16 : i32
    %add3A_359 = vector.broadcast %add3A_358 : i32 to vector<16xi32>
    %add3A_360 = arith.addi %broadcast_in_dim3A_354, %add3A_359 : vector<16xi32>
    %select_n3A_361 = arith.select %lt3A_357, %add3A_360, %broadcast_in_dim3A_354 : vector<16xi1>, vector<16xi32>
    %broadcast_in_dim3A_362 = vector.shape_cast %select_n3A_361 : vector<16xi32> to vector<16x1xi32>
    %gather3A_363 = vector.shape_cast %broadcast_in_dim3A_362 : vector<16x1xi32> to vector<16xi32>
    %gather3A_364 = tpu.dynamic_gather %convert_element_type3A_340[%gather3A_363] in [0] : vector<16xf32>, vector<16xi32> -> vector<16xf32>
    %broadcast_in_dim3A_365 = arith.constant 2 : i32
    %broadcast_in_dim3A_366 = vector.broadcast %broadcast_in_dim3A_365 : i32 to vector<16xi32>
    %lt3A_367 = arith.constant 0 : i32
    %lt3A_368 = vector.broadcast %lt3A_367 : i32 to vector<16xi32>
    %lt3A_369 = arith.cmpi slt, %broadcast_in_dim3A_366, %lt3A_368 : vector<16xi32>
    %add3A_370 = arith.constant 16 : i32
    %add3A_371 = vector.broadcast %add3A_370 : i32 to vector<16xi32>
    %add3A_372 = arith.addi %broadcast_in_dim3A_366, %add3A_371 : vector<16xi32>
    %select_n3A_373 = arith.select %lt3A_369, %add3A_372, %broadcast_in_dim3A_366 : vector<16xi1>, vector<16xi32>
    %broadcast_in_dim3A_374 = vector.shape_cast %select_n3A_373 : vector<16xi32> to vector<16x1xi32>
    %gather3A_375 = vector.shape_cast %broadcast_in_dim3A_374 : vector<16x1xi32> to vector<16xi32>
    %gather3A_376 = tpu.dynamic_gather %convert_element_type3A_340[%gather3A_375] in [0] : vector<16xf32>, vector<16xi32> -> vector<16xf32>
    %broadcast_in_dim3A_377 = arith.constant 3 : i32
    %broadcast_in_dim3A_378 = vector.broadcast %broadcast_in_dim3A_377 : i32 to vector<16xi32>
    %lt3A_379 = arith.constant 0 : i32
    %lt3A_380 = vector.broadcast %lt3A_379 : i32 to vector<16xi32>
    %lt3A_381 = arith.cmpi slt, %broadcast_in_dim3A_378, %lt3A_380 : vector<16xi32>
    %add3A_382 = arith.constant 16 : i32
    %add3A_383 = vector.broadcast %add3A_382 : i32 to vector<16xi32>
    %add3A_384 = arith.addi %broadcast_in_dim3A_378, %add3A_383 : vector<16xi32>
    %select_n3A_385 = arith.select %lt3A_381, %add3A_384, %broadcast_in_dim3A_378 : vector<16xi1>, vector<16xi32>
    %broadcast_in_dim3A_386 = vector.shape_cast %select_n3A_385 : vector<16xi32> to vector<16x1xi32>
    %gather3A_387 = vector.shape_cast %broadcast_in_dim3A_386 : vector<16x1xi32> to vector<16xi32>
    %gather3A_388 = tpu.dynamic_gather %convert_element_type3A_340[%gather3A_387] in [0] : vector<16xf32>, vector<16xi32> -> vector<16xf32>
    %broadcast_in_dim3A_389 = arith.constant 4 : i32
    %broadcast_in_dim3A_390 = vector.broadcast %broadcast_in_dim3A_389 : i32 to vector<16xi32>
    %lt3A_391 = arith.constant 0 : i32
    %lt3A_392 = vector.broadcast %lt3A_391 : i32 to vector<16xi32>
    %lt3A_393 = arith.cmpi slt, %broadcast_in_dim3A_390, %lt3A_392 : vector<16xi32>
    %add3A_394 = arith.constant 16 : i32
    %add3A_395 = vector.broadcast %add3A_394 : i32 to vector<16xi32>
    %add3A_396 = arith.addi %broadcast_in_dim3A_390, %add3A_395 : vector<16xi32>
    %select_n3A_397 = arith.select %lt3A_393, %add3A_396, %broadcast_in_dim3A_390 : vector<16xi1>, vector<16xi32>
    %broadcast_in_dim3A_398 = vector.shape_cast %select_n3A_397 : vector<16xi32> to vector<16x1xi32>
    %gather3A_399 = vector.shape_cast %broadcast_in_dim3A_398 : vector<16x1xi32> to vector<16xi32>
    %gather3A_400 = tpu.dynamic_gather %convert_element_type3A_340[%gather3A_399] in [0] : vector<16xf32>, vector<16xi32> -> vector<16xf32>
    %broadcast_in_dim3A_401 = arith.constant 5 : i32
    %broadcast_in_dim3A_402 = vector.broadcast %broadcast_in_dim3A_401 : i32 to vector<16xi32>
    %lt3A_403 = arith.constant 0 : i32
    %lt3A_404 = vector.broadcast %lt3A_403 : i32 to vector<16xi32>
    %lt3A_405 = arith.cmpi slt, %broadcast_in_dim3A_402, %lt3A_404 : vector<16xi32>
    %add3A_406 = arith.constant 16 : i32
    %add3A_407 = vector.broadcast %add3A_406 : i32 to vector<16xi32>
    %add3A_408 = arith.addi %broadcast_in_dim3A_402, %add3A_407 : vector<16xi32>
    %select_n3A_409 = arith.select %lt3A_405, %add3A_408, %broadcast_in_dim3A_402 : vector<16xi1>, vector<16xi32>
    %broadcast_in_dim3A_410 = vector.shape_cast %select_n3A_409 : vector<16xi32> to vector<16x1xi32>
    %gather3A_411 = vector.shape_cast %broadcast_in_dim3A_410 : vector<16x1xi32> to vector<16xi32>
    %gather3A_412 = tpu.dynamic_gather %convert_element_type3A_340[%gather3A_411] in [0] : vector<16xf32>, vector<16xi32> -> vector<16xf32>
    %broadcast_in_dim3A_413 = arith.constant 6 : i32
    %broadcast_in_dim3A_414 = vector.broadcast %broadcast_in_dim3A_413 : i32 to vector<16xi32>
    %lt3A_415 = arith.constant 0 : i32
    %lt3A_416 = vector.broadcast %lt3A_415 : i32 to vector<16xi32>
    %lt3A_417 = arith.cmpi slt, %broadcast_in_dim3A_414, %lt3A_416 : vector<16xi32>
    %add3A_418 = arith.constant 16 : i32
    %add3A_419 = vector.broadcast %add3A_418 : i32 to vector<16xi32>
    %add3A_420 = arith.addi %broadcast_in_dim3A_414, %add3A_419 : vector<16xi32>
    %select_n3A_421 = arith.select %lt3A_417, %add3A_420, %broadcast_in_dim3A_414 : vector<16xi1>, vector<16xi32>
    %broadcast_in_dim3A_422 = vector.shape_cast %select_n3A_421 : vector<16xi32> to vector<16x1xi32>
    %gather3A_423 = vector.shape_cast %broadcast_in_dim3A_422 : vector<16x1xi32> to vector<16xi32>
    %gather3A_424 = tpu.dynamic_gather %convert_element_type3A_340[%gather3A_423] in [0] : vector<16xf32>, vector<16xi32> -> vector<16xf32>
    %broadcast_in_dim3A_425 = arith.constant 7 : i32
    %broadcast_in_dim3A_426 = vector.broadcast %broadcast_in_dim3A_425 : i32 to vector<16xi32>
    %lt3A_427 = arith.constant 0 : i32
    %lt3A_428 = vector.broadcast %lt3A_427 : i32 to vector<16xi32>
    %lt3A_429 = arith.cmpi slt, %broadcast_in_dim3A_426, %lt3A_428 : vector<16xi32>
    %add3A_430 = arith.constant 16 : i32
    %add3A_431 = vector.broadcast %add3A_430 : i32 to vector<16xi32>
    %add3A_432 = arith.addi %broadcast_in_dim3A_426, %add3A_431 : vector<16xi32>
    %select_n3A_433 = arith.select %lt3A_429, %add3A_432, %broadcast_in_dim3A_426 : vector<16xi1>, vector<16xi32>
    %broadcast_in_dim3A_434 = vector.shape_cast %select_n3A_433 : vector<16xi32> to vector<16x1xi32>
    %gather3A_435 = vector.shape_cast %broadcast_in_dim3A_434 : vector<16x1xi32> to vector<16xi32>
    %gather3A_436 = tpu.dynamic_gather %convert_element_type3A_340[%gather3A_435] in [0] : vector<16xf32>, vector<16xi32> -> vector<16xf32>
    %broadcast_in_dim3A_437 = arith.constant 8 : i32
    %broadcast_in_dim3A_438 = vector.broadcast %broadcast_in_dim3A_437 : i32 to vector<16xi32>
    %lt3A_439 = arith.constant 0 : i32
    %lt3A_440 = vector.broadcast %lt3A_439 : i32 to vector<16xi32>
    %lt3A_441 = arith.cmpi slt, %broadcast_in_dim3A_438, %lt3A_440 : vector<16xi32>
    %add3A_442 = arith.constant 16 : i32
    %add3A_443 = vector.broadcast %add3A_442 : i32 to vector<16xi32>
    %add3A_444 = arith.addi %broadcast_in_dim3A_438, %add3A_443 : vector<16xi32>
    %select_n3A_445 = arith.select %lt3A_441, %add3A_444, %broadcast_in_dim3A_438 : vector<16xi1>, vector<16xi32>
    %broadcast_in_dim3A_446 = vector.shape_cast %select_n3A_445 : vector<16xi32> to vector<16x1xi32>
    %gather3A_447 = vector.shape_cast %broadcast_in_dim3A_446 : vector<16x1xi32> to vector<16xi32>
    %gather3A_448 = tpu.dynamic_gather %convert_element_type3A_340[%gather3A_447] in [0] : vector<16xf32>, vector<16xi32> -> vector<16xf32>
    %broadcast_in_dim3A_449 = arith.constant 9 : i32
    %broadcast_in_dim3A_450 = vector.broadcast %broadcast_in_dim3A_449 : i32 to vector<16xi32>
    %lt3A_451 = arith.constant 0 : i32
    %lt3A_452 = vector.broadcast %lt3A_451 : i32 to vector<16xi32>
    %lt3A_453 = arith.cmpi slt, %broadcast_in_dim3A_450, %lt3A_452 : vector<16xi32>
    %add3A_454 = arith.constant 16 : i32
    %add3A_455 = vector.broadcast %add3A_454 : i32 to vector<16xi32>
    %add3A_456 = arith.addi %broadcast_in_dim3A_450, %add3A_455 : vector<16xi32>
    %select_n3A_457 = arith.select %lt3A_453, %add3A_456, %broadcast_in_dim3A_450 : vector<16xi1>, vector<16xi32>
    %broadcast_in_dim3A_458 = vector.shape_cast %select_n3A_457 : vector<16xi32> to vector<16x1xi32>
    %gather3A_459 = vector.shape_cast %broadcast_in_dim3A_458 : vector<16x1xi32> to vector<16xi32>
    %gather3A_460 = tpu.dynamic_gather %convert_element_type3A_340[%gather3A_459] in [0] : vector<16xf32>, vector<16xi32> -> vector<16xf32>
    %broadcast_in_dim3A_461 = arith.constant 10 : i32
    %broadcast_in_dim3A_462 = vector.broadcast %broadcast_in_dim3A_461 : i32 to vector<16xi32>
    %lt3A_463 = arith.constant 0 : i32
    %lt3A_464 = vector.broadcast %lt3A_463 : i32 to vector<16xi32>
    %lt3A_465 = arith.cmpi slt, %broadcast_in_dim3A_462, %lt3A_464 : vector<16xi32>
    %add3A_466 = arith.constant 16 : i32
    %add3A_467 = vector.broadcast %add3A_466 : i32 to vector<16xi32>
    %add3A_468 = arith.addi %broadcast_in_dim3A_462, %add3A_467 : vector<16xi32>
    %select_n3A_469 = arith.select %lt3A_465, %add3A_468, %broadcast_in_dim3A_462 : vector<16xi1>, vector<16xi32>
    %broadcast_in_dim3A_470 = vector.shape_cast %select_n3A_469 : vector<16xi32> to vector<16x1xi32>
    %gather3A_471 = vector.shape_cast %broadcast_in_dim3A_470 : vector<16x1xi32> to vector<16xi32>
    %gather3A_472 = tpu.dynamic_gather %convert_element_type3A_340[%gather3A_471] in [0] : vector<16xf32>, vector<16xi32> -> vector<16xf32>
    %broadcast_in_dim3A_473 = arith.constant 11 : i32
    %broadcast_in_dim3A_474 = vector.broadcast %broadcast_in_dim3A_473 : i32 to vector<16xi32>
    %lt3A_475 = arith.constant 0 : i32
    %lt3A_476 = vector.broadcast %lt3A_475 : i32 to vector<16xi32>
    %lt3A_477 = arith.cmpi slt, %broadcast_in_dim3A_474, %lt3A_476 : vector<16xi32>
    %add3A_478 = arith.constant 16 : i32
    %add3A_479 = vector.broadcast %add3A_478 : i32 to vector<16xi32>
    %add3A_480 = arith.addi %broadcast_in_dim3A_474, %add3A_479 : vector<16xi32>
    %select_n3A_481 = arith.select %lt3A_477, %add3A_480, %broadcast_in_dim3A_474 : vector<16xi1>, vector<16xi32>
    %broadcast_in_dim3A_482 = vector.shape_cast %select_n3A_481 : vector<16xi32> to vector<16x1xi32>
    %gather3A_483 = vector.shape_cast %broadcast_in_dim3A_482 : vector<16x1xi32> to vector<16xi32>
    %gather3A_484 = tpu.dynamic_gather %convert_element_type3A_340[%gather3A_483] in [0] : vector<16xf32>, vector<16xi32> -> vector<16xf32>
    %broadcast_in_dim3A_485 = arith.constant 12 : i32
    %broadcast_in_dim3A_486 = vector.broadcast %broadcast_in_dim3A_485 : i32 to vector<16xi32>
    %lt3A_487 = arith.constant 0 : i32
    %lt3A_488 = vector.broadcast %lt3A_487 : i32 to vector<16xi32>
    %lt3A_489 = arith.cmpi slt, %broadcast_in_dim3A_486, %lt3A_488 : vector<16xi32>
    %add3A_490 = arith.constant 16 : i32
    %add3A_491 = vector.broadcast %add3A_490 : i32 to vector<16xi32>
    %add3A_492 = arith.addi %broadcast_in_dim3A_486, %add3A_491 : vector<16xi32>
    %select_n3A_493 = arith.select %lt3A_489, %add3A_492, %broadcast_in_dim3A_486 : vector<16xi1>, vector<16xi32>
    %broadcast_in_dim3A_494 = vector.shape_cast %select_n3A_493 : vector<16xi32> to vector<16x1xi32>
    %gather3A_495 = vector.shape_cast %broadcast_in_dim3A_494 : vector<16x1xi32> to vector<16xi32>
    %gather3A_496 = tpu.dynamic_gather %convert_element_type3A_340[%gather3A_495] in [0] : vector<16xf32>, vector<16xi32> -> vector<16xf32>
    %broadcast_in_dim3A_497 = arith.constant 13 : i32
    %broadcast_in_dim3A_498 = vector.broadcast %broadcast_in_dim3A_497 : i32 to vector<16xi32>
    %lt3A_499 = arith.constant 0 : i32
    %lt3A_500 = vector.broadcast %lt3A_499 : i32 to vector<16xi32>
    %lt3A_501 = arith.cmpi slt, %broadcast_in_dim3A_498, %lt3A_500 : vector<16xi32>
    %add3A_502 = arith.constant 16 : i32
    %add3A_503 = vector.broadcast %add3A_502 : i32 to vector<16xi32>
    %add3A_504 = arith.addi %broadcast_in_dim3A_498, %add3A_503 : vector<16xi32>
    %select_n3A_505 = arith.select %lt3A_501, %add3A_504, %broadcast_in_dim3A_498 : vector<16xi1>, vector<16xi32>
    %broadcast_in_dim3A_506 = vector.shape_cast %select_n3A_505 : vector<16xi32> to vector<16x1xi32>
    %gather3A_507 = vector.shape_cast %broadcast_in_dim3A_506 : vector<16x1xi32> to vector<16xi32>
    %gather3A_508 = tpu.dynamic_gather %convert_element_type3A_340[%gather3A_507] in [0] : vector<16xf32>, vector<16xi32> -> vector<16xf32>
    %broadcast_in_dim3A_509 = arith.constant 14 : i32
    %broadcast_in_dim3A_510 = vector.broadcast %broadcast_in_dim3A_509 : i32 to vector<16xi32>
    %lt3A_511 = arith.constant 0 : i32
    %lt3A_512 = vector.broadcast %lt3A_511 : i32 to vector<16xi32>
    %lt3A_513 = arith.cmpi slt, %broadcast_in_dim3A_510, %lt3A_512 : vector<16xi32>
    %add3A_514 = arith.constant 16 : i32
    %add3A_515 = vector.broadcast %add3A_514 : i32 to vector<16xi32>
    %add3A_516 = arith.addi %broadcast_in_dim3A_510, %add3A_515 : vector<16xi32>
    %select_n3A_517 = arith.select %lt3A_513, %add3A_516, %broadcast_in_dim3A_510 : vector<16xi1>, vector<16xi32>
    %broadcast_in_dim3A_518 = vector.shape_cast %select_n3A_517 : vector<16xi32> to vector<16x1xi32>
    %gather3A_519 = vector.shape_cast %broadcast_in_dim3A_518 : vector<16x1xi32> to vector<16xi32>
    %gather3A_520 = tpu.dynamic_gather %convert_element_type3A_340[%gather3A_519] in [0] : vector<16xf32>, vector<16xi32> -> vector<16xf32>
    %broadcast_in_dim3A_521 = arith.constant 15 : i32
    %broadcast_in_dim3A_522 = vector.broadcast %broadcast_in_dim3A_521 : i32 to vector<16xi32>
    %lt3A_523 = arith.constant 0 : i32
    %lt3A_524 = vector.broadcast %lt3A_523 : i32 to vector<16xi32>
    %lt3A_525 = arith.cmpi slt, %broadcast_in_dim3A_522, %lt3A_524 : vector<16xi32>
    %add3A_526 = arith.constant 16 : i32
    %add3A_527 = vector.broadcast %add3A_526 : i32 to vector<16xi32>
    %add3A_528 = arith.addi %broadcast_in_dim3A_522, %add3A_527 : vector<16xi32>
    %select_n3A_529 = arith.select %lt3A_525, %add3A_528, %broadcast_in_dim3A_522 : vector<16xi1>, vector<16xi32>
    %broadcast_in_dim3A_530 = vector.shape_cast %select_n3A_529 : vector<16xi32> to vector<16x1xi32>
    %gather3A_531 = vector.shape_cast %broadcast_in_dim3A_530 : vector<16x1xi32> to vector<16xi32>
    %gather3A_532 = tpu.dynamic_gather %convert_element_type3A_340[%gather3A_531] in [0] : vector<16xf32>, vector<16xi32> -> vector<16xf32>
    %dma_wait3A_533 = arith.constant 3 : i32
    %dma_wait3A_534 = arith.constant 3 : i32
    %dma_wait3A_535 = arith.constant 0 : i32
    %dma_wait3A_536 = arith.constant 0 : i32
    %dma_wait3A_537 = tpu.memref_slice %arg13[%dma_wait3A_534, %dma_wait3A_535, %dma_wait3A_536] : memref<4x16x768xf32, #tpu.memory_space<vmem>> -> memref<1x16x768xf32, #tpu.memory_space<vmem>>
    %dma_wait3A_538 = tpu.memref_squeeze %dma_wait3A_537 : memref<1x16x768xf32, #tpu.memory_space<vmem>> -> memref<16x768xf32, #tpu.memory_space<vmem>>
    %dma_wait3A_539 = arith.constant 0 : i32
    %dma_wait3A_540 = tpu.memref_slice %arg11[%dma_wait3A_533, %dma_wait3A_539] : memref<4x16xi32, #tpu.memory_space<vmem>> -> memref<1x16xi32, #tpu.memory_space<vmem>>
    %dma_wait3A_541 = tpu.memref_squeeze %dma_wait3A_540 : memref<1x16xi32, #tpu.memory_space<vmem>> -> memref<16xi32, #tpu.memory_space<vmem>>
    %dma_wait3A_542 = arith.constant 0 : i32
    %dma_wait3A_543 = arith.constant 0 : i32
    %dma_wait3A_544 = tpu.memref_slice %arg4[%dma_wait3A_542, %dma_wait3A_543] : memref<100000x768xf32, #tpu.memory_space<hbm>> -> memref<100000x768xf32, #tpu.memory_space<hbm>>
    tpu.wait_indirect_dma semaphore(%arg17 : memref<!tpu.dma_semaphore, #tpu.memory_space<semaphore_mem>>) src(%dma_wait3A_544 : memref<100000x768xf32, #tpu.memory_space<hbm>>) dst(%dma_wait3A_538 : memref<16x768xf32, #tpu.memory_space<vmem>>)
    %scan3A_545 = arith.constant 0 : i32
    %scan3A_546 = arith.constant 3 : i32
    %scan3A_547 = arith.constant 0 : i32
    %scan3A_548 = arith.constant 48 : i32
    %scan3A_549 = arith.addi %scan3A_547, %scan3A_548 : i32
    %scan3A_550 = arith.constant 1 : i32
    scf.for %scan3A_632 = %scan3A_547 to %scan3A_549 step %scan3A_550  : i32 {
      %mul3A_633 = arith.constant 16 : i32
      %mul3A_634 = arith.muli %scan3A_632, %mul3A_633 : i32
      %multiple_of3A = tpu.assume_multiple %mul3A_634, 16 : i32
      %get3A_635 = arith.index_cast %multiple_of3A : i32 to index
      %get3A_636 = tpu.vector_load %arg9[%get3A_635] {strides = array<i32>} : memref<768xf32, #tpu.memory_space<vmem>>, vector<16xf32>,
      %get3A_637 = vector.shape_cast %get3A_636 : vector<16xf32> to vector<16xf32>
      %get3A_638 = arith.constant 0 : i32
      %get3A_639 = arith.index_cast %get3A_638 : i32 to index
      %get3A_640 = arith.index_cast %multiple_of3A : i32 to index
      %get3A_641 = tpu.vector_load %arg8[%get3A_639, %get3A_640] {strides = array<i32>} : memref<16x768xf32, #tpu.memory_space<vmem>>, vector<1x16xf32>,
      %get3A_642 = vector.shape_cast %get3A_641 : vector<1x16xf32> to vector<16xf32>
      %mul3A_643 = arith.mulf %gather3A_352, %get3A_637 : vector<16xf32>
      %add3A_644 = arith.addf %get3A_642, %mul3A_643 : vector<16xf32>
      %swap3A = arith.constant 0 : i32
      %swap3A_645 = arith.constant 0 : i32
      %swap3A_646 = arith.constant 0 : i32
      %swap3A_647 = tpu.memref_slice %arg13[%scan3A_546, %swap3A_645, %swap3A_646] : memref<4x16x768xf32, #tpu.memory_space<vmem>> -> memref<1x16x768xf32, #tpu.memory_space<vmem>>
      %swap3A_648 = tpu.memref_squeeze %swap3A_647 : memref<1x16x768xf32, #tpu.memory_space<vmem>> -> memref<16x768xf32, #tpu.memory_space<vmem>>
      %swap3A_649 = arith.index_cast %swap3A : i32 to index
      %swap3A_650 = arith.index_cast %multiple_of3A : i32 to index
      %swap3A_651 = tpu.vector_load %swap3A_648[%swap3A_649, %swap3A_650] {strides = array<i32>} : memref<16x768xf32, #tpu.memory_space<vmem>>, vector<1x16xf32>,
      %swap3A_652 = vector.shape_cast %swap3A_651 : vector<1x16xf32> to vector<16xf32>
      %swap3A_653 = vector.shape_cast %add3A_644 : vector<16xf32> to vector<1x16xf32>
      tpu.vector_store %swap3A_648[%swap3A_649, %swap3A_650], %swap3A_653 {add = true, strides = array<i32>} : memref<16x768xf32, #tpu.memory_space<vmem>>, vector<1x16xf32>,
      %get3A_654 = arith.constant 1 : i32
      %get3A_655 = arith.index_cast %get3A_654 : i32 to index
      %get3A_656 = arith.index_cast %multiple_of3A : i32 to index
      %get3A_657 = tpu.vector_load %arg8[%get3A_655, %get3A_656] {strides = array<i32>} : memref<16x768xf32, #tpu.memory_space<vmem>>, vector<1x16xf32>,
      %get3A_658 = vector.shape_cast %get3A_657 : vector<1x16xf32> to vector<16xf32>
      %mul3A_659 = arith.mulf %gather3A_364, %get3A_637 : vector<16xf32>
      %add3A_660 = arith.addf %get3A_658, %mul3A_659 : vector<16xf32>
      %swap3A_661 = arith.constant 1 : i32
      %swap3A_662 = arith.constant 0 : i32
      %swap3A_663 = arith.constant 0 : i32
      %swap3A_664 = tpu.memref_slice %arg13[%scan3A_546, %swap3A_662, %swap3A_663] : memref<4x16x768xf32, #tpu.memory_space<vmem>> -> memref<1x16x768xf32, #tpu.memory_space<vmem>>
      %swap3A_665 = tpu.memref_squeeze %swap3A_664 : memref<1x16x768xf32, #tpu.memory_space<vmem>> -> memref<16x768xf32, #tpu.memory_space<vmem>>
      %swap3A_666 = arith.index_cast %swap3A_661 : i32 to index
      %swap3A_667 = arith.index_cast %multiple_of3A : i32 to index
      %swap3A_668 = tpu.vector_load %swap3A_665[%swap3A_666, %swap3A_667] {strides = array<i32>} : memref<16x768xf32, #tpu.memory_space<vmem>>, vector<1x16xf32>,
      %swap3A_669 = vector.shape_cast %swap3A_668 : vector<1x16xf32> to vector<16xf32>
      %swap3A_670 = vector.shape_cast %add3A_660 : vector<16xf32> to vector<1x16xf32>
      tpu.vector_store %swap3A_665[%swap3A_666, %swap3A_667], %swap3A_670 {add = true, strides = array<i32>} : memref<16x768xf32, #tpu.memory_space<vmem>>, vector<1x16xf32>,
      %get3A_671 = arith.constant 2 : i32
      %get3A_672 = arith.index_cast %get3A_671 : i32 to index
      %get3A_673 = arith.index_cast %multiple_of3A : i32 to index
      %get3A_674 = tpu.vector_load %arg8[%get3A_672, %get3A_673] {strides = array<i32>} : memref<16x768xf32, #tpu.memory_space<vmem>>, vector<1x16xf32>,
      %get3A_675 = vector.shape_cast %get3A_674 : vector<1x16xf32> to vector<16xf32>
      %mul3A_676 = arith.mulf %gather3A_376, %get3A_637 : vector<16xf32>
      %add3A_677 = arith.addf %get3A_675, %mul3A_676 : vector<16xf32>
      %swap3A_678 = arith.constant 2 : i32
      %swap3A_679 = arith.constant 0 : i32
      %swap3A_680 = arith.constant 0 : i32
      %swap3A_681 = tpu.memref_slice %arg13[%scan3A_546, %swap3A_679, %swap3A_680] : memref<4x16x768xf32, #tpu.memory_space<vmem>> -> memref<1x16x768xf32, #tpu.memory_space<vmem>>
      %swap3A_682 = tpu.memref_squeeze %swap3A_681 : memref<1x16x768xf32, #tpu.memory_space<vmem>> -> memref<16x768xf32, #tpu.memory_space<vmem>>
      %swap3A_683 = arith.index_cast %swap3A_678 : i32 to index
      %swap3A_684 = arith.index_cast %multiple_of3A : i32 to index
      %swap3A_685 = tpu.vector_load %swap3A_682[%swap3A_683, %swap3A_684] {strides = array<i32>} : memref<16x768xf32, #tpu.memory_space<vmem>>, vector<1x16xf32>,
      %swap3A_686 = vector.shape_cast %swap3A_685 : vector<1x16xf32> to vector<16xf32>
      %swap3A_687 = vector.shape_cast %add3A_677 : vector<16xf32> to vector<1x16xf32>
      tpu.vector_store %swap3A_682[%swap3A_683, %swap3A_684], %swap3A_687 {add = true, strides = array<i32>} : memref<16x768xf32, #tpu.memory_space<vmem>>, vector<1x16xf32>,
      %get3A_688 = arith.constant 3 : i32
      %get3A_689 = arith.index_cast %get3A_688 : i32 to index
      %get3A_690 = arith.index_cast %multiple_of3A : i32 to index
      %get3A_691 = tpu.vector_load %arg8[%get3A_689, %get3A_690] {strides = array<i32>} : memref<16x768xf32, #tpu.memory_space<vmem>>, vector<1x16xf32>,
      %get3A_692 = vector.shape_cast %get3A_691 : vector<1x16xf32> to vector<16xf32>
      %mul3A_693 = arith.mulf %gather3A_388, %get3A_637 : vector<16xf32>
      %add3A_694 = arith.addf %get3A_692, %mul3A_693 : vector<16xf32>
      %swap3A_695 = arith.constant 3 : i32
      %swap3A_696 = arith.constant 0 : i32
      %swap3A_697 = arith.constant 0 : i32
      %swap3A_698 = tpu.memref_slice %arg13[%scan3A_546, %swap3A_696, %swap3A_697] : memref<4x16x768xf32, #tpu.memory_space<vmem>> -> memref<1x16x768xf32, #tpu.memory_space<vmem>>
      %swap3A_699 = tpu.memref_squeeze %swap3A_698 : memref<1x16x768xf32, #tpu.memory_space<vmem>> -> memref<16x768xf32, #tpu.memory_space<vmem>>
      %swap3A_700 = arith.index_cast %swap3A_695 : i32 to index
      %swap3A_701 = arith.index_cast %multiple_of3A : i32 to index
      %swap3A_702 = tpu.vector_load %swap3A_699[%swap3A_700, %swap3A_701] {strides = array<i32>} : memref<16x768xf32, #tpu.memory_space<vmem>>, vector<1x16xf32>,
      %swap3A_703 = vector.shape_cast %swap3A_702 : vector<1x16xf32> to vector<16xf32>
      %swap3A_704 = vector.shape_cast %add3A_694 : vector<16xf32> to vector<1x16xf32>
      tpu.vector_store %swap3A_699[%swap3A_700, %swap3A_701], %swap3A_704 {add = true, strides = array<i32>} : memref<16x768xf32, #tpu.memory_space<vmem>>, vector<1x16xf32>,
      %get3A_705 = arith.constant 4 : i32
      %get3A_706 = arith.index_cast %get3A_705 : i32 to index
      %get3A_707 = arith.index_cast %multiple_of3A : i32 to index
      %get3A_708 = tpu.vector_load %arg8[%get3A_706, %get3A_707] {strides = array<i32>} : memref<16x768xf32, #tpu.memory_space<vmem>>, vector<1x16xf32>,
      %get3A_709 = vector.shape_cast %get3A_708 : vector<1x16xf32> to vector<16xf32>
      %mul3A_710 = arith.mulf %gather3A_400, %get3A_637 : vector<16xf32>
      %add3A_711 = arith.addf %get3A_709, %mul3A_710 : vector<16xf32>
      %swap3A_712 = arith.constant 4 : i32
      %swap3A_713 = arith.constant 0 : i32
      %swap3A_714 = arith.constant 0 : i32
      %swap3A_715 = tpu.memref_slice %arg13[%scan3A_546, %swap3A_713, %swap3A_714] : memref<4x16x768xf32, #tpu.memory_space<vmem>> -> memref<1x16x768xf32, #tpu.memory_space<vmem>>
      %swap3A_716 = tpu.memref_squeeze %swap3A_715 : memref<1x16x768xf32, #tpu.memory_space<vmem>> -> memref<16x768xf32, #tpu.memory_space<vmem>>
      %swap3A_717 = arith.index_cast %swap3A_712 : i32 to index
      %swap3A_718 = arith.index_cast %multiple_of3A : i32 to index
      %swap3A_719 = tpu.vector_load %swap3A_716[%swap3A_717, %swap3A_718] {strides = array<i32>} : memref<16x768xf32, #tpu.memory_space<vmem>>, vector<1x16xf32>,
      %swap3A_720 = vector.shape_cast %swap3A_719 : vector<1x16xf32> to vector<16xf32>
      %swap3A_721 = vector.shape_cast %add3A_711 : vector<16xf32> to vector<1x16xf32>
      tpu.vector_store %swap3A_716[%swap3A_717, %swap3A_718], %swap3A_721 {add = true, strides = array<i32>} : memref<16x768xf32, #tpu.memory_space<vmem>>, vector<1x16xf32>,
      %get3A_722 = arith.constant 5 : i32
      %get3A_723 = arith.index_cast %get3A_722 : i32 to index
      %get3A_724 = arith.index_cast %multiple_of3A : i32 to index
      %get3A_725 = tpu.vector_load %arg8[%get3A_723, %get3A_724] {strides = array<i32>} : memref<16x768xf32, #tpu.memory_space<vmem>>, vector<1x16xf32>,
      %get3A_726 = vector.shape_cast %get3A_725 : vector<1x16xf32> to vector<16xf32>
      %mul3A_727 = arith.mulf %gather3A_412, %get3A_637 : vector<16xf32>
      %add3A_728 = arith.addf %get3A_726, %mul3A_727 : vector<16xf32>
      %swap3A_729 = arith.constant 5 : i32
      %swap3A_730 = arith.constant 0 : i32
      %swap3A_731 = arith.constant 0 : i32
      %swap3A_732 = tpu.memref_slice %arg13[%scan3A_546, %swap3A_730, %swap3A_731] : memref<4x16x768xf32, #tpu.memory_space<vmem>> -> memref<1x16x768xf32, #tpu.memory_space<vmem>>
      %swap3A_733 = tpu.memref_squeeze %swap3A_732 : memref<1x16x768xf32, #tpu.memory_space<vmem>> -> memref<16x768xf32, #tpu.memory_space<vmem>>
      %swap3A_734 = arith.index_cast %swap3A_729 : i32 to index
      %swap3A_735 = arith.index_cast %multiple_of3A : i32 to index
      %swap3A_736 = tpu.vector_load %swap3A_733[%swap3A_734, %swap3A_735] {strides = array<i32>} : memref<16x768xf32, #tpu.memory_space<vmem>>, vector<1x16xf32>,
      %swap3A_737 = vector.shape_cast %swap3A_736 : vector<1x16xf32> to vector<16xf32>
      %swap3A_738 = vector.shape_cast %add3A_728 : vector<16xf32> to vector<1x16xf32>
      tpu.vector_store %swap3A_733[%swap3A_734, %swap3A_735], %swap3A_738 {add = true, strides = array<i32>} : memref<16x768xf32, #tpu.memory_space<vmem>>, vector<1x16xf32>,
      %get3A_739 = arith.constant 6 : i32
      %get3A_740 = arith.index_cast %get3A_739 : i32 to index
      %get3A_741 = arith.index_cast %multiple_of3A : i32 to index
      %get3A_742 = tpu.vector_load %arg8[%get3A_740, %get3A_741] {strides = array<i32>} : memref<16x768xf32, #tpu.memory_space<vmem>>, vector<1x16xf32>,
      %get3A_743 = vector.shape_cast %get3A_742 : vector<1x16xf32> to vector<16xf32>
      %mul3A_744 = arith.mulf %gather3A_424, %get3A_637 : vector<16xf32>
      %add3A_745 = arith.addf %get3A_743, %mul3A_744 : vector<16xf32>
      %swap3A_746 = arith.constant 6 : i32
      %swap3A_747 = arith.constant 0 : i32
      %swap3A_748 = arith.constant 0 : i32
      %swap3A_749 = tpu.memref_slice %arg13[%scan3A_546, %swap3A_747, %swap3A_748] : memref<4x16x768xf32, #tpu.memory_space<vmem>> -> memref<1x16x768xf32, #tpu.memory_space<vmem>>
      %swap3A_750 = tpu.memref_squeeze %swap3A_749 : memref<1x16x768xf32, #tpu.memory_space<vmem>> -> memref<16x768xf32, #tpu.memory_space<vmem>>
      %swap3A_751 = arith.index_cast %swap3A_746 : i32 to index
      %swap3A_752 = arith.index_cast %multiple_of3A : i32 to index
      %swap3A_753 = tpu.vector_load %swap3A_750[%swap3A_751, %swap3A_752] {strides = array<i32>} : memref<16x768xf32, #tpu.memory_space<vmem>>, vector<1x16xf32>,
      %swap3A_754 = vector.shape_cast %swap3A_753 : vector<1x16xf32> to vector<16xf32>
      %swap3A_755 = vector.shape_cast %add3A_745 : vector<16xf32> to vector<1x16xf32>
      tpu.vector_store %swap3A_750[%swap3A_751, %swap3A_752], %swap3A_755 {add = true, strides = array<i32>} : memref<16x768xf32, #tpu.memory_space<vmem>>, vector<1x16xf32>,
      %get3A_756 = arith.constant 7 : i32
      %get3A_757 = arith.index_cast %get3A_756 : i32 to index
      %get3A_758 = arith.index_cast %multiple_of3A : i32 to index
      %get3A_759 = tpu.vector_load %arg8[%get3A_757, %get3A_758] {strides = array<i32>} : memref<16x768xf32, #tpu.memory_space<vmem>>, vector<1x16xf32>,
      %get3A_760 = vector.shape_cast %get3A_759 : vector<1x16xf32> to vector<16xf32>
      %mul3A_761 = arith.mulf %gather3A_436, %get3A_637 : vector<16xf32>
      %add3A_762 = arith.addf %get3A_760, %mul3A_761 : vector<16xf32>
      %swap3A_763 = arith.constant 7 : i32
      %swap3A_764 = arith.constant 0 : i32
      %swap3A_765 = arith.constant 0 : i32
      %swap3A_766 = tpu.memref_slice %arg13[%scan3A_546, %swap3A_764, %swap3A_765] : memref<4x16x768xf32, #tpu.memory_space<vmem>> -> memref<1x16x768xf32, #tpu.memory_space<vmem>>
      %swap3A_767 = tpu.memref_squeeze %swap3A_766 : memref<1x16x768xf32, #tpu.memory_space<vmem>> -> memref<16x768xf32, #tpu.memory_space<vmem>>
      %swap3A_768 = arith.index_cast %swap3A_763 : i32 to index
      %swap3A_769 = arith.index_cast %multiple_of3A : i32 to index
      %swap3A_770 = tpu.vector_load %swap3A_767[%swap3A_768, %swap3A_769] {strides = array<i32>} : memref<16x768xf32, #tpu.memory_space<vmem>>, vector<1x16xf32>,
      %swap3A_771 = vector.shape_cast %swap3A_770 : vector<1x16xf32> to vector<16xf32>
      %swap3A_772 = vector.shape_cast %add3A_762 : vector<16xf32> to vector<1x16xf32>
      tpu.vector_store %swap3A_767[%swap3A_768, %swap3A_769], %swap3A_772 {add = true, strides = array<i32>} : memref<16x768xf32, #tpu.memory_space<vmem>>, vector<1x16xf32>,
      %get3A_773 = arith.constant 8 : i32
      %get3A_774 = arith.index_cast %get3A_773 : i32 to index
      %get3A_775 = arith.index_cast %multiple_of3A : i32 to index
      %get3A_776 = tpu.vector_load %arg8[%get3A_774, %get3A_775] {strides = array<i32>} : memref<16x768xf32, #tpu.memory_space<vmem>>, vector<1x16xf32>,
      %get3A_777 = vector.shape_cast %get3A_776 : vector<1x16xf32> to vector<16xf32>
      %mul3A_778 = arith.mulf %gather3A_448, %get3A_637 : vector<16xf32>
      %add3A_779 = arith.addf %get3A_777, %mul3A_778 : vector<16xf32>
      %swap3A_780 = arith.constant 8 : i32
      %swap3A_781 = arith.constant 0 : i32
      %swap3A_782 = arith.constant 0 : i32
      %swap3A_783 = tpu.memref_slice %arg13[%scan3A_546, %swap3A_781, %swap3A_782] : memref<4x16x768xf32, #tpu.memory_space<vmem>> -> memref<1x16x768xf32, #tpu.memory_space<vmem>>
      %swap3A_784 = tpu.memref_squeeze %swap3A_783 : memref<1x16x768xf32, #tpu.memory_space<vmem>> -> memref<16x768xf32, #tpu.memory_space<vmem>>
      %swap3A_785 = arith.index_cast %swap3A_780 : i32 to index
      %swap3A_786 = arith.index_cast %multiple_of3A : i32 to index
      %swap3A_787 = tpu.vector_load %swap3A_784[%swap3A_785, %swap3A_786] {strides = array<i32>} : memref<16x768xf32, #tpu.memory_space<vmem>>, vector<1x16xf32>,
      %swap3A_788 = vector.shape_cast %swap3A_787 : vector<1x16xf32> to vector<16xf32>
      %swap3A_789 = vector.shape_cast %add3A_779 : vector<16xf32> to vector<1x16xf32>
      tpu.vector_store %swap3A_784[%swap3A_785, %swap3A_786], %swap3A_789 {add = true, strides = array<i32>} : memref<16x768xf32, #tpu.memory_space<vmem>>, vector<1x16xf32>,
      %get3A_790 = arith.constant 9 : i32
      %get3A_791 = arith.index_cast %get3A_790 : i32 to index
      %get3A_792 = arith.index_cast %multiple_of3A : i32 to index
      %get3A_793 = tpu.vector_load %arg8[%get3A_791, %get3A_792] {strides = array<i32>} : memref<16x768xf32, #tpu.memory_space<vmem>>, vector<1x16xf32>,
      %get3A_794 = vector.shape_cast %get3A_793 : vector<1x16xf32> to vector<16xf32>
      %mul3A_795 = arith.mulf %gather3A_460, %get3A_637 : vector<16xf32>
      %add3A_796 = arith.addf %get3A_794, %mul3A_795 : vector<16xf32>
      %swap3A_797 = arith.constant 9 : i32
      %swap3A_798 = arith.constant 0 : i32
      %swap3A_799 = arith.constant 0 : i32
      %swap3A_800 = tpu.memref_slice %arg13[%scan3A_546, %swap3A_798, %swap3A_799] : memref<4x16x768xf32, #tpu.memory_space<vmem>> -> memref<1x16x768xf32, #tpu.memory_space<vmem>>
      %swap3A_801 = tpu.memref_squeeze %swap3A_800 : memref<1x16x768xf32, #tpu.memory_space<vmem>> -> memref<16x768xf32, #tpu.memory_space<vmem>>
      %swap3A_802 = arith.index_cast %swap3A_797 : i32 to index
      %swap3A_803 = arith.index_cast %multiple_of3A : i32 to index
      %swap3A_804 = tpu.vector_load %swap3A_801[%swap3A_802, %swap3A_803] {strides = array<i32>} : memref<16x768xf32, #tpu.memory_space<vmem>>, vector<1x16xf32>,
      %swap3A_805 = vector.shape_cast %swap3A_804 : vector<1x16xf32> to vector<16xf32>
      %swap3A_806 = vector.shape_cast %add3A_796 : vector<16xf32> to vector<1x16xf32>
      tpu.vector_store %swap3A_801[%swap3A_802, %swap3A_803], %swap3A_806 {add = true, strides = array<i32>} : memref<16x768xf32, #tpu.memory_space<vmem>>, vector<1x16xf32>,
      %get3A_807 = arith.constant 10 : i32
      %get3A_808 = arith.index_cast %get3A_807 : i32 to index
      %get3A_809 = arith.index_cast %multiple_of3A : i32 to index
      %get3A_810 = tpu.vector_load %arg8[%get3A_808, %get3A_809] {strides = array<i32>} : memref<16x768xf32, #tpu.memory_space<vmem>>, vector<1x16xf32>,
      %get3A_811 = vector.shape_cast %get3A_810 : vector<1x16xf32> to vector<16xf32>
      %mul3A_812 = arith.mulf %gather3A_472, %get3A_637 : vector<16xf32>
      %add3A_813 = arith.addf %get3A_811, %mul3A_812 : vector<16xf32>
      %swap3A_814 = arith.constant 10 : i32
      %swap3A_815 = arith.constant 0 : i32
      %swap3A_816 = arith.constant 0 : i32
      %swap3A_817 = tpu.memref_slice %arg13[%scan3A_546, %swap3A_815, %swap3A_816] : memref<4x16x768xf32, #tpu.memory_space<vmem>> -> memref<1x16x768xf32, #tpu.memory_space<vmem>>
      %swap3A_818 = tpu.memref_squeeze %swap3A_817 : memref<1x16x768xf32, #tpu.memory_space<vmem>> -> memref<16x768xf32, #tpu.memory_space<vmem>>
      %swap3A_819 = arith.index_cast %swap3A_814 : i32 to index
      %swap3A_820 = arith.index_cast %multiple_of3A : i32 to index
      %swap3A_821 = tpu.vector_load %swap3A_818[%swap3A_819, %swap3A_820] {strides = array<i32>} : memref<16x768xf32, #tpu.memory_space<vmem>>, vector<1x16xf32>,
      %swap3A_822 = vector.shape_cast %swap3A_821 : vector<1x16xf32> to vector<16xf32>
      %swap3A_823 = vector.shape_cast %add3A_813 : vector<16xf32> to vector<1x16xf32>
      tpu.vector_store %swap3A_818[%swap3A_819, %swap3A_820], %swap3A_823 {add = true, strides = array<i32>} : memref<16x768xf32, #tpu.memory_space<vmem>>, vector<1x16xf32>,
      %get3A_824 = arith.constant 11 : i32
      %get3A_825 = arith.index_cast %get3A_824 : i32 to index
      %get3A_826 = arith.index_cast %multiple_of3A : i32 to index
      %get3A_827 = tpu.vector_load %arg8[%get3A_825, %get3A_826] {strides = array<i32>} : memref<16x768xf32, #tpu.memory_space<vmem>>, vector<1x16xf32>,
      %get3A_828 = vector.shape_cast %get3A_827 : vector<1x16xf32> to vector<16xf32>
      %mul3A_829 = arith.mulf %gather3A_484, %get3A_637 : vector<16xf32>
      %add3A_830 = arith.addf %get3A_828, %mul3A_829 : vector<16xf32>
      %swap3A_831 = arith.constant 11 : i32
      %swap3A_832 = arith.constant 0 : i32
      %swap3A_833 = arith.constant 0 : i32
      %swap3A_834 = tpu.memref_slice %arg13[%scan3A_546, %swap3A_832, %swap3A_833] : memref<4x16x768xf32, #tpu.memory_space<vmem>> -> memref<1x16x768xf32, #tpu.memory_space<vmem>>
      %swap3A_835 = tpu.memref_squeeze %swap3A_834 : memref<1x16x768xf32, #tpu.memory_space<vmem>> -> memref<16x768xf32, #tpu.memory_space<vmem>>
      %swap3A_836 = arith.index_cast %swap3A_831 : i32 to index
      %swap3A_837 = arith.index_cast %multiple_of3A : i32 to index
      %swap3A_838 = tpu.vector_load %swap3A_835[%swap3A_836, %swap3A_837] {strides = array<i32>} : memref<16x768xf32, #tpu.memory_space<vmem>>, vector<1x16xf32>,
      %swap3A_839 = vector.shape_cast %swap3A_838 : vector<1x16xf32> to vector<16xf32>
      %swap3A_840 = vector.shape_cast %add3A_830 : vector<16xf32> to vector<1x16xf32>
      tpu.vector_store %swap3A_835[%swap3A_836, %swap3A_837], %swap3A_840 {add = true, strides = array<i32>} : memref<16x768xf32, #tpu.memory_space<vmem>>, vector<1x16xf32>,
      %get3A_841 = arith.constant 12 : i32
      %get3A_842 = arith.index_cast %get3A_841 : i32 to index
      %get3A_843 = arith.index_cast %multiple_of3A : i32 to index
      %get3A_844 = tpu.vector_load %arg8[%get3A_842, %get3A_843] {strides = array<i32>} : memref<16x768xf32, #tpu.memory_space<vmem>>, vector<1x16xf32>,
      %get3A_845 = vector.shape_cast %get3A_844 : vector<1x16xf32> to vector<16xf32>
      %mul3A_846 = arith.mulf %gather3A_496, %get3A_637 : vector<16xf32>
      %add3A_847 = arith.addf %get3A_845, %mul3A_846 : vector<16xf32>
      %swap3A_848 = arith.constant 12 : i32
      %swap3A_849 = arith.constant 0 : i32
      %swap3A_850 = arith.constant 0 : i32
      %swap3A_851 = tpu.memref_slice %arg13[%scan3A_546, %swap3A_849, %swap3A_850] : memref<4x16x768xf32, #tpu.memory_space<vmem>> -> memref<1x16x768xf32, #tpu.memory_space<vmem>>
      %swap3A_852 = tpu.memref_squeeze %swap3A_851 : memref<1x16x768xf32, #tpu.memory_space<vmem>> -> memref<16x768xf32, #tpu.memory_space<vmem>>
      %swap3A_853 = arith.index_cast %swap3A_848 : i32 to index
      %swap3A_854 = arith.index_cast %multiple_of3A : i32 to index
      %swap3A_855 = tpu.vector_load %swap3A_852[%swap3A_853, %swap3A_854] {strides = array<i32>} : memref<16x768xf32, #tpu.memory_space<vmem>>, vector<1x16xf32>,
      %swap3A_856 = vector.shape_cast %swap3A_855 : vector<1x16xf32> to vector<16xf32>
      %swap3A_857 = vector.shape_cast %add3A_847 : vector<16xf32> to vector<1x16xf32>
      tpu.vector_store %swap3A_852[%swap3A_853, %swap3A_854], %swap3A_857 {add = true, strides = array<i32>} : memref<16x768xf32, #tpu.memory_space<vmem>>, vector<1x16xf32>,
      %get3A_858 = arith.constant 13 : i32
      %get3A_859 = arith.index_cast %get3A_858 : i32 to index
      %get3A_860 = arith.index_cast %multiple_of3A : i32 to index
      %get3A_861 = tpu.vector_load %arg8[%get3A_859, %get3A_860] {strides = array<i32>} : memref<16x768xf32, #tpu.memory_space<vmem>>, vector<1x16xf32>,
      %get3A_862 = vector.shape_cast %get3A_861 : vector<1x16xf32> to vector<16xf32>
      %mul3A_863 = arith.mulf %gather3A_508, %get3A_637 : vector<16xf32>
      %add3A_864 = arith.addf %get3A_862, %mul3A_863 : vector<16xf32>
      %swap3A_865 = arith.constant 13 : i32
      %swap3A_866 = arith.constant 0 : i32
      %swap3A_867 = arith.constant 0 : i32
      %swap3A_868 = tpu.memref_slice %arg13[%scan3A_546, %swap3A_866, %swap3A_867] : memref<4x16x768xf32, #tpu.memory_space<vmem>> -> memref<1x16x768xf32, #tpu.memory_space<vmem>>
      %swap3A_869 = tpu.memref_squeeze %swap3A_868 : memref<1x16x768xf32, #tpu.memory_space<vmem>> -> memref<16x768xf32, #tpu.memory_space<vmem>>
      %swap3A_870 = arith.index_cast %swap3A_865 : i32 to index
      %swap3A_871 = arith.index_cast %multiple_of3A : i32 to index
      %swap3A_872 = tpu.vector_load %swap3A_869[%swap3A_870, %swap3A_871] {strides = array<i32>} : memref<16x768xf32, #tpu.memory_space<vmem>>, vector<1x16xf32>,
      %swap3A_873 = vector.shape_cast %swap3A_872 : vector<1x16xf32> to vector<16xf32>
      %swap3A_874 = vector.shape_cast %add3A_864 : vector<16xf32> to vector<1x16xf32>
      tpu.vector_store %swap3A_869[%swap3A_870, %swap3A_871], %swap3A_874 {add = true, strides = array<i32>} : memref<16x768xf32, #tpu.memory_space<vmem>>, vector<1x16xf32>,
      %get3A_875 = arith.constant 14 : i32
      %get3A_876 = arith.index_cast %get3A_875 : i32 to index
      %get3A_877 = arith.index_cast %multiple_of3A : i32 to index
      %get3A_878 = tpu.vector_load %arg8[%get3A_876, %get3A_877] {strides = array<i32>} : memref<16x768xf32, #tpu.memory_space<vmem>>, vector<1x16xf32>,
      %get3A_879 = vector.shape_cast %get3A_878 : vector<1x16xf32> to vector<16xf32>
      %mul3A_880 = arith.mulf %gather3A_520, %get3A_637 : vector<16xf32>
      %add3A_881 = arith.addf %get3A_879, %mul3A_880 : vector<16xf32>
      %swap3A_882 = arith.constant 14 : i32
      %swap3A_883 = arith.constant 0 : i32
      %swap3A_884 = arith.constant 0 : i32
      %swap3A_885 = tpu.memref_slice %arg13[%scan3A_546, %swap3A_883, %swap3A_884] : memref<4x16x768xf32, #tpu.memory_space<vmem>> -> memref<1x16x768xf32, #tpu.memory_space<vmem>>
      %swap3A_886 = tpu.memref_squeeze %swap3A_885 : memref<1x16x768xf32, #tpu.memory_space<vmem>> -> memref<16x768xf32, #tpu.memory_space<vmem>>
      %swap3A_887 = arith.index_cast %swap3A_882 : i32 to index
      %swap3A_888 = arith.index_cast %multiple_of3A : i32 to index
      %swap3A_889 = tpu.vector_load %swap3A_886[%swap3A_887, %swap3A_888] {strides = array<i32>} : memref<16x768xf32, #tpu.memory_space<vmem>>, vector<1x16xf32>,
      %swap3A_890 = vector.shape_cast %swap3A_889 : vector<1x16xf32> to vector<16xf32>
      %swap3A_891 = vector.shape_cast %add3A_881 : vector<16xf32> to vector<1x16xf32>
      tpu.vector_store %swap3A_886[%swap3A_887, %swap3A_888], %swap3A_891 {add = true, strides = array<i32>} : memref<16x768xf32, #tpu.memory_space<vmem>>, vector<1x16xf32>,
      %get3A_892 = arith.constant 15 : i32
      %get3A_893 = arith.index_cast %get3A_892 : i32 to index
      %get3A_894 = arith.index_cast %multiple_of3A : i32 to index
      %get3A_895 = tpu.vector_load %arg8[%get3A_893, %get3A_894] {strides = array<i32>} : memref<16x768xf32, #tpu.memory_space<vmem>>, vector<1x16xf32>,
      %get3A_896 = vector.shape_cast %get3A_895 : vector<1x16xf32> to vector<16xf32>
      %mul3A_897 = arith.mulf %gather3A_532, %get3A_637 : vector<16xf32>
      %add3A_898 = arith.addf %get3A_896, %mul3A_897 : vector<16xf32>
      %swap3A_899 = arith.constant 15 : i32
      %swap3A_900 = arith.constant 0 : i32
      %swap3A_901 = arith.constant 0 : i32
      %swap3A_902 = tpu.memref_slice %arg13[%scan3A_546, %swap3A_900, %swap3A_901] : memref<4x16x768xf32, #tpu.memory_space<vmem>> -> memref<1x16x768xf32, #tpu.memory_space<vmem>>
      %swap3A_903 = tpu.memref_squeeze %swap3A_902 : memref<1x16x768xf32, #tpu.memory_space<vmem>> -> memref<16x768xf32, #tpu.memory_space<vmem>>
      %swap3A_904 = arith.index_cast %swap3A_899 : i32 to index
      %swap3A_905 = arith.index_cast %multiple_of3A : i32 to index
      %swap3A_906 = tpu.vector_load %swap3A_903[%swap3A_904, %swap3A_905] {strides = array<i32>} : memref<16x768xf32, #tpu.memory_space<vmem>>, vector<1x16xf32>,
      %swap3A_907 = vector.shape_cast %swap3A_906 : vector<1x16xf32> to vector<16xf32>
      %swap3A_908 = vector.shape_cast %add3A_898 : vector<16xf32> to vector<1x16xf32>
      tpu.vector_store %swap3A_903[%swap3A_904, %swap3A_905], %swap3A_908 {add = true, strides = array<i32>} : memref<16x768xf32, #tpu.memory_space<vmem>>, vector<1x16xf32>,
    }
    %scan3A_551 = arith.constant 48 : i32
    %dma_start3A_552 = arith.constant 3 : i32
    %dma_start3A_553 = arith.constant 63 : i32
    %dma_start3A_554 = arith.constant 0 : i32
    %dma_start3A_555 = arith.constant 0 : i32
    %dma_start3A_556 = tpu.memref_slice %arg13[%dma_start3A_552, %dma_start3A_554, %dma_start3A_555] : memref<4x16x768xf32, #tpu.memory_space<vmem>> -> memref<1x16x768xf32, #tpu.memory_space<vmem>>
    %dma_start3A_557 = tpu.memref_squeeze %dma_start3A_556 : memref<1x16x768xf32, #tpu.memory_space<vmem>> -> memref<16x768xf32, #tpu.memory_space<vmem>>
    %dma_start3A_558 = arith.constant 0 : i32
    %dma_start3A_559 = tpu.memref_slice %arg7[%dma_start3A_553, %mul3A_2, %dma_start3A_558] : memref<64x512x768xf32, #tpu.memory_space<hbm>> -> memref<1x16x768xf32, #tpu.memory_space<hbm>>
    %dma_start3A_560 = tpu.memref_squeeze %dma_start3A_559 : memref<1x16x768xf32, #tpu.memory_space<hbm>> -> memref<16x768xf32, #tpu.memory_space<hbm>>
    %dma_start3A_561 = arith.constant 0 : i32
    %dma_start3A_562 = tpu.memref_slice %arg7[%dma_start3A_553, %mul3A_2, %dma_start3A_561] : memref<64x512x768xf32, #tpu.memory_space<hbm>> -> memref<1x16x768xf32, #tpu.memory_space<hbm>>
    %dma_start3A_563 = tpu.memref_squeeze %dma_start3A_562 : memref<1x16x768xf32, #tpu.memory_space<hbm>> -> memref<16x768xf32, #tpu.memory_space<hbm>>
    %dma_start3A_564 = arith.constant 0 : i32
    %dma_start3A_565 = arith.constant 0 : i32
    %dma_start3A_566 = tpu.memref_slice %arg13[%dma_start3A_552, %dma_start3A_564, %dma_start3A_565] : memref<4x16x768xf32, #tpu.memory_space<vmem>> -> memref<1x16x768xf32, #tpu.memory_space<vmem>>
    %dma_start3A_567 = tpu.memref_squeeze %dma_start3A_566 : memref<1x16x768xf32, #tpu.memory_space<vmem>> -> memref<16x768xf32, #tpu.memory_space<vmem>>
    tpu.enqueue_dma source(%dma_start3A_567 : memref<16x768xf32, #tpu.memory_space<vmem>>) target(%dma_start3A_563 : memref<16x768xf32, #tpu.memory_space<hbm>>) target_semaphore(%arg21 : memref<!tpu.dma_semaphore, #tpu.memory_space<semaphore_mem>>)
    %dma_wait3A_568 = arith.constant 0 : i32
    %dma_wait3A_569 = arith.constant 0 : i32
    %dma_wait3A_570 = arith.constant 0 : i32
    %dma_wait3A_571 = arith.constant 0 : i32
    %dma_wait3A_572 = tpu.memref_slice %arg13[%dma_wait3A_568, %dma_wait3A_570, %dma_wait3A_571] : memref<4x16x768xf32, #tpu.memory_space<vmem>> -> memref<1x16x768xf32, #tpu.memory_space<vmem>>
    %dma_wait3A_573 = tpu.memref_squeeze %dma_wait3A_572 : memref<1x16x768xf32, #tpu.memory_space<vmem>> -> memref<16x768xf32, #tpu.memory_space<vmem>>
    %dma_wait3A_574 = arith.constant 0 : i32
    %dma_wait3A_575 = tpu.memref_slice %arg7[%dma_wait3A_569, %mul3A_2, %dma_wait3A_574] : memref<64x512x768xf32, #tpu.memory_space<hbm>> -> memref<1x16x768xf32, #tpu.memory_space<hbm>>
    %dma_wait3A_576 = tpu.memref_squeeze %dma_wait3A_575 : memref<1x16x768xf32, #tpu.memory_space<hbm>> -> memref<16x768xf32, #tpu.memory_space<hbm>>
    %dma_wait3A_577 = arith.constant 0 : i32
    %dma_wait3A_578 = tpu.memref_slice %arg7[%dma_wait3A_569, %mul3A_2, %dma_wait3A_577] : memref<64x512x768xf32, #tpu.memory_space<hbm>> -> memref<1x16x768xf32, #tpu.memory_space<hbm>>
    %dma_wait3A_579 = tpu.memref_squeeze %dma_wait3A_578 : memref<1x16x768xf32, #tpu.memory_space<hbm>> -> memref<16x768xf32, #tpu.memory_space<hbm>>
    %dma_wait3A_580 = arith.constant 0 : i32
    %dma_wait3A_581 = arith.constant 0 : i32
    %dma_wait3A_582 = tpu.memref_slice %arg13[%dma_wait3A_568, %dma_wait3A_580, %dma_wait3A_581] : memref<4x16x768xf32, #tpu.memory_space<vmem>> -> memref<1x16x768xf32, #tpu.memory_space<vmem>>
    %dma_wait3A_583 = tpu.memref_squeeze %dma_wait3A_582 : memref<1x16x768xf32, #tpu.memory_space<vmem>> -> memref<16x768xf32, #tpu.memory_space<vmem>>
    tpu.wait_dma2 semaphore(%arg18 : memref<!tpu.dma_semaphore, #tpu.memory_space<semaphore_mem>>) src(%dma_wait3A_583 : memref<16x768xf32, #tpu.memory_space<vmem>>) dst(%dma_wait3A_579 : memref<16x768xf32, #tpu.memory_space<hbm>>)
    %dma_wait3A_584 = arith.constant 1 : i32
    %dma_wait3A_585 = arith.constant 0 : i32
    %dma_wait3A_586 = arith.constant 0 : i32
    %dma_wait3A_587 = arith.constant 0 : i32
    %dma_wait3A_588 = tpu.memref_slice %arg13[%dma_wait3A_584, %dma_wait3A_586, %dma_wait3A_587] : memref<4x16x768xf32, #tpu.memory_space<vmem>> -> memref<1x16x768xf32, #tpu.memory_space<vmem>>
    %dma_wait3A_589 = tpu.memref_squeeze %dma_wait3A_588 : memref<1x16x768xf32, #tpu.memory_space<vmem>> -> memref<16x768xf32, #tpu.memory_space<vmem>>
    %dma_wait3A_590 = arith.constant 0 : i32
    %dma_wait3A_591 = tpu.memref_slice %arg7[%dma_wait3A_585, %mul3A_2, %dma_wait3A_590] : memref<64x512x768xf32, #tpu.memory_space<hbm>> -> memref<1x16x768xf32, #tpu.memory_space<hbm>>
    %dma_wait3A_592 = tpu.memref_squeeze %dma_wait3A_591 : memref<1x16x768xf32, #tpu.memory_space<hbm>> -> memref<16x768xf32, #tpu.memory_space<hbm>>
    %dma_wait3A_593 = arith.constant 0 : i32
    %dma_wait3A_594 = tpu.memref_slice %arg7[%dma_wait3A_585, %mul3A_2, %dma_wait3A_593] : memref<64x512x768xf32, #tpu.memory_space<hbm>> -> memref<1x16x768xf32, #tpu.memory_space<hbm>>
    %dma_wait3A_595 = tpu.memref_squeeze %dma_wait3A_594 : memref<1x16x768xf32, #tpu.memory_space<hbm>> -> memref<16x768xf32, #tpu.memory_space<hbm>>
    %dma_wait3A_596 = arith.constant 0 : i32
    %dma_wait3A_597 = arith.constant 0 : i32
    %dma_wait3A_598 = tpu.memref_slice %arg13[%dma_wait3A_584, %dma_wait3A_596, %dma_wait3A_597] : memref<4x16x768xf32, #tpu.memory_space<vmem>> -> memref<1x16x768xf32, #tpu.memory_space<vmem>>
    %dma_wait3A_599 = tpu.memref_squeeze %dma_wait3A_598 : memref<1x16x768xf32, #tpu.memory_space<vmem>> -> memref<16x768xf32, #tpu.memory_space<vmem>>
    tpu.wait_dma2 semaphore(%arg19 : memref<!tpu.dma_semaphore, #tpu.memory_space<semaphore_mem>>) src(%dma_wait3A_599 : memref<16x768xf32, #tpu.memory_space<vmem>>) dst(%dma_wait3A_595 : memref<16x768xf32, #tpu.memory_space<hbm>>)
    %dma_wait3A_600 = arith.constant 2 : i32
    %dma_wait3A_601 = arith.constant 0 : i32
    %dma_wait3A_602 = arith.constant 0 : i32
    %dma_wait3A_603 = arith.constant 0 : i32
    %dma_wait3A_604 = tpu.memref_slice %arg13[%dma_wait3A_600, %dma_wait3A_602, %dma_wait3A_603] : memref<4x16x768xf32, #tpu.memory_space<vmem>> -> memref<1x16x768xf32, #tpu.memory_space<vmem>>
    %dma_wait3A_605 = tpu.memref_squeeze %dma_wait3A_604 : memref<1x16x768xf32, #tpu.memory_space<vmem>> -> memref<16x768xf32, #tpu.memory_space<vmem>>
    %dma_wait3A_606 = arith.constant 0 : i32
    %dma_wait3A_607 = tpu.memref_slice %arg7[%dma_wait3A_601, %mul3A_2, %dma_wait3A_606] : memref<64x512x768xf32, #tpu.memory_space<hbm>> -> memref<1x16x768xf32, #tpu.memory_space<hbm>>
    %dma_wait3A_608 = tpu.memref_squeeze %dma_wait3A_607 : memref<1x16x768xf32, #tpu.memory_space<hbm>> -> memref<16x768xf32, #tpu.memory_space<hbm>>
    %dma_wait3A_609 = arith.constant 0 : i32
    %dma_wait3A_610 = tpu.memref_slice %arg7[%dma_wait3A_601, %mul3A_2, %dma_wait3A_609] : memref<64x512x768xf32, #tpu.memory_space<hbm>> -> memref<1x16x768xf32, #tpu.memory_space<hbm>>
    %dma_wait3A_611 = tpu.memref_squeeze %dma_wait3A_610 : memref<1x16x768xf32, #tpu.memory_space<hbm>> -> memref<16x768xf32, #tpu.memory_space<hbm>>
    %dma_wait3A_612 = arith.constant 0 : i32
    %dma_wait3A_613 = arith.constant 0 : i32
    %dma_wait3A_614 = tpu.memref_slice %arg13[%dma_wait3A_600, %dma_wait3A_612, %dma_wait3A_613] : memref<4x16x768xf32, #tpu.memory_space<vmem>> -> memref<1x16x768xf32, #tpu.memory_space<vmem>>
    %dma_wait3A_615 = tpu.memref_squeeze %dma_wait3A_614 : memref<1x16x768xf32, #tpu.memory_space<vmem>> -> memref<16x768xf32, #tpu.memory_space<vmem>>
    tpu.wait_dma2 semaphore(%arg20 : memref<!tpu.dma_semaphore, #tpu.memory_space<semaphore_mem>>) src(%dma_wait3A_615 : memref<16x768xf32, #tpu.memory_space<vmem>>) dst(%dma_wait3A_611 : memref<16x768xf32, #tpu.memory_space<hbm>>)
    %dma_wait3A_616 = arith.constant 3 : i32
    %dma_wait3A_617 = arith.constant 0 : i32
    %dma_wait3A_618 = arith.constant 0 : i32
    %dma_wait3A_619 = arith.constant 0 : i32
    %dma_wait3A_620 = tpu.memref_slice %arg13[%dma_wait3A_616, %dma_wait3A_618, %dma_wait3A_619] : memref<4x16x768xf32, #tpu.memory_space<vmem>> -> memref<1x16x768xf32, #tpu.memory_space<vmem>>
    %dma_wait3A_621 = tpu.memref_squeeze %dma_wait3A_620 : memref<1x16x768xf32, #tpu.memory_space<vmem>> -> memref<16x768xf32, #tpu.memory_space<vmem>>
    %dma_wait3A_622 = arith.constant 0 : i32
    %dma_wait3A_623 = tpu.memref_slice %arg7[%dma_wait3A_617, %mul3A_2, %dma_wait3A_622] : memref<64x512x768xf32, #tpu.memory_space<hbm>> -> memref<1x16x768xf32, #tpu.memory_space<hbm>>
    %dma_wait3A_624 = tpu.memref_squeeze %dma_wait3A_623 : memref<1x16x768xf32, #tpu.memory_space<hbm>> -> memref<16x768xf32, #tpu.memory_space<hbm>>
    %dma_wait3A_625 = arith.constant 0 : i32
    %dma_wait3A_626 = tpu.memref_slice %arg7[%dma_wait3A_617, %mul3A_2, %dma_wait3A_625] : memref<64x512x768xf32, #tpu.memory_space<hbm>> -> memref<1x16x768xf32, #tpu.memory_space<hbm>>
    %dma_wait3A_627 = tpu.memref_squeeze %dma_wait3A_626 : memref<1x16x768xf32, #tpu.memory_space<hbm>> -> memref<16x768xf32, #tpu.memory_space<hbm>>
    %dma_wait3A_628 = arith.constant 0 : i32
    %dma_wait3A_629 = arith.constant 0 : i32
    %dma_wait3A_630 = tpu.memref_slice %arg13[%dma_wait3A_616, %dma_wait3A_628, %dma_wait3A_629] : memref<4x16x768xf32, #tpu.memory_space<vmem>> -> memref<1x16x768xf32, #tpu.memory_space<vmem>>
    %dma_wait3A_631 = tpu.memref_squeeze %dma_wait3A_630 : memref<1x16x768xf32, #tpu.memory_space<vmem>> -> memref<16x768xf32, #tpu.memory_space<vmem>>
    tpu.wait_dma2 semaphore(%arg21 : memref<!tpu.dma_semaphore, #tpu.memory_space<semaphore_mem>>) src(%dma_wait3A_631 : memref<16x768xf32, #tpu.memory_space<vmem>>) dst(%dma_wait3A_627 : memref<16x768xf32, #tpu.memory_space<hbm>>)
    return
  }
}

</mosaic_0001>

<sc_bundles>
// kernel: kernel.3.cloned.1.call-start
scs
__scs_entry_jumppad:
0x0: {  	(pc) =	sbr.rel $0x88, $3  }
0x1: {  	(tag) =	ssettag $0x0;
	lr =	simm.s32 $0x1  }
0x2: {  	[smem:$0x3F9C] =	sst lr;
	_ =	strace $0xD0000000  }
0x3: {  	_ = 	snop  }
0x4: {  	_ = 	snop  }
0x5: {  	_ = 	snop  }
0x6: {  	_ = 	snop  }
0x7: {  	_ = 	snop  }
__scs_overlays_trampoline_lowered:
0x8: {  	[smem:$0x3FAB] =	sst s0  }
0x9: {  	[smem:$0x3FAC] =	sst s1  }
0xa: {  	[smem:$0x3FAD] =	sst s2  }
0xb: {  	[smem:$0x3FAE] =	sst s3  }
0xc: {  	[smem:$0x3FAF] =	sst s4  }
0xd: {  	[smem:$0x3FB0] =	sst s5  }
0xe: {  	[smem:$0x3FB1] =	sst s6  }
0xf: {  	[smem:$0x3FB2] =	sst s7  }
0x10: {  	[smem:$0x3FB3] =	sst s8  }
0x11: {  	[smem:$0x3FB4] =	sst s9;
	s0 =	simm.s32 @!p0 $0x0  }
0x12: {  	s1 =	sld [smem:$0x3F9A];
	s0 =	simm.s32 @p0 $0x1  }
0x13: {  	[smem:$0x3FB5] =	sst s0;
	s0 =	simm.s32 @!p1 $0x0  }
0x14: {  	s2 =	sld [smem:$0x3F99];
	s0 =	simm.s32 @p1 $0x1  }
0x15: {  	[smem:$0x3FB6] =	sst s0;
	s0 =	simm.s32 @!p2 $0x0  }
0x16: {  	s3 =	sld [smem:$0x3FDB];
	s0 =	simm.s32 @p2 $0x1  }
0x17: {  	s4 =	simm.s32 $0x1BF5;
	[smem:$0x3FB8] =	sst s0  }
0x18: {  	s0 =	sld [smem:$0x3F9B];
	_ =	swait.ge [sflag:s4], $0x0  }
0x19: {  	s7 =	sld [smem:$0x3F9C]  }
0x1a: {  	s8 =	sadd.s32 $0xFFFFE003, lr  }
0x1b: {  	s9 =	sadd.s32 $0xFFFFFEF7, lr;
	s5 =	simm.s32 $0xFFFFFFFF;
	p2 =	slt.u32 s8, $0xFFFFF086  }
0x1c: {  	p1 =	slt.u32 s9, $0xF7A;
	s5 =	simm.s32 @!p2 $0x0  }
0x1d: {  	s5 =	simm.s32 @p1 $0x1;
	p0 =	seq.s32 s7, s2  }
0x1e: {  	s7 =	smul.u32 @!p0 $0xF7A, s2;
	p2 =	seq.s32 @!p0 s5, $0x0  }
0x1f: {  	s9 =	smul.u32 $0xF7A, s1;
	s8 =	simm.s32 @!p0 $0x1BF5;
	p2 =	por !p2, p0  }
0x20: {  	[sflag:s8] =	ssyncset.s32 @!p0 $0xFFFFF086;
	s6 =	sadd.s32 @!p0 s3, s7;
	s7 =	simm.s32 @!p0 $0x108  }
0x21: {  	s3 =	sadd.s32 s3, s9;
	s6 =	sadd.s32 @!p0 $0x88, s6;
	s7 =	simm.s32 @p2 $0x1082  }
0x22: {  	[simem:s7], [sflag:s8] =	dma.local @!p0 [hbm:s6], $0xF7A  }
0x23: {  	s9 =	sor.u32 $0xD0000000, s2;
	s6 =	simm.s32 $0x108;
	_ =	swait.ge @!p0 [sflag:s8], $0x0  }
0x24: {  	s3 =	sadd.s32 $0x88, s3;
	s6 =	simm.s32 @!p1 $0x1082;
	[sflag:s4] =	ssyncset.s32 $0xFFFFF086  }
0x25: {  	[simem:s6], [sflag:s4] =	dma.local [hbm:s3], $0xF7A  }
0x26: {  	[smem:$0x3F9C] =	sst s1;
	(tag) =	ssettag s2;
	_ =	strace s9  }
0x27: {  	s1 =	sld [smem:$0x3FAC]  }
0x28: {  	s2 =	sld [smem:$0x3FAD]  }
0x29: {  	s4 =	sld [smem:$0x3FAF]  }
0x2a: {  	p0 =	seq.s32 s5, $0x0;
	s5 =	sld [smem:$0x3FB0]  }
0x2b: {  	s6 =	sld [smem:$0x3FB1]  }
0x2c: {  	s7 =	sld [smem:$0x3FB2]  }
0x2d: {  	s3 =	simm.s32 $0x108;
	s8 =	sld [smem:$0x3FB3]  }
0x2e: {  	s3 =	simm.s32 @!p0 $0x1082;
	s9 =	sld [smem:$0x3FB4]  }
0x2f: {  	lr =	sadd.s32 s0, s3;
	s0 =	sld [smem:$0x3FAB]  }
0x30: {  	s3 =	sld [smem:$0x3FAE]  }
0x31: {  	[smem:$0x3FB7] =	sst s10  }
0x32: {  	s10 =	sld [smem:$0x3FB5];
	_ =	sdelay $0x3  }
0x33: {  	p0 =	seq.s32 s10, $0x1;
	s10 =	sld [smem:$0x3FB7];
	_ =	sdelay $0x3  }
0x34: {  	[smem:$0x3FB7] =	sst s10  }
0x35: {  	s10 =	sld [smem:$0x3FB6];
	_ =	sdelay $0x3  }
0x36: {  	p1 =	seq.s32 s10, $0x1;
	s10 =	sld [smem:$0x3FB7];
	_ =	sdelay $0x3  }
0x37: {  	[smem:$0x3FB7] =	sst s10  }
0x38: {  	s10 =	sld [smem:$0x3FB8]  }
0x39: {  	_ = 	snop;
	(pc) =	sbr.ind lr, $3  }
0x3a: {  	_ = 	snop  }
0x3b: {  	_ = 	snop  }
0x3c: {  	p2 =	seq.s32 s10, $0x1;
	s10 =	sld [smem:$0x3FB7]  }
0x3d: {  	_ =	shalt  }
0x3e: {  	_ =	shalt  }
0x3f: {  	_ =	shalt  }
0x40: {  	_ =	shalt  }
0x41: {  	_ =	shalt  }
0x42: {  	_ =	shalt  }
0x43: {  	_ =	shalt  }
0x44: {  	_ =	shalt  }
0x45: {  	_ =	shalt  }
0x46: {  	_ =	shalt  }
0x47: {  	_ =	shalt  }
0x48: {  	_ =	shalt  }
0x49: {  	_ =	shalt  }
0x4a: {  	_ =	shalt  }
0x4b: {  	_ =	shalt  }
0x4c: {  	_ =	shalt  }
0x4d: {  	_ =	shalt  }
0x4e: {  	_ =	shalt  }
0x4f: {  	_ =	shalt  }
0x50: {  	_ =	shalt  }
0x51: {  	_ =	shalt  }
0x52: {  	_ =	shalt  }
0x53: {  	_ =	shalt  }
0x54: {  	_ =	shalt  }
0x55: {  	_ =	shalt  }
0x56: {  	_ =	shalt  }
0x57: {  	_ =	shalt  }
0x58: {  	_ =	shalt  }
0x59: {  	_ =	shalt  }
0x5a: {  	_ =	shalt  }
0x5b: {  	_ =	shalt  }
0x5c: {  	_ =	shalt  }
0x5d: {  	_ =	shalt  }
0x5e: {  	_ =	shalt  }
0x5f: {  	_ =	shalt  }
0x60: {  	_ =	shalt  }
0x61: {  	_ =	shalt  }
0x62: {  	_ =	shalt  }
0x63: {  	_ =	shalt  }
0x64: {  	_ =	shalt  }
0x65: {  	_ =	shalt  }
0x66: {  	_ =	shalt  }
0x67: {  	_ =	shalt  }
0x68: {  	_ =	shalt  }
0x69: {  	_ =	shalt  }
0x6a: {  	_ =	shalt  }
0x6b: {  	_ =	shalt  }
0x6c: {  	_ =	shalt  }
0x6d: {  	_ =	shalt  }
0x6e: {  	_ =	shalt  }
0x6f: {  	_ =	shalt  }
0x70: {  	_ =	shalt  }
0x71: {  	_ =	shalt  }
0x72: {  	_ =	shalt  }
0x73: {  	_ =	shalt  }
0x74: {  	_ =	shalt  }
0x75: {  	_ =	shalt  }
0x76: {  	_ =	shalt  }
0x77: {  	_ =	shalt  }
0x78: {  	_ =	shalt  }
0x79: {  	_ =	shalt  }
0x7a: {  	_ =	shalt  }
0x7b: {  	_ =	shalt  }
0x7c: {  	_ =	shalt  }
0x7d: {  	_ =	shalt  }
0x7e: {  	_ =	shalt  }
0x7f: {  	_ =	shalt  }
0x80: {  	_ =	shalt  }
0x81: {  	_ =	shalt  }
0x82: {  	_ =	shalt  }
0x83: {  	_ =	shalt  }
0x84: {  	_ =	shalt  }
0x85: {  	_ =	shalt  }
0x86: {  	_ =	shalt  }
0x87: {  	_ =	shalt  }
.Lfunc_end0:
.L_simem_size_0:
called_computation_lowered:
.L_overlay_start_0:
0x88: {  	s2 =	sld [smem:$0x3FD9]  }
0x89: {  	s3 =	sld [smem:$0x3FFE];
	_ =	sdelay $0x1  }
0x8a: {  	s1 =	srdreg.scid  }
0x8b: {  	s0 =	sand.u32 $0x1, s1  }
0x8c: {  	s18 =	sshll.u32 s0, $0xA;
	s2 =	sadd.s32 s3, s2  }
0x8d: {  	s2 =	sadd.s32 s2, s18  }
0x8e: {  	[smem:$0x3FC3] =	sst s2  }
0x8f: {  	_ = 	snop  }
0x90: {  	s2 =	sld [smem:$0x3FC9]  }
0x91: {  	s19 =	sld [smem:$0x3FC8]  }
0x92: {  	s4 =	sld [smem:$0x3FC7]  }
0x93: {  	s5 =	sld [smem:$0x3FC6]  }
0x94: {  	s6 =	sld [smem:$0x3FC5]  }
0x95: {  	s7 =	sld [smem:$0x3FD0];
	(tm) =	ssettm $0x1  }
0x96: {  	s8 =	sld [smem:$0x3FFB];
	_ =	sdelay $0x3  }
0x97: {  	_ =	strace s8  }
0x98: {  	s8 =	sld [smem:$0x3FFC];
	_ =	sdelay $0x3  }
0x99: {  	_ =	strace s8  }
0x9a: {  	s8 =	sld [smem:$0x3FFD];
	_ =	sdelay $0x3  }
0x9b: {  	_ =	strace s8  }
0x9c: {  	_ =	strace $0x8FFFFFFF  }
0x9d: {  	s20 =	sld [smem:$0x3FDB];
	_ =	sdelay $0x1  }
0x9e: {  	s9 =	simm.s32 $_scs_section_size  }
0x9f: {  	s10 =	simm.s32 $_size__tile_overlayer_lowered;
	s11 =	simm.s32 $_tile_overlayer_lowered  }
0xa0: {  	s23 =	simm.s32 $0x1BFF;
	s22 =	sshll.u32 s11, $0x1;
	s8 =	sadd.s32 s9, s20  }
0xa1: {  	s12 =	simm.s32 $0x0;
	s21 =	sshll.u32 s10, $0x1;
	s10 =	sadd.s32 s22, s8  }
0xa2: {  	[timem:s12], [sflag:s23] =	dma.local [hbm:s10], s21  }
0xa3: {  	_ =	swait.ge [sflag:s23], s21  }
0xa4: {  	s9 =	ssub.s32 $0x0, s21;
	[sflag:s23] =	ssyncset.done $0x0  }
0xa5: {  	[sflag:s23] =	ssyncadd.s32 s9;
	_ =	sdelay $0x1  }
0xa6: {  	s24 =	simm.s32 $0x1B8B  }
0xa7: {  	_ =	swait.ge [sflag:s24], $0x1  }
0xa8: {  	[sflag:s24] =	ssyncset.done $0x0  }
0xa9: {  	s25 =	simm.s32 $0x1B8E;
	[sflag:s24] =	ssyncadd.s32 $0xFFFFFFFF  }
0xaa: {  	s26 =	simm.s32 $execute0_lowered;
	[smem:$0x3FD2] =	sst s25  }
0xab: {  	s9 =	sshll.u32 s26, $0x1;
	_ =	strace $0x80000046;
	[dreg:$0x1] =	wrdreg $0xFFFFFFFF  }
0xac: {  	s28 =	simm.s32 $_size_execute0_lowered;
	s8 =	sadd.s32 s8, s9;
	[dreg:$0x0] =	wrdreg $0x0  }
0xad: {  	s9 =	sshll.u32 s28, $0x1;
	[dreg:$0x2] =	wrdreg s8  }
0xae: {  	[dreg:$0x3] =	wrdreg s9  }
0xaf: {  	[dreg:$0x4] =	wrdreg $0xC0  }
0xb0: {  	_ =	task [dreg:s12], $0x5FFFF  }
0xb1: {  	[dreg:$0x1] =	wrdreg $0xFFFFFFFF  }
0xb2: {  	[dreg:$0x0] =	wrdreg $0x60  }
0xb3: {  	[dreg:$0x2] =	wrdreg s2  }
0xb4: {  	[dreg:$0x3] =	wrdreg s19  }
0xb5: {  	[dreg:$0x4] =	wrdreg s4  }
0xb6: {  	[dreg:$0x5] =	wrdreg s5  }
0xb7: {  	[dreg:$0x6] =	wrdreg s6  }
0xb8: {  	[dreg:$0x7] =	wrdreg s7  }
0xb9: {  	[dreg:$0x8] =	wrdreg $0x9  }
0xba: {  	_ =	task.clear_ibuf [dreg:s12], $0x9FFFF;
	_ =	strace $0x90000046  }
0xbb: {  	s29 =	simm.s32 $0x9;
	_ =	strace $0x80000048  }
0xbc: {  	_ =	swait.ge [sflag:s29], $0x1  }
0xbd: {  	[sflag:s29] =	ssyncadd.s32 $0xFFFFFFFF  }
0xbe: {  	_ =	strace $0x90000048  }
0xbf: {  	_ =	sfence  }
0xc0: {  	s30 =	sld [smem:$0x0];
	_ =	sdelay $0x2  }
0xc1: {  	s31 =	sshll.u32 s1, $0xD;
	s1 =	sshrl.u32 s1, $0x2  }
0xc2: {  	s3 =	sand.u32 $0x4000, s31;
	s1 =	sadd.s32 s1, s30  }
0xc3: {  	s0 =	sor.u32 s3, s0;
	s1 =	sshll.u32 s1, $0x11  }
0xc4: {  	s0 =	sor.u32 s1, s0  }
0xc5: {  	s0 =	sadd.s32 $0x8F2B, s0  }
0xc6: {  	[sflag:s0] =	ssyncadd.remote.s32 $0x1  }
0xc7: {  	_ =	sfence.sel $0xFFFF  }
0xc8: {  	[dreg:$0x0] =	wrdreg $0xFFFFFFFF;
	(pc) =	sbr.abs _section_cstart, $3  }
0xc9: {  	[dreg:$0x1] =	wrdreg $0xFFFFFFFF  }
0xca: {  	_ =	task.clear_ibuf [dreg:s12], $0x2FFFF;
	_ =	strace $0x9FFFFFFF  }
0xcb: {  	(tm) =	ssettm $0x7FFFFFFF  }
tec
execute0_lowered:
.L_overlay_start_1:
0x0: {  	(tag) =	ssettag $0x1  }
0x1: {  	s0 =	rddreg [dreg:$0x0]  }
0x2: {  	s2 =	rddreg [dreg:$0x1]  }
0x3: {  	s3 =	rddreg [dreg:$0x2];
	s1 =	srdreg.scid  }
0x4: {  	s4 =	rddreg [dreg:$0x3];
	s9 =	stileid.u32  }
0x5: {  	s6 =	rddreg [dreg:$0x5];
	s16 =	simm.s32 $0xA;
	s30 =	simm.s32 $0xB  }
0x6: {  	s14 =	simm.s32 $0x1;
	s15 =	simm.s32 $0xC;
	s1 =	sand.u32 $0x1, s1  }
0x7: {  	s5 =	sshll.u32 s9, $0x5;
	s10 =	sshll.u32 s9, $0x8;
	s7 =	sshll.u32 s1, $0x4  }
0x8: {  	s1 =	ssub.s32 $0x2, s1;
	s5 =	sor.u32 s7, s5;
	s7 =	simm.s32 $0x0  }
0x9: {  	s11 =	sshrl.u32 s1, $0x1;
	s8 =	sshrl.u32 s5, $0x3;
	[smem:$0x7FF] =	sst s7  }
0xa: {  	s9 =	sor.u32 s10, s5;
	s1 =	ssub.s32 s1, s11;
	s10 =	sand.u32 $0xC00, s10  }
0xb: {  	s8 =	smul.u32 $0x1800, s8;
	_ =	strace $0x80000047;
	s5 =	sor.u32 s5, s10  }
0xc: {  	s9 =	sand.u32 $0xC70, s9;
	s1 =	smax.u32 s1, $0x1;
	[dreg:$0x11] =	wrdreg s5  }
0xd: {  	s10 =	simm.s32 $0x3D00;
	s17 =	sshrl.u32 s9, $0x3;
	[dreg:$0x14] =	wrdreg s1  }
0xe: {  	s5 =	simm.s32 $0x9;
	s1 =	simm.s32 $0x2;
	s18 =	sadd.s32 s0, s17  }
0xf: {  	s12 =	sshrl.u32 s8, $0x3;
	s13 =	sadd.s32 s2, s17;
	[dreg:$0x8] =	wrdreg s18  }
0x10: {  	s19 =	sor.u32 $0x10, s17;
	s26 =	sadd.s32 $0xFFF40000, s8;
	[dreg:$0x9] =	wrdreg s13  }
0x11: {  	s21 =	sor.u32 $0x20, s17;
	s31 =	sadd.s32 $0xFFFA0000, s8;
	[dreg:$0x10] =	wrdreg s26  }
0x12: {  	s28 =	sadd.s32 $0x60000, s8;
	s4 =	sadd.s32 s4, s12;
	[dreg:$0x15] =	wrdreg s31  }
0x13: {  	s20 =	sadd.s32 s0, s19;
	s11 =	sadd.s32 s2, s19;
	[dreg:$0x7] =	wrdreg s4  }
0x14: {  	v2 =	vlaneseq.u32;
	s22 =	sadd.s32 s0, s21;
	s23 =	sadd.s32 s2, s21;
	[dreg:$0xa] =	wrdreg s20  }
0x15: {  	vm0 =	vmmov $0xffff;
	v3 =	vimm.s32 $0x7;
	v4 =	vimm.s32 $0x3;
	s19 =	sadd.s32 $0x100, s3;
	s25 =	sadd.s32 s6, s12;
	[dreg:$0xb] =	wrdreg s11  }
0x16: {  	v5 =	vimm.s32 $0x0;
	v6 =	vimm.s32 $0x1;
	v7 =	vimm.s32 $0x2;
	s12 =	simm.s32 $0x4;
	s13 =	simm.s32 $0x6;
	[dreg:$0xc] =	wrdreg s22  }
0x17: {  	v8 =	vimm.s32 $0x4;
	v9 =	vimm.s32 $0x5;
	v10 =	vimm.s32 $0x6;
	s4 =	sor.u32 $0x30, s17;
	[dreg:$0xd] =	wrdreg s23;
	s29 =	sadd.s32 $0x2E8000, s25  }
0x18: {  	v11 =	vimm.s32 $0x8;
	v12 =	vimm.s32 $0x9;
	v13 =	vimm.s32 $0xA;
	s21 =	simm.s32 $0x0;
	s24 =	sadd.s32 s0, s4;
	[dreg:$0x12] =	wrdreg s29  }
0x19: {  	v14 =	vimm.s32 $0xB;
	v15 =	vimm.s32 $0xC;
	v16 =	vimm.s32 $0xD;
	s20 =	sadd.s32 $0x200, s3;
	s4 =	sadd.s32 s2, s4;
	[dreg:$0xe] =	wrdreg s24  }
0x1a: {  	v17 =	vimm.s32 $0xE;
	v18 =	vimm.s32 $0xF;
	v1 =	vshrl.u32 v2, $0x3;
	s17 =	simm.s32 $0x6D00;
	[dreg:$0xf] =	wrdreg s4;
	s4 =	sadd.s32 $0x2F4000, s25  }
0x1b: {  	v0 =	vand.u32 $0x7, v2;
	v2 =	vor.u32 $0x8, v2;
	v1 =	vmul.u32 $0x8, v1;
	s11 =	simm.s32 $0x3;
	s23 =	simm.s32 $0x7;
	[dreg:$0x13] =	wrdreg s4  }
.LBB2_1:
0x1c: {  	[dreg:$0x16] =	wrdreg s21  }
0x1d: {  	s4 =	rddreg [dreg:$0x7];
	s18 =	simm.s32 $0xD  }
0x1e: {  	[tilespmem:s7], [sflag:$0xD] =	stream.linear.gather [hbm4b:s4+s7], $0x3000, $0x38;
	[tilespmem:$0xFD00] =	vst v63  }
0x1f: {  	_ =	swait.ge [sflag:s18], $0x3000  }
0x20: {  	[sflag:s18] =	ssyncset.done $0x0  }
0x21: {  	[sflag:s18] =	ssyncadd.s32 $0xFFFFD000  }
0x22: {  	s26 =	simm.s32 $0x3300;
	s25 =	rddreg [dreg:$0x4]  }
0x23: {  	[tilespmem:s26], [sflag:$0xD] =	stream.linear.gather [hbm4b:s25+s7], $0x600, $0x38;
	[tilespmem:$0xFD00] =	vst v63  }
0x24: {  	s29 =	simm.s32 $0x0;
	_ =	swait.ge [sflag:s18], $0x600  }
0x25: {  	s22 =	sand.u32 $0x70, s7;
	s4 =	sand.u32 $0xFFFFFF00, s29;
	[sflag:s18] =	ssyncset.done $0x0  }
0x26: {  	s4 =	sor.u32 s22, s4;
	[sflag:s18] =	ssyncadd.s32 $0xFFFFFA00  }
0x27: {  	v19 =	vld [tilespmem:s4+$0x3300]  }
0x28: {  	v20 =	vld [tilespmem:s4+$0x3380];
	_ =	sdelay $0x4  }
0x29: {  	s31 =	simm.s32 $0x0;
	v20 =	vsub.f32 v20, v19  }
0x2a: {  	s21 =	simm.s32 $0x3000;
	s4 =	sand.u32 $0x3FFFFC00, s31  }
0x2b: {  	s4 =	sor.u32 s22, s4;
	[tilespmem:s21+$0x0] =	vst v20  }
0x2c: {  	v23 =	vld [tilespmem:s4+$0x0]  }
0x2d: {  	v22 =	vld [tilespmem:s4+$0x80]  }
0x2e: {  	v21 =	vld [tilespmem:s4+$0x100]  }
0x2f: {  	s24 =	simm.s32 $0x0;
	s22 =	simm.s32 $0x1;
	v20 =	vld [tilespmem:s4+$0x180]  }
.LBB2_2:
0x30: {  	p0 =	sne.s32 s22, $0x2F;
	v24 =	vld [tilespmem:s4+$0x200];
	s21 =	sadd.s32 $0x10, s21;
	s24 =	sadd.s32 $0x10, s24  }
0x31: {  	s25 =	smov.u32 s22;
	s22 =	sadd.s32 $0x1, s22;
	v23 =	vadd.f32 v23, v19;
	v25 =	vld [tilespmem:s4+$0x280]  }
0x32: {  	v22 =	vadd.f32 v22, v19;
	v26 =	vld [tilespmem:s4+$0x300]  }
0x33: {  	[tilespmem:s4+$0x0] =	vst v23;
	v21 =	vadd.f32 v21, v19;
	v23 =	vld [tilespmem:s4+$0x1900]  }
0x34: {  	[tilespmem:s4+$0x80] =	vst v22;
	v20 =	vadd.f32 v20, v19;
	v22 =	vld [tilespmem:s4+$0x1800]  }
0x35: {  	[tilespmem:s4+$0x100] =	vst v21;
	v21 =	vadd.f32 v24, v19;
	v24 =	vld [tilespmem:s4+$0x380]  }
0x36: {  	[tilespmem:s4+$0x180] =	vst v20;
	v20 =	vadd.f32 v25, v19;
	v25 =	vld [tilespmem:s4+$0x1880]  }
0x37: {  	[tilespmem:s4+$0x200] =	vst v21;
	v21 =	vadd.f32 v26, v19;
	v26 =	vld [tilespmem:s4+$0x1980]  }
0x38: {  	[tilespmem:s4+$0x280] =	vst v20;
	v20 =	vadd.f32 v23, v19;
	v23 =	vld [tilespmem:s4+$0x1A00]  }
0x39: {  	[tilespmem:s4+$0x300] =	vst v21;
	v21 =	vadd.f32 v22, v19;
	v22 =	vld [tilespmem:s4+$0x1A80]  }
0x3a: {  	v24 =	vadd.f32 v24, v19;
	[tilespmem:s4+$0x1900] =	vst v20;
	v20 =	vld [tilespmem:s4+$0x1B00]  }
0x3b: {  	[tilespmem:s4+$0x1800] =	vst v21;
	v21 =	vadd.f32 v25, v19;
	v25 =	vld [tilespmem:s4+$0x1B80]  }
0x3c: {  	[tilespmem:s4+$0x380] =	vst v24;
	v24 =	vadd.f32 v26, v19  }
0x3d: {  	s25 =	sshll.u32 s25, $0x7;
	[tilespmem:s4+$0x1880] =	vst v21;
	v21 =	vadd.f32 v23, v19  }
0x3e: {  	s26 =	sshra.s32 s25, $0x2;
	s25 =	sand.u32 $0x3FFFFC00, s25;
	[tilespmem:s4+$0x1980] =	vst v24;
	v22 =	vadd.f32 v22, v19  }
0x3f: {  	s29 =	sand.u32 $0x70, s24;
	s26 =	sand.u32 $0xFFFFFF00, s26;
	[tilespmem:s4+$0x1A00] =	vst v21;
	v20 =	vadd.f32 v20, v19  }
0x40: {  	s26 =	sor.u32 s29, s26;
	[tilespmem:s4+$0x1A80] =	vst v22;
	v19 =	vadd.f32 v25, v19  }
0x41: {  	[tilespmem:s4+$0x1B00] =	vst v20  }
0x42: {  	[tilespmem:s4+$0x1B80] =	vst v19  }
0x43: {  	v19 =	vld [tilespmem:s26+$0x3300]  }
0x44: {  	v20 =	vld [tilespmem:s26+$0x3380];
	_ =	sdelay $0x4  }
0x45: {  	s4 =	sor.u32 s29, s25;
	v20 =	vsub.f32 v20, v19;
	_ =	sdelay $0x1  }
.Ltmp0:
0x46: {  	[tilespmem:s21+$0x0] =	vst v20;
	(pc) =	sbr.rel @p0 .LBB2_2-.Ltmp0, $4  }
0x47: {  	v23 =	vld [tilespmem:s4+$0x0]  }
0x48: {  	v22 =	vld [tilespmem:s4+$0x80]  }
0x49: {  	v21 =	vld [tilespmem:s4+$0x100]  }
0x4a: {  	v20 =	vld [tilespmem:s4+$0x180]  }
0x4b: {  	v24 =	vld [tilespmem:s4+$0x200]  }
0x4c: {  	v25 =	vld [tilespmem:s4+$0x280];
	v23 =	vadd.f32 v23, v19  }
0x4d: {  	v26 =	vld [tilespmem:s4+$0x300];
	v22 =	vadd.f32 v22, v19  }
0x4e: {  	v53 =	vld [tilespmem:s4+$0x1900];
	[tilespmem:s4+$0x0] =	vst v23;
	v21 =	vadd.f32 v21, v19  }
0x4f: {  	v54 =	vld [tilespmem:s4+$0x1800];
	[tilespmem:s4+$0x80] =	vst v22;
	v20 =	vadd.f32 v20, v19  }
0x50: {  	v58 =	vld [tilespmem:s4+$0x380];
	[tilespmem:s4+$0x100] =	vst v21;
	v55 =	vadd.f32 v24, v19  }
0x51: {  	v56 =	vadd.f32 v25, v19;
	[tilespmem:s4+$0x180] =	vst v20;
	v20 =	vld [tilespmem:s4+$0x1880]  }
0x52: {  	v57 =	vld [tilespmem:s4+$0x1980];
	v26 =	vadd.f32 v26, v19;
	[tilespmem:s4+$0x200] =	vst v55  }
0x53: {  	v59 =	vld [tilespmem:s4+$0x1A00];
	v23 =	vadd.f32 v53, v19;
	[tilespmem:s4+$0x280] =	vst v56  }
0x54: {  	v60 =	vld [tilespmem:s4+$0x1A80];
	v22 =	vadd.f32 v54, v19;
	[tilespmem:s4+$0x300] =	vst v26  }
0x55: {  	v61 =	vld [tilespmem:s4+$0x1B00];
	v25 =	vadd.f32 v58, v19;
	[tilespmem:s4+$0x1900] =	vst v23  }
0x56: {  	v62 =	vld [tilespmem:s4+$0x1B80];
	[tilespmem:s4+$0x1800] =	vst v22;
	v20 =	vadd.f32 v20, v19  }
0x57: {  	v21 =	vadd.f32 v57, v19;
	[tilespmem:s4+$0x380] =	vst v25  }
0x58: {  	[tilespmem:s4+$0x1880] =	vst v20;
	v20 =	vadd.f32 v59, v19  }
0x59: {  	v63 =	vadd.f32 v60, v19;
	[tilespmem:s4+$0x1980] =	vst v21  }
0x5a: {  	[tilespmem:s4+$0x1A00] =	vst v20;
	v20 =	vadd.f32 v61, v19  }
0x5b: {  	[tilespmem:s4+$0x1A80] =	vst v63;
	v19 =	vadd.f32 v62, v19  }
0x5c: {  	[tilespmem:s4+$0x1B00] =	vst v20  }
0x5d: {  	s24 =	simm.s32 $0x0;
	s26 =	rddreg [dreg:$0x8];
	s18 =	simm.s32 $0x3900;
	[tilespmem:s4+$0x1B80] =	vst v19  }
0x5e: {  	[tilespmem:s18], [sflag:$0x9] =	stream.linear.gather [hbm4b:s26+s24], $0x10, $0x38;
	[tilespmem:$0xFD00] =	vst v63  }
0x5f: {  	s29 =	rddreg [dreg:$0x9];
	s31 =	simm.s32 $0x3B00  }
0x60: {  	[tilespmem:s31], [sflag:$0x9] =	stream.linear.gather [hbm4b:s29+s24], $0x10, $0x38;
	[tilespmem:$0xFD00] =	vst v63  }
0x61: {  	s21 =	rddreg [dreg:$0xa];
	s22 =	simm.s32 $0x3980  }
0x62: {  	[tilespmem:s22], [sflag:$0xA] =	stream.linear.gather [hbm4b:s21+s24], $0x10, $0x38;
	[tilespmem:$0xFD00] =	vst v63  }
0x63: {  	s25 =	rddreg [dreg:$0xb];
	s26 =	simm.s32 $0x3B80  }
0x64: {  	[tilespmem:s26], [sflag:$0xA] =	stream.linear.gather [hbm4b:s25+s24], $0x10, $0x38;
	[tilespmem:$0xFD00] =	vst v63  }
0x65: {  	s29 =	rddreg [dreg:$0xc];
	s31 =	simm.s32 $0x3A00  }
0x66: {  	[tilespmem:s31], [sflag:$0xB] =	stream.linear.gather [hbm4b:s29+s24], $0x10, $0x38;
	[tilespmem:$0xFD00] =	vst v63  }
0x67: {  	s21 =	rddreg [dreg:$0xd];
	s22 =	simm.s32 $0x3C00  }
0x68: {  	[tilespmem:s22], [sflag:$0xB] =	stream.linear.gather [hbm4b:s21+s24], $0x10, $0x38;
	[tilespmem:$0xFD00] =	vst v63  }
0x69: {  	s25 =	rddreg [dreg:$0xe];
	s26 =	simm.s32 $0x3A80  }
0x6a: {  	[tilespmem:s26], [sflag:$0xC] =	stream.linear.gather [hbm4b:s25+s24], $0x10, $0x38;
	[tilespmem:$0xFD00] =	vst v63  }
0x6b: {  	s29 =	rddreg [dreg:$0xf];
	s31 =	simm.s32 $0x3C80  }
0x6c: {  	[tilespmem:s31], [sflag:$0xC] =	stream.linear.gather [hbm4b:s29+s24], $0x10, $0x38;
	[tilespmem:$0xFD00] =	vst v63  }
.LBB2_4:
0x6d: {  	p0 =	seq.s32 s24, $0x0  }
0x6e: {  	s4 =	simm.s32 @!p0 $0x5  }
0x6f: {  	_ =	swait.ge @!p0 [sflag:s4], $0x3000  }
0x70: {  	[sflag:s4] =	ssyncset.done @!p0 $0x0  }
0x71: {  	[sflag:s4] =	ssyncadd.s32 @!p0 $0xFFFFD000  }
0x72: {  	_ =	swait.ge [sflag:s5], $0x10  }
0x73: {  	[sflag:s5] =	ssyncset.done $0x0  }
0x74: {  	[sflag:s5] =	ssyncadd.s32 $0xFFFFFFF0  }
0x75: {  	_ =	swait.ge [sflag:s5], $0x10  }
0x76: {  	[sflag:s5] =	ssyncset.done $0x0  }
0x77: {  	[sflag:s5] =	ssyncadd.s32 $0xFFFFFFF0  }
0x78: {  	v19 =	vld [tilespmem:$0x3900];
	_ =	sdelay $0x4  }
0x79: {  	v20 =	vshrl.u32 v19, $0x3  }
0x7a: {  	v20 =	vmul.u32 $0x30, v20  }
0x7b: {  	v19 =	vand.u32 $0x7, v19  }
0x7c: {  	v19 =	vor.u32 v19, v20  }
0x7d: {  	v20 =	vperm.xlane v19, v0;
	_ =	sdelay $0x1  }
0x7e: {  	v20 =	vadd.s32 v1, v20;
	_ =	sdelay $0x3  }
0x7f: {  	v19 =	vperm.xlane v19, v2  }
0x80: {  	[tilespmem:s10], [sflag:$0x1] =	stream.indirect_vreg.gather [hbm4b:s3+s7], $0x80, v20, vm0, $0xb8;
	[tilespmem:$0xFD00] =	vst v63  }
0x81: {  	s22 =	simm.s32 $0x4500;
	v19 =	vadd.s32 v1, v19  }
0x82: {  	[tilespmem:s22], [sflag:$0x1] =	stream.indirect_vreg.gather [hbm4b:s19+s7], $0x80, v20, vm0, $0xb8;
	[tilespmem:$0xFD00] =	vst v63  }
0x83: {  	s25 =	simm.s32 $0x4D00  }
0x84: {  	[tilespmem:s25], [sflag:$0x1] =	stream.indirect_vreg.gather [hbm4b:s20+s7], $0x80, v20, vm0, $0xb8;
	[tilespmem:$0xFD00] =	vst v63  }
0x85: {  	s26 =	simm.s32 $0x5500  }
0x86: {  	[tilespmem:s26], [sflag:$0x1] =	stream.indirect_vreg.gather [hbm4b:s3+s7], $0x80, v19, vm0, $0xb8;
	[tilespmem:$0xFD00] =	vst v63  }
.Ltmp1:
0x87: {  	_ = 	snop;
	(pc) =	sbr.rel @p0 .LBB2_8-.Ltmp1, $4  }
0x88: {  	s29 =	simm.s32 $0x5D00  }
0x89: {  	[tilespmem:s29], [sflag:$0x1] =	stream.indirect_vreg.gather [hbm4b:s19+s7], $0x80, v19, vm0, $0xb8;
	[tilespmem:$0xFD00] =	vst v63  }
0x8a: {  	s31 =	simm.s32 $0x6500  }
0x8b: {  	[tilespmem:s31], [sflag:$0x1] =	stream.indirect_vreg.gather [hbm4b:s20+s7], $0x80, v19, vm0, $0xb8;
	[tilespmem:$0xFD00] =	vst v63  }
0x8c: {  	s4 =	sshll.u32 s24, $0xB;
	s21 =	sshll.u32 s24, $0x9  }
0x8d: {  	s4 =	sand.u32 $0x7000, s4;
	s21 =	sand.u32 $0x200, s21  }
0x8e: {  	s4 =	sor.u32 s4, s21  }
0x8f: {  	s4 =	sor.u32 s9, s4  }
0x90: {  	v20 =	vld [tilespmem:$0x3C00];
	_ =	swait.ge [sflag:s11], $0x3000;
	s4 =	sshrl.u32 s4, $0x3  }
0x91: {  	s18 =	simm.s32 $0x3A00;
	[sflag:s11] =	ssyncset.done $0x0;
	s26 =	sor.u32 $0x20, s4  }
0x92: {  	[sflag:s11] =	ssyncadd.s32 $0xFFFFD000;
	s4 =	simm.s32 $0x0;
	s22 =	sadd.s32 s0, s26  }
0x93: {  	[tilespmem:s18], [sflag:$0xB] =	stream.linear.gather [hbm4b:s22+s4], $0x10, $0x38;
	[tilespmem:$0xFD00] =	vst v63  }
0x94: {  	s31 =	simm.s32 $0x3C00;
	s29 =	simm.s32 $0x3000;
	s21 =	sadd.s32 s2, s26  }
0x95: {  	[tilespmem:s31], [sflag:$0xB] =	stream.linear.gather [hbm4b:s21+s4], $0x10, $0x38;
	[tilespmem:$0xFD00] =	vst v63  }
0x96: {  	s25 =	sand.u32 $0x1C00, s4;
	s22 =	sand.u32 $0x70, s4;
	v19 =	vld [tilespmem:s29+$0x0]  }
0x97: {  	v35 =	vcvt.s32.f32 v20;
	s25 =	sor.u32 s22, s25  }
0x98: {  	v25 =	vld [tilespmem:s25+$0x200]  }
0x99: {  	v20 =	vperm.xlane v35, v8;
	v26 =	vld [tilespmem:s25+$0x280]  }
0x9a: {  	v21 =	vperm.xlane v35, v9;
	v27 =	vld [tilespmem:s25+$0x100]  }
0x9b: {  	v22 =	vperm.xlane v35, v7;
	v28 =	vld [tilespmem:s25+$0x180];
	v29 =	vmul.f32 v19, v20  }
0x9c: {  	v23 =	vperm.xlane v35, v4;
	v31 =	vld [tilespmem:s25+$0x0];
	v30 =	vmul.f32 v19, v21  }
0x9d: {  	v24 =	vperm.xlane v35, v5;
	v32 =	vld [tilespmem:s25+$0x80];
	v33 =	vmul.f32 v19, v22;
	v29 =	vadd.f32 v25, v29  }
0x9e: {  	v36 =	vld [tilespmem:s25+$0x300];
	v34 =	vmul.f32 v19, v23;
	v25 =	vperm.xlane v35, v6;
	v30 =	vadd.f32 v26, v30  }
0x9f: {  	v37 =	vmul.f32 v19, v24;
	v26 =	vperm.xlane v35, v10;
	v27 =	vadd.f32 v27, v33;
	[tilespmem:s25+$0x9F00] =	vst.add.f32.msk $0xffff, v29  }
0xa0: {  	v28 =	vadd.f32 v28, v34;
	v29 =	vmul.f32 v19, v25;
	[tilespmem:s25+$0x9F80] =	vst.add.f32.msk $0xffff, v30  }
0xa1: {  	v31 =	vadd.f32 v37, v31;
	v30 =	vmul.f32 v19, v26;
	[tilespmem:s25+$0x9E00] =	vst.add.f32.msk $0xffff, v27  }
0xa2: {  	[tilespmem:s25+$0x9E80] =	vst.add.f32.msk $0xffff, v28;
	v27 =	vadd.f32 v32, v29  }
0xa3: {  	[tilespmem:s25+$0x9D00] =	vst.add.f32.msk $0xffff, v31;
	v28 =	vadd.f32 v36, v30  }
0xa4: {  	s26 =	sor.u32 s4, s4;
	s21 =	sor.u32 $0xA000, s25;
	[tilespmem:s25+$0x9D80] =	vst.add.f32.msk $0xffff, v27  }
0xa5: {  	s31 =	sor.u32 $0x380, s26;
	[tilespmem:s21+$0x0] =	vst.add.f32.msk $0xffff, v28  }
0xa6: {  	v27 =	vld [tilespmem:s31+$0x0]  }
0xa7: {  	v34 =	vperm.xlane v35, v3;
	_ =	sdelay $0x1  }
0xa8: {  	v29 =	vmul.f32 v19, v34;
	_ =	sdelay $0x1  }
0xa9: {  	v33 =	vperm.xlane v35, v13;
	v31 =	vperm.xlane v35, v14;
	v29 =	vadd.f32 v27, v29  }
0xaa: {  	v32 =	vperm.xlane v35, v11;
	v30 =	vperm.xlane v35, v15  }
0xab: {  	v28 =	vperm.xlane v35, v12;
	v27 =	vperm.xlane v35, v16;
	[tilespmem:s31+$0x9D00] =	vst.add.f32.msk $0xffff, v29  }
0xac: {  	s21 =	simm.s32 $0x10;
	v29 =	vperm.xlane v35, v17;
	v35 =	vperm.xlane v35, v18;
	v36 =	vld [tilespmem:s25+$0x1800]  }
.LBB2_6:
0xad: {  	p1 =	sne.s32 s21, $0x2F0;
	v37 =	vld [tilespmem:s25+$0x1B80];
	s4 =	sadd.s32 $0x80, s4;
	s29 =	sadd.s32 $0x10, s29  }
0xae: {  	s22 =	smov.u32 s21;
	s21 =	sadd.s32 $0x10, s21;
	v38 =	vld [tilespmem:s25+$0x1900]  }
0xaf: {  	v39 =	vmul.f32 v19, v32;
	v40 =	vld [tilespmem:s25+$0x1880]  }
0xb0: {  	v42 =	vmul.f32 v19, v35;
	v41 =	vld [tilespmem:s25+$0x1980]  }
0xb1: {  	v36 =	vadd.f32 v36, v39;
	v39 =	vmul.f32 v19, v33;
	v43 =	vld [tilespmem:s25+$0x1A00]  }
0xb2: {  	v44 =	vmul.f32 v19, v28;
	v45 =	vld [tilespmem:s25+$0x1A80];
	v37 =	vadd.f32 v37, v42  }
0xb3: {  	v38 =	vadd.f32 v38, v39;
	v39 =	vmul.f32 v19, v31;
	v42 =	vld [tilespmem:s25+$0x1B00]  }
0xb4: {  	[tilespmem:s25+$0xB500] =	vst.add.f32.msk $0xffff, v36;
	v36 =	vadd.f32 v40, v44;
	v40 =	vmul.f32 v19, v30  }
0xb5: {  	[tilespmem:s25+$0xB600] =	vst.add.f32.msk $0xffff, v38;
	v38 =	vadd.f32 v41, v39;
	v39 =	vmul.f32 v19, v27  }
0xb6: {  	v19 =	vmul.f32 v19, v29;
	v40 =	vadd.f32 v43, v40;
	[tilespmem:s25+$0xB880] =	vst.add.f32.msk $0xffff, v37  }
0xb7: {  	[tilespmem:s25+$0xB680] =	vst.add.f32.msk $0xffff, v38;
	v37 =	vadd.f32 v45, v39  }
0xb8: {  	[tilespmem:s25+$0xB700] =	vst.add.f32.msk $0xffff, v40;
	v19 =	vadd.f32 v42, v19  }
0xb9: {  	[tilespmem:s25+$0xB580] =	vst.add.f32.msk $0xffff, v36  }
0xba: {  	[tilespmem:s25+$0xB800] =	vst.add.f32.msk $0xffff, v19  }
0xbb: {  	s26 =	sand.u32 $0x70, s22;
	s31 =	sand.u32 $0x1C00, s4;
	[tilespmem:s25+$0xB780] =	vst.add.f32.msk $0xffff, v37  }
0xbc: {  	s25 =	sor.u32 s26, s31;
	v19 =	vld [tilespmem:s29+$0x0]  }
0xbd: {  	v36 =	vld [tilespmem:s25+$0x200]  }
0xbe: {  	v37 =	vld [tilespmem:s25+$0x100]  }
0xbf: {  	v38 =	vld [tilespmem:s25+$0x280]  }
0xc0: {  	v39 =	vld [tilespmem:s25+$0x180]  }
0xc1: {  	v40 =	vld [tilespmem:s25+$0x80];
	v41 =	vmul.f32 v19, v20;
	v42 =	vmul.f32 v19, v21  }
0xc2: {  	v44 =	vmul.f32 v19, v24;
	v45 =	vmul.f32 v19, v22;
	v43 =	vld [tilespmem:s25+$0x0]  }
0xc3: {  	v46 =	vmul.f32 v19, v25;
	v47 =	vmul.f32 v19, v23;
	v36 =	vadd.f32 v36, v41;
	v41 =	vld [tilespmem:s25+$0x300]  }
0xc4: {  	v37 =	vadd.f32 v37, v45;
	v38 =	vadd.f32 v38, v42  }
0xc5: {  	v39 =	vadd.f32 v39, v47;
	[tilespmem:s25+$0x9F00] =	vst.add.f32.msk $0xffff, v36  }
0xc6: {  	v36 =	vadd.f32 v40, v46;
	[tilespmem:s25+$0x9F80] =	vst.add.f32.msk $0xffff, v38;
	v38 =	vmul.f32 v19, v26  }
0xc7: {  	v40 =	vadd.f32 v44, v43;
	[tilespmem:s25+$0x9E00] =	vst.add.f32.msk $0xffff, v37  }
0xc8: {  	[tilespmem:s25+$0x9E80] =	vst.add.f32.msk $0xffff, v39;
	v37 =	vadd.f32 v41, v38  }
0xc9: {  	[tilespmem:s25+$0x9D00] =	vst.add.f32.msk $0xffff, v40  }
0xca: {  	s22 =	sor.u32 s4, s22;
	s26 =	sor.u32 $0xA000, s25;
	[tilespmem:s25+$0x9D80] =	vst.add.f32.msk $0xffff, v36  }
0xcb: {  	s22 =	sor.u32 $0x380, s22;
	[tilespmem:s26+$0x0] =	vst.add.f32.msk $0xffff, v37  }
0xcc: {  	v36 =	vld [tilespmem:s22+$0x0];
	_ =	sdelay $0x2  }
0xcd: {  	v37 =	vmul.f32 v19, v34  }
.Ltmp2:
0xce: {  	(pc) =	sbr.rel @p1 .LBB2_6-.Ltmp2, $3  }
0xcf: {  	v36 =	vadd.f32 v36, v37;
	_ =	sdelay $0x1  }
0xd0: {  	[tilespmem:s22+$0x9D00] =	vst.add.f32.msk $0xffff, v36  }
0xd1: {  	v36 =	vld [tilespmem:s25+$0x1800]  }
0xd2: {  	v20 =	vld [tilespmem:s25+$0x1B80]  }
0xd3: {  	v21 =	vld [tilespmem:s25+$0x1900]  }
0xd4: {  	v22 =	vld [tilespmem:s25+$0x1880]  }
0xd5: {  	v23 =	vmul.f32 v19, v32;
	v24 =	vld [tilespmem:s25+$0x1980]  }
0xd6: {  	v25 =	vmul.f32 v19, v33;
	v59 =	vld [tilespmem:s25+$0x1B00]  }
0xd7: {  	v56 =	vmul.f32 v19, v35;
	v57 =	vld [tilespmem:s25+$0x1A80];
	v23 =	vadd.f32 v36, v23  }
0xd8: {  	v26 =	vld [tilespmem:s25+$0x1A00];
	v58 =	vmul.f32 v19, v31;
	v21 =	vadd.f32 v21, v25  }
0xd9: {  	v60 =	vmul.f32 v19, v30;
	v62 =	vmul.f32 v19, v29;
	v20 =	vadd.f32 v20, v56;
	[tilespmem:s25+$0xB500] =	vst.add.f32.msk $0xffff, v23  }
0xda: {  	v28 =	vmul.f32 v19, v28;
	v19 =	vmul.f32 v19, v27;
	v61 =	vadd.f32 v24, v58;
	[tilespmem:s25+$0xB600] =	vst.add.f32.msk $0xffff, v21  }
0xdb: {  	v63 =	vadd.f32 v59, v62;
	[tilespmem:s25+$0xB880] =	vst.add.f32.msk $0xffff, v20  }
0xdc: {  	s4 =	smul.u32 $0x180000, s24;
	v19 =	vadd.f32 v57, v19;
	[tilespmem:s25+$0xB680] =	vst.add.f32.msk $0xffff, v61  }
0xdd: {  	s18 =	rddreg [dreg:$0x10];
	v23 =	vadd.f32 v26, v60;
	[tilespmem:s25+$0xB800] =	vst.add.f32.msk $0xffff, v63  }
0xde: {  	s4 =	sadd.s32 s4, s18;
	v20 =	vadd.f32 v22, v28;
	[tilespmem:s25+$0xB780] =	vst.add.f32.msk $0xffff, v19  }
0xdf: {  	s4 =	sshrl.u32 s4, $0x3;
	[tilespmem:s25+$0xB700] =	vst.add.f32.msk $0xffff, v23  }
0xe0: {  	s31 =	simm.s32 $0x9D00;
	s4 =	sadd.s32 s6, s4;
	[tilespmem:s25+$0xB580] =	vst.add.f32.msk $0xffff, v20  }
0xe1: {  	[hbm4b:s4+s7] =	stream.linear.scatter [tilespmem:s31], [sflag:$0x7], $0x3000, $0x38;
	[tilespmem:$0xFD00] =	vst v63  }
0xe2: {  	_ =	swait.ge [sflag:s13], $0x3000  }
0xe3: {  	[sflag:s13] =	ssyncset.done $0x0  }
0xe4: {  	[sflag:s13] =	ssyncadd.s32 $0xFFFFD000  }
.LBB2_8:
0xe5: {  	_ =	swait.ge [sflag:s16], $0x10  }
0xe6: {  	[sflag:s16] =	ssyncset.done $0x0  }
0xe7: {  	[sflag:s16] =	ssyncadd.s32 $0xFFFFFFF0  }
0xe8: {  	_ =	swait.ge [sflag:s16], $0x10  }
0xe9: {  	[sflag:s16] =	ssyncset.done $0x0  }
0xea: {  	[sflag:s16] =	ssyncadd.s32 $0xFFFFFFF0  }
0xeb: {  	v19 =	vld [tilespmem:$0x3980];
	_ =	sdelay $0x4  }
0xec: {  	v20 =	vshrl.u32 v19, $0x3  }
0xed: {  	v20 =	vmul.u32 $0x30, v20  }
0xee: {  	v19 =	vand.u32 $0x7, v19  }
0xef: {  	v19 =	vor.u32 v19, v20  }
0xf0: {  	v20 =	vperm.xlane v19, v0;
	_ =	sdelay $0x1  }
0xf1: {  	v20 =	vadd.s32 v1, v20;
	_ =	sdelay $0x3  }
0xf2: {  	v19 =	vperm.xlane v19, v2  }
0xf3: {  	[tilespmem:s17], [sflag:$0x2] =	stream.indirect_vreg.gather [hbm4b:s3+s7], $0x80, v20, vm0, $0xb8;
	[tilespmem:$0xFD00] =	vst v63  }
0xf4: {  	s4 =	simm.s32 $0x7500;
	v19 =	vadd.s32 v1, v19  }
0xf5: {  	[tilespmem:s4], [sflag:$0x2] =	stream.indirect_vreg.gather [hbm4b:s19+s7], $0x80, v20, vm0, $0xb8;
	[tilespmem:$0xFD00] =	vst v63  }
0xf6: {  	s25 =	simm.s32 $0x7D00  }
0xf7: {  	[tilespmem:s25], [sflag:$0x2] =	stream.indirect_vreg.gather [hbm4b:s20+s7], $0x80, v20, vm0, $0xb8;
	[tilespmem:$0xFD00] =	vst v63  }
0xf8: {  	s26 =	simm.s32 $0x8500  }
0xf9: {  	[tilespmem:s26], [sflag:$0x2] =	stream.indirect_vreg.gather [hbm4b:s3+s7], $0x80, v19, vm0, $0xb8;
	[tilespmem:$0xFD00] =	vst v63  }
.Ltmp3:
0xfa: {  	_ = 	snop;
	(pc) =	sbr.rel @p0 .LBB2_12-.Ltmp3, $4  }
0xfb: {  	s29 =	simm.s32 $0x8D00  }
0xfc: {  	[tilespmem:s29], [sflag:$0x2] =	stream.indirect_vreg.gather [hbm4b:s19+s7], $0x80, v19, vm0, $0xb8;
	[tilespmem:$0xFD00] =	vst v63  }
0xfd: {  	s31 =	simm.s32 $0x9500  }
0xfe: {  	[tilespmem:s31], [sflag:$0x2] =	stream.indirect_vreg.gather [hbm4b:s20+s7], $0x80, v19, vm0, $0xb8;
	[tilespmem:$0xFD00] =	vst v63  }
0xff: {  	s4 =	sshll.u32 s24, $0xB;
	s21 =	sshll.u32 s24, $0x9  }
0x100: {  	s4 =	sand.u32 $0x7000, s4;
	s21 =	sand.u32 $0x200, s21  }
0x101: {  	s18 =	rddreg [dreg:$0x11];
	s4 =	sor.u32 s4, s21  }
0x102: {  	s4 =	sor.u32 s18, s4  }
0x103: {  	v20 =	vld [tilespmem:$0x3C80];
	_ =	swait.ge [sflag:s12], $0x3000;
	s4 =	sshrl.u32 s4, $0x3  }
0x104: {  	s31 =	simm.s32 $0x3A80;
	[sflag:s12] =	ssyncset.done $0x0;
	s26 =	sor.u32 $0x30, s4  }
0x105: {  	[sflag:s12] =	ssyncadd.s32 $0xFFFFD000;
	s4 =	simm.s32 $0x0;
	s22 =	sadd.s32 s0, s26  }
0x106: {  	[tilespmem:s31], [sflag:$0xC] =	stream.linear.gather [hbm4b:s22+s4], $0x10, $0x38;
	[tilespmem:$0xFD00] =	vst v63  }
0x107: {  	s25 =	simm.s32 $0x3C80;
	s21 =	sadd.s32 s2, s26  }
0x108: {  	[tilespmem:s25], [sflag:$0xC] =	stream.linear.gather [hbm4b:s21+s4], $0x10, $0x38;
	[tilespmem:$0xFD00] =	vst v63  }
0x109: {  	s21 =	simm.s32 $0x3000  }
0x10a: {  	s26 =	sand.u32 $0x70, s4;
	s25 =	sand.u32 $0x1C00, s4;
	v19 =	vld [tilespmem:s21+$0x0]  }
0x10b: {  	v29 =	vcvt.s32.f32 v20;
	s25 =	sor.u32 s26, s25  }
0x10c: {  	v25 =	vld [tilespmem:s25+$0x280]  }
0x10d: {  	v20 =	vperm.xlane v29, v9;
	v27 =	vld [tilespmem:s25+$0x200]  }
0x10e: {  	v21 =	vperm.xlane v29, v8;
	v28 =	vld [tilespmem:s25+$0x100]  }
0x10f: {  	v22 =	vperm.xlane v29, v7;
	v30 =	vld [tilespmem:s25+$0x180];
	v26 =	vmul.f32 v19, v20  }
0x110: {  	v23 =	vperm.xlane v29, v4;
	v32 =	vld [tilespmem:s25+$0x300];
	v31 =	vmul.f32 v19, v21  }
0x111: {  	v24 =	vperm.xlane v29, v10;
	v33 =	vld [tilespmem:s25+$0x80];
	v34 =	vmul.f32 v19, v22;
	v25 =	vadd.f32 v25, v26  }
0x112: {  	v35 =	vld [tilespmem:s25+$0x0];
	v36 =	vmul.f32 v19, v23;
	v26 =	vperm.xlane v29, v6;
	v31 =	vadd.f32 v27, v31  }
0x113: {  	v27 =	vperm.xlane v29, v5;
	v28 =	vadd.f32 v28, v34;
	[tilespmem:s25+$0xCF80] =	vst.add.f32.msk $0xffff, v25;
	v25 =	vmul.f32 v19, v24  }
0x114: {  	v30 =	vadd.f32 v30, v36;
	v62 =	vmul.f32 v19, v26;
	[tilespmem:s25+$0xCF00] =	vst.add.f32.msk $0xffff, v31  }
0x115: {  	v31 =	vmul.f32 v19, v27;
	[tilespmem:s25+$0xCE00] =	vst.add.f32.msk $0xffff, v28;
	v25 =	vadd.f32 v32, v25  }
0x116: {  	[tilespmem:s25+$0xCE80] =	vst.add.f32.msk $0xffff, v30;
	v28 =	vadd.f32 v33, v62  }
0x117: {  	v30 =	vadd.f32 v31, v35;
	[tilespmem:s25+$0xD000] =	vst.add.f32.msk $0xffff, v25  }
0x118: {  	s31 =	sor.u32 s4, s4;
	[tilespmem:s25+$0xCD80] =	vst.add.f32.msk $0xffff, v28  }
0x119: {  	s22 =	sor.u32 $0x380, s31;
	[tilespmem:s25+$0xCD00] =	vst.add.f32.msk $0xffff, v30  }
0x11a: {  	v63 =	vld [tilespmem:s22+$0x0]  }
0x11b: {  	v34 =	vperm.xlane v29, v11;
	v35 =	vperm.xlane v29, v3  }
0x11c: {  	v33 =	vperm.xlane v29, v13;
	v32 =	vperm.xlane v29, v14  }
0x11d: {  	v31 =	vperm.xlane v29, v16;
	v37 =	vmul.f32 v19, v35  }
0x11e: {  	v25 =	vperm.xlane v29, v12;
	v30 =	vperm.xlane v29, v15  }
0x11f: {  	s29 =	simm.s32 $0x10;
	v28 =	vperm.xlane v29, v17;
	v29 =	vperm.xlane v29, v18;
	v36 =	vadd.f32 v63, v37  }
.LBB2_10:
0x120: {  	p1 =	sne.s32 s29, $0x2F0;
	s4 =	sadd.s32 $0x80, s4;
	s21 =	sadd.s32 $0x10, s21  }
0x121: {  	[tilespmem:s22+$0xCD00] =	vst.add.f32.msk $0xffff, v36;
	s22 =	smov.u32 s29;
	s29 =	sadd.s32 $0x10, s29  }
0x122: {  	v36 =	vld [tilespmem:s25+$0x1800]  }
0x123: {  	v37 =	vld [tilespmem:s25+$0x1980]  }
0x124: {  	v38 =	vld [tilespmem:s25+$0x1900]  }
0x125: {  	v39 =	vmul.f32 v19, v34;
	v40 =	vld [tilespmem:s25+$0x1A00]  }
0x126: {  	v41 =	vld [tilespmem:s25+$0x1A80]  }
0x127: {  	v36 =	vadd.f32 v36, v39;
	v39 =	vmul.f32 v19, v33;
	v42 =	vld [tilespmem:s25+$0x1B00]  }
0x128: {  	v43 =	vmul.f32 v19, v32;
	v44 =	vld [tilespmem:s25+$0x1B80]  }
0x129: {  	[tilespmem:s25+$0xE500] =	vst.add.f32.msk $0xffff, v36;
	v36 =	vadd.f32 v38, v39;
	v38 =	vmul.f32 v19, v30;
	v39 =	vmul.f32 v19, v31  }
0x12a: {  	v37 =	vadd.f32 v37, v43;
	v43 =	vmul.f32 v19, v28;
	v45 =	vld [tilespmem:s25+$0x1880]  }
0x12b: {  	[tilespmem:s25+$0xE600] =	vst.add.f32.msk $0xffff, v36;
	v36 =	vadd.f32 v40, v38;
	v38 =	vadd.f32 v41, v39;
	v39 =	vmul.f32 v19, v29  }
0x12c: {  	[tilespmem:s25+$0xE680] =	vst.add.f32.msk $0xffff, v37;
	v37 =	vadd.f32 v42, v43  }
0x12d: {  	v19 =	vmul.f32 v19, v25;
	[tilespmem:s25+$0xE700] =	vst.add.f32.msk $0xffff, v36;
	v36 =	vadd.f32 v44, v39  }
0x12e: {  	[tilespmem:s25+$0xE780] =	vst.add.f32.msk $0xffff, v38  }
0x12f: {  	v19 =	vadd.f32 v45, v19;
	[tilespmem:s25+$0xE880] =	vst.add.f32.msk $0xffff, v36  }
0x130: {  	s31 =	sand.u32 $0x1C00, s4;
	s26 =	sand.u32 $0x70, s22;
	[tilespmem:s25+$0xE800] =	vst.add.f32.msk $0xffff, v37  }
0x131: {  	[tilespmem:s25+$0xE580] =	vst.add.f32.msk $0xffff, v19;
	s25 =	sor.u32 s26, s31  }
0x132: {  	v19 =	vld [tilespmem:s21+$0x0]  }
0x133: {  	v36 =	vld [tilespmem:s25+$0x280]  }
0x134: {  	v37 =	vld [tilespmem:s25+$0x100]  }
0x135: {  	v38 =	vld [tilespmem:s25+$0x200]  }
0x136: {  	v39 =	vld [tilespmem:s25+$0x80]  }
0x137: {  	v40 =	vld [tilespmem:s25+$0x0];
	v41 =	vmul.f32 v19, v23;
	v42 =	vmul.f32 v19, v21  }
0x138: {  	v43 =	vmul.f32 v19, v26;
	v45 =	vmul.f32 v19, v20;
	v44 =	vld [tilespmem:s25+$0x180]  }
0x139: {  	v46 =	vmul.f32 v19, v27;
	v47 =	vld [tilespmem:s25+$0x300]  }
0x13a: {  	v48 =	vmul.f32 v19, v22;
	v36 =	vadd.f32 v36, v45;
	v38 =	vadd.f32 v38, v42  }
0x13b: {  	v39 =	vadd.f32 v39, v43  }
0x13c: {  	v37 =	vadd.f32 v37, v48;
	v40 =	vadd.f32 v46, v40;
	[tilespmem:s25+$0xCF80] =	vst.add.f32.msk $0xffff, v36;
	v36 =	vmul.f32 v19, v24  }
0x13d: {  	v41 =	vadd.f32 v44, v41;
	[tilespmem:s25+$0xCF00] =	vst.add.f32.msk $0xffff, v38  }
0x13e: {  	[tilespmem:s25+$0xCE00] =	vst.add.f32.msk $0xffff, v37;
	v36 =	vadd.f32 v47, v36  }
0x13f: {  	[tilespmem:s25+$0xCE80] =	vst.add.f32.msk $0xffff, v41  }
0x140: {  	[tilespmem:s25+$0xD000] =	vst.add.f32.msk $0xffff, v36  }
0x141: {  	s22 =	sor.u32 s4, s22;
	[tilespmem:s25+$0xCD80] =	vst.add.f32.msk $0xffff, v39  }
0x142: {  	s22 =	sor.u32 $0x380, s22;
	[tilespmem:s25+$0xCD00] =	vst.add.f32.msk $0xffff, v40  }
0x143: {  	v36 =	vld [tilespmem:s22+$0x0]  }
.Ltmp4:
0x144: {  	(pc) =	sbr.rel @p1 .LBB2_10-.Ltmp4, $3  }
0x145: {  	_ = 	snop  }
0x146: {  	v37 =	vmul.f32 v19, v35;
	_ =	sdelay $0x1  }
0x147: {  	v36 =	vadd.f32 v36, v37  }
0x148: {  	_ = 	snop  }
0x149: {  	[tilespmem:s22+$0xCD00] =	vst.add.f32.msk $0xffff, v36  }
0x14a: {  	v20 =	vld [tilespmem:s25+$0x1800]  }
0x14b: {  	v21 =	vld [tilespmem:s25+$0x1980]  }
0x14c: {  	v22 =	vld [tilespmem:s25+$0x1900]  }
0x14d: {  	v26 =	vld [tilespmem:s25+$0x1A80]  }
0x14e: {  	v23 =	vmul.f32 v19, v34;
	v24 =	vld [tilespmem:s25+$0x1A00]  }
0x14f: {  	v32 =	vmul.f32 v19, v32;
	v27 =	vld [tilespmem:s25+$0x1B00]  }
0x150: {  	v59 =	vmul.f32 v19, v31;
	v57 =	vld [tilespmem:s25+$0x1B80];
	v20 =	vadd.f32 v20, v23  }
0x151: {  	v56 =	vmul.f32 v19, v33;
	v60 =	vld [tilespmem:s25+$0x1880];
	v21 =	vadd.f32 v21, v32  }
0x152: {  	v62 =	vmul.f32 v19, v28;
	v23 =	vadd.f32 v26, v59;
	[tilespmem:s25+$0xE500] =	vst.add.f32.msk $0xffff, v20  }
0x153: {  	v58 =	vmul.f32 v19, v30;
	v20 =	vadd.f32 v22, v56;
	[tilespmem:s25+$0xE680] =	vst.add.f32.msk $0xffff, v21  }
0x154: {  	v61 =	vmul.f32 v19, v29;
	v19 =	vmul.f32 v19, v25;
	v63 =	vadd.f32 v27, v62;
	[tilespmem:s25+$0xE780] =	vst.add.f32.msk $0xffff, v23  }
0x155: {  	s4 =	smul.u32 $0x180000, s24;
	[tilespmem:s25+$0xE600] =	vst.add.f32.msk $0xffff, v20;
	v20 =	vadd.f32 v24, v58  }
0x156: {  	s18 =	rddreg [dreg:$0x15];
	v19 =	vadd.f32 v60, v19;
	[tilespmem:s25+$0xE800] =	vst.add.f32.msk $0xffff, v63  }
0x157: {  	s4 =	sadd.s32 s4, s18;
	[tilespmem:s25+$0xE700] =	vst.add.f32.msk $0xffff, v20;
	v20 =	vadd.f32 v57, v61  }
0x158: {  	s4 =	sshrl.u32 s4, $0x3;
	[tilespmem:s25+$0xE580] =	vst.add.f32.msk $0xffff, v19  }
0x159: {  	s31 =	simm.s32 $0xCD00;
	s4 =	sadd.s32 s6, s4;
	[tilespmem:s25+$0xE880] =	vst.add.f32.msk $0xffff, v20  }
0x15a: {  	[hbm4b:s4+s7] =	stream.linear.scatter [tilespmem:s31], [sflag:$0x8], $0x3000, $0x38;
	[tilespmem:$0xFD00] =	vst v63  }
0x15b: {  	_ =	swait.ge [sflag:s23], $0x3000  }
0x15c: {  	[sflag:s23] =	ssyncset.done $0x0  }
0x15d: {  	[sflag:s23] =	ssyncadd.s32 $0xFFFFD000  }
.LBB2_12:
0x15e: {  	_ =	swait.ge [sflag:s30], $0x10  }
0x15f: {  	[sflag:s30] =	ssyncset.done $0x0  }
0x160: {  	[sflag:s30] =	ssyncadd.s32 $0xFFFFFFF0  }
0x161: {  	_ =	swait.ge [sflag:s30], $0x10  }
0x162: {  	[sflag:s30] =	ssyncset.done $0x0  }
0x163: {  	[sflag:s30] =	ssyncadd.s32 $0xFFFFFFF0  }
0x164: {  	v19 =	vld [tilespmem:$0x3A00];
	_ =	sdelay $0x4  }
0x165: {  	v20 =	vshrl.u32 v19, $0x3  }
0x166: {  	v20 =	vmul.u32 $0x30, v20  }
0x167: {  	v19 =	vand.u32 $0x7, v19  }
0x168: {  	v19 =	vor.u32 v19, v20  }
0x169: {  	v20 =	vperm.xlane v19, v0;
	_ =	sdelay $0x1  }
0x16a: {  	v20 =	vadd.s32 v1, v20;
	_ =	sdelay $0x3  }
0x16b: {  	s4 =	simm.s32 $0x9D00;
	v19 =	vperm.xlane v19, v2  }
0x16c: {  	[tilespmem:s4], [sflag:$0x3] =	stream.indirect_vreg.gather [hbm4b:s3+s7], $0x80, v20, vm0, $0xb8;
	[tilespmem:$0xFD00] =	vst v63  }
0x16d: {  	s25 =	simm.s32 $0xA500;
	v19 =	vadd.s32 v1, v19  }
0x16e: {  	[tilespmem:s25], [sflag:$0x3] =	stream.indirect_vreg.gather [hbm4b:s19+s7], $0x80, v20, vm0, $0xb8;
	[tilespmem:$0xFD00] =	vst v63  }
0x16f: {  	s26 =	simm.s32 $0xAD00  }
0x170: {  	[tilespmem:s26], [sflag:$0x3] =	stream.indirect_vreg.gather [hbm4b:s20+s7], $0x80, v20, vm0, $0xb8;
	[tilespmem:$0xFD00] =	vst v63  }
0x171: {  	s31 =	simm.s32 $0xB500  }
0x172: {  	[tilespmem:s31], [sflag:$0x3] =	stream.indirect_vreg.gather [hbm4b:s3+s7], $0x80, v19, vm0, $0xb8;
	[tilespmem:$0xFD00] =	vst v63  }
0x173: {  	s18 =	simm.s32 $0xBD00;
	s29 =	sshll.u32 s24, $0x2;
	p1 =	seq.s32 s24, $0xF  }
0x174: {  	[tilespmem:s18], [sflag:$0x3] =	stream.indirect_vreg.gather [hbm4b:s19+s7], $0x80, v19, vm0, $0xb8;
	[tilespmem:$0xFD00] =	vst v63  }
0x175: {  	s21 =	simm.s32 $0xC500;
	s4 =	sadd.s32 @!p1 $0x4, s29  }
0x176: {  	[tilespmem:s21], [sflag:$0x3] =	stream.indirect_vreg.gather [hbm4b:s20+s7], $0x80, v19, vm0, $0xb8;
	[tilespmem:$0xFD00] =	vst v63  }
0x177: {  	s21 =	sshll.u32 @!p1 s4, $0x9;
	s4 =	sshll.u32 @!p1 s4, $0x7  }
0x178: {  	s21 =	sand.u32 @!p1 $0xF000, s21;
	s4 =	sand.u32 @!p1 $0x200, s4  }
0x179: {  	s4 =	sor.u32 @!p1 s21, s4  }
0x17a: {  	v20 =	vld [tilespmem:$0x3B00];
	_ =	swait.ge [sflag:s14], $0x3000;
	s4 =	sor.u32 @!p1 s9, s4  }
0x17b: {  	s22 =	simm.s32 @!p1 $0x0;
	[sflag:s14] =	ssyncset.done $0x0;
	s4 =	sshrl.u32 @!p1 s4, $0x3  }
0x17c: {  	s25 =	simm.s32 @!p1 $0x3900;
	[sflag:s14] =	ssyncadd.s32 $0xFFFFD000;
	s21 =	sadd.s32 @!p1 s0, s4  }
0x17d: {  	[tilespmem:s25], [sflag:$0x9] =	stream.linear.gather @!p1 [hbm4b:s21+s22], $0x10, $0x38;
	[tilespmem:$0xFD00] =	vst v63  }
0x17e: {  	s4 =	sadd.s32 @!p1 s2, s4;
	s21 =	simm.s32 @!p1 $0x3B00  }
0x17f: {  	[tilespmem:s21], [sflag:$0x9] =	stream.linear.gather @!p1 [hbm4b:s4+s22], $0x10, $0x38;
	[tilespmem:$0xFD00] =	vst v63  }
0x180: {  	s25 =	simm.s32 $0x0;
	s21 =	simm.s32 $0x3000  }
0x181: {  	s26 =	sand.u32 $0x1C00, s25;
	s22 =	sand.u32 $0x70, s25;
	v19 =	vld [tilespmem:s21+$0x0]  }
0x182: {  	v35 =	vcvt.s32.f32 v20;
	s4 =	sor.u32 s22, s26  }
0x183: {  	v25 =	vld [tilespmem:s4+$0x200]  }
0x184: {  	v20 =	vperm.xlane v35, v8;
	v26 =	vld [tilespmem:s4+$0x280]  }
0x185: {  	v21 =	vperm.xlane v35, v9;
	v27 =	vld [tilespmem:s4+$0x100]  }
0x186: {  	v22 =	vperm.xlane v35, v7;
	v28 =	vld [tilespmem:s4+$0x180];
	v29 =	vmul.f32 v19, v20  }
0x187: {  	v23 =	vperm.xlane v35, v4;
	v31 =	vld [tilespmem:s4+$0x0];
	v30 =	vmul.f32 v19, v21  }
0x188: {  	v24 =	vperm.xlane v35, v5;
	v32 =	vld [tilespmem:s4+$0x80];
	v33 =	vmul.f32 v19, v22;
	v29 =	vadd.f32 v25, v29  }
0x189: {  	v36 =	vld [tilespmem:s4+$0x300];
	v34 =	vmul.f32 v19, v23;
	v25 =	vperm.xlane v35, v6;
	v30 =	vadd.f32 v26, v30  }
0x18a: {  	v37 =	vmul.f32 v19, v24;
	v26 =	vperm.xlane v35, v10;
	v27 =	vadd.f32 v27, v33;
	[tilespmem:s4+$0x3F00] =	vst.add.f32.msk $0xffff, v29  }
0x18b: {  	v28 =	vadd.f32 v28, v34;
	v29 =	vmul.f32 v19, v25;
	[tilespmem:s4+$0x3F80] =	vst.add.f32.msk $0xffff, v30  }
0x18c: {  	v31 =	vadd.f32 v37, v31;
	v30 =	vmul.f32 v19, v26;
	[tilespmem:s4+$0x3E00] =	vst.add.f32.msk $0xffff, v27  }
0x18d: {  	[tilespmem:s4+$0x3E80] =	vst.add.f32.msk $0xffff, v28;
	v27 =	vadd.f32 v32, v29  }
0x18e: {  	[tilespmem:s4+$0x3D00] =	vst.add.f32.msk $0xffff, v31;
	v28 =	vadd.f32 v36, v30  }
0x18f: {  	s26 =	sor.u32 s25, s25;
	s22 =	sor.u32 $0x4000, s4;
	[tilespmem:s4+$0x3D80] =	vst.add.f32.msk $0xffff, v27  }
0x190: {  	s31 =	sor.u32 $0x380, s26;
	[tilespmem:s22+$0x0] =	vst.add.f32.msk $0xffff, v28  }
0x191: {  	v27 =	vld [tilespmem:s31+$0x0]  }
0x192: {  	v34 =	vperm.xlane v35, v3;
	_ =	sdelay $0x1  }
0x193: {  	v29 =	vmul.f32 v19, v34;
	_ =	sdelay $0x1  }
0x194: {  	v33 =	vperm.xlane v35, v13;
	v31 =	vperm.xlane v35, v14;
	v29 =	vadd.f32 v27, v29  }
0x195: {  	v32 =	vperm.xlane v35, v11;
	v30 =	vperm.xlane v35, v15  }
0x196: {  	v28 =	vperm.xlane v35, v12;
	v27 =	vperm.xlane v35, v16;
	[tilespmem:s31+$0x3D00] =	vst.add.f32.msk $0xffff, v29  }
0x197: {  	s22 =	simm.s32 $0x10;
	v29 =	vperm.xlane v35, v17;
	v35 =	vperm.xlane v35, v18;
	v36 =	vld [tilespmem:s4+$0x1800]  }
.LBB2_13:
0x198: {  	p2 =	sne.s32 s22, $0x2F0;
	v37 =	vld [tilespmem:s4+$0x1B80];
	s25 =	sadd.s32 $0x80, s25;
	s21 =	sadd.s32 $0x10, s21  }
0x199: {  	s26 =	smov.u32 s22;
	s22 =	sadd.s32 $0x10, s22;
	v38 =	vld [tilespmem:s4+$0x1900]  }
0x19a: {  	v39 =	vmul.f32 v19, v32;
	v40 =	vld [tilespmem:s4+$0x1880]  }
0x19b: {  	v42 =	vmul.f32 v19, v35;
	v41 =	vld [tilespmem:s4+$0x1980]  }
0x19c: {  	v36 =	vadd.f32 v36, v39;
	v39 =	vmul.f32 v19, v33;
	v43 =	vld [tilespmem:s4+$0x1A00]  }
0x19d: {  	v44 =	vmul.f32 v19, v28;
	v45 =	vld [tilespmem:s4+$0x1A80];
	v37 =	vadd.f32 v37, v42  }
0x19e: {  	v38 =	vadd.f32 v38, v39;
	v39 =	vmul.f32 v19, v31;
	v42 =	vld [tilespmem:s4+$0x1B00]  }
0x19f: {  	[tilespmem:s4+$0x5500] =	vst.add.f32.msk $0xffff, v36;
	v36 =	vadd.f32 v40, v44;
	v40 =	vmul.f32 v19, v30  }
0x1a0: {  	[tilespmem:s4+$0x5600] =	vst.add.f32.msk $0xffff, v38;
	v38 =	vadd.f32 v41, v39;
	v39 =	vmul.f32 v19, v27  }
0x1a1: {  	v19 =	vmul.f32 v19, v29;
	v40 =	vadd.f32 v43, v40;
	[tilespmem:s4+$0x5880] =	vst.add.f32.msk $0xffff, v37  }
0x1a2: {  	[tilespmem:s4+$0x5680] =	vst.add.f32.msk $0xffff, v38;
	v37 =	vadd.f32 v45, v39  }
0x1a3: {  	[tilespmem:s4+$0x5700] =	vst.add.f32.msk $0xffff, v40;
	v19 =	vadd.f32 v42, v19  }
0x1a4: {  	[tilespmem:s4+$0x5580] =	vst.add.f32.msk $0xffff, v36  }
0x1a5: {  	[tilespmem:s4+$0x5800] =	vst.add.f32.msk $0xffff, v19  }
0x1a6: {  	s31 =	sand.u32 $0x70, s26;
	s18 =	sand.u32 $0x1C00, s25;
	[tilespmem:s4+$0x5780] =	vst.add.f32.msk $0xffff, v37  }
0x1a7: {  	s4 =	sor.u32 s31, s18;
	v19 =	vld [tilespmem:s21+$0x0]  }
0x1a8: {  	v36 =	vld [tilespmem:s4+$0x200]  }
0x1a9: {  	v37 =	vld [tilespmem:s4+$0x100]  }
0x1aa: {  	v38 =	vld [tilespmem:s4+$0x280]  }
0x1ab: {  	v39 =	vld [tilespmem:s4+$0x180]  }
0x1ac: {  	v40 =	vld [tilespmem:s4+$0x80];
	v41 =	vmul.f32 v19, v20;
	v42 =	vmul.f32 v19, v21  }
0x1ad: {  	v44 =	vmul.f32 v19, v24;
	v45 =	vmul.f32 v19, v22;
	v43 =	vld [tilespmem:s4+$0x0]  }
0x1ae: {  	v46 =	vmul.f32 v19, v25;
	v47 =	vmul.f32 v19, v23;
	v36 =	vadd.f32 v36, v41;
	v41 =	vld [tilespmem:s4+$0x300]  }
0x1af: {  	v37 =	vadd.f32 v37, v45;
	v38 =	vadd.f32 v38, v42  }
0x1b0: {  	v39 =	vadd.f32 v39, v47;
	[tilespmem:s4+$0x3F00] =	vst.add.f32.msk $0xffff, v36  }
0x1b1: {  	v36 =	vadd.f32 v40, v46;
	[tilespmem:s4+$0x3F80] =	vst.add.f32.msk $0xffff, v38;
	v38 =	vmul.f32 v19, v26  }
0x1b2: {  	v40 =	vadd.f32 v44, v43;
	[tilespmem:s4+$0x3E00] =	vst.add.f32.msk $0xffff, v37  }
0x1b3: {  	[tilespmem:s4+$0x3E80] =	vst.add.f32.msk $0xffff, v39;
	v37 =	vadd.f32 v41, v38  }
0x1b4: {  	[tilespmem:s4+$0x3D00] =	vst.add.f32.msk $0xffff, v40  }
0x1b5: {  	s26 =	sor.u32 s25, s26;
	s18 =	sor.u32 $0x4000, s4;
	[tilespmem:s4+$0x3D80] =	vst.add.f32.msk $0xffff, v36  }
0x1b6: {  	[tilespmem:s18+$0x0] =	vst.add.f32.msk $0xffff, v37;
	s18 =	sor.u32 $0x380, s26  }
0x1b7: {  	v36 =	vld [tilespmem:s18+$0x0];
	_ =	sdelay $0x2  }
0x1b8: {  	v37 =	vmul.f32 v19, v34  }
.Ltmp5:
0x1b9: {  	(pc) =	sbr.rel @p2 .LBB2_13-.Ltmp5, $3  }
0x1ba: {  	v36 =	vadd.f32 v36, v37;
	_ =	sdelay $0x1  }
0x1bb: {  	[tilespmem:s18+$0x3D00] =	vst.add.f32.msk $0xffff, v36  }
0x1bc: {  	v36 =	vld [tilespmem:s4+$0x1800]  }
0x1bd: {  	v20 =	vld [tilespmem:s4+$0x1B80]  }
0x1be: {  	v21 =	vld [tilespmem:s4+$0x1900]  }
0x1bf: {  	v22 =	vld [tilespmem:s4+$0x1880]  }
0x1c0: {  	v23 =	vmul.f32 v19, v32;
	v24 =	vld [tilespmem:s4+$0x1980]  }
0x1c1: {  	v25 =	vmul.f32 v19, v33;
	v26 =	vld [tilespmem:s4+$0x1A00]  }
0x1c2: {  	v56 =	vmul.f32 v19, v35;
	v57 =	vld [tilespmem:s4+$0x1A80];
	v23 =	vadd.f32 v36, v23  }
0x1c3: {  	v21 =	vadd.f32 v21, v25;
	v25 =	vmul.f32 v19, v31;
	v31 =	vld [tilespmem:s4+$0x1B00]  }
0x1c4: {  	v28 =	vmul.f32 v19, v28;
	v20 =	vadd.f32 v20, v56;
	[tilespmem:s4+$0x5500] =	vst.add.f32.msk $0xffff, v23  }
0x1c5: {  	v23 =	vmul.f32 v19, v30;
	[tilespmem:s4+$0x5600] =	vst.add.f32.msk $0xffff, v21;
	v21 =	vadd.f32 v24, v25  }
0x1c6: {  	v24 =	vmul.f32 v19, v29;
	[tilespmem:s4+$0x5880] =	vst.add.f32.msk $0xffff, v20;
	v20 =	vadd.f32 v22, v28;
	v19 =	vmul.f32 v19, v27  }
0x1c7: {  	s25 =	smul.u32 $0x180000, s24;
	v23 =	vadd.f32 v26, v23;
	[tilespmem:s4+$0x5680] =	vst.add.f32.msk $0xffff, v21  }
0x1c8: {  	v19 =	vadd.f32 v57, v19;
	[tilespmem:s4+$0x5580] =	vst.add.f32.msk $0xffff, v20  }
0x1c9: {  	s18 =	sor.u32 s8, s25;
	[tilespmem:s4+$0x5700] =	vst.add.f32.msk $0xffff, v23;
	v21 =	vadd.f32 v31, v24  }
0x1ca: {  	s18 =	sshrl.u32 s18, $0x3;
	[tilespmem:s4+$0x5780] =	vst.add.f32.msk $0xffff, v19  }
0x1cb: {  	s18 =	sadd.s32 s6, s18;
	[tilespmem:s4+$0x5800] =	vst.add.f32.msk $0xffff, v21;
	s4 =	simm.s32 @!p0 $0x8  }
0x1cc: {  	[hbm4b:s18+s7] =	stream.linear.scatter [tilespmem:s10], [sflag:$0x5], $0x3000, $0x38;
	[tilespmem:$0xFD00] =	vst v63  }
0x1cd: {  	_ =	swait.ge @!p0 [sflag:s4], $0x3000  }
0x1ce: {  	[sflag:s4] =	ssyncset.done @!p0 $0x0  }
0x1cf: {  	[sflag:s4] =	ssyncadd.s32 @!p0 $0xFFFFD000  }
0x1d0: {  	_ =	swait.ge [sflag:s15], $0x10  }
0x1d1: {  	[sflag:s15] =	ssyncset.done $0x0  }
0x1d2: {  	[sflag:s15] =	ssyncadd.s32 $0xFFFFFFF0  }
0x1d3: {  	_ =	swait.ge [sflag:s15], $0x10  }
0x1d4: {  	[sflag:s15] =	ssyncset.done $0x0  }
0x1d5: {  	[sflag:s15] =	ssyncadd.s32 $0xFFFFFFF0  }
0x1d6: {  	v19 =	vld [tilespmem:$0x3A80];
	_ =	sdelay $0x4  }
0x1d7: {  	v20 =	vshrl.u32 v19, $0x3  }
0x1d8: {  	v20 =	vmul.u32 $0x30, v20  }
0x1d9: {  	v19 =	vand.u32 $0x7, v19  }
0x1da: {  	v19 =	vor.u32 v19, v20  }
0x1db: {  	v20 =	vperm.xlane v19, v0;
	_ =	sdelay $0x1  }
0x1dc: {  	v20 =	vadd.s32 v1, v20;
	_ =	sdelay $0x3  }
0x1dd: {  	s21 =	simm.s32 $0xCD00;
	v19 =	vperm.xlane v19, v2  }
0x1de: {  	[tilespmem:s21], [sflag:$0x4] =	stream.indirect_vreg.gather [hbm4b:s3+s7], $0x80, v20, vm0, $0xb8;
	[tilespmem:$0xFD00] =	vst v63  }
0x1df: {  	s22 =	simm.s32 $0xD500;
	v19 =	vadd.s32 v1, v19  }
0x1e0: {  	[tilespmem:s22], [sflag:$0x4] =	stream.indirect_vreg.gather [hbm4b:s19+s7], $0x80, v20, vm0, $0xb8;
	[tilespmem:$0xFD00] =	vst v63  }
0x1e1: {  	s26 =	simm.s32 $0xDD00  }
0x1e2: {  	[tilespmem:s26], [sflag:$0x4] =	stream.indirect_vreg.gather [hbm4b:s20+s7], $0x80, v20, vm0, $0xb8;
	[tilespmem:$0xFD00] =	vst v63  }
0x1e3: {  	s31 =	simm.s32 $0xE500  }
0x1e4: {  	[tilespmem:s31], [sflag:$0x4] =	stream.indirect_vreg.gather [hbm4b:s3+s7], $0x80, v19, vm0, $0xb8;
	[tilespmem:$0xFD00] =	vst v63  }
0x1e5: {  	s18 =	simm.s32 $0xED00;
	s4 =	sadd.s32 @!p1 $0x5, s29  }
0x1e6: {  	[tilespmem:s18], [sflag:$0x4] =	stream.indirect_vreg.gather [hbm4b:s19+s7], $0x80, v19, vm0, $0xb8;
	[tilespmem:$0xFD00] =	vst v63  }
0x1e7: {  	s18 =	sshll.u32 @!p1 s4, $0x9;
	s4 =	sshll.u32 @!p1 s4, $0x7  }
0x1e8: {  	s21 =	simm.s32 $0xF500;
	s18 =	sand.u32 @!p1 $0xF000, s18;
	s4 =	sand.u32 @!p1 $0x280, s4  }
0x1e9: {  	[tilespmem:s21], [sflag:$0x4] =	stream.indirect_vreg.gather [hbm4b:s20+s7], $0x80, v19, vm0, $0xb8;
	[tilespmem:$0xFD00] =	vst v63  }
0x1ea: {  	s4 =	sor.u32 @!p1 s18, s4  }
0x1eb: {  	v20 =	vld [tilespmem:$0x3B80];
	_ =	swait.ge [sflag:s1], $0x3000;
	s4 =	sor.u32 @!p1 s9, s4  }
0x1ec: {  	s22 =	simm.s32 @!p1 $0x3980;
	[sflag:s1] =	ssyncset.done $0x0;
	s4 =	sshrl.u32 @!p1 s4, $0x3  }
0x1ed: {  	s21 =	simm.s32 @!p1 $0x0;
	[sflag:s1] =	ssyncadd.s32 $0xFFFFD000;
	s18 =	sadd.s32 @!p1 s0, s4  }
0x1ee: {  	[tilespmem:s22], [sflag:$0xA] =	stream.linear.gather @!p1 [hbm4b:s18+s21], $0x10, $0x38;
	[tilespmem:$0xFD00] =	vst v63  }
0x1ef: {  	s4 =	sadd.s32 @!p1 s2, s4;
	s18 =	simm.s32 @!p1 $0x3B80  }
0x1f0: {  	[tilespmem:s18], [sflag:$0xA] =	stream.linear.gather @!p1 [hbm4b:s4+s21], $0x10, $0x38;
	[tilespmem:$0xFD00] =	vst v63  }
0x1f1: {  	s29 =	simm.s32 $0x3000;
	s21 =	simm.s32 $0x0  }
0x1f2: {  	s22 =	sand.u32 $0x70, s21;
	s26 =	sand.u32 $0x1C00, s21;
	v19 =	vld [tilespmem:s29+$0x0]  }
0x1f3: {  	v29 =	vcvt.s32.f32 v20;
	s4 =	sor.u32 s22, s26  }
0x1f4: {  	v25 =	vld [tilespmem:s4+$0x280]  }
0x1f5: {  	v20 =	vperm.xlane v29, v9;
	v27 =	vld [tilespmem:s4+$0x200]  }
0x1f6: {  	v21 =	vperm.xlane v29, v8;
	v28 =	vld [tilespmem:s4+$0x100]  }
0x1f7: {  	v22 =	vperm.xlane v29, v7;
	v30 =	vld [tilespmem:s4+$0x180];
	v26 =	vmul.f32 v19, v20  }
0x1f8: {  	v23 =	vperm.xlane v29, v4;
	v58 =	vld [tilespmem:s4+$0x300];
	v31 =	vmul.f32 v19, v21  }
0x1f9: {  	v24 =	vperm.xlane v29, v10;
	v59 =	vld [tilespmem:s4+$0x80];
	v34 =	vmul.f32 v19, v22;
	v25 =	vadd.f32 v25, v26  }
0x1fa: {  	v60 =	vld [tilespmem:s4+$0x0];
	v61 =	vmul.f32 v19, v23;
	v26 =	vperm.xlane v29, v6;
	v31 =	vadd.f32 v27, v31  }
0x1fb: {  	v27 =	vperm.xlane v29, v5;
	v28 =	vadd.f32 v28, v34;
	[tilespmem:s4+$0x6F80] =	vst.add.f32.msk $0xffff, v25;
	v25 =	vmul.f32 v19, v24  }
0x1fc: {  	v30 =	vadd.f32 v30, v61;
	v62 =	vmul.f32 v19, v26;
	[tilespmem:s4+$0x6F00] =	vst.add.f32.msk $0xffff, v31  }
0x1fd: {  	v31 =	vmul.f32 v19, v27;
	[tilespmem:s4+$0x6E00] =	vst.add.f32.msk $0xffff, v28;
	v25 =	vadd.f32 v58, v25  }
0x1fe: {  	[tilespmem:s4+$0x6E80] =	vst.add.f32.msk $0xffff, v30;
	v28 =	vadd.f32 v59, v62  }
0x1ff: {  	v30 =	vadd.f32 v31, v60;
	[tilespmem:s4+$0x7000] =	vst.add.f32.msk $0xffff, v25  }
0x200: {  	s31 =	sor.u32 s21, s21;
	[tilespmem:s4+$0x6D80] =	vst.add.f32.msk $0xffff, v28  }
0x201: {  	s26 =	sor.u32 $0x380, s31;
	[tilespmem:s4+$0x6D00] =	vst.add.f32.msk $0xffff, v30  }
0x202: {  	v35 =	vperm.xlane v29, v3;
	v63 =	vld [tilespmem:s26+$0x0]  }
0x203: {  	v33 =	vperm.xlane v29, v13  }
0x204: {  	v32 =	vperm.xlane v29, v14;
	v37 =	vmul.f32 v19, v35  }
0x205: {  	v34 =	vperm.xlane v29, v11;
	v31 =	vperm.xlane v29, v16  }
0x206: {  	v25 =	vperm.xlane v29, v12;
	v30 =	vperm.xlane v29, v15  }
0x207: {  	s22 =	simm.s32 $0x10;
	v28 =	vperm.xlane v29, v17;
	v29 =	vperm.xlane v29, v18;
	v36 =	vadd.f32 v63, v37  }
.LBB2_15:
0x208: {  	p0 =	sne.s32 s22, $0x2F0;
	s21 =	sadd.s32 $0x80, s21;
	s29 =	sadd.s32 $0x10, s29  }
0x209: {  	[tilespmem:s26+$0x6D00] =	vst.add.f32.msk $0xffff, v36;
	s26 =	smov.u32 s22;
	s22 =	sadd.s32 $0x10, s22  }
0x20a: {  	v36 =	vld [tilespmem:s4+$0x1800]  }
0x20b: {  	v37 =	vld [tilespmem:s4+$0x1980]  }
0x20c: {  	v38 =	vld [tilespmem:s4+$0x1900]  }
0x20d: {  	v39 =	vmul.f32 v19, v34;
	v40 =	vld [tilespmem:s4+$0x1A00]  }
0x20e: {  	v41 =	vld [tilespmem:s4+$0x1A80]  }
0x20f: {  	v36 =	vadd.f32 v36, v39;
	v39 =	vmul.f32 v19, v33;
	v42 =	vld [tilespmem:s4+$0x1B00]  }
0x210: {  	v43 =	vmul.f32 v19, v32;
	v44 =	vld [tilespmem:s4+$0x1B80]  }
0x211: {  	[tilespmem:s4+$0x8500] =	vst.add.f32.msk $0xffff, v36;
	v36 =	vadd.f32 v38, v39;
	v38 =	vmul.f32 v19, v30;
	v39 =	vmul.f32 v19, v31  }
0x212: {  	v37 =	vadd.f32 v37, v43;
	v43 =	vmul.f32 v19, v28;
	v45 =	vld [tilespmem:s4+$0x1880]  }
0x213: {  	[tilespmem:s4+$0x8600] =	vst.add.f32.msk $0xffff, v36;
	v36 =	vadd.f32 v40, v38;
	v38 =	vadd.f32 v41, v39;
	v39 =	vmul.f32 v19, v29  }
0x214: {  	[tilespmem:s4+$0x8680] =	vst.add.f32.msk $0xffff, v37;
	v37 =	vadd.f32 v42, v43  }
0x215: {  	v19 =	vmul.f32 v19, v25;
	[tilespmem:s4+$0x8700] =	vst.add.f32.msk $0xffff, v36;
	v36 =	vadd.f32 v44, v39  }
0x216: {  	[tilespmem:s4+$0x8780] =	vst.add.f32.msk $0xffff, v38  }
0x217: {  	v19 =	vadd.f32 v45, v19;
	[tilespmem:s4+$0x8880] =	vst.add.f32.msk $0xffff, v36  }
0x218: {  	s31 =	sand.u32 $0x1C00, s21;
	s18 =	sand.u32 $0x70, s26;
	[tilespmem:s4+$0x8800] =	vst.add.f32.msk $0xffff, v37  }
0x219: {  	[tilespmem:s4+$0x8580] =	vst.add.f32.msk $0xffff, v19;
	s4 =	sor.u32 s18, s31  }
0x21a: {  	v19 =	vld [tilespmem:s29+$0x0]  }
0x21b: {  	v36 =	vld [tilespmem:s4+$0x280]  }
0x21c: {  	v37 =	vld [tilespmem:s4+$0x100]  }
0x21d: {  	v38 =	vld [tilespmem:s4+$0x200]  }
0x21e: {  	v39 =	vld [tilespmem:s4+$0x80]  }
0x21f: {  	v40 =	vld [tilespmem:s4+$0x0];
	v41 =	vmul.f32 v19, v23;
	v42 =	vmul.f32 v19, v21  }
0x220: {  	v43 =	vmul.f32 v19, v26;
	v45 =	vmul.f32 v19, v20;
	v44 =	vld [tilespmem:s4+$0x180]  }
0x221: {  	v46 =	vmul.f32 v19, v27;
	v47 =	vld [tilespmem:s4+$0x300]  }
0x222: {  	v48 =	vmul.f32 v19, v22;
	v36 =	vadd.f32 v36, v45;
	v38 =	vadd.f32 v38, v42  }
0x223: {  	v39 =	vadd.f32 v39, v43  }
0x224: {  	v37 =	vadd.f32 v37, v48;
	v40 =	vadd.f32 v46, v40;
	[tilespmem:s4+$0x6F80] =	vst.add.f32.msk $0xffff, v36;
	v36 =	vmul.f32 v19, v24  }
0x225: {  	v41 =	vadd.f32 v44, v41;
	[tilespmem:s4+$0x6F00] =	vst.add.f32.msk $0xffff, v38  }
0x226: {  	[tilespmem:s4+$0x6E00] =	vst.add.f32.msk $0xffff, v37;
	v36 =	vadd.f32 v47, v36  }
0x227: {  	[tilespmem:s4+$0x6E80] =	vst.add.f32.msk $0xffff, v41  }
0x228: {  	[tilespmem:s4+$0x7000] =	vst.add.f32.msk $0xffff, v36  }
0x229: {  	s18 =	sor.u32 s21, s26;
	[tilespmem:s4+$0x6D80] =	vst.add.f32.msk $0xffff, v39  }
0x22a: {  	s26 =	sor.u32 $0x380, s18;
	[tilespmem:s4+$0x6D00] =	vst.add.f32.msk $0xffff, v40  }
0x22b: {  	v36 =	vld [tilespmem:s26+$0x0]  }
.Ltmp6:
0x22c: {  	(pc) =	sbr.rel @p0 .LBB2_15-.Ltmp6, $3  }
0x22d: {  	_ = 	snop  }
0x22e: {  	v37 =	vmul.f32 v19, v35;
	_ =	sdelay $0x1  }
0x22f: {  	v36 =	vadd.f32 v36, v37  }
0x230: {  	_ = 	snop  }
0x231: {  	[tilespmem:s26+$0x6D00] =	vst.add.f32.msk $0xffff, v36  }
0x232: {  	v20 =	vld [tilespmem:s4+$0x1800]  }
0x233: {  	v21 =	vld [tilespmem:s4+$0x1980]  }
0x234: {  	v22 =	vld [tilespmem:s4+$0x1900]  }
0x235: {  	v26 =	vld [tilespmem:s4+$0x1A80]  }
0x236: {  	v23 =	vmul.f32 v19, v34;
	v24 =	vld [tilespmem:s4+$0x1A00]  }
0x237: {  	v32 =	vmul.f32 v19, v32;
	v27 =	vld [tilespmem:s4+$0x1B00]  }
0x238: {  	v59 =	vmul.f32 v19, v31;
	v57 =	vld [tilespmem:s4+$0x1B80];
	v20 =	vadd.f32 v20, v23  }
0x239: {  	v56 =	vmul.f32 v19, v33;
	v60 =	vld [tilespmem:s4+$0x1880];
	v21 =	vadd.f32 v21, v32  }
0x23a: {  	v62 =	vmul.f32 v19, v28;
	v23 =	vadd.f32 v26, v59;
	[tilespmem:s4+$0x8500] =	vst.add.f32.msk $0xffff, v20  }
0x23b: {  	v58 =	vmul.f32 v19, v30;
	v20 =	vadd.f32 v22, v56;
	[tilespmem:s4+$0x8680] =	vst.add.f32.msk $0xffff, v21  }
0x23c: {  	v61 =	vmul.f32 v19, v29;
	v19 =	vmul.f32 v19, v25;
	s24 =	sadd.s32 $0x1, s24;
	v63 =	vadd.f32 v27, v62;
	[tilespmem:s4+$0x8780] =	vst.add.f32.msk $0xffff, v23  }
0x23d: {  	p0 =	sne.s32 s24, $0x10;
	[tilespmem:s4+$0x8600] =	vst.add.f32.msk $0xffff, v20;
	v20 =	vadd.f32 v24, v58  }
.Ltmp7:
0x23e: {  	v19 =	vadd.f32 v60, v19;
	[tilespmem:s4+$0x8800] =	vst.add.f32.msk $0xffff, v63;
	(pc) =	sbr.rel @p0 .LBB2_4-.Ltmp7, $4  }
0x23f: {  	s18 =	sadd.s32 s25, s28;
	[tilespmem:s4+$0x8700] =	vst.add.f32.msk $0xffff, v20;
	v20 =	vadd.f32 v57, v61  }
0x240: {  	s18 =	sshrl.u32 s18, $0x3;
	[tilespmem:s4+$0x8580] =	vst.add.f32.msk $0xffff, v19  }
0x241: {  	s31 =	sadd.s32 s6, s18;
	[tilespmem:s4+$0x8880] =	vst.add.f32.msk $0xffff, v20  }
0x242: {  	[hbm4b:s31+s7] =	stream.linear.scatter [tilespmem:s17], [sflag:$0x6], $0x3000, $0x38;
	[tilespmem:$0xFD00] =	vst v63  }
0x243: {  	v20 =	vld [tilespmem:$0x3C00]  }
0x244: {  	_ =	swait.ge [sflag:s11], $0x3000  }
0x245: {  	[sflag:s11] =	ssyncset.done $0x0  }
0x246: {  	s24 =	simm.s32 $0x0;
	s21 =	simm.s32 $0x3000;
	[sflag:s11] =	ssyncadd.s32 $0xFFFFD000  }
0x247: {  	s4 =	sand.u32 $0x70, s24;
	s18 =	sand.u32 $0x1C00, s24;
	v19 =	vld [tilespmem:s21+$0x0]  }
0x248: {  	s4 =	sor.u32 s4, s18;
	v35 =	vcvt.s32.f32 v20  }
0x249: {  	v25 =	vld [tilespmem:s4+$0x200]  }
0x24a: {  	v26 =	vld [tilespmem:s4+$0x280];
	v20 =	vperm.xlane v35, v8  }
0x24b: {  	v27 =	vld [tilespmem:s4+$0x100];
	v21 =	vperm.xlane v35, v9  }
0x24c: {  	v28 =	vld [tilespmem:s4+$0x180];
	v22 =	vperm.xlane v35, v7;
	v29 =	vmul.f32 v19, v20  }
0x24d: {  	v31 =	vld [tilespmem:s4+$0x0];
	v23 =	vperm.xlane v35, v4;
	v30 =	vmul.f32 v19, v21  }
0x24e: {  	v32 =	vld [tilespmem:s4+$0x80];
	v24 =	vperm.xlane v35, v5;
	v33 =	vmul.f32 v19, v22;
	v29 =	vadd.f32 v25, v29  }
0x24f: {  	v36 =	vld [tilespmem:s4+$0x300];
	v34 =	vmul.f32 v19, v23;
	v25 =	vperm.xlane v35, v6;
	v30 =	vadd.f32 v26, v30  }
0x250: {  	v37 =	vmul.f32 v19, v24;
	v26 =	vperm.xlane v35, v10;
	v27 =	vadd.f32 v27, v33;
	[tilespmem:s4+$0x9F00] =	vst.add.f32.msk $0xffff, v29  }
0x251: {  	v28 =	vadd.f32 v28, v34;
	v29 =	vmul.f32 v19, v25;
	[tilespmem:s4+$0x9F80] =	vst.add.f32.msk $0xffff, v30  }
0x252: {  	v31 =	vadd.f32 v37, v31;
	v30 =	vmul.f32 v19, v26;
	[tilespmem:s4+$0x9E00] =	vst.add.f32.msk $0xffff, v27  }
0x253: {  	[tilespmem:s4+$0x9E80] =	vst.add.f32.msk $0xffff, v28;
	v27 =	vadd.f32 v32, v29  }
0x254: {  	[tilespmem:s4+$0x9D00] =	vst.add.f32.msk $0xffff, v31;
	v28 =	vadd.f32 v36, v30  }
0x255: {  	s22 =	sor.u32 s24, s24;
	s18 =	sor.u32 $0xA000, s4;
	[tilespmem:s4+$0x9D80] =	vst.add.f32.msk $0xffff, v27  }
0x256: {  	s31 =	sor.u32 $0x380, s22;
	[tilespmem:s18+$0x0] =	vst.add.f32.msk $0xffff, v28  }
0x257: {  	v27 =	vld [tilespmem:s31+$0x0]  }
0x258: {  	v34 =	vperm.xlane v35, v3;
	_ =	sdelay $0x1  }
0x259: {  	v29 =	vmul.f32 v19, v34;
	_ =	sdelay $0x1  }
0x25a: {  	v33 =	vperm.xlane v35, v13;
	v31 =	vperm.xlane v35, v14;
	v29 =	vadd.f32 v27, v29  }
0x25b: {  	v32 =	vperm.xlane v35, v11;
	v30 =	vperm.xlane v35, v15  }
0x25c: {  	v28 =	vperm.xlane v35, v12;
	v27 =	vperm.xlane v35, v16;
	[tilespmem:s31+$0x9D00] =	vst.add.f32.msk $0xffff, v29  }
0x25d: {  	s22 =	simm.s32 $0x10;
	v29 =	vperm.xlane v35, v17;
	v35 =	vperm.xlane v35, v18;
	v36 =	vld [tilespmem:s4+$0x1800]  }
.LBB2_18:
0x25e: {  	p0 =	sne.s32 s22, $0x2F0;
	v37 =	vld [tilespmem:s4+$0x1B80];
	s24 =	sadd.s32 $0x80, s24;
	s21 =	sadd.s32 $0x10, s21  }
0x25f: {  	s25 =	smov.u32 s22;
	s22 =	sadd.s32 $0x10, s22;
	v38 =	vld [tilespmem:s4+$0x1900]  }
0x260: {  	v39 =	vmul.f32 v19, v32;
	v40 =	vld [tilespmem:s4+$0x1880]  }
0x261: {  	v42 =	vmul.f32 v19, v35;
	v41 =	vld [tilespmem:s4+$0x1980]  }
0x262: {  	v36 =	vadd.f32 v36, v39;
	v39 =	vmul.f32 v19, v33;
	v43 =	vld [tilespmem:s4+$0x1A00]  }
0x263: {  	v44 =	vmul.f32 v19, v28;
	v45 =	vld [tilespmem:s4+$0x1A80];
	v37 =	vadd.f32 v37, v42  }
0x264: {  	v38 =	vadd.f32 v38, v39;
	v39 =	vmul.f32 v19, v31;
	v42 =	vld [tilespmem:s4+$0x1B00]  }
0x265: {  	[tilespmem:s4+$0xB500] =	vst.add.f32.msk $0xffff, v36;
	v36 =	vadd.f32 v40, v44;
	v40 =	vmul.f32 v19, v30  }
0x266: {  	[tilespmem:s4+$0xB600] =	vst.add.f32.msk $0xffff, v38;
	v38 =	vadd.f32 v41, v39;
	v39 =	vmul.f32 v19, v27  }
0x267: {  	v19 =	vmul.f32 v19, v29;
	v40 =	vadd.f32 v43, v40;
	[tilespmem:s4+$0xB880] =	vst.add.f32.msk $0xffff, v37  }
0x268: {  	[tilespmem:s4+$0xB680] =	vst.add.f32.msk $0xffff, v38;
	v37 =	vadd.f32 v45, v39  }
0x269: {  	[tilespmem:s4+$0xB700] =	vst.add.f32.msk $0xffff, v40;
	v19 =	vadd.f32 v42, v19  }
0x26a: {  	[tilespmem:s4+$0xB580] =	vst.add.f32.msk $0xffff, v36  }
0x26b: {  	[tilespmem:s4+$0xB800] =	vst.add.f32.msk $0xffff, v19  }
0x26c: {  	s18 =	sand.u32 $0x70, s25;
	s26 =	sand.u32 $0x1C00, s24;
	[tilespmem:s4+$0xB780] =	vst.add.f32.msk $0xffff, v37  }
0x26d: {  	s4 =	sor.u32 s18, s26;
	v19 =	vld [tilespmem:s21+$0x0]  }
0x26e: {  	v36 =	vld [tilespmem:s4+$0x200]  }
0x26f: {  	v37 =	vld [tilespmem:s4+$0x100]  }
0x270: {  	v38 =	vld [tilespmem:s4+$0x280]  }
0x271: {  	v39 =	vld [tilespmem:s4+$0x180]  }
0x272: {  	v40 =	vld [tilespmem:s4+$0x80];
	v41 =	vmul.f32 v19, v20;
	v42 =	vmul.f32 v19, v21  }
0x273: {  	v44 =	vmul.f32 v19, v24;
	v45 =	vmul.f32 v19, v22;
	v43 =	vld [tilespmem:s4+$0x0]  }
0x274: {  	v46 =	vmul.f32 v19, v25;
	v47 =	vmul.f32 v19, v23;
	v36 =	vadd.f32 v36, v41;
	v41 =	vld [tilespmem:s4+$0x300]  }
0x275: {  	v37 =	vadd.f32 v37, v45;
	v38 =	vadd.f32 v38, v42  }
0x276: {  	v39 =	vadd.f32 v39, v47;
	[tilespmem:s4+$0x9F00] =	vst.add.f32.msk $0xffff, v36  }
0x277: {  	v36 =	vadd.f32 v40, v46;
	[tilespmem:s4+$0x9F80] =	vst.add.f32.msk $0xffff, v38;
	v38 =	vmul.f32 v19, v26  }
0x278: {  	v40 =	vadd.f32 v44, v43;
	[tilespmem:s4+$0x9E00] =	vst.add.f32.msk $0xffff, v37  }
0x279: {  	[tilespmem:s4+$0x9E80] =	vst.add.f32.msk $0xffff, v39;
	v37 =	vadd.f32 v41, v38  }
0x27a: {  	[tilespmem:s4+$0x9D00] =	vst.add.f32.msk $0xffff, v40  }
0x27b: {  	s25 =	sor.u32 s24, s25;
	s18 =	sor.u32 $0xA000, s4;
	[tilespmem:s4+$0x9D80] =	vst.add.f32.msk $0xffff, v36  }
0x27c: {  	[tilespmem:s18+$0x0] =	vst.add.f32.msk $0xffff, v37;
	s18 =	sor.u32 $0x380, s25  }
0x27d: {  	v36 =	vld [tilespmem:s18+$0x0];
	_ =	sdelay $0x2  }
0x27e: {  	v37 =	vmul.f32 v19, v34  }
.Ltmp8:
0x27f: {  	(pc) =	sbr.rel @p0 .LBB2_18-.Ltmp8, $3  }
0x280: {  	v36 =	vadd.f32 v36, v37;
	_ =	sdelay $0x1  }
0x281: {  	[tilespmem:s18+$0x9D00] =	vst.add.f32.msk $0xffff, v36  }
0x282: {  	v36 =	vld [tilespmem:s4+$0x1800]  }
0x283: {  	v20 =	vld [tilespmem:s4+$0x1B80]  }
0x284: {  	v21 =	vld [tilespmem:s4+$0x1900]  }
0x285: {  	v22 =	vld [tilespmem:s4+$0x1880]  }
0x286: {  	v23 =	vmul.f32 v19, v32;
	v24 =	vld [tilespmem:s4+$0x1980]  }
0x287: {  	v25 =	vmul.f32 v19, v33;
	v26 =	vld [tilespmem:s4+$0x1A00]  }
0x288: {  	v56 =	vmul.f32 v19, v35;
	v57 =	vld [tilespmem:s4+$0x1A80];
	v23 =	vadd.f32 v36, v23  }
0x289: {  	v21 =	vadd.f32 v21, v25;
	v25 =	vmul.f32 v19, v31;
	v31 =	vld [tilespmem:s4+$0x1B00]  }
0x28a: {  	v28 =	vmul.f32 v19, v28;
	v20 =	vadd.f32 v20, v56;
	[tilespmem:s4+$0xB500] =	vst.add.f32.msk $0xffff, v23  }
0x28b: {  	v23 =	vmul.f32 v19, v30;
	[tilespmem:s4+$0xB600] =	vst.add.f32.msk $0xffff, v21;
	v21 =	vadd.f32 v24, v25  }
0x28c: {  	v24 =	vmul.f32 v19, v29;
	[tilespmem:s4+$0xB880] =	vst.add.f32.msk $0xffff, v20;
	v20 =	vadd.f32 v22, v28;
	v19 =	vmul.f32 v19, v27  }
0x28d: {  	v23 =	vadd.f32 v26, v23;
	[tilespmem:s4+$0xB680] =	vst.add.f32.msk $0xffff, v21  }
0x28e: {  	v19 =	vadd.f32 v57, v19;
	[tilespmem:s4+$0xB580] =	vst.add.f32.msk $0xffff, v20  }
0x28f: {  	[tilespmem:s4+$0xB700] =	vst.add.f32.msk $0xffff, v23;
	v21 =	vadd.f32 v31, v24  }
0x290: {  	[tilespmem:s4+$0xB780] =	vst.add.f32.msk $0xffff, v19  }
0x291: {  	s24 =	simm.s32 $0x0;
	s25 =	rddreg [dreg:$0x12];
	s18 =	simm.s32 $0x9D00;
	[tilespmem:s4+$0xB800] =	vst.add.f32.msk $0xffff, v21  }
0x292: {  	[hbm4b:s25+s24] =	stream.linear.scatter [tilespmem:s18], [sflag:$0x7], $0x3000, $0x38;
	[tilespmem:$0xFD00] =	vst v63  }
0x293: {  	v20 =	vld [tilespmem:$0x3C80]  }
0x294: {  	_ =	swait.ge [sflag:s12], $0x3000  }
0x295: {  	[sflag:s12] =	ssyncset.done $0x0  }
0x296: {  	s21 =	simm.s32 $0x3000;
	[sflag:s12] =	ssyncadd.s32 $0xFFFFD000  }
0x297: {  	s26 =	sand.u32 $0x70, s24;
	s29 =	sand.u32 $0x1C00, s24;
	v19 =	vld [tilespmem:s21+$0x0]  }
0x298: {  	s4 =	sor.u32 s26, s29;
	v29 =	vcvt.s32.f32 v20  }
0x299: {  	v25 =	vld [tilespmem:s4+$0x280]  }
0x29a: {  	v27 =	vld [tilespmem:s4+$0x200];
	v20 =	vperm.xlane v29, v9  }
0x29b: {  	v28 =	vld [tilespmem:s4+$0x100];
	v21 =	vperm.xlane v29, v8  }
0x29c: {  	v30 =	vld [tilespmem:s4+$0x180];
	v22 =	vperm.xlane v29, v7;
	v26 =	vmul.f32 v19, v20  }
0x29d: {  	v58 =	vld [tilespmem:s4+$0x300];
	v23 =	vperm.xlane v29, v4;
	v31 =	vmul.f32 v19, v21  }
0x29e: {  	v59 =	vld [tilespmem:s4+$0x80];
	v24 =	vperm.xlane v29, v10;
	v34 =	vmul.f32 v19, v22;
	v25 =	vadd.f32 v25, v26  }
0x29f: {  	v60 =	vld [tilespmem:s4+$0x0];
	v61 =	vmul.f32 v19, v23;
	v26 =	vperm.xlane v29, v6;
	v31 =	vadd.f32 v27, v31  }
0x2a0: {  	v27 =	vperm.xlane v29, v5;
	v28 =	vadd.f32 v28, v34;
	[tilespmem:s4+$0xCF80] =	vst.add.f32.msk $0xffff, v25;
	v25 =	vmul.f32 v19, v24  }
0x2a1: {  	v30 =	vadd.f32 v30, v61;
	v62 =	vmul.f32 v19, v26;
	[tilespmem:s4+$0xCF00] =	vst.add.f32.msk $0xffff, v31  }
0x2a2: {  	v31 =	vmul.f32 v19, v27;
	[tilespmem:s4+$0xCE00] =	vst.add.f32.msk $0xffff, v28;
	v25 =	vadd.f32 v58, v25  }
0x2a3: {  	[tilespmem:s4+$0xCE80] =	vst.add.f32.msk $0xffff, v30;
	v28 =	vadd.f32 v59, v62  }
0x2a4: {  	v30 =	vadd.f32 v31, v60;
	[tilespmem:s4+$0xD000] =	vst.add.f32.msk $0xffff, v25  }
0x2a5: {  	s31 =	sor.u32 s24, s24;
	[tilespmem:s4+$0xCD80] =	vst.add.f32.msk $0xffff, v28  }
0x2a6: {  	s25 =	sor.u32 $0x380, s31;
	[tilespmem:s4+$0xCD00] =	vst.add.f32.msk $0xffff, v30  }
0x2a7: {  	v35 =	vperm.xlane v29, v3;
	v63 =	vld [tilespmem:s25+$0x0]  }
0x2a8: {  	v33 =	vperm.xlane v29, v13  }
0x2a9: {  	v32 =	vperm.xlane v29, v14;
	v37 =	vmul.f32 v19, v35  }
0x2aa: {  	v34 =	vperm.xlane v29, v11;
	v31 =	vperm.xlane v29, v16  }
0x2ab: {  	v25 =	vperm.xlane v29, v12;
	v30 =	vperm.xlane v29, v15  }
0x2ac: {  	s22 =	simm.s32 $0x10;
	v28 =	vperm.xlane v29, v17;
	v29 =	vperm.xlane v29, v18;
	v36 =	vadd.f32 v63, v37  }
.LBB2_20:
0x2ad: {  	p0 =	sne.s32 s22, $0x2F0;
	s24 =	sadd.s32 $0x80, s24;
	s21 =	sadd.s32 $0x10, s21  }
0x2ae: {  	[tilespmem:s25+$0xCD00] =	vst.add.f32.msk $0xffff, v36;
	s25 =	smov.u32 s22;
	s22 =	sadd.s32 $0x10, s22  }
0x2af: {  	v36 =	vld [tilespmem:s4+$0x1800]  }
0x2b0: {  	v37 =	vld [tilespmem:s4+$0x1980]  }
0x2b1: {  	v38 =	vld [tilespmem:s4+$0x1900]  }
0x2b2: {  	v39 =	vmul.f32 v19, v34;
	v40 =	vld [tilespmem:s4+$0x1A00]  }
0x2b3: {  	v41 =	vld [tilespmem:s4+$0x1A80]  }
0x2b4: {  	v36 =	vadd.f32 v36, v39;
	v39 =	vmul.f32 v19, v33;
	v42 =	vld [tilespmem:s4+$0x1B00]  }
0x2b5: {  	v43 =	vmul.f32 v19, v32;
	v44 =	vld [tilespmem:s4+$0x1B80]  }
0x2b6: {  	[tilespmem:s4+$0xE500] =	vst.add.f32.msk $0xffff, v36;
	v36 =	vadd.f32 v38, v39;
	v38 =	vmul.f32 v19, v30;
	v39 =	vmul.f32 v19, v31  }
0x2b7: {  	v37 =	vadd.f32 v37, v43;
	v43 =	vmul.f32 v19, v28;
	v45 =	vld [tilespmem:s4+$0x1880]  }
0x2b8: {  	[tilespmem:s4+$0xE600] =	vst.add.f32.msk $0xffff, v36;
	v36 =	vadd.f32 v40, v38;
	v38 =	vadd.f32 v41, v39;
	v39 =	vmul.f32 v19, v29  }
0x2b9: {  	[tilespmem:s4+$0xE680] =	vst.add.f32.msk $0xffff, v37;
	v37 =	vadd.f32 v42, v43  }
0x2ba: {  	v19 =	vmul.f32 v19, v25;
	[tilespmem:s4+$0xE700] =	vst.add.f32.msk $0xffff, v36;
	v36 =	vadd.f32 v44, v39  }
0x2bb: {  	[tilespmem:s4+$0xE780] =	vst.add.f32.msk $0xffff, v38  }
0x2bc: {  	v19 =	vadd.f32 v45, v19;
	[tilespmem:s4+$0xE880] =	vst.add.f32.msk $0xffff, v36  }
0x2bd: {  	s26 =	sand.u32 $0x1C00, s24;
	s18 =	sand.u32 $0x70, s25;
	[tilespmem:s4+$0xE800] =	vst.add.f32.msk $0xffff, v37  }
0x2be: {  	[tilespmem:s4+$0xE580] =	vst.add.f32.msk $0xffff, v19;
	s4 =	sor.u32 s18, s26  }
0x2bf: {  	v19 =	vld [tilespmem:s21+$0x0]  }
0x2c0: {  	v36 =	vld [tilespmem:s4+$0x280]  }
0x2c1: {  	v37 =	vld [tilespmem:s4+$0x100]  }
0x2c2: {  	v38 =	vld [tilespmem:s4+$0x200]  }
0x2c3: {  	v39 =	vld [tilespmem:s4+$0x80]  }
0x2c4: {  	v40 =	vld [tilespmem:s4+$0x0];
	v41 =	vmul.f32 v19, v23;
	v42 =	vmul.f32 v19, v21  }
0x2c5: {  	v43 =	vmul.f32 v19, v26;
	v45 =	vmul.f32 v19, v20;
	v44 =	vld [tilespmem:s4+$0x180]  }
0x2c6: {  	v46 =	vmul.f32 v19, v27;
	v47 =	vld [tilespmem:s4+$0x300]  }
0x2c7: {  	v48 =	vmul.f32 v19, v22;
	v36 =	vadd.f32 v36, v45;
	v38 =	vadd.f32 v38, v42  }
0x2c8: {  	v39 =	vadd.f32 v39, v43  }
0x2c9: {  	v37 =	vadd.f32 v37, v48;
	v40 =	vadd.f32 v46, v40;
	[tilespmem:s4+$0xCF80] =	vst.add.f32.msk $0xffff, v36;
	v36 =	vmul.f32 v19, v24  }
0x2ca: {  	v41 =	vadd.f32 v44, v41;
	[tilespmem:s4+$0xCF00] =	vst.add.f32.msk $0xffff, v38  }
0x2cb: {  	[tilespmem:s4+$0xCE00] =	vst.add.f32.msk $0xffff, v37;
	v36 =	vadd.f32 v47, v36  }
0x2cc: {  	[tilespmem:s4+$0xCE80] =	vst.add.f32.msk $0xffff, v41  }
0x2cd: {  	[tilespmem:s4+$0xD000] =	vst.add.f32.msk $0xffff, v36  }
0x2ce: {  	s18 =	sor.u32 s24, s25;
	[tilespmem:s4+$0xCD80] =	vst.add.f32.msk $0xffff, v39  }
0x2cf: {  	s25 =	sor.u32 $0x380, s18;
	[tilespmem:s4+$0xCD00] =	vst.add.f32.msk $0xffff, v40  }
0x2d0: {  	v36 =	vld [tilespmem:s25+$0x0]  }
.Ltmp9:
0x2d1: {  	(pc) =	sbr.rel @p0 .LBB2_20-.Ltmp9, $3  }
0x2d2: {  	_ = 	snop  }
0x2d3: {  	v37 =	vmul.f32 v19, v35;
	_ =	sdelay $0x1  }
0x2d4: {  	v36 =	vadd.f32 v36, v37  }
0x2d5: {  	_ = 	snop  }
0x2d6: {  	[tilespmem:s25+$0xCD00] =	vst.add.f32.msk $0xffff, v36  }
0x2d7: {  	v20 =	vld [tilespmem:s4+$0x1800]  }
0x2d8: {  	v21 =	vld [tilespmem:s4+$0x1980]  }
0x2d9: {  	v22 =	vld [tilespmem:s4+$0x1900]  }
0x2da: {  	v26 =	vld [tilespmem:s4+$0x1A80]  }
0x2db: {  	v23 =	vmul.f32 v19, v34;
	v24 =	vld [tilespmem:s4+$0x1A00]  }
0x2dc: {  	v32 =	vmul.f32 v19, v32;
	v27 =	vld [tilespmem:s4+$0x1B00]  }
0x2dd: {  	v59 =	vmul.f32 v19, v31;
	v57 =	vld [tilespmem:s4+$0x1B80];
	v20 =	vadd.f32 v20, v23  }
0x2de: {  	v56 =	vmul.f32 v19, v33;
	v60 =	vld [tilespmem:s4+$0x1880];
	v21 =	vadd.f32 v21, v32  }
0x2df: {  	v62 =	vmul.f32 v19, v28;
	v23 =	vadd.f32 v26, v59;
	[tilespmem:s4+$0xE500] =	vst.add.f32.msk $0xffff, v20  }
0x2e0: {  	v58 =	vmul.f32 v19, v30;
	v20 =	vadd.f32 v22, v56;
	[tilespmem:s4+$0xE680] =	vst.add.f32.msk $0xffff, v21  }
0x2e1: {  	v61 =	vmul.f32 v19, v29;
	v19 =	vmul.f32 v19, v25;
	v63 =	vadd.f32 v27, v62;
	[tilespmem:s4+$0xE780] =	vst.add.f32.msk $0xffff, v23  }
0x2e2: {  	[tilespmem:s4+$0xE600] =	vst.add.f32.msk $0xffff, v20;
	v20 =	vadd.f32 v24, v58  }
0x2e3: {  	v19 =	vadd.f32 v60, v19;
	[tilespmem:s4+$0xE800] =	vst.add.f32.msk $0xffff, v63  }
0x2e4: {  	[tilespmem:s4+$0xE700] =	vst.add.f32.msk $0xffff, v20;
	v20 =	vadd.f32 v57, v61  }
0x2e5: {  	[tilespmem:s4+$0xE580] =	vst.add.f32.msk $0xffff, v19  }
0x2e6: {  	s18 =	simm.s32 $0xCD00;
	s26 =	simm.s32 $0x5;
	s25 =	rddreg [dreg:$0x13];
	[tilespmem:s4+$0xE880] =	vst.add.f32.msk $0xffff, v20  }
0x2e7: {  	[hbm4b:s25+s7] =	stream.linear.scatter [tilespmem:s18], [sflag:$0x8], $0x3000, $0x38;
	[tilespmem:$0xFD00] =	vst v63  }
0x2e8: {  	_ =	swait.ge [sflag:s26], $0x3000  }
0x2e9: {  	[sflag:s26] =	ssyncset.done $0x0  }
0x2ea: {  	[sflag:s26] =	ssyncadd.s32 $0xFFFFD000  }
0x2eb: {  	_ =	swait.ge [sflag:s13], $0x3000  }
0x2ec: {  	[sflag:s13] =	ssyncset.done $0x0  }
0x2ed: {  	[sflag:s13] =	ssyncadd.s32 $0xFFFFD000  }
0x2ee: {  	_ =	swait.ge [sflag:s23], $0x3000  }
0x2ef: {  	[sflag:s23] =	ssyncset.done $0x0  }
0x2f0: {  	s29 =	simm.s32 $0x8;
	[sflag:s23] =	ssyncadd.s32 $0xFFFFD000  }
0x2f1: {  	_ =	swait.ge [sflag:s29], $0x3000  }
0x2f2: {  	s21 =	rddreg [dreg:$0x16]  }
0x2f3: {  	s31 =	rddreg [dreg:$0x14];
	s21 =	sadd.s32 $0x1, s21  }
0x2f4: {  	p0 =	sne.s32 s21, s31  }
.Ltmp10:
0x2f5: {  	_ = 	snop;
	(pc) =	sbr.rel @p0 .LBB2_1-.Ltmp10, $3  }
0x2f6: {  	_ =	sdelay $0x1  }
0x2f7: {  	[sflag:s29] =	ssyncset.done $0x0  }
0x2f8: {  	[sflag:s29] =	ssyncadd.s32 $0xFFFFD000  }
0x2f9: {  	_ =	sfence.sel $0x180000  }
0x2fa: {  	[bflag:$0x0] =	sbarrier.arrive $0xFFFF  }
0x2fb: {  	_ =	strace $0x90000047  }
0x2fc: {  	s0 =	stileid.u32;
	[bflag:$0x2] =	sbarrier.arrive $0xFFFF  }
0x2fd: {  	p0 =	sne.s32 s0, $0x0;
	s0 =	rddreg [dreg:$0x6]  }
0x2fe: {  	s0 =	sadd.s32 @!p0 $0x100000, s0  }
0x2ff: {  	[sflag:s0] =	ssyncadd.tile.s32 @!p0 $0x1;
	_ =	shalt  }
.Lfunc_end2:
_tile_overlayer_lowered:
.L_overlay_start_2:
0x300: {  	(tag) =	ssettag $0x2  }
0x301: {  	s0 =	rddreg [dreg:$0x0];
	s2 =	stileid.u32  }
0x302: {  	s1 =	rddreg [dreg:$0x1];
	p0 =	sne.s32 s2, $0x0  }
0x303: {  	s3 =	rddreg [dreg:$0x2];
	[bflag:$0x3] =	sbarrier.arrive $0xFFFF;
	s2 =	simm.s32 @!p0 $0x1C0D  }
0x304: {  	[timem:s3], [sflag:s2] =	dma.local @!p0 [hbm:s0], s1  }
0x305: {  	s0 =	simm.s32 @!p0 $0xD  }
0x306: {  	_ =	swait.ge @!p0 [sflag:s0], s1  }
0x307: {  	s1 =	ssub.s32 @!p0 $0x0, s1;
	[sflag:s0] =	ssyncset.done @!p0 $0x0  }
0x308: {  	[sflag:s0] =	ssyncadd.s32 @!p0 s1  }
0x309: {  	[bflag:$0x3] =	sbarrier.arrive $0xFFFF  }
0x30a: {  	_ =	shalt  }

</sc_bundles>
